<compile_context>
chip_gen: v7x
topology: tpu7x:2x2x1
jax: 0.10.2.dev20260603
libtpu: 0.0.44.dev20260713+nightly
codegen_flags: <defaults>
</compile_context>

<pallas_src>
import functools

import jax
import jax.numpy as jnp
from jax import lax
from jax.experimental import pallas as pl
from jax.experimental.pallas import tpu as pltpu
from jax.experimental.pallas import tpu_sc as plsc

N_NODES = 10000
N_EDGES = 160000
IN_CH = 256
OUT_CH = 64
HEADS = 4
EDGE_DIM = 16
NEG_SLOPE = 0.2

N_PAD = 10240
E_SELF = N_NODES + N_EDGES
CHUNK_A = 1344
K_A = 4
E_PAD = 32 * K_A * CHUNK_A
CHUNK_B = 64
K_B = E_PAD // (16 * CHUNK_B)
ROWS_T = N_PAD // 16
SUBR = 16
EXT_CH = 144

_i32 = jnp.int32
_f32 = jnp.float32



def _dense_body(x_ref, w_ref, asrc_ref, adst_ref, hext_ref, as_ref, ad_ref):
    j = pl.program_id(1)
    hb = jnp.dot(x_ref[...], w_ref[...], preferred_element_type=_f32)
    hext_ref[:, :128] = hb
    hext_ref[:, 128:] = jnp.ones((1024, EXT_CH - 128), _f32)
    ps = jnp.dot(hb, asrc_ref[...], preferred_element_type=_f32)
    pd = jnp.dot(hb, adst_ref[...], preferred_element_type=_f32)

    @pl.when(j == 0)
    def _():
        as_ref[...] = ps
        ad_ref[...] = pd

    @pl.when(j == 1)
    def _():
        as_ref[...] += ps
        ad_ref[...] += pd


def _tc_dense(x_pad, W, A_src, A_dst):
    nblk = N_PAD // 1024
    return pl.pallas_call(
        _dense_body,
        grid=(nblk, 2),
        in_specs=[
            pl.BlockSpec((1024, IN_CH), lambda i, j: (i, 0)),
            pl.BlockSpec((IN_CH, 128), lambda i, j: (0, j)),
            pl.BlockSpec((128, HEADS), lambda i, j: (j, 0)),
            pl.BlockSpec((128, HEADS), lambda i, j: (j, 0)),
        ],
        out_specs=[
            pl.BlockSpec((1024, EXT_CH), lambda i, j: (j * (N_PAD // 1024) + i, 0)),
            pl.BlockSpec((1024, HEADS), lambda i, j: (i, 0)),
            pl.BlockSpec((1024, HEADS), lambda i, j: (i, 0)),
        ],
        out_shape=[
            jax.ShapeDtypeStruct((2 * N_PAD, EXT_CH), _f32),
            jax.ShapeDtypeStruct((N_PAD, HEADS), _f32),
            jax.ShapeDtypeStruct((N_PAD, HEADS), _f32),
        ],
    )(x_pad, W, A_src, A_dst)


def _ep_body(ea_ref, pw_ref, ep_ref):
    i = pl.program_id(0)
    col = i * 8192 + lax.broadcasted_iota(_i32, (HEADS, 8192), 1)
    v = jax.lax.dot_general(pw_ref[...], ea_ref[...],
                            (((1,), (1,)), ((), ())),
                            preferred_element_type=_f32)
    ep_ref[...] = jnp.where(col < N_EDGES, v, 0.0)


def _tc_ep(ea, pw):
    return pl.pallas_call(
        _ep_body,
        grid=(E_PAD // 8192,),
        in_specs=[
            pl.BlockSpec((8192, EDGE_DIM),
                         lambda i: (jnp.minimum(i, N_EDGES // 8192), 0)),
            pl.BlockSpec((HEADS, EDGE_DIM), lambda i: (0, 0)),
        ],
        out_specs=pl.BlockSpec((HEADS, 8192), lambda i: (0, i)),
        out_shape=jax.ShapeDtypeStruct((HEADS, E_PAD), _f32),
    )(ea, pw)


def _norm_body(agg_ref, sel_ref, bexp_ref, bias_ref, out_ref):
    a = agg_ref[...]
    den = jnp.dot(a, sel_ref[...], preferred_element_type=_f32)
    rec = 1.0 / (den + 1e-9)
    full = a * jnp.dot(rec, bexp_ref[...], preferred_element_type=_f32)
    out_ref[...] = full[:, :128] + bias_ref[...][0]


def _tc_norm(agg, sel, bexp, bias_ext):
    blk = 2048
    nps = N_PAD // blk
    return pl.pallas_call(
        _norm_body,
        grid=(2 * nps,),
        in_specs=[
            pl.BlockSpec((blk, EXT_CH), lambda i: (i, 0)),
            pl.BlockSpec((EXT_CH, 2), lambda i: (0, 0)),
            pl.BlockSpec((2, EXT_CH), lambda i: (0, 0)),
            pl.BlockSpec((1, 1, 128), lambda i: (i // (N_PAD // 2048), 0, 0)),
        ],
        out_specs=pl.BlockSpec((blk, 128), lambda i: (i, 0)),
        out_shape=jax.ShapeDtypeStruct((2 * N_PAD, 128), _f32),
    )(agg, sel, bexp, bias_ext)



@functools.lru_cache(maxsize=None)
def _build_phase_a():
    mesh = plsc.VectorSubcoreMesh(core_axis_name="c", subcore_axis_name="s")
    return pl.kernel(
        _phase_a,
        out_type=jax.ShapeDtypeStruct((E_PAD * HEADS,), _f32),
        mesh=mesh,
        compiler_params=pltpu.CompilerParams(needs_layout_passes=False),
        scratch_types=[
            pltpu.VMEM((N_PAD * HEADS,), _f32),
            pltpu.VMEM((N_PAD * HEADS,), _f32),
            pltpu.VMEM((CHUNK_A,), _i32),
            pltpu.VMEM((CHUNK_A,), _i32),
            pltpu.VMEM((CHUNK_A * HEADS,), _f32),
            pltpu.VMEM((CHUNK_A * HEADS,), _f32),
        ],
    )


def _phase_a(src_hbm, dst_hbm, epf_hbm, asrc_hbm, adst_hbm, exps_hbm,
             asrc_v, adst_v, src_v, dst_v, ep_v, exps_v):
    c = lax.axis_index("c")
    s = lax.axis_index("s")
    wid = s * 2 + c
    lane = lax.iota(_i32, 16)
    hsub = lax.shift_right_logical(lane, 2)
    hcol = lax.bitwise_and(lane, 3)

    pltpu.sync_copy(asrc_hbm, asrc_v)
    pltpu.sync_copy(adst_hbm, adst_v)

    base_w = wid * (K_A * CHUNK_A)

    def _chunk(t, carry):
        b0 = base_w + t * CHUNK_A
        pltpu.sync_copy(src_hbm.at[pl.ds(b0, CHUNK_A)], src_v)
        pltpu.sync_copy(dst_hbm.at[pl.ds(b0, CHUNK_A)], dst_v)
        for h in range(HEADS):
            pltpu.sync_copy(epf_hbm.at[pl.ds(h * E_PAD + b0, CHUNK_A)],
                            ep_v.at[pl.ds(h * CHUNK_A, CHUNK_A)])

        @plsc.parallel_loop(0, CHUNK_A // 4, 1, unroll=2)
        def _grp(j):
            e_loc = j * 4 + hsub
            sg = plsc.load_gather(src_v, [e_loc])
            dg = plsc.load_gather(dst_v, [e_loc])
            a_s = plsc.load_gather(asrc_v, [sg * HEADS + hcol])
            a_d = plsc.load_gather(adst_v, [dg * HEADS + hcol])
            e_p = plsc.load_gather(ep_v, [hcol * CHUNK_A + e_loc])
            sc = a_s + a_d + e_p
            sc = jnp.maximum(sc, sc * NEG_SLOPE)
            exps_v[pl.ds(j * 16, 16)] = jnp.exp(sc)

        pltpu.sync_copy(exps_v, exps_hbm.at[pl.ds(b0 * HEADS, CHUNK_A * HEADS)])
        return carry

    lax.fori_loop(0, K_A, _chunk, 0)



SUP = 8
NSUP = K_B // SUP


@functools.lru_cache(maxsize=None)
def _build_phase_b():
    mesh = plsc.VectorSubcoreMesh(core_axis_name="c", subcore_axis_name="s")
    return pl.kernel(
        _phase_b,
        out_type=jax.ShapeDtypeStruct((2 * N_PAD, EXT_CH), _f32),
        mesh=mesh,
        compiler_params=pltpu.CompilerParams(
            needs_layout_passes=False, use_tc_tiling_on_sc=False),
        scratch_types=[
            pltpu.VMEM((SUP * CHUNK_B,), _i32),
            pltpu.VMEM((SUP, CHUNK_B), _i32),
            pltpu.VMEM((SUP, CHUNK_B), _i32),
            pltpu.VMEM((SUP * CHUNK_B * HEADS,), _f32),
            pltpu.VMEM((CHUNK_B, EXT_CH), _f32),
            pltpu.VMEM((CHUNK_B, EXT_CH), _f32),
            pltpu.VMEM((SUBR, EXT_CH), _f32),
            pltpu.VMEM_SHARED((N_PAD, EXT_CH), _f32),
            pltpu.SemaphoreType.DMA,
            pltpu.SemaphoreType.DMA,
            pltpu.SemaphoreType.DMA,
            pltpu.SemaphoreType.DMA,
        ],
    )


def _phase_b(src_hbm, dst_hbm, expsf_hbm, hext_hbm,
             agg_hbm,
             srcw, s2w, dstw, exfw, msga, msgb, obuf,
             agg_sh, gsa, gsb, ssa, ssb):
    c = lax.axis_index("c")
    s = lax.axis_index("s")
    col0 = 2 * c
    lane = lax.iota(_i32, 16)
    tail_lo = lane < 8
    msgs = (msga, msgb)
    gsems = (gsa, gsb)
    ssems = (ssa, ssb)

    for r in range(SUBR):
        for j in range(EXT_CH // 16):
            obuf[r, pl.ds(j * 16, 16)] = jnp.zeros((16,), _f32)

    def _zcp(q, carry):
        pltpu.sync_copy(obuf, agg_sh.at[pl.ds(s * ROWS_T + q * SUBR, SUBR)])
        return carry
    lax.fori_loop(0, ROWS_T // SUBR, _zcp, 0)
    plsc.subcore_barrier()

    base_s = s * (K_B * CHUNK_B)

    def _start_gather(j, b):
        pltpu.async_copy(hext_hbm.at[s2w.at[j]], msgs[b], gsems[b])

    tail_off = lax.shift_right_logical(lane, 3)

    def _scale(j, b):
        msg = msgs[b]
        pltpu.make_async_copy(hext_hbm.at[s2w.at[j]], msg, gsems[b]).wait()
        idx_init = jnp.full((16,), j * CHUNK_B * HEADS, _i32) + col0

        @plsc.parallel_loop(0, CHUNK_B, 1, unroll=4, carry=idx_init)
        def _edge(e, idx0):
            f0 = plsc.load_gather(exfw, [idx0])
            f1 = plsc.load_gather(exfw, [idx0 + 1])
            ft = plsc.load_gather(exfw, [idx0 + tail_off])
            for q in range(EXT_CH // 16):
                fv = f0 if q < 4 else (f1 if q < 8 else ft)
                msg[e, pl.ds(q * 16, 16)] = msg[e, pl.ds(q * 16, 16)] * fv
            return idx0 + HEADS

        pltpu.async_copy(msg, agg_sh.at[dstw.at[j]], ssems[b], add=True)

    def _wait_scatter(j, b):
        pltpu.make_async_copy(msgs[b], agg_sh.at[dstw.at[j]], ssems[b]).wait()

    def _super(S, carry):
        @pl.when(S > 0)
        def _():
            _wait_scatter(SUP - 2, 0)
            _wait_scatter(SUP - 1, 1)

        b0 = base_s + S * (SUP * CHUNK_B)
        pltpu.sync_copy(src_hbm.at[pl.ds(b0, SUP * CHUNK_B)], srcw)
        pltpu.sync_copy(
            expsf_hbm.at[pl.ds(b0 * HEADS, SUP * CHUNK_B * HEADS)], exfw)

        def _adj(i, carry2):
            s2w[lax.shift_right_logical(i, 2),
                pl.ds(lax.bitwise_and(i, 3) * 16, 16)] = (
                    srcw[pl.ds(i * 16, 16)] + c * N_PAD)
            return carry2
        lax.fori_loop(0, SUP * CHUNK_B // 16, _adj, 0)

        pltpu.sync_copy(dst_hbm.at[pl.ds(b0, SUP * CHUNK_B)], srcw)

        def _dcp(i, carry2):
            dstw[lax.shift_right_logical(i, 2),
                 pl.ds(lax.bitwise_and(i, 3) * 16, 16)] = srcw[pl.ds(i * 16, 16)]
            return carry2
        lax.fori_loop(0, SUP * CHUNK_B // 16, _dcp, 0)

        _start_gather(0, 0)
        _start_gather(1, 1)
        for j in range(SUP):
            b = j & 1
            _scale(j, b)
            if j + 1 < SUP and j >= 1:
                _wait_scatter(j - 1, 1 - b)
                _start_gather(j + 1, 1 - b)
        return carry

    lax.fori_loop(0, NSUP, _super, 0)
    _wait_scatter(SUP - 2, 0)
    _wait_scatter(SUP - 1, 1)
    plsc.subcore_barrier()

    def _pub(q, carry):
        r0 = s * ROWS_T + q * SUBR
        pltpu.sync_copy(agg_sh.at[pl.ds(r0, SUBR)], obuf)
        pltpu.sync_copy(obuf, agg_hbm.at[pl.ds(c * N_PAD + r0, SUBR)])
        return carry
    lax.fori_loop(0, ROWS_T // SUBR, _pub, 0)



def kernel(x, edge_index, edge_attr, W, att_src, att_dst, edge_proj_w, bias):
    ei = edge_index.astype(_i32)
    loop = jnp.arange(N_NODES, dtype=_i32)
    padv = jnp.full((E_PAD - E_SELF,), N_NODES, dtype=_i32)
    src = jnp.concatenate([ei[0], loop, padv])
    dst = jnp.concatenate([ei[1], loop, padv])
    x_pad = jnp.concatenate([x, jnp.zeros((N_PAD - N_NODES, IN_CH), _f32)], axis=0)

    eye = jnp.eye(HEADS, dtype=_f32)
    A_src = (att_src[:, :, None] * eye[:, None, :]).reshape(IN_CH, HEADS)
    A_dst = (att_dst[:, :, None] * eye[:, None, :]).reshape(IN_CH, HEADS)

    hext, a_src_n, a_dst_n = _tc_dense(x_pad, W, A_src, A_dst)
    ep4 = _tc_ep(edge_attr, edge_proj_w)

    exps_flat = _build_phase_a()(
        src, dst, ep4.reshape(-1),
        a_src_n.reshape(-1), a_dst_n.reshape(-1))
    agg = _build_phase_b()(src, dst, exps_flat, hext)

    sel = jnp.zeros((EXT_CH, 2), _f32).at[128, 0].set(1.0).at[136, 1].set(1.0)
    bexp = jnp.zeros((2, EXT_CH), _f32)
    bexp = bexp.at[0, 0:OUT_CH].set(1.0).at[1, OUT_CH:128].set(1.0)
    bias_ext = jnp.stack([bias[:128], bias[128:]])[:, None, :]
    o = _tc_norm(agg, sel, bexp, bias_ext)
    return jnp.concatenate(
        [o[:N_NODES], o[N_PAD:N_PAD + N_NODES]], axis=1)

# --- scband reference (transcript-rebuilt; emitter-appended) ---
"""Pipeline reference for scband-simple-gatconv-14353780704094 (READ-ONLY COPY).

The authoritative reference and input builder live on the scoring server;
editing this copy changes nothing except your own understanding.
"""

import jax, jax.numpy as jnp
import numpy as np

N_NODES = 10000
N_EDGES = 160000
IN_CH = 256
OUT_CH = 64
HEADS = 4
EDGE_DIM = 16
NEG_SLOPE = 0.2


def setup_inputs(seed: int = 0) -> dict:
    key = jax.random.key(seed)
    ks = jax.random.split(key, 8)
    x = jax.random.normal(ks[0], (N_NODES, IN_CH), dtype=jnp.float32)
    edge_index = jax.random.randint(ks[1], (2, N_EDGES), 0, N_NODES, dtype=jnp.int64)
    edge_attr = jax.random.normal(ks[2], (N_EDGES, EDGE_DIM), dtype=jnp.float32)
    # xavier-uniform-like parameter init
    def xavier(k, shape):
        fan_in, fan_out = shape[-2] if len(shape) > 1 else shape[0], shape[-1]
        limit = float(np.sqrt(6.0 / (fan_in + fan_out)))
        return jax.random.uniform(k, shape, dtype=jnp.float32, minval=-limit, maxval=limit)
    W = xavier(ks[3], (IN_CH, HEADS * OUT_CH))
    att_src = xavier(ks[4], (HEADS, OUT_CH))
    att_dst = xavier(ks[5], (HEADS, OUT_CH))
    edge_proj_w = xavier(ks[6], (HEADS, EDGE_DIM))
    bias = jnp.zeros((HEADS * OUT_CH,), dtype=jnp.float32)
    return {
        "x": x,
        "edge_index": edge_index,
        "edge_attr": edge_attr,
        "W": W,
        "att_src": att_src,
        "att_dst": att_dst,
        "edge_proj_w": edge_proj_w,
        "bias": bias,
    }


def reference(x, edge_index, edge_attr, W, att_src, att_dst, edge_proj_w, bias):
    num_nodes = x.shape[0]
    heads, out_ch = att_src.shape
    # add self loops
    loop = jnp.arange(num_nodes, dtype=edge_index.dtype)
    ei = jnp.concatenate([edge_index, jnp.stack([loop, loop], axis=0)], axis=1)
    ea = jnp.concatenate(
        [edge_attr, jnp.zeros((num_nodes, edge_attr.shape[-1]), dtype=edge_attr.dtype)], axis=0
    )
    src, dst = ei[0], ei[1]
    h = jnp.matmul(x, W).reshape(num_nodes, heads, out_ch)
    h_src = jnp.take(h, src, axis=0)  # [E, H, C]
    h_dst = jnp.take(h, dst, axis=0)
    a_src = jnp.sum(h_src * att_src[None, :, :], axis=-1)  # [E, H]
    a_dst = jnp.sum(h_dst * att_dst[None, :, :], axis=-1)
    scores = a_src + a_dst
    scores = scores + jnp.matmul(ea, edge_proj_w.T)  # edge_proj(edge_attr)
    scores = jax.nn.leaky_relu(scores, negative_slope=NEG_SLOPE)
    # edge softmax per destination node (self-loops ensure every node has >=1 edge)
    max_scores = jax.ops.segment_max(scores, dst, num_segments=num_nodes)  # [N, H]
    exp_scores = jnp.exp(scores - jnp.take(max_scores, dst, axis=0))
    denom = jax.ops.segment_sum(exp_scores, dst, num_segments=num_nodes)
    alpha = exp_scores / (jnp.take(denom, dst, axis=0) + 1e-9)  # [E, H]
    messages = alpha[:, :, None] * h_src  # [E, H, C]
    agg = jax.ops.segment_sum(messages, dst, num_segments=num_nodes)  # [N, H, C]
    out = agg.reshape(num_nodes, heads * out_ch)
    out = out + bias
    return out

if __name__ == "__main__":
    import jax
    _d = setup_inputs()
    print(jax.jit(kernel)(*tuple(_d.values())))

</pallas_src>

<mosaic_0001>
#map = affine_map<(d0, d1) -> (0)>
module attributes {stable_mosaic.version = 14 : i64} {
  func.func @_phase_a(%arg0: i32, %arg1: i32, %arg2: memref<172032xi32, #tpu.memory_space<hbm>>, %arg3: memref<172032xi32, #tpu.memory_space<hbm>>, %arg4: memref<688128xf32, #tpu.memory_space<hbm>>, %arg5: memref<40960xf32, #tpu.memory_space<hbm>>, %arg6: memref<40960xf32, #tpu.memory_space<hbm>>, %arg7: memref<688128xf32, #tpu.memory_space<hbm>>, %arg8: memref<40960xf32, #tpu.memory_space<vmem>>, %arg9: memref<40960xf32, #tpu.memory_space<vmem>>, %arg10: memref<1344xi32, #tpu.memory_space<vmem>>, %arg11: memref<1344xi32, #tpu.memory_space<vmem>>, %arg12: memref<5376xf32, #tpu.memory_space<vmem>>, %arg13: memref<5376xf32, #tpu.memory_space<vmem>>) attributes {dimension_semantics = [#tpu.dimension_semantics<core_parallel>, #tpu.dimension_semantics<subcore_parallel>], iteration_bounds = array<i64: 2, 16>, scalar_prefetch = 0 : i64, scratch_operands = 6 : i64, tpu.core_type = #tpu.core_type<sc_vector_subcore>, window_params = [{transform_indices = #map}, {transform_indices = #map}, {transform_indices = #map}, {transform_indices = #map}, {transform_indices = #map}, {transform_indices = #map}]} {
    %mul3A = arith.constant 2 : i32
    %mul3A_0 = arith.muli %arg1, %mul3A : i32
    %add3A = arith.addi %mul3A_0, %arg0 : i32
    %iota3A = tpu.iota {dimensions = array<i32: 0>} : vector<16xi32>
    %shift_right_logical3A = arith.constant 2 : i32
    %shift_right_logical3A_1 = vector.broadcast %shift_right_logical3A : i32 to vector<16xi32>
    %shift_right_logical3A_2 = arith.shrui %iota3A, %shift_right_logical3A_1 : vector<16xi32>
    %and3A = arith.constant 3 : i32
    %and3A_3 = vector.broadcast %and3A : i32 to vector<16xi32>
    %and3A_4 = arith.andi %iota3A, %and3A_3 : vector<16xi32>
    "tpu.region"() ({
      %run_scoped3A = tpu.sem_alloc : memref<!tpu.dma_semaphore, #tpu.memory_space<semaphore_mem>>
      tpu.enqueue_dma source(%arg5 : memref<40960xf32, #tpu.memory_space<hbm>>) target(%arg8 : memref<40960xf32, #tpu.memory_space<vmem>>) target_semaphore(%run_scoped3A : memref<!tpu.dma_semaphore, #tpu.memory_space<semaphore_mem>>)
      tpu.wait_dma2 semaphore(%run_scoped3A : memref<!tpu.dma_semaphore, #tpu.memory_space<semaphore_mem>>) src(%arg5 : memref<40960xf32, #tpu.memory_space<hbm>>) dst(%arg8 : memref<40960xf32, #tpu.memory_space<vmem>>)
      tpu.yield
    }) : () -> ()
    "tpu.region"() ({
      %run_scoped3A = tpu.sem_alloc : memref<!tpu.dma_semaphore, #tpu.memory_space<semaphore_mem>>
      tpu.enqueue_dma source(%arg6 : memref<40960xf32, #tpu.memory_space<hbm>>) target(%arg9 : memref<40960xf32, #tpu.memory_space<vmem>>) target_semaphore(%run_scoped3A : memref<!tpu.dma_semaphore, #tpu.memory_space<semaphore_mem>>)
      tpu.wait_dma2 semaphore(%run_scoped3A : memref<!tpu.dma_semaphore, #tpu.memory_space<semaphore_mem>>) src(%arg6 : memref<40960xf32, #tpu.memory_space<hbm>>) dst(%arg9 : memref<40960xf32, #tpu.memory_space<vmem>>)
      tpu.yield
    }) : () -> ()
    %mul3A_5 = arith.constant 5376 : i32
    %mul3A_6 = arith.muli %add3A, %mul3A_5 : i32
    %scan3A = arith.constant 0 : i32
    %scan3A_7 = arith.constant 0 : i32
    %scan3A_8 = arith.constant 4 : i32
    %scan3A_9 = arith.addi %scan3A_7, %scan3A_8 : i32
    %scan3A_10 = arith.constant 1 : i32
    scf.for %scan3A_12 = %scan3A_7 to %scan3A_9 step %scan3A_10  : i32 {
      %mul3A_13 = arith.constant 1344 : i32
      %mul3A_14 = arith.muli %scan3A_12, %mul3A_13 : i32
      %add3A_15 = arith.addi %mul3A_6, %mul3A_14 : i32
      "tpu.region"() ({
        %run_scoped3A = tpu.sem_alloc : memref<!tpu.dma_semaphore, #tpu.memory_space<semaphore_mem>>
        %dma_start3A = tpu.memref_slice %arg2[%add3A_15] : memref<172032xi32, #tpu.memory_space<hbm>> -> memref<1344xi32, #tpu.memory_space<hbm>>
        %dma_start3A_28 = tpu.memref_slice %arg2[%add3A_15] : memref<172032xi32, #tpu.memory_space<hbm>> -> memref<1344xi32, #tpu.memory_space<hbm>>
        tpu.enqueue_dma source(%dma_start3A_28 : memref<1344xi32, #tpu.memory_space<hbm>>) target(%arg10 : memref<1344xi32, #tpu.memory_space<vmem>>) target_semaphore(%run_scoped3A : memref<!tpu.dma_semaphore, #tpu.memory_space<semaphore_mem>>)
        %dma_wait3A = tpu.memref_slice %arg2[%add3A_15] : memref<172032xi32, #tpu.memory_space<hbm>> -> memref<1344xi32, #tpu.memory_space<hbm>>
        %dma_wait3A_29 = tpu.memref_slice %arg2[%add3A_15] : memref<172032xi32, #tpu.memory_space<hbm>> -> memref<1344xi32, #tpu.memory_space<hbm>>
        tpu.wait_dma2 semaphore(%run_scoped3A : memref<!tpu.dma_semaphore, #tpu.memory_space<semaphore_mem>>) src(%dma_wait3A_29 : memref<1344xi32, #tpu.memory_space<hbm>>) dst(%arg10 : memref<1344xi32, #tpu.memory_space<vmem>>)
        tpu.yield
      }) : () -> ()
      "tpu.region"() ({
        %run_scoped3A = tpu.sem_alloc : memref<!tpu.dma_semaphore, #tpu.memory_space<semaphore_mem>>
        %dma_start3A = tpu.memref_slice %arg3[%add3A_15] : memref<172032xi32, #tpu.memory_space<hbm>> -> memref<1344xi32, #tpu.memory_space<hbm>>
        %dma_start3A_28 = tpu.memref_slice %arg3[%add3A_15] : memref<172032xi32, #tpu.memory_space<hbm>> -> memref<1344xi32, #tpu.memory_space<hbm>>
        tpu.enqueue_dma source(%dma_start3A_28 : memref<1344xi32, #tpu.memory_space<hbm>>) target(%arg11 : memref<1344xi32, #tpu.memory_space<vmem>>) target_semaphore(%run_scoped3A : memref<!tpu.dma_semaphore, #tpu.memory_space<semaphore_mem>>)
        %dma_wait3A = tpu.memref_slice %arg3[%add3A_15] : memref<172032xi32, #tpu.memory_space<hbm>> -> memref<1344xi32, #tpu.memory_space<hbm>>
        %dma_wait3A_29 = tpu.memref_slice %arg3[%add3A_15] : memref<172032xi32, #tpu.memory_space<hbm>> -> memref<1344xi32, #tpu.memory_space<hbm>>
        tpu.wait_dma2 semaphore(%run_scoped3A : memref<!tpu.dma_semaphore, #tpu.memory_space<semaphore_mem>>) src(%dma_wait3A_29 : memref<1344xi32, #tpu.memory_space<hbm>>) dst(%arg11 : memref<1344xi32, #tpu.memory_space<vmem>>)
        tpu.yield
      }) : () -> ()
      %add3A_16 = arith.constant 0 : i32
      %add3A_17 = arith.addi %add3A_16, %add3A_15 : i32
      "tpu.region"() ({
        %run_scoped3A = tpu.sem_alloc : memref<!tpu.dma_semaphore, #tpu.memory_space<semaphore_mem>>
        %dma_start3A = arith.constant 0 : i32
        %dma_start3A_28 = tpu.memref_slice %arg12[%dma_start3A] : memref<5376xf32, #tpu.memory_space<vmem>> -> memref<1344xf32, #tpu.memory_space<vmem>>
        %dma_start3A_29 = tpu.memref_slice %arg4[%add3A_17] : memref<688128xf32, #tpu.memory_space<hbm>> -> memref<1344xf32, #tpu.memory_space<hbm>>
        %dma_start3A_30 = arith.constant 0 : i32
        %dma_start3A_31 = tpu.memref_slice %arg12[%dma_start3A_30] : memref<5376xf32, #tpu.memory_space<vmem>> -> memref<1344xf32, #tpu.memory_space<vmem>>
        %dma_start3A_32 = tpu.memref_slice %arg4[%add3A_17] : memref<688128xf32, #tpu.memory_space<hbm>> -> memref<1344xf32, #tpu.memory_space<hbm>>
        tpu.enqueue_dma source(%dma_start3A_32 : memref<1344xf32, #tpu.memory_space<hbm>>) target(%dma_start3A_31 : memref<1344xf32, #tpu.memory_space<vmem>>) target_semaphore(%run_scoped3A : memref<!tpu.dma_semaphore, #tpu.memory_space<semaphore_mem>>)
        %dma_wait3A = arith.constant 0 : i32
        %dma_wait3A_33 = tpu.memref_slice %arg12[%dma_wait3A] : memref<5376xf32, #tpu.memory_space<vmem>> -> memref<1344xf32, #tpu.memory_space<vmem>>
        %dma_wait3A_34 = tpu.memref_slice %arg4[%add3A_17] : memref<688128xf32, #tpu.memory_space<hbm>> -> memref<1344xf32, #tpu.memory_space<hbm>>
        %dma_wait3A_35 = arith.constant 0 : i32
        %dma_wait3A_36 = tpu.memref_slice %arg12[%dma_wait3A_35] : memref<5376xf32, #tpu.memory_space<vmem>> -> memref<1344xf32, #tpu.memory_space<vmem>>
        %dma_wait3A_37 = tpu.memref_slice %arg4[%add3A_17] : memref<688128xf32, #tpu.memory_space<hbm>> -> memref<1344xf32, #tpu.memory_space<hbm>>
        tpu.wait_dma2 semaphore(%run_scoped3A : memref<!tpu.dma_semaphore, #tpu.memory_space<semaphore_mem>>) src(%dma_wait3A_37 : memref<1344xf32, #tpu.memory_space<hbm>>) dst(%dma_wait3A_36 : memref<1344xf32, #tpu.memory_space<vmem>>)
        tpu.yield
      }) : () -> ()
      %add3A_18 = arith.constant 172032 : i32
      %add3A_19 = arith.addi %add3A_18, %add3A_15 : i32
      "tpu.region"() ({
        %run_scoped3A = tpu.sem_alloc : memref<!tpu.dma_semaphore, #tpu.memory_space<semaphore_mem>>
        %dma_start3A = arith.constant 1344 : i32
        %dma_start3A_28 = tpu.memref_slice %arg12[%dma_start3A] : memref<5376xf32, #tpu.memory_space<vmem>> -> memref<1344xf32, #tpu.memory_space<vmem>>
        %dma_start3A_29 = tpu.memref_slice %arg4[%add3A_19] : memref<688128xf32, #tpu.memory_space<hbm>> -> memref<1344xf32, #tpu.memory_space<hbm>>
        %dma_start3A_30 = arith.constant 1344 : i32
        %dma_start3A_31 = tpu.memref_slice %arg12[%dma_start3A_30] : memref<5376xf32, #tpu.memory_space<vmem>> -> memref<1344xf32, #tpu.memory_space<vmem>>
        %dma_start3A_32 = tpu.memref_slice %arg4[%add3A_19] : memref<688128xf32, #tpu.memory_space<hbm>> -> memref<1344xf32, #tpu.memory_space<hbm>>
        tpu.enqueue_dma source(%dma_start3A_32 : memref<1344xf32, #tpu.memory_space<hbm>>) target(%dma_start3A_31 : memref<1344xf32, #tpu.memory_space<vmem>>) target_semaphore(%run_scoped3A : memref<!tpu.dma_semaphore, #tpu.memory_space<semaphore_mem>>)
        %dma_wait3A = arith.constant 1344 : i32
        %dma_wait3A_33 = tpu.memref_slice %arg12[%dma_wait3A] : memref<5376xf32, #tpu.memory_space<vmem>> -> memref<1344xf32, #tpu.memory_space<vmem>>
        %dma_wait3A_34 = tpu.memref_slice %arg4[%add3A_19] : memref<688128xf32, #tpu.memory_space<hbm>> -> memref<1344xf32, #tpu.memory_space<hbm>>
        %dma_wait3A_35 = arith.constant 1344 : i32
        %dma_wait3A_36 = tpu.memref_slice %arg12[%dma_wait3A_35] : memref<5376xf32, #tpu.memory_space<vmem>> -> memref<1344xf32, #tpu.memory_space<vmem>>
        %dma_wait3A_37 = tpu.memref_slice %arg4[%add3A_19] : memref<688128xf32, #tpu.memory_space<hbm>> -> memref<1344xf32, #tpu.memory_space<hbm>>
        tpu.wait_dma2 semaphore(%run_scoped3A : memref<!tpu.dma_semaphore, #tpu.memory_space<semaphore_mem>>) src(%dma_wait3A_37 : memref<1344xf32, #tpu.memory_space<hbm>>) dst(%dma_wait3A_36 : memref<1344xf32, #tpu.memory_space<vmem>>)
        tpu.yield
      }) : () -> ()
      %add3A_20 = arith.constant 344064 : i32
      %add3A_21 = arith.addi %add3A_20, %add3A_15 : i32
      "tpu.region"() ({
        %run_scoped3A = tpu.sem_alloc : memref<!tpu.dma_semaphore, #tpu.memory_space<semaphore_mem>>
        %dma_start3A = arith.constant 2688 : i32
        %dma_start3A_28 = tpu.memref_slice %arg12[%dma_start3A] : memref<5376xf32, #tpu.memory_space<vmem>> -> memref<1344xf32, #tpu.memory_space<vmem>>
        %dma_start3A_29 = tpu.memref_slice %arg4[%add3A_21] : memref<688128xf32, #tpu.memory_space<hbm>> -> memref<1344xf32, #tpu.memory_space<hbm>>
        %dma_start3A_30 = arith.constant 2688 : i32
        %dma_start3A_31 = tpu.memref_slice %arg12[%dma_start3A_30] : memref<5376xf32, #tpu.memory_space<vmem>> -> memref<1344xf32, #tpu.memory_space<vmem>>
        %dma_start3A_32 = tpu.memref_slice %arg4[%add3A_21] : memref<688128xf32, #tpu.memory_space<hbm>> -> memref<1344xf32, #tpu.memory_space<hbm>>
        tpu.enqueue_dma source(%dma_start3A_32 : memref<1344xf32, #tpu.memory_space<hbm>>) target(%dma_start3A_31 : memref<1344xf32, #tpu.memory_space<vmem>>) target_semaphore(%run_scoped3A : memref<!tpu.dma_semaphore, #tpu.memory_space<semaphore_mem>>)
        %dma_wait3A = arith.constant 2688 : i32
        %dma_wait3A_33 = tpu.memref_slice %arg12[%dma_wait3A] : memref<5376xf32, #tpu.memory_space<vmem>> -> memref<1344xf32, #tpu.memory_space<vmem>>
        %dma_wait3A_34 = tpu.memref_slice %arg4[%add3A_21] : memref<688128xf32, #tpu.memory_space<hbm>> -> memref<1344xf32, #tpu.memory_space<hbm>>
        %dma_wait3A_35 = arith.constant 2688 : i32
        %dma_wait3A_36 = tpu.memref_slice %arg12[%dma_wait3A_35] : memref<5376xf32, #tpu.memory_space<vmem>> -> memref<1344xf32, #tpu.memory_space<vmem>>
        %dma_wait3A_37 = tpu.memref_slice %arg4[%add3A_21] : memref<688128xf32, #tpu.memory_space<hbm>> -> memref<1344xf32, #tpu.memory_space<hbm>>
        tpu.wait_dma2 semaphore(%run_scoped3A : memref<!tpu.dma_semaphore, #tpu.memory_space<semaphore_mem>>) src(%dma_wait3A_37 : memref<1344xf32, #tpu.memory_space<hbm>>) dst(%dma_wait3A_36 : memref<1344xf32, #tpu.memory_space<vmem>>)
        tpu.yield
      }) : () -> ()
      %add3A_22 = arith.constant 516096 : i32
      %add3A_23 = arith.addi %add3A_22, %add3A_15 : i32
      "tpu.region"() ({
        %run_scoped3A = tpu.sem_alloc : memref<!tpu.dma_semaphore, #tpu.memory_space<semaphore_mem>>
        %dma_start3A = arith.constant 4032 : i32
        %dma_start3A_28 = tpu.memref_slice %arg12[%dma_start3A] : memref<5376xf32, #tpu.memory_space<vmem>> -> memref<1344xf32, #tpu.memory_space<vmem>>
        %dma_start3A_29 = tpu.memref_slice %arg4[%add3A_23] : memref<688128xf32, #tpu.memory_space<hbm>> -> memref<1344xf32, #tpu.memory_space<hbm>>
        %dma_start3A_30 = arith.constant 4032 : i32
        %dma_start3A_31 = tpu.memref_slice %arg12[%dma_start3A_30] : memref<5376xf32, #tpu.memory_space<vmem>> -> memref<1344xf32, #tpu.memory_space<vmem>>
        %dma_start3A_32 = tpu.memref_slice %arg4[%add3A_23] : memref<688128xf32, #tpu.memory_space<hbm>> -> memref<1344xf32, #tpu.memory_space<hbm>>
        tpu.enqueue_dma source(%dma_start3A_32 : memref<1344xf32, #tpu.memory_space<hbm>>) target(%dma_start3A_31 : memref<1344xf32, #tpu.memory_space<vmem>>) target_semaphore(%run_scoped3A : memref<!tpu.dma_semaphore, #tpu.memory_space<semaphore_mem>>)
        %dma_wait3A = arith.constant 4032 : i32
        %dma_wait3A_33 = tpu.memref_slice %arg12[%dma_wait3A] : memref<5376xf32, #tpu.memory_space<vmem>> -> memref<1344xf32, #tpu.memory_space<vmem>>
        %dma_wait3A_34 = tpu.memref_slice %arg4[%add3A_23] : memref<688128xf32, #tpu.memory_space<hbm>> -> memref<1344xf32, #tpu.memory_space<hbm>>
        %dma_wait3A_35 = arith.constant 4032 : i32
        %dma_wait3A_36 = tpu.memref_slice %arg12[%dma_wait3A_35] : memref<5376xf32, #tpu.memory_space<vmem>> -> memref<1344xf32, #tpu.memory_space<vmem>>
        %dma_wait3A_37 = tpu.memref_slice %arg4[%add3A_23] : memref<688128xf32, #tpu.memory_space<hbm>> -> memref<1344xf32, #tpu.memory_space<hbm>>
        tpu.wait_dma2 semaphore(%run_scoped3A : memref<!tpu.dma_semaphore, #tpu.memory_space<semaphore_mem>>) src(%dma_wait3A_37 : memref<1344xf32, #tpu.memory_space<hbm>>) dst(%dma_wait3A_36 : memref<1344xf32, #tpu.memory_space<vmem>>)
        tpu.yield
      }) : () -> ()
      %parallel_loop3A = arith.constant 0 : i32
      %parallel_loop3A_24 = arith.constant 336 : i32
      %parallel_loop3A_25 = arith.constant 1 : i32
      scf.for %parallel_loop3A_28 = %parallel_loop3A to %parallel_loop3A_24 step %parallel_loop3A_25  : i32 {
        %parallel_loop3A_29 = arith.constant 4 : i32
        %parallel_loop3A_30 = arith.muli %parallel_loop3A_28, %parallel_loop3A_29 : i32
        %parallel_loop3A_31 = vector.broadcast %parallel_loop3A_30 : i32 to vector<16xi32>
        %parallel_loop3A_32 = arith.addi %parallel_loop3A_31, %shift_right_logical3A_2 : vector<16xi32>
        %parallel_loop3A_33 = tpu.vector_load_idx %arg10[%parallel_loop3A_32] : memref<1344xi32, #tpu.memory_space<vmem>>[vector<16xi32>], vector<16xi32>,
        %parallel_loop3A_34 = tpu.vector_load_idx %arg11[%parallel_loop3A_32] : memref<1344xi32, #tpu.memory_space<vmem>>[vector<16xi32>], vector<16xi32>,
        %parallel_loop3A_35 = arith.constant 4 : i32
        %parallel_loop3A_36 = vector.broadcast %parallel_loop3A_35 : i32 to vector<16xi32>
        %parallel_loop3A_37 = arith.muli %parallel_loop3A_33, %parallel_loop3A_36 : vector<16xi32>
        %parallel_loop3A_38 = arith.addi %parallel_loop3A_37, %and3A_4 : vector<16xi32>
        %parallel_loop3A_39 = tpu.vector_load_idx %arg8[%parallel_loop3A_38] : memref<40960xf32, #tpu.memory_space<vmem>>[vector<16xi32>], vector<16xf32>,
        %parallel_loop3A_40 = arith.constant 4 : i32
        %parallel_loop3A_41 = vector.broadcast %parallel_loop3A_40 : i32 to vector<16xi32>
        %parallel_loop3A_42 = arith.muli %parallel_loop3A_34, %parallel_loop3A_41 : vector<16xi32>
        %parallel_loop3A_43 = arith.addi %parallel_loop3A_42, %and3A_4 : vector<16xi32>
        %parallel_loop3A_44 = tpu.vector_load_idx %arg9[%parallel_loop3A_43] : memref<40960xf32, #tpu.memory_space<vmem>>[vector<16xi32>], vector<16xf32>,
        %parallel_loop3A_45 = arith.constant 1344 : i32
        %parallel_loop3A_46 = vector.broadcast %parallel_loop3A_45 : i32 to vector<16xi32>
        %parallel_loop3A_47 = arith.muli %and3A_4, %parallel_loop3A_46 : vector<16xi32>
        %parallel_loop3A_48 = arith.addi %parallel_loop3A_47, %parallel_loop3A_32 : vector<16xi32>
        %parallel_loop3A_49 = tpu.vector_load_idx %arg12[%parallel_loop3A_48] : memref<5376xf32, #tpu.memory_space<vmem>>[vector<16xi32>], vector<16xf32>,
        %parallel_loop3A_50 = arith.addf %parallel_loop3A_39, %parallel_loop3A_44 : vector<16xf32>
        %parallel_loop3A_51 = arith.addf %parallel_loop3A_50, %parallel_loop3A_49 : vector<16xf32>
        %parallel_loop3A_52 = arith.constant 2.000000e-01 : f32
        %parallel_loop3A_53 = vector.broadcast %parallel_loop3A_52 : f32 to vector<16xf32>
        %parallel_loop3A_54 = arith.mulf %parallel_loop3A_51, %parallel_loop3A_53 : vector<16xf32>
        %parallel_loop3A_55 = arith.maximumf %parallel_loop3A_51, %parallel_loop3A_54 : vector<16xf32>
        %parallel_loop3A_56 = math.exp %parallel_loop3A_55 : vector<16xf32>
        %parallel_loop3A_57 = arith.constant 16 : i32
        %parallel_loop3A_58 = arith.muli %parallel_loop3A_28, %parallel_loop3A_57 : i32
        %parallel_loop3A_59 = arith.index_cast %parallel_loop3A_58 : i32 to index
        %parallel_loop3A_60 = tpu.vector_load %arg13[%parallel_loop3A_59] {strides = array<i32>} : memref<5376xf32, #tpu.memory_space<vmem>>, vector<16xf32>,
        tpu.vector_store %arg13[%parallel_loop3A_59], %parallel_loop3A_56 {strides = array<i32>} : memref<5376xf32, #tpu.memory_space<vmem>>, vector<16xf32>,
      } {sc.loop_unroll_factor = 2 : i64, sc.parallel_access}
      %mul3A_26 = arith.constant 4 : i32
      %mul3A_27 = arith.muli %add3A_15, %mul3A_26 : i32
      "tpu.region"() ({
        %run_scoped3A = tpu.sem_alloc : memref<!tpu.dma_semaphore, #tpu.memory_space<semaphore_mem>>
        %dma_start3A = tpu.memref_slice %arg7[%mul3A_27] : memref<688128xf32, #tpu.memory_space<hbm>> -> memref<5376xf32, #tpu.memory_space<hbm>>
        %dma_start3A_28 = tpu.memref_slice %arg7[%mul3A_27] : memref<688128xf32, #tpu.memory_space<hbm>> -> memref<5376xf32, #tpu.memory_space<hbm>>
        tpu.enqueue_dma source(%arg13 : memref<5376xf32, #tpu.memory_space<vmem>>) target(%dma_start3A_28 : memref<5376xf32, #tpu.memory_space<hbm>>) target_semaphore(%run_scoped3A : memref<!tpu.dma_semaphore, #tpu.memory_space<semaphore_mem>>)
        %dma_wait3A = tpu.memref_slice %arg7[%mul3A_27] : memref<688128xf32, #tpu.memory_space<hbm>> -> memref<5376xf32, #tpu.memory_space<hbm>>
        %dma_wait3A_29 = tpu.memref_slice %arg7[%mul3A_27] : memref<688128xf32, #tpu.memory_space<hbm>> -> memref<5376xf32, #tpu.memory_space<hbm>>
        tpu.wait_dma2 semaphore(%run_scoped3A : memref<!tpu.dma_semaphore, #tpu.memory_space<semaphore_mem>>) src(%arg13 : memref<5376xf32, #tpu.memory_space<vmem>>) dst(%dma_wait3A_29 : memref<5376xf32, #tpu.memory_space<hbm>>)
        tpu.yield
      }) : () -> ()
    }
    %scan3A_11 = arith.constant 4 : i32
    return
  }
}

#map = affine_map<(d0, d1) -> (0)>
#map1 = affine_map<(d0, d1) -> (0, 0)>
module attributes {stable_mosaic.version = 14 : i64} {
  func.func @_phase_b(%arg0: i32, %arg1: i32, %arg2: memref<172032xi32, #tpu.memory_space<hbm>>, %arg3: memref<172032xi32, #tpu.memory_space<hbm>>, %arg4: memref<688128xf32, #tpu.memory_space<hbm>>, %arg5: memref<20480x144xf32, #tpu.memory_space<hbm>>, %arg6: memref<20480x144xf32, #tpu.memory_space<hbm>>, %arg7: memref<512xi32, #tpu.memory_space<vmem>>, %arg8: memref<8x64xi32, #tpu.memory_space<vmem>>, %arg9: memref<8x64xi32, #tpu.memory_space<vmem>>, %arg10: memref<2048xf32, #tpu.memory_space<vmem>>, %arg11: memref<64x144xf32, #tpu.memory_space<vmem>>, %arg12: memref<64x144xf32, #tpu.memory_space<vmem>>, %arg13: memref<16x144xf32, #tpu.memory_space<vmem>>, %arg14: memref<10240x144xf32, #tpu.memory_space<vmem_shared>>, %arg15: memref<!tpu.dma_semaphore, #tpu.memory_space<semaphore_mem>>, %arg16: memref<!tpu.dma_semaphore, #tpu.memory_space<semaphore_mem>>, %arg17: memref<!tpu.dma_semaphore, #tpu.memory_space<semaphore_mem>>, %arg18: memref<!tpu.dma_semaphore, #tpu.memory_space<semaphore_mem>>) attributes {dimension_semantics = [#tpu.dimension_semantics<core_parallel>, #tpu.dimension_semantics<subcore_parallel>], iteration_bounds = array<i64: 2, 16>, scalar_prefetch = 0 : i64, scratch_operands = 12 : i64, tpu.core_type = #tpu.core_type<sc_vector_subcore>, window_params = [{transform_indices = #map}, {transform_indices = #map}, {transform_indices = #map}, {transform_indices = #map1}, {transform_indices = #map1}]} {
    %mul3A = arith.constant 2 : i32
    %mul3A_0 = arith.muli %mul3A, %arg0 : i32
    %iota3A = tpu.iota {dimensions = array<i32: 0>} : vector<16xi32>
    %lt3A = arith.constant 8 : i32
    %lt3A_1 = vector.broadcast %lt3A : i32 to vector<16xi32>
    %lt3A_2 = arith.cmpi slt, %iota3A, %lt3A_1 : vector<16xi32>
    %broadcast_in_dim3A = arith.constant 0.000000e+00 : f32
    %broadcast_in_dim3A_3 = vector.broadcast %broadcast_in_dim3A : f32 to vector<16xf32>
    %swap3A = arith.constant 0 : i32
    %swap3A_4 = arith.index_cast %swap3A : i32 to index
    %swap3A_5 = arith.constant 0 : index
    %swap3A_6 = tpu.vector_load %arg13[%swap3A_4, %swap3A_5] {strides = array<i32>} : memref<16x144xf32, #tpu.memory_space<vmem>>, vector<16xf32>,
    tpu.vector_store %arg13[%swap3A_4, %swap3A_5], %broadcast_in_dim3A_3 {strides = array<i32>} : memref<16x144xf32, #tpu.memory_space<vmem>>, vector<16xf32>,
    %broadcast_in_dim3A_7 = arith.constant 0.000000e+00 : f32
    %broadcast_in_dim3A_8 = vector.broadcast %broadcast_in_dim3A_7 : f32 to vector<16xf32>
    %swap3A_9 = arith.constant 0 : i32
    %swap3A_10 = arith.index_cast %swap3A_9 : i32 to index
    %swap3A_11 = arith.constant 16 : index
    %swap3A_12 = tpu.vector_load %arg13[%swap3A_10, %swap3A_11] {strides = array<i32>} : memref<16x144xf32, #tpu.memory_space<vmem>>, vector<16xf32>,
    tpu.vector_store %arg13[%swap3A_10, %swap3A_11], %broadcast_in_dim3A_8 {strides = array<i32>} : memref<16x144xf32, #tpu.memory_space<vmem>>, vector<16xf32>,
    %broadcast_in_dim3A_13 = arith.constant 0.000000e+00 : f32
    %broadcast_in_dim3A_14 = vector.broadcast %broadcast_in_dim3A_13 : f32 to vector<16xf32>
    %swap3A_15 = arith.constant 0 : i32
    %swap3A_16 = arith.index_cast %swap3A_15 : i32 to index
    %swap3A_17 = arith.constant 32 : index
    %swap3A_18 = tpu.vector_load %arg13[%swap3A_16, %swap3A_17] {strides = array<i32>} : memref<16x144xf32, #tpu.memory_space<vmem>>, vector<16xf32>,
    tpu.vector_store %arg13[%swap3A_16, %swap3A_17], %broadcast_in_dim3A_14 {strides = array<i32>} : memref<16x144xf32, #tpu.memory_space<vmem>>, vector<16xf32>,
    %broadcast_in_dim3A_19 = arith.constant 0.000000e+00 : f32
    %broadcast_in_dim3A_20 = vector.broadcast %broadcast_in_dim3A_19 : f32 to vector<16xf32>
    %swap3A_21 = arith.constant 0 : i32
    %swap3A_22 = arith.index_cast %swap3A_21 : i32 to index
    %swap3A_23 = arith.constant 48 : index
    %swap3A_24 = tpu.vector_load %arg13[%swap3A_22, %swap3A_23] {strides = array<i32>} : memref<16x144xf32, #tpu.memory_space<vmem>>, vector<16xf32>,
    tpu.vector_store %arg13[%swap3A_22, %swap3A_23], %broadcast_in_dim3A_20 {strides = array<i32>} : memref<16x144xf32, #tpu.memory_space<vmem>>, vector<16xf32>,
    %broadcast_in_dim3A_25 = arith.constant 0.000000e+00 : f32
    %broadcast_in_dim3A_26 = vector.broadcast %broadcast_in_dim3A_25 : f32 to vector<16xf32>
    %swap3A_27 = arith.constant 0 : i32
    %swap3A_28 = arith.index_cast %swap3A_27 : i32 to index
    %swap3A_29 = arith.constant 64 : index
    %swap3A_30 = tpu.vector_load %arg13[%swap3A_28, %swap3A_29] {strides = array<i32>} : memref<16x144xf32, #tpu.memory_space<vmem>>, vector<16xf32>,
    tpu.vector_store %arg13[%swap3A_28, %swap3A_29], %broadcast_in_dim3A_26 {strides = array<i32>} : memref<16x144xf32, #tpu.memory_space<vmem>>, vector<16xf32>,
    %broadcast_in_dim3A_31 = arith.constant 0.000000e+00 : f32
    %broadcast_in_dim3A_32 = vector.broadcast %broadcast_in_dim3A_31 : f32 to vector<16xf32>
    %swap3A_33 = arith.constant 0 : i32
    %swap3A_34 = arith.index_cast %swap3A_33 : i32 to index
    %swap3A_35 = arith.constant 80 : index
    %swap3A_36 = tpu.vector_load %arg13[%swap3A_34, %swap3A_35] {strides = array<i32>} : memref<16x144xf32, #tpu.memory_space<vmem>>, vector<16xf32>,
    tpu.vector_store %arg13[%swap3A_34, %swap3A_35], %broadcast_in_dim3A_32 {strides = array<i32>} : memref<16x144xf32, #tpu.memory_space<vmem>>, vector<16xf32>,
    %broadcast_in_dim3A_37 = arith.constant 0.000000e+00 : f32
    %broadcast_in_dim3A_38 = vector.broadcast %broadcast_in_dim3A_37 : f32 to vector<16xf32>
    %swap3A_39 = arith.constant 0 : i32
    %swap3A_40 = arith.index_cast %swap3A_39 : i32 to index
    %swap3A_41 = arith.constant 96 : index
    %swap3A_42 = tpu.vector_load %arg13[%swap3A_40, %swap3A_41] {strides = array<i32>} : memref<16x144xf32, #tpu.memory_space<vmem>>, vector<16xf32>,
    tpu.vector_store %arg13[%swap3A_40, %swap3A_41], %broadcast_in_dim3A_38 {strides = array<i32>} : memref<16x144xf32, #tpu.memory_space<vmem>>, vector<16xf32>,
    %broadcast_in_dim3A_43 = arith.constant 0.000000e+00 : f32
    %broadcast_in_dim3A_44 = vector.broadcast %broadcast_in_dim3A_43 : f32 to vector<16xf32>
    %swap3A_45 = arith.constant 0 : i32
    %swap3A_46 = arith.index_cast %swap3A_45 : i32 to index
    %swap3A_47 = arith.constant 112 : index
    %swap3A_48 = tpu.vector_load %arg13[%swap3A_46, %swap3A_47] {strides = array<i32>} : memref<16x144xf32, #tpu.memory_space<vmem>>, vector<16xf32>,
    tpu.vector_store %arg13[%swap3A_46, %swap3A_47], %broadcast_in_dim3A_44 {strides = array<i32>} : memref<16x144xf32, #tpu.memory_space<vmem>>, vector<16xf32>,
    %broadcast_in_dim3A_49 = arith.constant 0.000000e+00 : f32
    %broadcast_in_dim3A_50 = vector.broadcast %broadcast_in_dim3A_49 : f32 to vector<16xf32>
    %swap3A_51 = arith.constant 0 : i32
    %swap3A_52 = arith.index_cast %swap3A_51 : i32 to index
    %swap3A_53 = arith.constant 128 : index
    %swap3A_54 = tpu.vector_load %arg13[%swap3A_52, %swap3A_53] {strides = array<i32>} : memref<16x144xf32, #tpu.memory_space<vmem>>, vector<16xf32>,
    tpu.vector_store %arg13[%swap3A_52, %swap3A_53], %broadcast_in_dim3A_50 {strides = array<i32>} : memref<16x144xf32, #tpu.memory_space<vmem>>, vector<16xf32>,
    %broadcast_in_dim3A_55 = arith.constant 0.000000e+00 : f32
    %broadcast_in_dim3A_56 = vector.broadcast %broadcast_in_dim3A_55 : f32 to vector<16xf32>
    %swap3A_57 = arith.constant 1 : i32
    %swap3A_58 = arith.index_cast %swap3A_57 : i32 to index
    %swap3A_59 = arith.constant 0 : index
    %swap3A_60 = tpu.vector_load %arg13[%swap3A_58, %swap3A_59] {strides = array<i32>} : memref<16x144xf32, #tpu.memory_space<vmem>>, vector<16xf32>,
    tpu.vector_store %arg13[%swap3A_58, %swap3A_59], %broadcast_in_dim3A_56 {strides = array<i32>} : memref<16x144xf32, #tpu.memory_space<vmem>>, vector<16xf32>,
    %broadcast_in_dim3A_61 = arith.constant 0.000000e+00 : f32
    %broadcast_in_dim3A_62 = vector.broadcast %broadcast_in_dim3A_61 : f32 to vector<16xf32>
    %swap3A_63 = arith.constant 1 : i32
    %swap3A_64 = arith.index_cast %swap3A_63 : i32 to index
    %swap3A_65 = arith.constant 16 : index
    %swap3A_66 = tpu.vector_load %arg13[%swap3A_64, %swap3A_65] {strides = array<i32>} : memref<16x144xf32, #tpu.memory_space<vmem>>, vector<16xf32>,
    tpu.vector_store %arg13[%swap3A_64, %swap3A_65], %broadcast_in_dim3A_62 {strides = array<i32>} : memref<16x144xf32, #tpu.memory_space<vmem>>, vector<16xf32>,
    %broadcast_in_dim3A_67 = arith.constant 0.000000e+00 : f32
    %broadcast_in_dim3A_68 = vector.broadcast %broadcast_in_dim3A_67 : f32 to vector<16xf32>
    %swap3A_69 = arith.constant 1 : i32
    %swap3A_70 = arith.index_cast %swap3A_69 : i32 to index
    %swap3A_71 = arith.constant 32 : index
    %swap3A_72 = tpu.vector_load %arg13[%swap3A_70, %swap3A_71] {strides = array<i32>} : memref<16x144xf32, #tpu.memory_space<vmem>>, vector<16xf32>,
    tpu.vector_store %arg13[%swap3A_70, %swap3A_71], %broadcast_in_dim3A_68 {strides = array<i32>} : memref<16x144xf32, #tpu.memory_space<vmem>>, vector<16xf32>,
    %broadcast_in_dim3A_73 = arith.constant 0.000000e+00 : f32
    %broadcast_in_dim3A_74 = vector.broadcast %broadcast_in_dim3A_73 : f32 to vector<16xf32>
    %swap3A_75 = arith.constant 1 : i32
    %swap3A_76 = arith.index_cast %swap3A_75 : i32 to index
    %swap3A_77 = arith.constant 48 : index
    %swap3A_78 = tpu.vector_load %arg13[%swap3A_76, %swap3A_77] {strides = array<i32>} : memref<16x144xf32, #tpu.memory_space<vmem>>, vector<16xf32>,
    tpu.vector_store %arg13[%swap3A_76, %swap3A_77], %broadcast_in_dim3A_74 {strides = array<i32>} : memref<16x144xf32, #tpu.memory_space<vmem>>, vector<16xf32>,
    %broadcast_in_dim3A_79 = arith.constant 0.000000e+00 : f32
    %broadcast_in_dim3A_80 = vector.broadcast %broadcast_in_dim3A_79 : f32 to vector<16xf32>
    %swap3A_81 = arith.constant 1 : i32
    %swap3A_82 = arith.index_cast %swap3A_81 : i32 to index
    %swap3A_83 = arith.constant 64 : index
    %swap3A_84 = tpu.vector_load %arg13[%swap3A_82, %swap3A_83] {strides = array<i32>} : memref<16x144xf32, #tpu.memory_space<vmem>>, vector<16xf32>,
    tpu.vector_store %arg13[%swap3A_82, %swap3A_83], %broadcast_in_dim3A_80 {strides = array<i32>} : memref<16x144xf32, #tpu.memory_space<vmem>>, vector<16xf32>,
    %broadcast_in_dim3A_85 = arith.constant 0.000000e+00 : f32
    %broadcast_in_dim3A_86 = vector.broadcast %broadcast_in_dim3A_85 : f32 to vector<16xf32>
    %swap3A_87 = arith.constant 1 : i32
    %swap3A_88 = arith.index_cast %swap3A_87 : i32 to index
    %swap3A_89 = arith.constant 80 : index
    %swap3A_90 = tpu.vector_load %arg13[%swap3A_88, %swap3A_89] {strides = array<i32>} : memref<16x144xf32, #tpu.memory_space<vmem>>, vector<16xf32>,
    tpu.vector_store %arg13[%swap3A_88, %swap3A_89], %broadcast_in_dim3A_86 {strides = array<i32>} : memref<16x144xf32, #tpu.memory_space<vmem>>, vector<16xf32>,
    %broadcast_in_dim3A_91 = arith.constant 0.000000e+00 : f32
    %broadcast_in_dim3A_92 = vector.broadcast %broadcast_in_dim3A_91 : f32 to vector<16xf32>
    %swap3A_93 = arith.constant 1 : i32
    %swap3A_94 = arith.index_cast %swap3A_93 : i32 to index
    %swap3A_95 = arith.constant 96 : index
    %swap3A_96 = tpu.vector_load %arg13[%swap3A_94, %swap3A_95] {strides = array<i32>} : memref<16x144xf32, #tpu.memory_space<vmem>>, vector<16xf32>,
    tpu.vector_store %arg13[%swap3A_94, %swap3A_95], %broadcast_in_dim3A_92 {strides = array<i32>} : memref<16x144xf32, #tpu.memory_space<vmem>>, vector<16xf32>,
    %broadcast_in_dim3A_97 = arith.constant 0.000000e+00 : f32
    %broadcast_in_dim3A_98 = vector.broadcast %broadcast_in_dim3A_97 : f32 to vector<16xf32>
    %swap3A_99 = arith.constant 1 : i32
    %swap3A_100 = arith.index_cast %swap3A_99 : i32 to index
    %swap3A_101 = arith.constant 112 : index
    %swap3A_102 = tpu.vector_load %arg13[%swap3A_100, %swap3A_101] {strides = array<i32>} : memref<16x144xf32, #tpu.memory_space<vmem>>, vector<16xf32>,
    tpu.vector_store %arg13[%swap3A_100, %swap3A_101], %broadcast_in_dim3A_98 {strides = array<i32>} : memref<16x144xf32, #tpu.memory_space<vmem>>, vector<16xf32>,
    %broadcast_in_dim3A_103 = arith.constant 0.000000e+00 : f32
    %broadcast_in_dim3A_104 = vector.broadcast %broadcast_in_dim3A_103 : f32 to vector<16xf32>
    %swap3A_105 = arith.constant 1 : i32
    %swap3A_106 = arith.index_cast %swap3A_105 : i32 to index
    %swap3A_107 = arith.constant 128 : index
    %swap3A_108 = tpu.vector_load %arg13[%swap3A_106, %swap3A_107] {strides = array<i32>} : memref<16x144xf32, #tpu.memory_space<vmem>>, vector<16xf32>,
    tpu.vector_store %arg13[%swap3A_106, %swap3A_107], %broadcast_in_dim3A_104 {strides = array<i32>} : memref<16x144xf32, #tpu.memory_space<vmem>>, vector<16xf32>,
    %broadcast_in_dim3A_109 = arith.constant 0.000000e+00 : f32
    %broadcast_in_dim3A_110 = vector.broadcast %broadcast_in_dim3A_109 : f32 to vector<16xf32>
    %swap3A_111 = arith.constant 2 : i32
    %swap3A_112 = arith.index_cast %swap3A_111 : i32 to index
    %swap3A_113 = arith.constant 0 : index
    %swap3A_114 = tpu.vector_load %arg13[%swap3A_112, %swap3A_113] {strides = array<i32>} : memref<16x144xf32, #tpu.memory_space<vmem>>, vector<16xf32>,
    tpu.vector_store %arg13[%swap3A_112, %swap3A_113], %broadcast_in_dim3A_110 {strides = array<i32>} : memref<16x144xf32, #tpu.memory_space<vmem>>, vector<16xf32>,
    %broadcast_in_dim3A_115 = arith.constant 0.000000e+00 : f32
    %broadcast_in_dim3A_116 = vector.broadcast %broadcast_in_dim3A_115 : f32 to vector<16xf32>
    %swap3A_117 = arith.constant 2 : i32
    %swap3A_118 = arith.index_cast %swap3A_117 : i32 to index
    %swap3A_119 = arith.constant 16 : index
    %swap3A_120 = tpu.vector_load %arg13[%swap3A_118, %swap3A_119] {strides = array<i32>} : memref<16x144xf32, #tpu.memory_space<vmem>>, vector<16xf32>,
    tpu.vector_store %arg13[%swap3A_118, %swap3A_119], %broadcast_in_dim3A_116 {strides = array<i32>} : memref<16x144xf32, #tpu.memory_space<vmem>>, vector<16xf32>,
    %broadcast_in_dim3A_121 = arith.constant 0.000000e+00 : f32
    %broadcast_in_dim3A_122 = vector.broadcast %broadcast_in_dim3A_121 : f32 to vector<16xf32>
    %swap3A_123 = arith.constant 2 : i32
    %swap3A_124 = arith.index_cast %swap3A_123 : i32 to index
    %swap3A_125 = arith.constant 32 : index
    %swap3A_126 = tpu.vector_load %arg13[%swap3A_124, %swap3A_125] {strides = array<i32>} : memref<16x144xf32, #tpu.memory_space<vmem>>, vector<16xf32>,
    tpu.vector_store %arg13[%swap3A_124, %swap3A_125], %broadcast_in_dim3A_122 {strides = array<i32>} : memref<16x144xf32, #tpu.memory_space<vmem>>, vector<16xf32>,
    %broadcast_in_dim3A_127 = arith.constant 0.000000e+00 : f32
    %broadcast_in_dim3A_128 = vector.broadcast %broadcast_in_dim3A_127 : f32 to vector<16xf32>
    %swap3A_129 = arith.constant 2 : i32
    %swap3A_130 = arith.index_cast %swap3A_129 : i32 to index
    %swap3A_131 = arith.constant 48 : index
    %swap3A_132 = tpu.vector_load %arg13[%swap3A_130, %swap3A_131] {strides = array<i32>} : memref<16x144xf32, #tpu.memory_space<vmem>>, vector<16xf32>,
    tpu.vector_store %arg13[%swap3A_130, %swap3A_131], %broadcast_in_dim3A_128 {strides = array<i32>} : memref<16x144xf32, #tpu.memory_space<vmem>>, vector<16xf32>,
    %broadcast_in_dim3A_133 = arith.constant 0.000000e+00 : f32
    %broadcast_in_dim3A_134 = vector.broadcast %broadcast_in_dim3A_133 : f32 to vector<16xf32>
    %swap3A_135 = arith.constant 2 : i32
    %swap3A_136 = arith.index_cast %swap3A_135 : i32 to index
    %swap3A_137 = arith.constant 64 : index
    %swap3A_138 = tpu.vector_load %arg13[%swap3A_136, %swap3A_137] {strides = array<i32>} : memref<16x144xf32, #tpu.memory_space<vmem>>, vector<16xf32>,
    tpu.vector_store %arg13[%swap3A_136, %swap3A_137], %broadcast_in_dim3A_134 {strides = array<i32>} : memref<16x144xf32, #tpu.memory_space<vmem>>, vector<16xf32>,
    %broadcast_in_dim3A_139 = arith.constant 0.000000e+00 : f32
    %broadcast_in_dim3A_140 = vector.broadcast %broadcast_in_dim3A_139 : f32 to vector<16xf32>
    %swap3A_141 = arith.constant 2 : i32
    %swap3A_142 = arith.index_cast %swap3A_141 : i32 to index
    %swap3A_143 = arith.constant 80 : index
    %swap3A_144 = tpu.vector_load %arg13[%swap3A_142, %swap3A_143] {strides = array<i32>} : memref<16x144xf32, #tpu.memory_space<vmem>>, vector<16xf32>,
    tpu.vector_store %arg13[%swap3A_142, %swap3A_143], %broadcast_in_dim3A_140 {strides = array<i32>} : memref<16x144xf32, #tpu.memory_space<vmem>>, vector<16xf32>,
    %broadcast_in_dim3A_145 = arith.constant 0.000000e+00 : f32
    %broadcast_in_dim3A_146 = vector.broadcast %broadcast_in_dim3A_145 : f32 to vector<16xf32>
    %swap3A_147 = arith.constant 2 : i32
    %swap3A_148 = arith.index_cast %swap3A_147 : i32 to index
    %swap3A_149 = arith.constant 96 : index
    %swap3A_150 = tpu.vector_load %arg13[%swap3A_148, %swap3A_149] {strides = array<i32>} : memref<16x144xf32, #tpu.memory_space<vmem>>, vector<16xf32>,
    tpu.vector_store %arg13[%swap3A_148, %swap3A_149], %broadcast_in_dim3A_146 {strides = array<i32>} : memref<16x144xf32, #tpu.memory_space<vmem>>, vector<16xf32>,
    %broadcast_in_dim3A_151 = arith.constant 0.000000e+00 : f32
    %broadcast_in_dim3A_152 = vector.broadcast %broadcast_in_dim3A_151 : f32 to vector<16xf32>
    %swap3A_153 = arith.constant 2 : i32
    %swap3A_154 = arith.index_cast %swap3A_153 : i32 to index
    %swap3A_155 = arith.constant 112 : index
    %swap3A_156 = tpu.vector_load %arg13[%swap3A_154, %swap3A_155] {strides = array<i32>} : memref<16x144xf32, #tpu.memory_space<vmem>>, vector<16xf32>,
    tpu.vector_store %arg13[%swap3A_154, %swap3A_155], %broadcast_in_dim3A_152 {strides = array<i32>} : memref<16x144xf32, #tpu.memory_space<vmem>>, vector<16xf32>,
    %broadcast_in_dim3A_157 = arith.constant 0.000000e+00 : f32
    %broadcast_in_dim3A_158 = vector.broadcast %broadcast_in_dim3A_157 : f32 to vector<16xf32>
    %swap3A_159 = arith.constant 2 : i32
    %swap3A_160 = arith.index_cast %swap3A_159 : i32 to index
    %swap3A_161 = arith.constant 128 : index
    %swap3A_162 = tpu.vector_load %arg13[%swap3A_160, %swap3A_161] {strides = array<i32>} : memref<16x144xf32, #tpu.memory_space<vmem>>, vector<16xf32>,
    tpu.vector_store %arg13[%swap3A_160, %swap3A_161], %broadcast_in_dim3A_158 {strides = array<i32>} : memref<16x144xf32, #tpu.memory_space<vmem>>, vector<16xf32>,
    %broadcast_in_dim3A_163 = arith.constant 0.000000e+00 : f32
    %broadcast_in_dim3A_164 = vector.broadcast %broadcast_in_dim3A_163 : f32 to vector<16xf32>
    %swap3A_165 = arith.constant 3 : i32
    %swap3A_166 = arith.index_cast %swap3A_165 : i32 to index
    %swap3A_167 = arith.constant 0 : index
    %swap3A_168 = tpu.vector_load %arg13[%swap3A_166, %swap3A_167] {strides = array<i32>} : memref<16x144xf32, #tpu.memory_space<vmem>>, vector<16xf32>,
    tpu.vector_store %arg13[%swap3A_166, %swap3A_167], %broadcast_in_dim3A_164 {strides = array<i32>} : memref<16x144xf32, #tpu.memory_space<vmem>>, vector<16xf32>,
    %broadcast_in_dim3A_169 = arith.constant 0.000000e+00 : f32
    %broadcast_in_dim3A_170 = vector.broadcast %broadcast_in_dim3A_169 : f32 to vector<16xf32>
    %swap3A_171 = arith.constant 3 : i32
    %swap3A_172 = arith.index_cast %swap3A_171 : i32 to index
    %swap3A_173 = arith.constant 16 : index
    %swap3A_174 = tpu.vector_load %arg13[%swap3A_172, %swap3A_173] {strides = array<i32>} : memref<16x144xf32, #tpu.memory_space<vmem>>, vector<16xf32>,
    tpu.vector_store %arg13[%swap3A_172, %swap3A_173], %broadcast_in_dim3A_170 {strides = array<i32>} : memref<16x144xf32, #tpu.memory_space<vmem>>, vector<16xf32>,
    %broadcast_in_dim3A_175 = arith.constant 0.000000e+00 : f32
    %broadcast_in_dim3A_176 = vector.broadcast %broadcast_in_dim3A_175 : f32 to vector<16xf32>
    %swap3A_177 = arith.constant 3 : i32
    %swap3A_178 = arith.index_cast %swap3A_177 : i32 to index
    %swap3A_179 = arith.constant 32 : index
    %swap3A_180 = tpu.vector_load %arg13[%swap3A_178, %swap3A_179] {strides = array<i32>} : memref<16x144xf32, #tpu.memory_space<vmem>>, vector<16xf32>,
    tpu.vector_store %arg13[%swap3A_178, %swap3A_179], %broadcast_in_dim3A_176 {strides = array<i32>} : memref<16x144xf32, #tpu.memory_space<vmem>>, vector<16xf32>,
    %broadcast_in_dim3A_181 = arith.constant 0.000000e+00 : f32
    %broadcast_in_dim3A_182 = vector.broadcast %broadcast_in_dim3A_181 : f32 to vector<16xf32>
    %swap3A_183 = arith.constant 3 : i32
    %swap3A_184 = arith.index_cast %swap3A_183 : i32 to index
    %swap3A_185 = arith.constant 48 : index
    %swap3A_186 = tpu.vector_load %arg13[%swap3A_184, %swap3A_185] {strides = array<i32>} : memref<16x144xf32, #tpu.memory_space<vmem>>, vector<16xf32>,
    tpu.vector_store %arg13[%swap3A_184, %swap3A_185], %broadcast_in_dim3A_182 {strides = array<i32>} : memref<16x144xf32, #tpu.memory_space<vmem>>, vector<16xf32>,
    %broadcast_in_dim3A_187 = arith.constant 0.000000e+00 : f32
    %broadcast_in_dim3A_188 = vector.broadcast %broadcast_in_dim3A_187 : f32 to vector<16xf32>
    %swap3A_189 = arith.constant 3 : i32
    %swap3A_190 = arith.index_cast %swap3A_189 : i32 to index
    %swap3A_191 = arith.constant 64 : index
    %swap3A_192 = tpu.vector_load %arg13[%swap3A_190, %swap3A_191] {strides = array<i32>} : memref<16x144xf32, #tpu.memory_space<vmem>>, vector<16xf32>,
    tpu.vector_store %arg13[%swap3A_190, %swap3A_191], %broadcast_in_dim3A_188 {strides = array<i32>} : memref<16x144xf32, #tpu.memory_space<vmem>>, vector<16xf32>,
    %broadcast_in_dim3A_193 = arith.constant 0.000000e+00 : f32
    %broadcast_in_dim3A_194 = vector.broadcast %broadcast_in_dim3A_193 : f32 to vector<16xf32>
    %swap3A_195 = arith.constant 3 : i32
    %swap3A_196 = arith.index_cast %swap3A_195 : i32 to index
    %swap3A_197 = arith.constant 80 : index
    %swap3A_198 = tpu.vector_load %arg13[%swap3A_196, %swap3A_197] {strides = array<i32>} : memref<16x144xf32, #tpu.memory_space<vmem>>, vector<16xf32>,
    tpu.vector_store %arg13[%swap3A_196, %swap3A_197], %broadcast_in_dim3A_194 {strides = array<i32>} : memref<16x144xf32, #tpu.memory_space<vmem>>, vector<16xf32>,
    %broadcast_in_dim3A_199 = arith.constant 0.000000e+00 : f32
    %broadcast_in_dim3A_200 = vector.broadcast %broadcast_in_dim3A_199 : f32 to vector<16xf32>
    %swap3A_201 = arith.constant 3 : i32
    %swap3A_202 = arith.index_cast %swap3A_201 : i32 to index
    %swap3A_203 = arith.constant 96 : index
    %swap3A_204 = tpu.vector_load %arg13[%swap3A_202, %swap3A_203] {strides = array<i32>} : memref<16x144xf32, #tpu.memory_space<vmem>>, vector<16xf32>,
    tpu.vector_store %arg13[%swap3A_202, %swap3A_203], %broadcast_in_dim3A_200 {strides = array<i32>} : memref<16x144xf32, #tpu.memory_space<vmem>>, vector<16xf32>,
    %broadcast_in_dim3A_205 = arith.constant 0.000000e+00 : f32
    %broadcast_in_dim3A_206 = vector.broadcast %broadcast_in_dim3A_205 : f32 to vector<16xf32>
    %swap3A_207 = arith.constant 3 : i32
    %swap3A_208 = arith.index_cast %swap3A_207 : i32 to index
    %swap3A_209 = arith.constant 112 : index
    %swap3A_210 = tpu.vector_load %arg13[%swap3A_208, %swap3A_209] {strides = array<i32>} : memref<16x144xf32, #tpu.memory_space<vmem>>, vector<16xf32>,
    tpu.vector_store %arg13[%swap3A_208, %swap3A_209], %broadcast_in_dim3A_206 {strides = array<i32>} : memref<16x144xf32, #tpu.memory_space<vmem>>, vector<16xf32>,
    %broadcast_in_dim3A_211 = arith.constant 0.000000e+00 : f32
    %broadcast_in_dim3A_212 = vector.broadcast %broadcast_in_dim3A_211 : f32 to vector<16xf32>
    %swap3A_213 = arith.constant 3 : i32
    %swap3A_214 = arith.index_cast %swap3A_213 : i32 to index
    %swap3A_215 = arith.constant 128 : index
    %swap3A_216 = tpu.vector_load %arg13[%swap3A_214, %swap3A_215] {strides = array<i32>} : memref<16x144xf32, #tpu.memory_space<vmem>>, vector<16xf32>,
    tpu.vector_store %arg13[%swap3A_214, %swap3A_215], %broadcast_in_dim3A_212 {strides = array<i32>} : memref<16x144xf32, #tpu.memory_space<vmem>>, vector<16xf32>,
    %broadcast_in_dim3A_217 = arith.constant 0.000000e+00 : f32
    %broadcast_in_dim3A_218 = vector.broadcast %broadcast_in_dim3A_217 : f32 to vector<16xf32>
    %swap3A_219 = arith.constant 4 : i32
    %swap3A_220 = arith.index_cast %swap3A_219 : i32 to index
    %swap3A_221 = arith.constant 0 : index
    %swap3A_222 = tpu.vector_load %arg13[%swap3A_220, %swap3A_221] {strides = array<i32>} : memref<16x144xf32, #tpu.memory_space<vmem>>, vector<16xf32>,
    tpu.vector_store %arg13[%swap3A_220, %swap3A_221], %broadcast_in_dim3A_218 {strides = array<i32>} : memref<16x144xf32, #tpu.memory_space<vmem>>, vector<16xf32>,
    %broadcast_in_dim3A_223 = arith.constant 0.000000e+00 : f32
    %broadcast_in_dim3A_224 = vector.broadcast %broadcast_in_dim3A_223 : f32 to vector<16xf32>
    %swap3A_225 = arith.constant 4 : i32
    %swap3A_226 = arith.index_cast %swap3A_225 : i32 to index
    %swap3A_227 = arith.constant 16 : index
    %swap3A_228 = tpu.vector_load %arg13[%swap3A_226, %swap3A_227] {strides = array<i32>} : memref<16x144xf32, #tpu.memory_space<vmem>>, vector<16xf32>,
    tpu.vector_store %arg13[%swap3A_226, %swap3A_227], %broadcast_in_dim3A_224 {strides = array<i32>} : memref<16x144xf32, #tpu.memory_space<vmem>>, vector<16xf32>,
    %broadcast_in_dim3A_229 = arith.constant 0.000000e+00 : f32
    %broadcast_in_dim3A_230 = vector.broadcast %broadcast_in_dim3A_229 : f32 to vector<16xf32>
    %swap3A_231 = arith.constant 4 : i32
    %swap3A_232 = arith.index_cast %swap3A_231 : i32 to index
    %swap3A_233 = arith.constant 32 : index
    %swap3A_234 = tpu.vector_load %arg13[%swap3A_232, %swap3A_233] {strides = array<i32>} : memref<16x144xf32, #tpu.memory_space<vmem>>, vector<16xf32>,
    tpu.vector_store %arg13[%swap3A_232, %swap3A_233], %broadcast_in_dim3A_230 {strides = array<i32>} : memref<16x144xf32, #tpu.memory_space<vmem>>, vector<16xf32>,
    %broadcast_in_dim3A_235 = arith.constant 0.000000e+00 : f32
    %broadcast_in_dim3A_236 = vector.broadcast %broadcast_in_dim3A_235 : f32 to vector<16xf32>
    %swap3A_237 = arith.constant 4 : i32
    %swap3A_238 = arith.index_cast %swap3A_237 : i32 to index
    %swap3A_239 = arith.constant 48 : index
    %swap3A_240 = tpu.vector_load %arg13[%swap3A_238, %swap3A_239] {strides = array<i32>} : memref<16x144xf32, #tpu.memory_space<vmem>>, vector<16xf32>,
    tpu.vector_store %arg13[%swap3A_238, %swap3A_239], %broadcast_in_dim3A_236 {strides = array<i32>} : memref<16x144xf32, #tpu.memory_space<vmem>>, vector<16xf32>,
    %broadcast_in_dim3A_241 = arith.constant 0.000000e+00 : f32
    %broadcast_in_dim3A_242 = vector.broadcast %broadcast_in_dim3A_241 : f32 to vector<16xf32>
    %swap3A_243 = arith.constant 4 : i32
    %swap3A_244 = arith.index_cast %swap3A_243 : i32 to index
    %swap3A_245 = arith.constant 64 : index
    %swap3A_246 = tpu.vector_load %arg13[%swap3A_244, %swap3A_245] {strides = array<i32>} : memref<16x144xf32, #tpu.memory_space<vmem>>, vector<16xf32>,
    tpu.vector_store %arg13[%swap3A_244, %swap3A_245], %broadcast_in_dim3A_242 {strides = array<i32>} : memref<16x144xf32, #tpu.memory_space<vmem>>, vector<16xf32>,
    %broadcast_in_dim3A_247 = arith.constant 0.000000e+00 : f32
    %broadcast_in_dim3A_248 = vector.broadcast %broadcast_in_dim3A_247 : f32 to vector<16xf32>
    %swap3A_249 = arith.constant 4 : i32
    %swap3A_250 = arith.index_cast %swap3A_249 : i32 to index
    %swap3A_251 = arith.constant 80 : index
    %swap3A_252 = tpu.vector_load %arg13[%swap3A_250, %swap3A_251] {strides = array<i32>} : memref<16x144xf32, #tpu.memory_space<vmem>>, vector<16xf32>,
    tpu.vector_store %arg13[%swap3A_250, %swap3A_251], %broadcast_in_dim3A_248 {strides = array<i32>} : memref<16x144xf32, #tpu.memory_space<vmem>>, vector<16xf32>,
    %broadcast_in_dim3A_253 = arith.constant 0.000000e+00 : f32
    %broadcast_in_dim3A_254 = vector.broadcast %broadcast_in_dim3A_253 : f32 to vector<16xf32>
    %swap3A_255 = arith.constant 4 : i32
    %swap3A_256 = arith.index_cast %swap3A_255 : i32 to index
    %swap3A_257 = arith.constant 96 : index
    %swap3A_258 = tpu.vector_load %arg13[%swap3A_256, %swap3A_257] {strides = array<i32>} : memref<16x144xf32, #tpu.memory_space<vmem>>, vector<16xf32>,
    tpu.vector_store %arg13[%swap3A_256, %swap3A_257], %broadcast_in_dim3A_254 {strides = array<i32>} : memref<16x144xf32, #tpu.memory_space<vmem>>, vector<16xf32>,
    %broadcast_in_dim3A_259 = arith.constant 0.000000e+00 : f32
    %broadcast_in_dim3A_260 = vector.broadcast %broadcast_in_dim3A_259 : f32 to vector<16xf32>
    %swap3A_261 = arith.constant 4 : i32
    %swap3A_262 = arith.index_cast %swap3A_261 : i32 to index
    %swap3A_263 = arith.constant 112 : index
    %swap3A_264 = tpu.vector_load %arg13[%swap3A_262, %swap3A_263] {strides = array<i32>} : memref<16x144xf32, #tpu.memory_space<vmem>>, vector<16xf32>,
    tpu.vector_store %arg13[%swap3A_262, %swap3A_263], %broadcast_in_dim3A_260 {strides = array<i32>} : memref<16x144xf32, #tpu.memory_space<vmem>>, vector<16xf32>,
    %broadcast_in_dim3A_265 = arith.constant 0.000000e+00 : f32
    %broadcast_in_dim3A_266 = vector.broadcast %broadcast_in_dim3A_265 : f32 to vector<16xf32>
    %swap3A_267 = arith.constant 4 : i32
    %swap3A_268 = arith.index_cast %swap3A_267 : i32 to index
    %swap3A_269 = arith.constant 128 : index
    %swap3A_270 = tpu.vector_load %arg13[%swap3A_268, %swap3A_269] {strides = array<i32>} : memref<16x144xf32, #tpu.memory_space<vmem>>, vector<16xf32>,
    tpu.vector_store %arg13[%swap3A_268, %swap3A_269], %broadcast_in_dim3A_266 {strides = array<i32>} : memref<16x144xf32, #tpu.memory_space<vmem>>, vector<16xf32>,
    %broadcast_in_dim3A_271 = arith.constant 0.000000e+00 : f32
    %broadcast_in_dim3A_272 = vector.broadcast %broadcast_in_dim3A_271 : f32 to vector<16xf32>
    %swap3A_273 = arith.constant 5 : i32
    %swap3A_274 = arith.index_cast %swap3A_273 : i32 to index
    %swap3A_275 = arith.constant 0 : index
    %swap3A_276 = tpu.vector_load %arg13[%swap3A_274, %swap3A_275] {strides = array<i32>} : memref<16x144xf32, #tpu.memory_space<vmem>>, vector<16xf32>,
    tpu.vector_store %arg13[%swap3A_274, %swap3A_275], %broadcast_in_dim3A_272 {strides = array<i32>} : memref<16x144xf32, #tpu.memory_space<vmem>>, vector<16xf32>,
    %broadcast_in_dim3A_277 = arith.constant 0.000000e+00 : f32
    %broadcast_in_dim3A_278 = vector.broadcast %broadcast_in_dim3A_277 : f32 to vector<16xf32>
    %swap3A_279 = arith.constant 5 : i32
    %swap3A_280 = arith.index_cast %swap3A_279 : i32 to index
    %swap3A_281 = arith.constant 16 : index
    %swap3A_282 = tpu.vector_load %arg13[%swap3A_280, %swap3A_281] {strides = array<i32>} : memref<16x144xf32, #tpu.memory_space<vmem>>, vector<16xf32>,
    tpu.vector_store %arg13[%swap3A_280, %swap3A_281], %broadcast_in_dim3A_278 {strides = array<i32>} : memref<16x144xf32, #tpu.memory_space<vmem>>, vector<16xf32>,
    %broadcast_in_dim3A_283 = arith.constant 0.000000e+00 : f32
    %broadcast_in_dim3A_284 = vector.broadcast %broadcast_in_dim3A_283 : f32 to vector<16xf32>
    %swap3A_285 = arith.constant 5 : i32
    %swap3A_286 = arith.index_cast %swap3A_285 : i32 to index
    %swap3A_287 = arith.constant 32 : index
    %swap3A_288 = tpu.vector_load %arg13[%swap3A_286, %swap3A_287] {strides = array<i32>} : memref<16x144xf32, #tpu.memory_space<vmem>>, vector<16xf32>,
    tpu.vector_store %arg13[%swap3A_286, %swap3A_287], %broadcast_in_dim3A_284 {strides = array<i32>} : memref<16x144xf32, #tpu.memory_space<vmem>>, vector<16xf32>,
    %broadcast_in_dim3A_289 = arith.constant 0.000000e+00 : f32
    %broadcast_in_dim3A_290 = vector.broadcast %broadcast_in_dim3A_289 : f32 to vector<16xf32>
    %swap3A_291 = arith.constant 5 : i32
    %swap3A_292 = arith.index_cast %swap3A_291 : i32 to index
    %swap3A_293 = arith.constant 48 : index
    %swap3A_294 = tpu.vector_load %arg13[%swap3A_292, %swap3A_293] {strides = array<i32>} : memref<16x144xf32, #tpu.memory_space<vmem>>, vector<16xf32>,
    tpu.vector_store %arg13[%swap3A_292, %swap3A_293], %broadcast_in_dim3A_290 {strides = array<i32>} : memref<16x144xf32, #tpu.memory_space<vmem>>, vector<16xf32>,
    %broadcast_in_dim3A_295 = arith.constant 0.000000e+00 : f32
    %broadcast_in_dim3A_296 = vector.broadcast %broadcast_in_dim3A_295 : f32 to vector<16xf32>
    %swap3A_297 = arith.constant 5 : i32
    %swap3A_298 = arith.index_cast %swap3A_297 : i32 to index
    %swap3A_299 = arith.constant 64 : index
    %swap3A_300 = tpu.vector_load %arg13[%swap3A_298, %swap3A_299] {strides = array<i32>} : memref<16x144xf32, #tpu.memory_space<vmem>>, vector<16xf32>,
    tpu.vector_store %arg13[%swap3A_298, %swap3A_299], %broadcast_in_dim3A_296 {strides = array<i32>} : memref<16x144xf32, #tpu.memory_space<vmem>>, vector<16xf32>,
    %broadcast_in_dim3A_301 = arith.constant 0.000000e+00 : f32
    %broadcast_in_dim3A_302 = vector.broadcast %broadcast_in_dim3A_301 : f32 to vector<16xf32>
    %swap3A_303 = arith.constant 5 : i32
    %swap3A_304 = arith.index_cast %swap3A_303 : i32 to index
    %swap3A_305 = arith.constant 80 : index
    %swap3A_306 = tpu.vector_load %arg13[%swap3A_304, %swap3A_305] {strides = array<i32>} : memref<16x144xf32, #tpu.memory_space<vmem>>, vector<16xf32>,
    tpu.vector_store %arg13[%swap3A_304, %swap3A_305], %broadcast_in_dim3A_302 {strides = array<i32>} : memref<16x144xf32, #tpu.memory_space<vmem>>, vector<16xf32>,
    %broadcast_in_dim3A_307 = arith.constant 0.000000e+00 : f32
    %broadcast_in_dim3A_308 = vector.broadcast %broadcast_in_dim3A_307 : f32 to vector<16xf32>
    %swap3A_309 = arith.constant 5 : i32
    %swap3A_310 = arith.index_cast %swap3A_309 : i32 to index
    %swap3A_311 = arith.constant 96 : index
    %swap3A_312 = tpu.vector_load %arg13[%swap3A_310, %swap3A_311] {strides = array<i32>} : memref<16x144xf32, #tpu.memory_space<vmem>>, vector<16xf32>,
    tpu.vector_store %arg13[%swap3A_310, %swap3A_311], %broadcast_in_dim3A_308 {strides = array<i32>} : memref<16x144xf32, #tpu.memory_space<vmem>>, vector<16xf32>,
    %broadcast_in_dim3A_313 = arith.constant 0.000000e+00 : f32
    %broadcast_in_dim3A_314 = vector.broadcast %broadcast_in_dim3A_313 : f32 to vector<16xf32>
    %swap3A_315 = arith.constant 5 : i32
    %swap3A_316 = arith.index_cast %swap3A_315 : i32 to index
    %swap3A_317 = arith.constant 112 : index
    %swap3A_318 = tpu.vector_load %arg13[%swap3A_316, %swap3A_317] {strides = array<i32>} : memref<16x144xf32, #tpu.memory_space<vmem>>, vector<16xf32>,
    tpu.vector_store %arg13[%swap3A_316, %swap3A_317], %broadcast_in_dim3A_314 {strides = array<i32>} : memref<16x144xf32, #tpu.memory_space<vmem>>, vector<16xf32>,
    %broadcast_in_dim3A_319 = arith.constant 0.000000e+00 : f32
    %broadcast_in_dim3A_320 = vector.broadcast %broadcast_in_dim3A_319 : f32 to vector<16xf32>
    %swap3A_321 = arith.constant 5 : i32
    %swap3A_322 = arith.index_cast %swap3A_321 : i32 to index
    %swap3A_323 = arith.constant 128 : index
    %swap3A_324 = tpu.vector_load %arg13[%swap3A_322, %swap3A_323] {strides = array<i32>} : memref<16x144xf32, #tpu.memory_space<vmem>>, vector<16xf32>,
    tpu.vector_store %arg13[%swap3A_322, %swap3A_323], %broadcast_in_dim3A_320 {strides = array<i32>} : memref<16x144xf32, #tpu.memory_space<vmem>>, vector<16xf32>,
    %broadcast_in_dim3A_325 = arith.constant 0.000000e+00 : f32
    %broadcast_in_dim3A_326 = vector.broadcast %broadcast_in_dim3A_325 : f32 to vector<16xf32>
    %swap3A_327 = arith.constant 6 : i32
    %swap3A_328 = arith.index_cast %swap3A_327 : i32 to index
    %swap3A_329 = arith.constant 0 : index
    %swap3A_330 = tpu.vector_load %arg13[%swap3A_328, %swap3A_329] {strides = array<i32>} : memref<16x144xf32, #tpu.memory_space<vmem>>, vector<16xf32>,
    tpu.vector_store %arg13[%swap3A_328, %swap3A_329], %broadcast_in_dim3A_326 {strides = array<i32>} : memref<16x144xf32, #tpu.memory_space<vmem>>, vector<16xf32>,
    %broadcast_in_dim3A_331 = arith.constant 0.000000e+00 : f32
    %broadcast_in_dim3A_332 = vector.broadcast %broadcast_in_dim3A_331 : f32 to vector<16xf32>
    %swap3A_333 = arith.constant 6 : i32
    %swap3A_334 = arith.index_cast %swap3A_333 : i32 to index
    %swap3A_335 = arith.constant 16 : index
    %swap3A_336 = tpu.vector_load %arg13[%swap3A_334, %swap3A_335] {strides = array<i32>} : memref<16x144xf32, #tpu.memory_space<vmem>>, vector<16xf32>,
    tpu.vector_store %arg13[%swap3A_334, %swap3A_335], %broadcast_in_dim3A_332 {strides = array<i32>} : memref<16x144xf32, #tpu.memory_space<vmem>>, vector<16xf32>,
    %broadcast_in_dim3A_337 = arith.constant 0.000000e+00 : f32
    %broadcast_in_dim3A_338 = vector.broadcast %broadcast_in_dim3A_337 : f32 to vector<16xf32>
    %swap3A_339 = arith.constant 6 : i32
    %swap3A_340 = arith.index_cast %swap3A_339 : i32 to index
    %swap3A_341 = arith.constant 32 : index
    %swap3A_342 = tpu.vector_load %arg13[%swap3A_340, %swap3A_341] {strides = array<i32>} : memref<16x144xf32, #tpu.memory_space<vmem>>, vector<16xf32>,
    tpu.vector_store %arg13[%swap3A_340, %swap3A_341], %broadcast_in_dim3A_338 {strides = array<i32>} : memref<16x144xf32, #tpu.memory_space<vmem>>, vector<16xf32>,
    %broadcast_in_dim3A_343 = arith.constant 0.000000e+00 : f32
    %broadcast_in_dim3A_344 = vector.broadcast %broadcast_in_dim3A_343 : f32 to vector<16xf32>
    %swap3A_345 = arith.constant 6 : i32
    %swap3A_346 = arith.index_cast %swap3A_345 : i32 to index
    %swap3A_347 = arith.constant 48 : index
    %swap3A_348 = tpu.vector_load %arg13[%swap3A_346, %swap3A_347] {strides = array<i32>} : memref<16x144xf32, #tpu.memory_space<vmem>>, vector<16xf32>,
    tpu.vector_store %arg13[%swap3A_346, %swap3A_347], %broadcast_in_dim3A_344 {strides = array<i32>} : memref<16x144xf32, #tpu.memory_space<vmem>>, vector<16xf32>,
    %broadcast_in_dim3A_349 = arith.constant 0.000000e+00 : f32
    %broadcast_in_dim3A_350 = vector.broadcast %broadcast_in_dim3A_349 : f32 to vector<16xf32>
    %swap3A_351 = arith.constant 6 : i32
    %swap3A_352 = arith.index_cast %swap3A_351 : i32 to index
    %swap3A_353 = arith.constant 64 : index
    %swap3A_354 = tpu.vector_load %arg13[%swap3A_352, %swap3A_353] {strides = array<i32>} : memref<16x144xf32, #tpu.memory_space<vmem>>, vector<16xf32>,
    tpu.vector_store %arg13[%swap3A_352, %swap3A_353], %broadcast_in_dim3A_350 {strides = array<i32>} : memref<16x144xf32, #tpu.memory_space<vmem>>, vector<16xf32>,
    %broadcast_in_dim3A_355 = arith.constant 0.000000e+00 : f32
    %broadcast_in_dim3A_356 = vector.broadcast %broadcast_in_dim3A_355 : f32 to vector<16xf32>
    %swap3A_357 = arith.constant 6 : i32
    %swap3A_358 = arith.index_cast %swap3A_357 : i32 to index
    %swap3A_359 = arith.constant 80 : index
    %swap3A_360 = tpu.vector_load %arg13[%swap3A_358, %swap3A_359] {strides = array<i32>} : memref<16x144xf32, #tpu.memory_space<vmem>>, vector<16xf32>,
    tpu.vector_store %arg13[%swap3A_358, %swap3A_359], %broadcast_in_dim3A_356 {strides = array<i32>} : memref<16x144xf32, #tpu.memory_space<vmem>>, vector<16xf32>,
    %broadcast_in_dim3A_361 = arith.constant 0.000000e+00 : f32
    %broadcast_in_dim3A_362 = vector.broadcast %broadcast_in_dim3A_361 : f32 to vector<16xf32>
    %swap3A_363 = arith.constant 6 : i32
    %swap3A_364 = arith.index_cast %swap3A_363 : i32 to index
    %swap3A_365 = arith.constant 96 : index
    %swap3A_366 = tpu.vector_load %arg13[%swap3A_364, %swap3A_365] {strides = array<i32>} : memref<16x144xf32, #tpu.memory_space<vmem>>, vector<16xf32>,
    tpu.vector_store %arg13[%swap3A_364, %swap3A_365], %broadcast_in_dim3A_362 {strides = array<i32>} : memref<16x144xf32, #tpu.memory_space<vmem>>, vector<16xf32>,
    %broadcast_in_dim3A_367 = arith.constant 0.000000e+00 : f32
    %broadcast_in_dim3A_368 = vector.broadcast %broadcast_in_dim3A_367 : f32 to vector<16xf32>
    %swap3A_369 = arith.constant 6 : i32
    %swap3A_370 = arith.index_cast %swap3A_369 : i32 to index
    %swap3A_371 = arith.constant 112 : index
    %swap3A_372 = tpu.vector_load %arg13[%swap3A_370, %swap3A_371] {strides = array<i32>} : memref<16x144xf32, #tpu.memory_space<vmem>>, vector<16xf32>,
    tpu.vector_store %arg13[%swap3A_370, %swap3A_371], %broadcast_in_dim3A_368 {strides = array<i32>} : memref<16x144xf32, #tpu.memory_space<vmem>>, vector<16xf32>,
    %broadcast_in_dim3A_373 = arith.constant 0.000000e+00 : f32
    %broadcast_in_dim3A_374 = vector.broadcast %broadcast_in_dim3A_373 : f32 to vector<16xf32>
    %swap3A_375 = arith.constant 6 : i32
    %swap3A_376 = arith.index_cast %swap3A_375 : i32 to index
    %swap3A_377 = arith.constant 128 : index
    %swap3A_378 = tpu.vector_load %arg13[%swap3A_376, %swap3A_377] {strides = array<i32>} : memref<16x144xf32, #tpu.memory_space<vmem>>, vector<16xf32>,
    tpu.vector_store %arg13[%swap3A_376, %swap3A_377], %broadcast_in_dim3A_374 {strides = array<i32>} : memref<16x144xf32, #tpu.memory_space<vmem>>, vector<16xf32>,
    %broadcast_in_dim3A_379 = arith.constant 0.000000e+00 : f32
    %broadcast_in_dim3A_380 = vector.broadcast %broadcast_in_dim3A_379 : f32 to vector<16xf32>
    %swap3A_381 = arith.constant 7 : i32
    %swap3A_382 = arith.index_cast %swap3A_381 : i32 to index
    %swap3A_383 = arith.constant 0 : index
    %swap3A_384 = tpu.vector_load %arg13[%swap3A_382, %swap3A_383] {strides = array<i32>} : memref<16x144xf32, #tpu.memory_space<vmem>>, vector<16xf32>,
    tpu.vector_store %arg13[%swap3A_382, %swap3A_383], %broadcast_in_dim3A_380 {strides = array<i32>} : memref<16x144xf32, #tpu.memory_space<vmem>>, vector<16xf32>,
    %broadcast_in_dim3A_385 = arith.constant 0.000000e+00 : f32
    %broadcast_in_dim3A_386 = vector.broadcast %broadcast_in_dim3A_385 : f32 to vector<16xf32>
    %swap3A_387 = arith.constant 7 : i32
    %swap3A_388 = arith.index_cast %swap3A_387 : i32 to index
    %swap3A_389 = arith.constant 16 : index
    %swap3A_390 = tpu.vector_load %arg13[%swap3A_388, %swap3A_389] {strides = array<i32>} : memref<16x144xf32, #tpu.memory_space<vmem>>, vector<16xf32>,
    tpu.vector_store %arg13[%swap3A_388, %swap3A_389], %broadcast_in_dim3A_386 {strides = array<i32>} : memref<16x144xf32, #tpu.memory_space<vmem>>, vector<16xf32>,
    %broadcast_in_dim3A_391 = arith.constant 0.000000e+00 : f32
    %broadcast_in_dim3A_392 = vector.broadcast %broadcast_in_dim3A_391 : f32 to vector<16xf32>
    %swap3A_393 = arith.constant 7 : i32
    %swap3A_394 = arith.index_cast %swap3A_393 : i32 to index
    %swap3A_395 = arith.constant 32 : index
    %swap3A_396 = tpu.vector_load %arg13[%swap3A_394, %swap3A_395] {strides = array<i32>} : memref<16x144xf32, #tpu.memory_space<vmem>>, vector<16xf32>,
    tpu.vector_store %arg13[%swap3A_394, %swap3A_395], %broadcast_in_dim3A_392 {strides = array<i32>} : memref<16x144xf32, #tpu.memory_space<vmem>>, vector<16xf32>,
    %broadcast_in_dim3A_397 = arith.constant 0.000000e+00 : f32
    %broadcast_in_dim3A_398 = vector.broadcast %broadcast_in_dim3A_397 : f32 to vector<16xf32>
    %swap3A_399 = arith.constant 7 : i32
    %swap3A_400 = arith.index_cast %swap3A_399 : i32 to index
    %swap3A_401 = arith.constant 48 : index
    %swap3A_402 = tpu.vector_load %arg13[%swap3A_400, %swap3A_401] {strides = array<i32>} : memref<16x144xf32, #tpu.memory_space<vmem>>, vector<16xf32>,
    tpu.vector_store %arg13[%swap3A_400, %swap3A_401], %broadcast_in_dim3A_398 {strides = array<i32>} : memref<16x144xf32, #tpu.memory_space<vmem>>, vector<16xf32>,
    %broadcast_in_dim3A_403 = arith.constant 0.000000e+00 : f32
    %broadcast_in_dim3A_404 = vector.broadcast %broadcast_in_dim3A_403 : f32 to vector<16xf32>
    %swap3A_405 = arith.constant 7 : i32
    %swap3A_406 = arith.index_cast %swap3A_405 : i32 to index
    %swap3A_407 = arith.constant 64 : index
    %swap3A_408 = tpu.vector_load %arg13[%swap3A_406, %swap3A_407] {strides = array<i32>} : memref<16x144xf32, #tpu.memory_space<vmem>>, vector<16xf32>,
    tpu.vector_store %arg13[%swap3A_406, %swap3A_407], %broadcast_in_dim3A_404 {strides = array<i32>} : memref<16x144xf32, #tpu.memory_space<vmem>>, vector<16xf32>,
    %broadcast_in_dim3A_409 = arith.constant 0.000000e+00 : f32
    %broadcast_in_dim3A_410 = vector.broadcast %broadcast_in_dim3A_409 : f32 to vector<16xf32>
    %swap3A_411 = arith.constant 7 : i32
    %swap3A_412 = arith.index_cast %swap3A_411 : i32 to index
    %swap3A_413 = arith.constant 80 : index
    %swap3A_414 = tpu.vector_load %arg13[%swap3A_412, %swap3A_413] {strides = array<i32>} : memref<16x144xf32, #tpu.memory_space<vmem>>, vector<16xf32>,
    tpu.vector_store %arg13[%swap3A_412, %swap3A_413], %broadcast_in_dim3A_410 {strides = array<i32>} : memref<16x144xf32, #tpu.memory_space<vmem>>, vector<16xf32>,
    %broadcast_in_dim3A_415 = arith.constant 0.000000e+00 : f32
    %broadcast_in_dim3A_416 = vector.broadcast %broadcast_in_dim3A_415 : f32 to vector<16xf32>
    %swap3A_417 = arith.constant 7 : i32
    %swap3A_418 = arith.index_cast %swap3A_417 : i32 to index
    %swap3A_419 = arith.constant 96 : index
    %swap3A_420 = tpu.vector_load %arg13[%swap3A_418, %swap3A_419] {strides = array<i32>} : memref<16x144xf32, #tpu.memory_space<vmem>>, vector<16xf32>,
    tpu.vector_store %arg13[%swap3A_418, %swap3A_419], %broadcast_in_dim3A_416 {strides = array<i32>} : memref<16x144xf32, #tpu.memory_space<vmem>>, vector<16xf32>,
    %broadcast_in_dim3A_421 = arith.constant 0.000000e+00 : f32
    %broadcast_in_dim3A_422 = vector.broadcast %broadcast_in_dim3A_421 : f32 to vector<16xf32>
    %swap3A_423 = arith.constant 7 : i32
    %swap3A_424 = arith.index_cast %swap3A_423 : i32 to index
    %swap3A_425 = arith.constant 112 : index
    %swap3A_426 = tpu.vector_load %arg13[%swap3A_424, %swap3A_425] {strides = array<i32>} : memref<16x144xf32, #tpu.memory_space<vmem>>, vector<16xf32>,
    tpu.vector_store %arg13[%swap3A_424, %swap3A_425], %broadcast_in_dim3A_422 {strides = array<i32>} : memref<16x144xf32, #tpu.memory_space<vmem>>, vector<16xf32>,
    %broadcast_in_dim3A_427 = arith.constant 0.000000e+00 : f32
    %broadcast_in_dim3A_428 = vector.broadcast %broadcast_in_dim3A_427 : f32 to vector<16xf32>
    %swap3A_429 = arith.constant 7 : i32
    %swap3A_430 = arith.index_cast %swap3A_429 : i32 to index
    %swap3A_431 = arith.constant 128 : index
    %swap3A_432 = tpu.vector_load %arg13[%swap3A_430, %swap3A_431] {strides = array<i32>} : memref<16x144xf32, #tpu.memory_space<vmem>>, vector<16xf32>,
    tpu.vector_store %arg13[%swap3A_430, %swap3A_431], %broadcast_in_dim3A_428 {strides = array<i32>} : memref<16x144xf32, #tpu.memory_space<vmem>>, vector<16xf32>,
    %broadcast_in_dim3A_433 = arith.constant 0.000000e+00 : f32
    %broadcast_in_dim3A_434 = vector.broadcast %broadcast_in_dim3A_433 : f32 to vector<16xf32>
    %swap3A_435 = arith.constant 8 : i32
    %swap3A_436 = arith.index_cast %swap3A_435 : i32 to index
    %swap3A_437 = arith.constant 0 : index
    %swap3A_438 = tpu.vector_load %arg13[%swap3A_436, %swap3A_437] {strides = array<i32>} : memref<16x144xf32, #tpu.memory_space<vmem>>, vector<16xf32>,
    tpu.vector_store %arg13[%swap3A_436, %swap3A_437], %broadcast_in_dim3A_434 {strides = array<i32>} : memref<16x144xf32, #tpu.memory_space<vmem>>, vector<16xf32>,
    %broadcast_in_dim3A_439 = arith.constant 0.000000e+00 : f32
    %broadcast_in_dim3A_440 = vector.broadcast %broadcast_in_dim3A_439 : f32 to vector<16xf32>
    %swap3A_441 = arith.constant 8 : i32
    %swap3A_442 = arith.index_cast %swap3A_441 : i32 to index
    %swap3A_443 = arith.constant 16 : index
    %swap3A_444 = tpu.vector_load %arg13[%swap3A_442, %swap3A_443] {strides = array<i32>} : memref<16x144xf32, #tpu.memory_space<vmem>>, vector<16xf32>,
    tpu.vector_store %arg13[%swap3A_442, %swap3A_443], %broadcast_in_dim3A_440 {strides = array<i32>} : memref<16x144xf32, #tpu.memory_space<vmem>>, vector<16xf32>,
    %broadcast_in_dim3A_445 = arith.constant 0.000000e+00 : f32
    %broadcast_in_dim3A_446 = vector.broadcast %broadcast_in_dim3A_445 : f32 to vector<16xf32>
    %swap3A_447 = arith.constant 8 : i32
    %swap3A_448 = arith.index_cast %swap3A_447 : i32 to index
    %swap3A_449 = arith.constant 32 : index
    %swap3A_450 = tpu.vector_load %arg13[%swap3A_448, %swap3A_449] {strides = array<i32>} : memref<16x144xf32, #tpu.memory_space<vmem>>, vector<16xf32>,
    tpu.vector_store %arg13[%swap3A_448, %swap3A_449], %broadcast_in_dim3A_446 {strides = array<i32>} : memref<16x144xf32, #tpu.memory_space<vmem>>, vector<16xf32>,
    %broadcast_in_dim3A_451 = arith.constant 0.000000e+00 : f32
    %broadcast_in_dim3A_452 = vector.broadcast %broadcast_in_dim3A_451 : f32 to vector<16xf32>
    %swap3A_453 = arith.constant 8 : i32
    %swap3A_454 = arith.index_cast %swap3A_453 : i32 to index
    %swap3A_455 = arith.constant 48 : index
    %swap3A_456 = tpu.vector_load %arg13[%swap3A_454, %swap3A_455] {strides = array<i32>} : memref<16x144xf32, #tpu.memory_space<vmem>>, vector<16xf32>,
    tpu.vector_store %arg13[%swap3A_454, %swap3A_455], %broadcast_in_dim3A_452 {strides = array<i32>} : memref<16x144xf32, #tpu.memory_space<vmem>>, vector<16xf32>,
    %broadcast_in_dim3A_457 = arith.constant 0.000000e+00 : f32
    %broadcast_in_dim3A_458 = vector.broadcast %broadcast_in_dim3A_457 : f32 to vector<16xf32>
    %swap3A_459 = arith.constant 8 : i32
    %swap3A_460 = arith.index_cast %swap3A_459 : i32 to index
    %swap3A_461 = arith.constant 64 : index
    %swap3A_462 = tpu.vector_load %arg13[%swap3A_460, %swap3A_461] {strides = array<i32>} : memref<16x144xf32, #tpu.memory_space<vmem>>, vector<16xf32>,
    tpu.vector_store %arg13[%swap3A_460, %swap3A_461], %broadcast_in_dim3A_458 {strides = array<i32>} : memref<16x144xf32, #tpu.memory_space<vmem>>, vector<16xf32>,
    %broadcast_in_dim3A_463 = arith.constant 0.000000e+00 : f32
    %broadcast_in_dim3A_464 = vector.broadcast %broadcast_in_dim3A_463 : f32 to vector<16xf32>
    %swap3A_465 = arith.constant 8 : i32
    %swap3A_466 = arith.index_cast %swap3A_465 : i32 to index
    %swap3A_467 = arith.constant 80 : index
    %swap3A_468 = tpu.vector_load %arg13[%swap3A_466, %swap3A_467] {strides = array<i32>} : memref<16x144xf32, #tpu.memory_space<vmem>>, vector<16xf32>,
    tpu.vector_store %arg13[%swap3A_466, %swap3A_467], %broadcast_in_dim3A_464 {strides = array<i32>} : memref<16x144xf32, #tpu.memory_space<vmem>>, vector<16xf32>,
    %broadcast_in_dim3A_469 = arith.constant 0.000000e+00 : f32
    %broadcast_in_dim3A_470 = vector.broadcast %broadcast_in_dim3A_469 : f32 to vector<16xf32>
    %swap3A_471 = arith.constant 8 : i32
    %swap3A_472 = arith.index_cast %swap3A_471 : i32 to index
    %swap3A_473 = arith.constant 96 : index
    %swap3A_474 = tpu.vector_load %arg13[%swap3A_472, %swap3A_473] {strides = array<i32>} : memref<16x144xf32, #tpu.memory_space<vmem>>, vector<16xf32>,
    tpu.vector_store %arg13[%swap3A_472, %swap3A_473], %broadcast_in_dim3A_470 {strides = array<i32>} : memref<16x144xf32, #tpu.memory_space<vmem>>, vector<16xf32>,
    %broadcast_in_dim3A_475 = arith.constant 0.000000e+00 : f32
    %broadcast_in_dim3A_476 = vector.broadcast %broadcast_in_dim3A_475 : f32 to vector<16xf32>
    %swap3A_477 = arith.constant 8 : i32
    %swap3A_478 = arith.index_cast %swap3A_477 : i32 to index
    %swap3A_479 = arith.constant 112 : index
    %swap3A_480 = tpu.vector_load %arg13[%swap3A_478, %swap3A_479] {strides = array<i32>} : memref<16x144xf32, #tpu.memory_space<vmem>>, vector<16xf32>,
    tpu.vector_store %arg13[%swap3A_478, %swap3A_479], %broadcast_in_dim3A_476 {strides = array<i32>} : memref<16x144xf32, #tpu.memory_space<vmem>>, vector<16xf32>,
    %broadcast_in_dim3A_481 = arith.constant 0.000000e+00 : f32
    %broadcast_in_dim3A_482 = vector.broadcast %broadcast_in_dim3A_481 : f32 to vector<16xf32>
    %swap3A_483 = arith.constant 8 : i32
    %swap3A_484 = arith.index_cast %swap3A_483 : i32 to index
    %swap3A_485 = arith.constant 128 : index
    %swap3A_486 = tpu.vector_load %arg13[%swap3A_484, %swap3A_485] {strides = array<i32>} : memref<16x144xf32, #tpu.memory_space<vmem>>, vector<16xf32>,
    tpu.vector_store %arg13[%swap3A_484, %swap3A_485], %broadcast_in_dim3A_482 {strides = array<i32>} : memref<16x144xf32, #tpu.memory_space<vmem>>, vector<16xf32>,
    %broadcast_in_dim3A_487 = arith.constant 0.000000e+00 : f32
    %broadcast_in_dim3A_488 = vector.broadcast %broadcast_in_dim3A_487 : f32 to vector<16xf32>
    %swap3A_489 = arith.constant 9 : i32
    %swap3A_490 = arith.index_cast %swap3A_489 : i32 to index
    %swap3A_491 = arith.constant 0 : index
    %swap3A_492 = tpu.vector_load %arg13[%swap3A_490, %swap3A_491] {strides = array<i32>} : memref<16x144xf32, #tpu.memory_space<vmem>>, vector<16xf32>,
    tpu.vector_store %arg13[%swap3A_490, %swap3A_491], %broadcast_in_dim3A_488 {strides = array<i32>} : memref<16x144xf32, #tpu.memory_space<vmem>>, vector<16xf32>,
    %broadcast_in_dim3A_493 = arith.constant 0.000000e+00 : f32
    %broadcast_in_dim3A_494 = vector.broadcast %broadcast_in_dim3A_493 : f32 to vector<16xf32>
    %swap3A_495 = arith.constant 9 : i32
    %swap3A_496 = arith.index_cast %swap3A_495 : i32 to index
    %swap3A_497 = arith.constant 16 : index
    %swap3A_498 = tpu.vector_load %arg13[%swap3A_496, %swap3A_497] {strides = array<i32>} : memref<16x144xf32, #tpu.memory_space<vmem>>, vector<16xf32>,
    tpu.vector_store %arg13[%swap3A_496, %swap3A_497], %broadcast_in_dim3A_494 {strides = array<i32>} : memref<16x144xf32, #tpu.memory_space<vmem>>, vector<16xf32>,
    %broadcast_in_dim3A_499 = arith.constant 0.000000e+00 : f32
    %broadcast_in_dim3A_500 = vector.broadcast %broadcast_in_dim3A_499 : f32 to vector<16xf32>
    %swap3A_501 = arith.constant 9 : i32
    %swap3A_502 = arith.index_cast %swap3A_501 : i32 to index
    %swap3A_503 = arith.constant 32 : index
    %swap3A_504 = tpu.vector_load %arg13[%swap3A_502, %swap3A_503] {strides = array<i32>} : memref<16x144xf32, #tpu.memory_space<vmem>>, vector<16xf32>,
    tpu.vector_store %arg13[%swap3A_502, %swap3A_503], %broadcast_in_dim3A_500 {strides = array<i32>} : memref<16x144xf32, #tpu.memory_space<vmem>>, vector<16xf32>,
    %broadcast_in_dim3A_505 = arith.constant 0.000000e+00 : f32
    %broadcast_in_dim3A_506 = vector.broadcast %broadcast_in_dim3A_505 : f32 to vector<16xf32>
    %swap3A_507 = arith.constant 9 : i32
    %swap3A_508 = arith.index_cast %swap3A_507 : i32 to index
    %swap3A_509 = arith.constant 48 : index
    %swap3A_510 = tpu.vector_load %arg13[%swap3A_508, %swap3A_509] {strides = array<i32>} : memref<16x144xf32, #tpu.memory_space<vmem>>, vector<16xf32>,
    tpu.vector_store %arg13[%swap3A_508, %swap3A_509], %broadcast_in_dim3A_506 {strides = array<i32>} : memref<16x144xf32, #tpu.memory_space<vmem>>, vector<16xf32>,
    %broadcast_in_dim3A_511 = arith.constant 0.000000e+00 : f32
    %broadcast_in_dim3A_512 = vector.broadcast %broadcast_in_dim3A_511 : f32 to vector<16xf32>
    %swap3A_513 = arith.constant 9 : i32
    %swap3A_514 = arith.index_cast %swap3A_513 : i32 to index
    %swap3A_515 = arith.constant 64 : index
    %swap3A_516 = tpu.vector_load %arg13[%swap3A_514, %swap3A_515] {strides = array<i32>} : memref<16x144xf32, #tpu.memory_space<vmem>>, vector<16xf32>,
    tpu.vector_store %arg13[%swap3A_514, %swap3A_515], %broadcast_in_dim3A_512 {strides = array<i32>} : memref<16x144xf32, #tpu.memory_space<vmem>>, vector<16xf32>,
    %broadcast_in_dim3A_517 = arith.constant 0.000000e+00 : f32
    %broadcast_in_dim3A_518 = vector.broadcast %broadcast_in_dim3A_517 : f32 to vector<16xf32>
    %swap3A_519 = arith.constant 9 : i32
    %swap3A_520 = arith.index_cast %swap3A_519 : i32 to index
    %swap3A_521 = arith.constant 80 : index
    %swap3A_522 = tpu.vector_load %arg13[%swap3A_520, %swap3A_521] {strides = array<i32>} : memref<16x144xf32, #tpu.memory_space<vmem>>, vector<16xf32>,
    tpu.vector_store %arg13[%swap3A_520, %swap3A_521], %broadcast_in_dim3A_518 {strides = array<i32>} : memref<16x144xf32, #tpu.memory_space<vmem>>, vector<16xf32>,
    %broadcast_in_dim3A_523 = arith.constant 0.000000e+00 : f32
    %broadcast_in_dim3A_524 = vector.broadcast %broadcast_in_dim3A_523 : f32 to vector<16xf32>
    %swap3A_525 = arith.constant 9 : i32
    %swap3A_526 = arith.index_cast %swap3A_525 : i32 to index
    %swap3A_527 = arith.constant 96 : index
    %swap3A_528 = tpu.vector_load %arg13[%swap3A_526, %swap3A_527] {strides = array<i32>} : memref<16x144xf32, #tpu.memory_space<vmem>>, vector<16xf32>,
    tpu.vector_store %arg13[%swap3A_526, %swap3A_527], %broadcast_in_dim3A_524 {strides = array<i32>} : memref<16x144xf32, #tpu.memory_space<vmem>>, vector<16xf32>,
    %broadcast_in_dim3A_529 = arith.constant 0.000000e+00 : f32
    %broadcast_in_dim3A_530 = vector.broadcast %broadcast_in_dim3A_529 : f32 to vector<16xf32>
    %swap3A_531 = arith.constant 9 : i32
    %swap3A_532 = arith.index_cast %swap3A_531 : i32 to index
    %swap3A_533 = arith.constant 112 : index
    %swap3A_534 = tpu.vector_load %arg13[%swap3A_532, %swap3A_533] {strides = array<i32>} : memref<16x144xf32, #tpu.memory_space<vmem>>, vector<16xf32>,
    tpu.vector_store %arg13[%swap3A_532, %swap3A_533], %broadcast_in_dim3A_530 {strides = array<i32>} : memref<16x144xf32, #tpu.memory_space<vmem>>, vector<16xf32>,
    %broadcast_in_dim3A_535 = arith.constant 0.000000e+00 : f32
    %broadcast_in_dim3A_536 = vector.broadcast %broadcast_in_dim3A_535 : f32 to vector<16xf32>
    %swap3A_537 = arith.constant 9 : i32
    %swap3A_538 = arith.index_cast %swap3A_537 : i32 to index
    %swap3A_539 = arith.constant 128 : index
    %swap3A_540 = tpu.vector_load %arg13[%swap3A_538, %swap3A_539] {strides = array<i32>} : memref<16x144xf32, #tpu.memory_space<vmem>>, vector<16xf32>,
    tpu.vector_store %arg13[%swap3A_538, %swap3A_539], %broadcast_in_dim3A_536 {strides = array<i32>} : memref<16x144xf32, #tpu.memory_space<vmem>>, vector<16xf32>,
    %broadcast_in_dim3A_541 = arith.constant 0.000000e+00 : f32
    %broadcast_in_dim3A_542 = vector.broadcast %broadcast_in_dim3A_541 : f32 to vector<16xf32>
    %swap3A_543 = arith.constant 10 : i32
    %swap3A_544 = arith.index_cast %swap3A_543 : i32 to index
    %swap3A_545 = arith.constant 0 : index
    %swap3A_546 = tpu.vector_load %arg13[%swap3A_544, %swap3A_545] {strides = array<i32>} : memref<16x144xf32, #tpu.memory_space<vmem>>, vector<16xf32>,
    tpu.vector_store %arg13[%swap3A_544, %swap3A_545], %broadcast_in_dim3A_542 {strides = array<i32>} : memref<16x144xf32, #tpu.memory_space<vmem>>, vector<16xf32>,
    %broadcast_in_dim3A_547 = arith.constant 0.000000e+00 : f32
    %broadcast_in_dim3A_548 = vector.broadcast %broadcast_in_dim3A_547 : f32 to vector<16xf32>
    %swap3A_549 = arith.constant 10 : i32
    %swap3A_550 = arith.index_cast %swap3A_549 : i32 to index
    %swap3A_551 = arith.constant 16 : index
    %swap3A_552 = tpu.vector_load %arg13[%swap3A_550, %swap3A_551] {strides = array<i32>} : memref<16x144xf32, #tpu.memory_space<vmem>>, vector<16xf32>,
    tpu.vector_store %arg13[%swap3A_550, %swap3A_551], %broadcast_in_dim3A_548 {strides = array<i32>} : memref<16x144xf32, #tpu.memory_space<vmem>>, vector<16xf32>,
    %broadcast_in_dim3A_553 = arith.constant 0.000000e+00 : f32
    %broadcast_in_dim3A_554 = vector.broadcast %broadcast_in_dim3A_553 : f32 to vector<16xf32>
    %swap3A_555 = arith.constant 10 : i32
    %swap3A_556 = arith.index_cast %swap3A_555 : i32 to index
    %swap3A_557 = arith.constant 32 : index
    %swap3A_558 = tpu.vector_load %arg13[%swap3A_556, %swap3A_557] {strides = array<i32>} : memref<16x144xf32, #tpu.memory_space<vmem>>, vector<16xf32>,
    tpu.vector_store %arg13[%swap3A_556, %swap3A_557], %broadcast_in_dim3A_554 {strides = array<i32>} : memref<16x144xf32, #tpu.memory_space<vmem>>, vector<16xf32>,
    %broadcast_in_dim3A_559 = arith.constant 0.000000e+00 : f32
    %broadcast_in_dim3A_560 = vector.broadcast %broadcast_in_dim3A_559 : f32 to vector<16xf32>
    %swap3A_561 = arith.constant 10 : i32
    %swap3A_562 = arith.index_cast %swap3A_561 : i32 to index
    %swap3A_563 = arith.constant 48 : index
    %swap3A_564 = tpu.vector_load %arg13[%swap3A_562, %swap3A_563] {strides = array<i32>} : memref<16x144xf32, #tpu.memory_space<vmem>>, vector<16xf32>,
    tpu.vector_store %arg13[%swap3A_562, %swap3A_563], %broadcast_in_dim3A_560 {strides = array<i32>} : memref<16x144xf32, #tpu.memory_space<vmem>>, vector<16xf32>,
    %broadcast_in_dim3A_565 = arith.constant 0.000000e+00 : f32
    %broadcast_in_dim3A_566 = vector.broadcast %broadcast_in_dim3A_565 : f32 to vector<16xf32>
    %swap3A_567 = arith.constant 10 : i32
    %swap3A_568 = arith.index_cast %swap3A_567 : i32 to index
    %swap3A_569 = arith.constant 64 : index
    %swap3A_570 = tpu.vector_load %arg13[%swap3A_568, %swap3A_569] {strides = array<i32>} : memref<16x144xf32, #tpu.memory_space<vmem>>, vector<16xf32>,
    tpu.vector_store %arg13[%swap3A_568, %swap3A_569], %broadcast_in_dim3A_566 {strides = array<i32>} : memref<16x144xf32, #tpu.memory_space<vmem>>, vector<16xf32>,
    %broadcast_in_dim3A_571 = arith.constant 0.000000e+00 : f32
    %broadcast_in_dim3A_572 = vector.broadcast %broadcast_in_dim3A_571 : f32 to vector<16xf32>
    %swap3A_573 = arith.constant 10 : i32
    %swap3A_574 = arith.index_cast %swap3A_573 : i32 to index
    %swap3A_575 = arith.constant 80 : index
    %swap3A_576 = tpu.vector_load %arg13[%swap3A_574, %swap3A_575] {strides = array<i32>} : memref<16x144xf32, #tpu.memory_space<vmem>>, vector<16xf32>,
    tpu.vector_store %arg13[%swap3A_574, %swap3A_575], %broadcast_in_dim3A_572 {strides = array<i32>} : memref<16x144xf32, #tpu.memory_space<vmem>>, vector<16xf32>,
    %broadcast_in_dim3A_577 = arith.constant 0.000000e+00 : f32
    %broadcast_in_dim3A_578 = vector.broadcast %broadcast_in_dim3A_577 : f32 to vector<16xf32>
    %swap3A_579 = arith.constant 10 : i32
    %swap3A_580 = arith.index_cast %swap3A_579 : i32 to index
    %swap3A_581 = arith.constant 96 : index
    %swap3A_582 = tpu.vector_load %arg13[%swap3A_580, %swap3A_581] {strides = array<i32>} : memref<16x144xf32, #tpu.memory_space<vmem>>, vector<16xf32>,
    tpu.vector_store %arg13[%swap3A_580, %swap3A_581], %broadcast_in_dim3A_578 {strides = array<i32>} : memref<16x144xf32, #tpu.memory_space<vmem>>, vector<16xf32>,
    %broadcast_in_dim3A_583 = arith.constant 0.000000e+00 : f32
    %broadcast_in_dim3A_584 = vector.broadcast %broadcast_in_dim3A_583 : f32 to vector<16xf32>
    %swap3A_585 = arith.constant 10 : i32
    %swap3A_586 = arith.index_cast %swap3A_585 : i32 to index
    %swap3A_587 = arith.constant 112 : index
    %swap3A_588 = tpu.vector_load %arg13[%swap3A_586, %swap3A_587] {strides = array<i32>} : memref<16x144xf32, #tpu.memory_space<vmem>>, vector<16xf32>,
    tpu.vector_store %arg13[%swap3A_586, %swap3A_587], %broadcast_in_dim3A_584 {strides = array<i32>} : memref<16x144xf32, #tpu.memory_space<vmem>>, vector<16xf32>,
    %broadcast_in_dim3A_589 = arith.constant 0.000000e+00 : f32
    %broadcast_in_dim3A_590 = vector.broadcast %broadcast_in_dim3A_589 : f32 to vector<16xf32>
    %swap3A_591 = arith.constant 10 : i32
    %swap3A_592 = arith.index_cast %swap3A_591 : i32 to index
    %swap3A_593 = arith.constant 128 : index
    %swap3A_594 = tpu.vector_load %arg13[%swap3A_592, %swap3A_593] {strides = array<i32>} : memref<16x144xf32, #tpu.memory_space<vmem>>, vector<16xf32>,
    tpu.vector_store %arg13[%swap3A_592, %swap3A_593], %broadcast_in_dim3A_590 {strides = array<i32>} : memref<16x144xf32, #tpu.memory_space<vmem>>, vector<16xf32>,
    %broadcast_in_dim3A_595 = arith.constant 0.000000e+00 : f32
    %broadcast_in_dim3A_596 = vector.broadcast %broadcast_in_dim3A_595 : f32 to vector<16xf32>
    %swap3A_597 = arith.constant 11 : i32
    %swap3A_598 = arith.index_cast %swap3A_597 : i32 to index
    %swap3A_599 = arith.constant 0 : index
    %swap3A_600 = tpu.vector_load %arg13[%swap3A_598, %swap3A_599] {strides = array<i32>} : memref<16x144xf32, #tpu.memory_space<vmem>>, vector<16xf32>,
    tpu.vector_store %arg13[%swap3A_598, %swap3A_599], %broadcast_in_dim3A_596 {strides = array<i32>} : memref<16x144xf32, #tpu.memory_space<vmem>>, vector<16xf32>,
    %broadcast_in_dim3A_601 = arith.constant 0.000000e+00 : f32
    %broadcast_in_dim3A_602 = vector.broadcast %broadcast_in_dim3A_601 : f32 to vector<16xf32>
    %swap3A_603 = arith.constant 11 : i32
    %swap3A_604 = arith.index_cast %swap3A_603 : i32 to index
    %swap3A_605 = arith.constant 16 : index
    %swap3A_606 = tpu.vector_load %arg13[%swap3A_604, %swap3A_605] {strides = array<i32>} : memref<16x144xf32, #tpu.memory_space<vmem>>, vector<16xf32>,
    tpu.vector_store %arg13[%swap3A_604, %swap3A_605], %broadcast_in_dim3A_602 {strides = array<i32>} : memref<16x144xf32, #tpu.memory_space<vmem>>, vector<16xf32>,
    %broadcast_in_dim3A_607 = arith.constant 0.000000e+00 : f32
    %broadcast_in_dim3A_608 = vector.broadcast %broadcast_in_dim3A_607 : f32 to vector<16xf32>
    %swap3A_609 = arith.constant 11 : i32
    %swap3A_610 = arith.index_cast %swap3A_609 : i32 to index
    %swap3A_611 = arith.constant 32 : index
    %swap3A_612 = tpu.vector_load %arg13[%swap3A_610, %swap3A_611] {strides = array<i32>} : memref<16x144xf32, #tpu.memory_space<vmem>>, vector<16xf32>,
    tpu.vector_store %arg13[%swap3A_610, %swap3A_611], %broadcast_in_dim3A_608 {strides = array<i32>} : memref<16x144xf32, #tpu.memory_space<vmem>>, vector<16xf32>,
    %broadcast_in_dim3A_613 = arith.constant 0.000000e+00 : f32
    %broadcast_in_dim3A_614 = vector.broadcast %broadcast_in_dim3A_613 : f32 to vector<16xf32>
    %swap3A_615 = arith.constant 11 : i32
    %swap3A_616 = arith.index_cast %swap3A_615 : i32 to index
    %swap3A_617 = arith.constant 48 : index
    %swap3A_618 = tpu.vector_load %arg13[%swap3A_616, %swap3A_617] {strides = array<i32>} : memref<16x144xf32, #tpu.memory_space<vmem>>, vector<16xf32>,
    tpu.vector_store %arg13[%swap3A_616, %swap3A_617], %broadcast_in_dim3A_614 {strides = array<i32>} : memref<16x144xf32, #tpu.memory_space<vmem>>, vector<16xf32>,
    %broadcast_in_dim3A_619 = arith.constant 0.000000e+00 : f32
    %broadcast_in_dim3A_620 = vector.broadcast %broadcast_in_dim3A_619 : f32 to vector<16xf32>
    %swap3A_621 = arith.constant 11 : i32
    %swap3A_622 = arith.index_cast %swap3A_621 : i32 to index
    %swap3A_623 = arith.constant 64 : index
    %swap3A_624 = tpu.vector_load %arg13[%swap3A_622, %swap3A_623] {strides = array<i32>} : memref<16x144xf32, #tpu.memory_space<vmem>>, vector<16xf32>,
    tpu.vector_store %arg13[%swap3A_622, %swap3A_623], %broadcast_in_dim3A_620 {strides = array<i32>} : memref<16x144xf32, #tpu.memory_space<vmem>>, vector<16xf32>,
    %broadcast_in_dim3A_625 = arith.constant 0.000000e+00 : f32
    %broadcast_in_dim3A_626 = vector.broadcast %broadcast_in_dim3A_625 : f32 to vector<16xf32>
    %swap3A_627 = arith.constant 11 : i32
    %swap3A_628 = arith.index_cast %swap3A_627 : i32 to index
    %swap3A_629 = arith.constant 80 : index
    %swap3A_630 = tpu.vector_load %arg13[%swap3A_628, %swap3A_629] {strides = array<i32>} : memref<16x144xf32, #tpu.memory_space<vmem>>, vector<16xf32>,
    tpu.vector_store %arg13[%swap3A_628, %swap3A_629], %broadcast_in_dim3A_626 {strides = array<i32>} : memref<16x144xf32, #tpu.memory_space<vmem>>, vector<16xf32>,
    %broadcast_in_dim3A_631 = arith.constant 0.000000e+00 : f32
    %broadcast_in_dim3A_632 = vector.broadcast %broadcast_in_dim3A_631 : f32 to vector<16xf32>
    %swap3A_633 = arith.constant 11 : i32
    %swap3A_634 = arith.index_cast %swap3A_633 : i32 to index
    %swap3A_635 = arith.constant 96 : index
    %swap3A_636 = tpu.vector_load %arg13[%swap3A_634, %swap3A_635] {strides = array<i32>} : memref<16x144xf32, #tpu.memory_space<vmem>>, vector<16xf32>,
    tpu.vector_store %arg13[%swap3A_634, %swap3A_635], %broadcast_in_dim3A_632 {strides = array<i32>} : memref<16x144xf32, #tpu.memory_space<vmem>>, vector<16xf32>,
    %broadcast_in_dim3A_637 = arith.constant 0.000000e+00 : f32
    %broadcast_in_dim3A_638 = vector.broadcast %broadcast_in_dim3A_637 : f32 to vector<16xf32>
    %swap3A_639 = arith.constant 11 : i32
    %swap3A_640 = arith.index_cast %swap3A_639 : i32 to index
    %swap3A_641 = arith.constant 112 : index
    %swap3A_642 = tpu.vector_load %arg13[%swap3A_640, %swap3A_641] {strides = array<i32>} : memref<16x144xf32, #tpu.memory_space<vmem>>, vector<16xf32>,
    tpu.vector_store %arg13[%swap3A_640, %swap3A_641], %broadcast_in_dim3A_638 {strides = array<i32>} : memref<16x144xf32, #tpu.memory_space<vmem>>, vector<16xf32>,
    %broadcast_in_dim3A_643 = arith.constant 0.000000e+00 : f32
    %broadcast_in_dim3A_644 = vector.broadcast %broadcast_in_dim3A_643 : f32 to vector<16xf32>
    %swap3A_645 = arith.constant 11 : i32
    %swap3A_646 = arith.index_cast %swap3A_645 : i32 to index
    %swap3A_647 = arith.constant 128 : index
    %swap3A_648 = tpu.vector_load %arg13[%swap3A_646, %swap3A_647] {strides = array<i32>} : memref<16x144xf32, #tpu.memory_space<vmem>>, vector<16xf32>,
    tpu.vector_store %arg13[%swap3A_646, %swap3A_647], %broadcast_in_dim3A_644 {strides = array<i32>} : memref<16x144xf32, #tpu.memory_space<vmem>>, vector<16xf32>,
    %broadcast_in_dim3A_649 = arith.constant 0.000000e+00 : f32
    %broadcast_in_dim3A_650 = vector.broadcast %broadcast_in_dim3A_649 : f32 to vector<16xf32>
    %swap3A_651 = arith.constant 12 : i32
    %swap3A_652 = arith.index_cast %swap3A_651 : i32 to index
    %swap3A_653 = arith.constant 0 : index
    %swap3A_654 = tpu.vector_load %arg13[%swap3A_652, %swap3A_653] {strides = array<i32>} : memref<16x144xf32, #tpu.memory_space<vmem>>, vector<16xf32>,
    tpu.vector_store %arg13[%swap3A_652, %swap3A_653], %broadcast_in_dim3A_650 {strides = array<i32>} : memref<16x144xf32, #tpu.memory_space<vmem>>, vector<16xf32>,
    %broadcast_in_dim3A_655 = arith.constant 0.000000e+00 : f32
    %broadcast_in_dim3A_656 = vector.broadcast %broadcast_in_dim3A_655 : f32 to vector<16xf32>
    %swap3A_657 = arith.constant 12 : i32
    %swap3A_658 = arith.index_cast %swap3A_657 : i32 to index
    %swap3A_659 = arith.constant 16 : index
    %swap3A_660 = tpu.vector_load %arg13[%swap3A_658, %swap3A_659] {strides = array<i32>} : memref<16x144xf32, #tpu.memory_space<vmem>>, vector<16xf32>,
    tpu.vector_store %arg13[%swap3A_658, %swap3A_659], %broadcast_in_dim3A_656 {strides = array<i32>} : memref<16x144xf32, #tpu.memory_space<vmem>>, vector<16xf32>,
    %broadcast_in_dim3A_661 = arith.constant 0.000000e+00 : f32
    %broadcast_in_dim3A_662 = vector.broadcast %broadcast_in_dim3A_661 : f32 to vector<16xf32>
    %swap3A_663 = arith.constant 12 : i32
    %swap3A_664 = arith.index_cast %swap3A_663 : i32 to index
    %swap3A_665 = arith.constant 32 : index
    %swap3A_666 = tpu.vector_load %arg13[%swap3A_664, %swap3A_665] {strides = array<i32>} : memref<16x144xf32, #tpu.memory_space<vmem>>, vector<16xf32>,
    tpu.vector_store %arg13[%swap3A_664, %swap3A_665], %broadcast_in_dim3A_662 {strides = array<i32>} : memref<16x144xf32, #tpu.memory_space<vmem>>, vector<16xf32>,
    %broadcast_in_dim3A_667 = arith.constant 0.000000e+00 : f32
    %broadcast_in_dim3A_668 = vector.broadcast %broadcast_in_dim3A_667 : f32 to vector<16xf32>
    %swap3A_669 = arith.constant 12 : i32
    %swap3A_670 = arith.index_cast %swap3A_669 : i32 to index
    %swap3A_671 = arith.constant 48 : index
    %swap3A_672 = tpu.vector_load %arg13[%swap3A_670, %swap3A_671] {strides = array<i32>} : memref<16x144xf32, #tpu.memory_space<vmem>>, vector<16xf32>,
    tpu.vector_store %arg13[%swap3A_670, %swap3A_671], %broadcast_in_dim3A_668 {strides = array<i32>} : memref<16x144xf32, #tpu.memory_space<vmem>>, vector<16xf32>,
    %broadcast_in_dim3A_673 = arith.constant 0.000000e+00 : f32
    %broadcast_in_dim3A_674 = vector.broadcast %broadcast_in_dim3A_673 : f32 to vector<16xf32>
    %swap3A_675 = arith.constant 12 : i32
    %swap3A_676 = arith.index_cast %swap3A_675 : i32 to index
    %swap3A_677 = arith.constant 64 : index
    %swap3A_678 = tpu.vector_load %arg13[%swap3A_676, %swap3A_677] {strides = array<i32>} : memref<16x144xf32, #tpu.memory_space<vmem>>, vector<16xf32>,
    tpu.vector_store %arg13[%swap3A_676, %swap3A_677], %broadcast_in_dim3A_674 {strides = array<i32>} : memref<16x144xf32, #tpu.memory_space<vmem>>, vector<16xf32>,
    %broadcast_in_dim3A_679 = arith.constant 0.000000e+00 : f32
    %broadcast_in_dim3A_680 = vector.broadcast %broadcast_in_dim3A_679 : f32 to vector<16xf32>
    %swap3A_681 = arith.constant 12 : i32
    %swap3A_682 = arith.index_cast %swap3A_681 : i32 to index
    %swap3A_683 = arith.constant 80 : index
    %swap3A_684 = tpu.vector_load %arg13[%swap3A_682, %swap3A_683] {strides = array<i32>} : memref<16x144xf32, #tpu.memory_space<vmem>>, vector<16xf32>,
    tpu.vector_store %arg13[%swap3A_682, %swap3A_683], %broadcast_in_dim3A_680 {strides = array<i32>} : memref<16x144xf32, #tpu.memory_space<vmem>>, vector<16xf32>,
    %broadcast_in_dim3A_685 = arith.constant 0.000000e+00 : f32
    %broadcast_in_dim3A_686 = vector.broadcast %broadcast_in_dim3A_685 : f32 to vector<16xf32>
    %swap3A_687 = arith.constant 12 : i32
    %swap3A_688 = arith.index_cast %swap3A_687 : i32 to index
    %swap3A_689 = arith.constant 96 : index
    %swap3A_690 = tpu.vector_load %arg13[%swap3A_688, %swap3A_689] {strides = array<i32>} : memref<16x144xf32, #tpu.memory_space<vmem>>, vector<16xf32>,
    tpu.vector_store %arg13[%swap3A_688, %swap3A_689], %broadcast_in_dim3A_686 {strides = array<i32>} : memref<16x144xf32, #tpu.memory_space<vmem>>, vector<16xf32>,
    %broadcast_in_dim3A_691 = arith.constant 0.000000e+00 : f32
    %broadcast_in_dim3A_692 = vector.broadcast %broadcast_in_dim3A_691 : f32 to vector<16xf32>
    %swap3A_693 = arith.constant 12 : i32
    %swap3A_694 = arith.index_cast %swap3A_693 : i32 to index
    %swap3A_695 = arith.constant 112 : index
    %swap3A_696 = tpu.vector_load %arg13[%swap3A_694, %swap3A_695] {strides = array<i32>} : memref<16x144xf32, #tpu.memory_space<vmem>>, vector<16xf32>,
    tpu.vector_store %arg13[%swap3A_694, %swap3A_695], %broadcast_in_dim3A_692 {strides = array<i32>} : memref<16x144xf32, #tpu.memory_space<vmem>>, vector<16xf32>,
    %broadcast_in_dim3A_697 = arith.constant 0.000000e+00 : f32
    %broadcast_in_dim3A_698 = vector.broadcast %broadcast_in_dim3A_697 : f32 to vector<16xf32>
    %swap3A_699 = arith.constant 12 : i32
    %swap3A_700 = arith.index_cast %swap3A_699 : i32 to index
    %swap3A_701 = arith.constant 128 : index
    %swap3A_702 = tpu.vector_load %arg13[%swap3A_700, %swap3A_701] {strides = array<i32>} : memref<16x144xf32, #tpu.memory_space<vmem>>, vector<16xf32>,
    tpu.vector_store %arg13[%swap3A_700, %swap3A_701], %broadcast_in_dim3A_698 {strides = array<i32>} : memref<16x144xf32, #tpu.memory_space<vmem>>, vector<16xf32>,
    %broadcast_in_dim3A_703 = arith.constant 0.000000e+00 : f32
    %broadcast_in_dim3A_704 = vector.broadcast %broadcast_in_dim3A_703 : f32 to vector<16xf32>
    %swap3A_705 = arith.constant 13 : i32
    %swap3A_706 = arith.index_cast %swap3A_705 : i32 to index
    %swap3A_707 = arith.constant 0 : index
    %swap3A_708 = tpu.vector_load %arg13[%swap3A_706, %swap3A_707] {strides = array<i32>} : memref<16x144xf32, #tpu.memory_space<vmem>>, vector<16xf32>,
    tpu.vector_store %arg13[%swap3A_706, %swap3A_707], %broadcast_in_dim3A_704 {strides = array<i32>} : memref<16x144xf32, #tpu.memory_space<vmem>>, vector<16xf32>,
    %broadcast_in_dim3A_709 = arith.constant 0.000000e+00 : f32
    %broadcast_in_dim3A_710 = vector.broadcast %broadcast_in_dim3A_709 : f32 to vector<16xf32>
    %swap3A_711 = arith.constant 13 : i32
    %swap3A_712 = arith.index_cast %swap3A_711 : i32 to index
    %swap3A_713 = arith.constant 16 : index
    %swap3A_714 = tpu.vector_load %arg13[%swap3A_712, %swap3A_713] {strides = array<i32>} : memref<16x144xf32, #tpu.memory_space<vmem>>, vector<16xf32>,
    tpu.vector_store %arg13[%swap3A_712, %swap3A_713], %broadcast_in_dim3A_710 {strides = array<i32>} : memref<16x144xf32, #tpu.memory_space<vmem>>, vector<16xf32>,
    %broadcast_in_dim3A_715 = arith.constant 0.000000e+00 : f32
    %broadcast_in_dim3A_716 = vector.broadcast %broadcast_in_dim3A_715 : f32 to vector<16xf32>
    %swap3A_717 = arith.constant 13 : i32
    %swap3A_718 = arith.index_cast %swap3A_717 : i32 to index
    %swap3A_719 = arith.constant 32 : index
    %swap3A_720 = tpu.vector_load %arg13[%swap3A_718, %swap3A_719] {strides = array<i32>} : memref<16x144xf32, #tpu.memory_space<vmem>>, vector<16xf32>,
    tpu.vector_store %arg13[%swap3A_718, %swap3A_719], %broadcast_in_dim3A_716 {strides = array<i32>} : memref<16x144xf32, #tpu.memory_space<vmem>>, vector<16xf32>,
    %broadcast_in_dim3A_721 = arith.constant 0.000000e+00 : f32
    %broadcast_in_dim3A_722 = vector.broadcast %broadcast_in_dim3A_721 : f32 to vector<16xf32>
    %swap3A_723 = arith.constant 13 : i32
    %swap3A_724 = arith.index_cast %swap3A_723 : i32 to index
    %swap3A_725 = arith.constant 48 : index
    %swap3A_726 = tpu.vector_load %arg13[%swap3A_724, %swap3A_725] {strides = array<i32>} : memref<16x144xf32, #tpu.memory_space<vmem>>, vector<16xf32>,
    tpu.vector_store %arg13[%swap3A_724, %swap3A_725], %broadcast_in_dim3A_722 {strides = array<i32>} : memref<16x144xf32, #tpu.memory_space<vmem>>, vector<16xf32>,
    %broadcast_in_dim3A_727 = arith.constant 0.000000e+00 : f32
    %broadcast_in_dim3A_728 = vector.broadcast %broadcast_in_dim3A_727 : f32 to vector<16xf32>
    %swap3A_729 = arith.constant 13 : i32
    %swap3A_730 = arith.index_cast %swap3A_729 : i32 to index
    %swap3A_731 = arith.constant 64 : index
    %swap3A_732 = tpu.vector_load %arg13[%swap3A_730, %swap3A_731] {strides = array<i32>} : memref<16x144xf32, #tpu.memory_space<vmem>>, vector<16xf32>,
    tpu.vector_store %arg13[%swap3A_730, %swap3A_731], %broadcast_in_dim3A_728 {strides = array<i32>} : memref<16x144xf32, #tpu.memory_space<vmem>>, vector<16xf32>,
    %broadcast_in_dim3A_733 = arith.constant 0.000000e+00 : f32
    %broadcast_in_dim3A_734 = vector.broadcast %broadcast_in_dim3A_733 : f32 to vector<16xf32>
    %swap3A_735 = arith.constant 13 : i32
    %swap3A_736 = arith.index_cast %swap3A_735 : i32 to index
    %swap3A_737 = arith.constant 80 : index
    %swap3A_738 = tpu.vector_load %arg13[%swap3A_736, %swap3A_737] {strides = array<i32>} : memref<16x144xf32, #tpu.memory_space<vmem>>, vector<16xf32>,
    tpu.vector_store %arg13[%swap3A_736, %swap3A_737], %broadcast_in_dim3A_734 {strides = array<i32>} : memref<16x144xf32, #tpu.memory_space<vmem>>, vector<16xf32>,
    %broadcast_in_dim3A_739 = arith.constant 0.000000e+00 : f32
    %broadcast_in_dim3A_740 = vector.broadcast %broadcast_in_dim3A_739 : f32 to vector<16xf32>
    %swap3A_741 = arith.constant 13 : i32
    %swap3A_742 = arith.index_cast %swap3A_741 : i32 to index
    %swap3A_743 = arith.constant 96 : index
    %swap3A_744 = tpu.vector_load %arg13[%swap3A_742, %swap3A_743] {strides = array<i32>} : memref<16x144xf32, #tpu.memory_space<vmem>>, vector<16xf32>,
    tpu.vector_store %arg13[%swap3A_742, %swap3A_743], %broadcast_in_dim3A_740 {strides = array<i32>} : memref<16x144xf32, #tpu.memory_space<vmem>>, vector<16xf32>,
    %broadcast_in_dim3A_745 = arith.constant 0.000000e+00 : f32
    %broadcast_in_dim3A_746 = vector.broadcast %broadcast_in_dim3A_745 : f32 to vector<16xf32>
    %swap3A_747 = arith.constant 13 : i32
    %swap3A_748 = arith.index_cast %swap3A_747 : i32 to index
    %swap3A_749 = arith.constant 112 : index
    %swap3A_750 = tpu.vector_load %arg13[%swap3A_748, %swap3A_749] {strides = array<i32>} : memref<16x144xf32, #tpu.memory_space<vmem>>, vector<16xf32>,
    tpu.vector_store %arg13[%swap3A_748, %swap3A_749], %broadcast_in_dim3A_746 {strides = array<i32>} : memref<16x144xf32, #tpu.memory_space<vmem>>, vector<16xf32>,
    %broadcast_in_dim3A_751 = arith.constant 0.000000e+00 : f32
    %broadcast_in_dim3A_752 = vector.broadcast %broadcast_in_dim3A_751 : f32 to vector<16xf32>
    %swap3A_753 = arith.constant 13 : i32
    %swap3A_754 = arith.index_cast %swap3A_753 : i32 to index
    %swap3A_755 = arith.constant 128 : index
    %swap3A_756 = tpu.vector_load %arg13[%swap3A_754, %swap3A_755] {strides = array<i32>} : memref<16x144xf32, #tpu.memory_space<vmem>>, vector<16xf32>,
    tpu.vector_store %arg13[%swap3A_754, %swap3A_755], %broadcast_in_dim3A_752 {strides = array<i32>} : memref<16x144xf32, #tpu.memory_space<vmem>>, vector<16xf32>,
    %broadcast_in_dim3A_757 = arith.constant 0.000000e+00 : f32
    %broadcast_in_dim3A_758 = vector.broadcast %broadcast_in_dim3A_757 : f32 to vector<16xf32>
    %swap3A_759 = arith.constant 14 : i32
    %swap3A_760 = arith.index_cast %swap3A_759 : i32 to index
    %swap3A_761 = arith.constant 0 : index
    %swap3A_762 = tpu.vector_load %arg13[%swap3A_760, %swap3A_761] {strides = array<i32>} : memref<16x144xf32, #tpu.memory_space<vmem>>, vector<16xf32>,
    tpu.vector_store %arg13[%swap3A_760, %swap3A_761], %broadcast_in_dim3A_758 {strides = array<i32>} : memref<16x144xf32, #tpu.memory_space<vmem>>, vector<16xf32>,
    %broadcast_in_dim3A_763 = arith.constant 0.000000e+00 : f32
    %broadcast_in_dim3A_764 = vector.broadcast %broadcast_in_dim3A_763 : f32 to vector<16xf32>
    %swap3A_765 = arith.constant 14 : i32
    %swap3A_766 = arith.index_cast %swap3A_765 : i32 to index
    %swap3A_767 = arith.constant 16 : index
    %swap3A_768 = tpu.vector_load %arg13[%swap3A_766, %swap3A_767] {strides = array<i32>} : memref<16x144xf32, #tpu.memory_space<vmem>>, vector<16xf32>,
    tpu.vector_store %arg13[%swap3A_766, %swap3A_767], %broadcast_in_dim3A_764 {strides = array<i32>} : memref<16x144xf32, #tpu.memory_space<vmem>>, vector<16xf32>,
    %broadcast_in_dim3A_769 = arith.constant 0.000000e+00 : f32
    %broadcast_in_dim3A_770 = vector.broadcast %broadcast_in_dim3A_769 : f32 to vector<16xf32>
    %swap3A_771 = arith.constant 14 : i32
    %swap3A_772 = arith.index_cast %swap3A_771 : i32 to index
    %swap3A_773 = arith.constant 32 : index
    %swap3A_774 = tpu.vector_load %arg13[%swap3A_772, %swap3A_773] {strides = array<i32>} : memref<16x144xf32, #tpu.memory_space<vmem>>, vector<16xf32>,
    tpu.vector_store %arg13[%swap3A_772, %swap3A_773], %broadcast_in_dim3A_770 {strides = array<i32>} : memref<16x144xf32, #tpu.memory_space<vmem>>, vector<16xf32>,
    %broadcast_in_dim3A_775 = arith.constant 0.000000e+00 : f32
    %broadcast_in_dim3A_776 = vector.broadcast %broadcast_in_dim3A_775 : f32 to vector<16xf32>
    %swap3A_777 = arith.constant 14 : i32
    %swap3A_778 = arith.index_cast %swap3A_777 : i32 to index
    %swap3A_779 = arith.constant 48 : index
    %swap3A_780 = tpu.vector_load %arg13[%swap3A_778, %swap3A_779] {strides = array<i32>} : memref<16x144xf32, #tpu.memory_space<vmem>>, vector<16xf32>,
    tpu.vector_store %arg13[%swap3A_778, %swap3A_779], %broadcast_in_dim3A_776 {strides = array<i32>} : memref<16x144xf32, #tpu.memory_space<vmem>>, vector<16xf32>,
    %broadcast_in_dim3A_781 = arith.constant 0.000000e+00 : f32
    %broadcast_in_dim3A_782 = vector.broadcast %broadcast_in_dim3A_781 : f32 to vector<16xf32>
    %swap3A_783 = arith.constant 14 : i32
    %swap3A_784 = arith.index_cast %swap3A_783 : i32 to index
    %swap3A_785 = arith.constant 64 : index
    %swap3A_786 = tpu.vector_load %arg13[%swap3A_784, %swap3A_785] {strides = array<i32>} : memref<16x144xf32, #tpu.memory_space<vmem>>, vector<16xf32>,
    tpu.vector_store %arg13[%swap3A_784, %swap3A_785], %broadcast_in_dim3A_782 {strides = array<i32>} : memref<16x144xf32, #tpu.memory_space<vmem>>, vector<16xf32>,
    %broadcast_in_dim3A_787 = arith.constant 0.000000e+00 : f32
    %broadcast_in_dim3A_788 = vector.broadcast %broadcast_in_dim3A_787 : f32 to vector<16xf32>
    %swap3A_789 = arith.constant 14 : i32
    %swap3A_790 = arith.index_cast %swap3A_789 : i32 to index
    %swap3A_791 = arith.constant 80 : index
    %swap3A_792 = tpu.vector_load %arg13[%swap3A_790, %swap3A_791] {strides = array<i32>} : memref<16x144xf32, #tpu.memory_space<vmem>>, vector<16xf32>,
    tpu.vector_store %arg13[%swap3A_790, %swap3A_791], %broadcast_in_dim3A_788 {strides = array<i32>} : memref<16x144xf32, #tpu.memory_space<vmem>>, vector<16xf32>,
    %broadcast_in_dim3A_793 = arith.constant 0.000000e+00 : f32
    %broadcast_in_dim3A_794 = vector.broadcast %broadcast_in_dim3A_793 : f32 to vector<16xf32>
    %swap3A_795 = arith.constant 14 : i32
    %swap3A_796 = arith.index_cast %swap3A_795 : i32 to index
    %swap3A_797 = arith.constant 96 : index
    %swap3A_798 = tpu.vector_load %arg13[%swap3A_796, %swap3A_797] {strides = array<i32>} : memref<16x144xf32, #tpu.memory_space<vmem>>, vector<16xf32>,
    tpu.vector_store %arg13[%swap3A_796, %swap3A_797], %broadcast_in_dim3A_794 {strides = array<i32>} : memref<16x144xf32, #tpu.memory_space<vmem>>, vector<16xf32>,
    %broadcast_in_dim3A_799 = arith.constant 0.000000e+00 : f32
    %broadcast_in_dim3A_800 = vector.broadcast %broadcast_in_dim3A_799 : f32 to vector<16xf32>
    %swap3A_801 = arith.constant 14 : i32
    %swap3A_802 = arith.index_cast %swap3A_801 : i32 to index
    %swap3A_803 = arith.constant 112 : index
    %swap3A_804 = tpu.vector_load %arg13[%swap3A_802, %swap3A_803] {strides = array<i32>} : memref<16x144xf32, #tpu.memory_space<vmem>>, vector<16xf32>,
    tpu.vector_store %arg13[%swap3A_802, %swap3A_803], %broadcast_in_dim3A_800 {strides = array<i32>} : memref<16x144xf32, #tpu.memory_space<vmem>>, vector<16xf32>,
    %broadcast_in_dim3A_805 = arith.constant 0.000000e+00 : f32
    %broadcast_in_dim3A_806 = vector.broadcast %broadcast_in_dim3A_805 : f32 to vector<16xf32>
    %swap3A_807 = arith.constant 14 : i32
    %swap3A_808 = arith.index_cast %swap3A_807 : i32 to index
    %swap3A_809 = arith.constant 128 : index
    %swap3A_810 = tpu.vector_load %arg13[%swap3A_808, %swap3A_809] {strides = array<i32>} : memref<16x144xf32, #tpu.memory_space<vmem>>, vector<16xf32>,
    tpu.vector_store %arg13[%swap3A_808, %swap3A_809], %broadcast_in_dim3A_806 {strides = array<i32>} : memref<16x144xf32, #tpu.memory_space<vmem>>, vector<16xf32>,
    %broadcast_in_dim3A_811 = arith.constant 0.000000e+00 : f32
    %broadcast_in_dim3A_812 = vector.broadcast %broadcast_in_dim3A_811 : f32 to vector<16xf32>
    %swap3A_813 = arith.constant 15 : i32
    %swap3A_814 = arith.index_cast %swap3A_813 : i32 to index
    %swap3A_815 = arith.constant 0 : index
    %swap3A_816 = tpu.vector_load %arg13[%swap3A_814, %swap3A_815] {strides = array<i32>} : memref<16x144xf32, #tpu.memory_space<vmem>>, vector<16xf32>,
    tpu.vector_store %arg13[%swap3A_814, %swap3A_815], %broadcast_in_dim3A_812 {strides = array<i32>} : memref<16x144xf32, #tpu.memory_space<vmem>>, vector<16xf32>,
    %broadcast_in_dim3A_817 = arith.constant 0.000000e+00 : f32
    %broadcast_in_dim3A_818 = vector.broadcast %broadcast_in_dim3A_817 : f32 to vector<16xf32>
    %swap3A_819 = arith.constant 15 : i32
    %swap3A_820 = arith.index_cast %swap3A_819 : i32 to index
    %swap3A_821 = arith.constant 16 : index
    %swap3A_822 = tpu.vector_load %arg13[%swap3A_820, %swap3A_821] {strides = array<i32>} : memref<16x144xf32, #tpu.memory_space<vmem>>, vector<16xf32>,
    tpu.vector_store %arg13[%swap3A_820, %swap3A_821], %broadcast_in_dim3A_818 {strides = array<i32>} : memref<16x144xf32, #tpu.memory_space<vmem>>, vector<16xf32>,
    %broadcast_in_dim3A_823 = arith.constant 0.000000e+00 : f32
    %broadcast_in_dim3A_824 = vector.broadcast %broadcast_in_dim3A_823 : f32 to vector<16xf32>
    %swap3A_825 = arith.constant 15 : i32
    %swap3A_826 = arith.index_cast %swap3A_825 : i32 to index
    %swap3A_827 = arith.constant 32 : index
    %swap3A_828 = tpu.vector_load %arg13[%swap3A_826, %swap3A_827] {strides = array<i32>} : memref<16x144xf32, #tpu.memory_space<vmem>>, vector<16xf32>,
    tpu.vector_store %arg13[%swap3A_826, %swap3A_827], %broadcast_in_dim3A_824 {strides = array<i32>} : memref<16x144xf32, #tpu.memory_space<vmem>>, vector<16xf32>,
    %broadcast_in_dim3A_829 = arith.constant 0.000000e+00 : f32
    %broadcast_in_dim3A_830 = vector.broadcast %broadcast_in_dim3A_829 : f32 to vector<16xf32>
    %swap3A_831 = arith.constant 15 : i32
    %swap3A_832 = arith.index_cast %swap3A_831 : i32 to index
    %swap3A_833 = arith.constant 48 : index
    %swap3A_834 = tpu.vector_load %arg13[%swap3A_832, %swap3A_833] {strides = array<i32>} : memref<16x144xf32, #tpu.memory_space<vmem>>, vector<16xf32>,
    tpu.vector_store %arg13[%swap3A_832, %swap3A_833], %broadcast_in_dim3A_830 {strides = array<i32>} : memref<16x144xf32, #tpu.memory_space<vmem>>, vector<16xf32>,
    %broadcast_in_dim3A_835 = arith.constant 0.000000e+00 : f32
    %broadcast_in_dim3A_836 = vector.broadcast %broadcast_in_dim3A_835 : f32 to vector<16xf32>
    %swap3A_837 = arith.constant 15 : i32
    %swap3A_838 = arith.index_cast %swap3A_837 : i32 to index
    %swap3A_839 = arith.constant 64 : index
    %swap3A_840 = tpu.vector_load %arg13[%swap3A_838, %swap3A_839] {strides = array<i32>} : memref<16x144xf32, #tpu.memory_space<vmem>>, vector<16xf32>,
    tpu.vector_store %arg13[%swap3A_838, %swap3A_839], %broadcast_in_dim3A_836 {strides = array<i32>} : memref<16x144xf32, #tpu.memory_space<vmem>>, vector<16xf32>,
    %broadcast_in_dim3A_841 = arith.constant 0.000000e+00 : f32
    %broadcast_in_dim3A_842 = vector.broadcast %broadcast_in_dim3A_841 : f32 to vector<16xf32>
    %swap3A_843 = arith.constant 15 : i32
    %swap3A_844 = arith.index_cast %swap3A_843 : i32 to index
    %swap3A_845 = arith.constant 80 : index
    %swap3A_846 = tpu.vector_load %arg13[%swap3A_844, %swap3A_845] {strides = array<i32>} : memref<16x144xf32, #tpu.memory_space<vmem>>, vector<16xf32>,
    tpu.vector_store %arg13[%swap3A_844, %swap3A_845], %broadcast_in_dim3A_842 {strides = array<i32>} : memref<16x144xf32, #tpu.memory_space<vmem>>, vector<16xf32>,
    %broadcast_in_dim3A_847 = arith.constant 0.000000e+00 : f32
    %broadcast_in_dim3A_848 = vector.broadcast %broadcast_in_dim3A_847 : f32 to vector<16xf32>
    %swap3A_849 = arith.constant 15 : i32
    %swap3A_850 = arith.index_cast %swap3A_849 : i32 to index
    %swap3A_851 = arith.constant 96 : index
    %swap3A_852 = tpu.vector_load %arg13[%swap3A_850, %swap3A_851] {strides = array<i32>} : memref<16x144xf32, #tpu.memory_space<vmem>>, vector<16xf32>,
    tpu.vector_store %arg13[%swap3A_850, %swap3A_851], %broadcast_in_dim3A_848 {strides = array<i32>} : memref<16x144xf32, #tpu.memory_space<vmem>>, vector<16xf32>,
    %broadcast_in_dim3A_853 = arith.constant 0.000000e+00 : f32
    %broadcast_in_dim3A_854 = vector.broadcast %broadcast_in_dim3A_853 : f32 to vector<16xf32>
    %swap3A_855 = arith.constant 15 : i32
    %swap3A_856 = arith.index_cast %swap3A_855 : i32 to index
    %swap3A_857 = arith.constant 112 : index
    %swap3A_858 = tpu.vector_load %arg13[%swap3A_856, %swap3A_857] {strides = array<i32>} : memref<16x144xf32, #tpu.memory_space<vmem>>, vector<16xf32>,
    tpu.vector_store %arg13[%swap3A_856, %swap3A_857], %broadcast_in_dim3A_854 {strides = array<i32>} : memref<16x144xf32, #tpu.memory_space<vmem>>, vector<16xf32>,
    %broadcast_in_dim3A_859 = arith.constant 0.000000e+00 : f32
    %broadcast_in_dim3A_860 = vector.broadcast %broadcast_in_dim3A_859 : f32 to vector<16xf32>
    %swap3A_861 = arith.constant 15 : i32
    %swap3A_862 = arith.index_cast %swap3A_861 : i32 to index
    %swap3A_863 = arith.constant 128 : index
    %swap3A_864 = tpu.vector_load %arg13[%swap3A_862, %swap3A_863] {strides = array<i32>} : memref<16x144xf32, #tpu.memory_space<vmem>>, vector<16xf32>,
    tpu.vector_store %arg13[%swap3A_862, %swap3A_863], %broadcast_in_dim3A_860 {strides = array<i32>} : memref<16x144xf32, #tpu.memory_space<vmem>>, vector<16xf32>,
    %scan3A = arith.constant 0 : i32
    %scan3A_865 = arith.constant 0 : i32
    %scan3A_866 = arith.constant 40 : i32
    %scan3A_867 = arith.addi %scan3A_865, %scan3A_866 : i32
    %scan3A_868 = arith.constant 1 : i32
    scf.for %scan3A_900 = %scan3A_865 to %scan3A_867 step %scan3A_868  : i32 {
      %mul3A_901 = arith.constant 640 : i32
      %mul3A_902 = arith.muli %arg1, %mul3A_901 : i32
      %mul3A_903 = arith.constant 16 : i32
      %mul3A_904 = arith.muli %scan3A_900, %mul3A_903 : i32
      %add3A = arith.addi %mul3A_902, %mul3A_904 : i32
      "tpu.region"() ({
        %run_scoped3A = tpu.sem_alloc : memref<!tpu.dma_semaphore, #tpu.memory_space<semaphore_mem>>
        %dma_start3A = arith.constant 0 : i32
        %dma_start3A_905 = tpu.memref_slice %arg14[%add3A, %dma_start3A] : memref<10240x144xf32, #tpu.memory_space<vmem_shared>> -> memref<16x144xf32, #tpu.memory_space<vmem_shared>>
        %dma_start3A_906 = arith.constant 0 : i32
        %dma_start3A_907 = tpu.memref_slice %arg14[%add3A, %dma_start3A_906] : memref<10240x144xf32, #tpu.memory_space<vmem_shared>> -> memref<16x144xf32, #tpu.memory_space<vmem_shared>>
        tpu.enqueue_dma source(%arg13 : memref<16x144xf32, #tpu.memory_space<vmem>>) target(%dma_start3A_907 : memref<16x144xf32, #tpu.memory_space<vmem_shared>>) target_semaphore(%run_scoped3A : memref<!tpu.dma_semaphore, #tpu.memory_space<semaphore_mem>>)
        %dma_wait3A_908 = arith.constant 0 : i32
        %dma_wait3A_909 = tpu.memref_slice %arg14[%add3A, %dma_wait3A_908] : memref<10240x144xf32, #tpu.memory_space<vmem_shared>> -> memref<16x144xf32, #tpu.memory_space<vmem_shared>>
        %dma_wait3A_910 = arith.constant 0 : i32
        %dma_wait3A_911 = tpu.memref_slice %arg14[%add3A, %dma_wait3A_910] : memref<10240x144xf32, #tpu.memory_space<vmem_shared>> -> memref<16x144xf32, #tpu.memory_space<vmem_shared>>
        tpu.wait_dma2 semaphore(%run_scoped3A : memref<!tpu.dma_semaphore, #tpu.memory_space<semaphore_mem>>) src(%arg13 : memref<16x144xf32, #tpu.memory_space<vmem>>) dst(%dma_wait3A_911 : memref<16x144xf32, #tpu.memory_space<vmem_shared>>)
        tpu.yield
      }) : () -> ()
    }
    %scan3A_869 = arith.constant 40 : i32
    %barrier3A = arith.constant 0 : index
    tpu.barrier barrier_id(%barrier3A)
    %mul3A_870 = arith.constant 10752 : i32
    %mul3A_871 = arith.muli %arg1, %mul3A_870 : i32
    %shift_right_logical3A = arith.constant 3 : i32
    %shift_right_logical3A_872 = vector.broadcast %shift_right_logical3A : i32 to vector<16xi32>
    %shift_right_logical3A_873 = arith.shrui %iota3A, %shift_right_logical3A_872 : vector<16xi32>
    %scan3A_874 = arith.constant 0 : i32
    %scan3A_875 = arith.constant 0 : i32
    %scan3A_876 = arith.constant 21 : i32
    %scan3A_877 = arith.addi %scan3A_875, %scan3A_876 : i32
    %scan3A_878 = arith.constant 1 : i32
    scf.for %scan3A_900 = %scan3A_875 to %scan3A_877 step %scan3A_878  : i32 {
      %gt3A = arith.constant 0 : i32
      %gt3A_901 = arith.cmpi sgt, %scan3A_900, %gt3A : i32
      %convert_element_type3A = arith.extui %gt3A_901 : i1 to i32
      %cond3A = arith.constant 0 : i32
      %cond3A_902 = arith.cmpi ne, %convert_element_type3A, %cond3A : i32
      scf.if %cond3A_902 {
        %dma_wait3A_1191 = arith.constant 6 : i32
        %dma_wait3A_1192 = arith.constant 0 : i32
        %dma_wait3A_1193 = tpu.memref_slice %arg9[%dma_wait3A_1191, %dma_wait3A_1192] : memref<8x64xi32, #tpu.memory_space<vmem>> -> memref<1x64xi32, #tpu.memory_space<vmem>>
        %dma_wait3A_1194 = tpu.memref_squeeze %dma_wait3A_1193 : memref<1x64xi32, #tpu.memory_space<vmem>> -> memref<64xi32, #tpu.memory_space<vmem>>
        %dma_wait3A_1195 = arith.constant 0 : i32
        %dma_wait3A_1196 = arith.constant 0 : i32
        %dma_wait3A_1197 = tpu.memref_slice %arg14[%dma_wait3A_1195, %dma_wait3A_1196] : memref<10240x144xf32, #tpu.memory_space<vmem_shared>> -> memref<10240x144xf32, #tpu.memory_space<vmem_shared>>
        tpu.wait_indirect_dma semaphore(%arg17 : memref<!tpu.dma_semaphore, #tpu.memory_space<semaphore_mem>>) src(%arg11 : memref<64x144xf32, #tpu.memory_space<vmem>>) dst(%dma_wait3A_1197 : memref<10240x144xf32, #tpu.memory_space<vmem_shared>>)
        %dma_wait3A_1198 = arith.constant 7 : i32
        %dma_wait3A_1199 = arith.constant 0 : i32
        %dma_wait3A_1200 = tpu.memref_slice %arg9[%dma_wait3A_1198, %dma_wait3A_1199] : memref<8x64xi32, #tpu.memory_space<vmem>> -> memref<1x64xi32, #tpu.memory_space<vmem>>
        %dma_wait3A_1201 = tpu.memref_squeeze %dma_wait3A_1200 : memref<1x64xi32, #tpu.memory_space<vmem>> -> memref<64xi32, #tpu.memory_space<vmem>>
        %dma_wait3A_1202 = arith.constant 0 : i32
        %dma_wait3A_1203 = arith.constant 0 : i32
        %dma_wait3A_1204 = tpu.memref_slice %arg14[%dma_wait3A_1202, %dma_wait3A_1203] : memref<10240x144xf32, #tpu.memory_space<vmem_shared>> -> memref<10240x144xf32, #tpu.memory_space<vmem_shared>>
        tpu.wait_indirect_dma semaphore(%arg18 : memref<!tpu.dma_semaphore, #tpu.memory_space<semaphore_mem>>) src(%arg12 : memref<64x144xf32, #tpu.memory_space<vmem>>) dst(%dma_wait3A_1204 : memref<10240x144xf32, #tpu.memory_space<vmem_shared>>)
      } else {
      }
      %mul3A_903 = arith.constant 512 : i32
      %mul3A_904 = arith.muli %scan3A_900, %mul3A_903 : i32
      %add3A = arith.addi %mul3A_871, %mul3A_904 : i32
      "tpu.region"() ({
        %run_scoped3A = tpu.sem_alloc : memref<!tpu.dma_semaphore, #tpu.memory_space<semaphore_mem>>
        %dma_start3A_1191 = tpu.memref_slice %arg2[%add3A] : memref<172032xi32, #tpu.memory_space<hbm>> -> memref<512xi32, #tpu.memory_space<hbm>>
        %dma_start3A_1192 = tpu.memref_slice %arg2[%add3A] : memref<172032xi32, #tpu.memory_space<hbm>> -> memref<512xi32, #tpu.memory_space<hbm>>
        tpu.enqueue_dma source(%dma_start3A_1192 : memref<512xi32, #tpu.memory_space<hbm>>) target(%arg7 : memref<512xi32, #tpu.memory_space<vmem>>) target_semaphore(%run_scoped3A : memref<!tpu.dma_semaphore, #tpu.memory_space<semaphore_mem>>)
        %dma_wait3A_1193 = tpu.memref_slice %arg2[%add3A] : memref<172032xi32, #tpu.memory_space<hbm>> -> memref<512xi32, #tpu.memory_space<hbm>>
        %dma_wait3A_1194 = tpu.memref_slice %arg2[%add3A] : memref<172032xi32, #tpu.memory_space<hbm>> -> memref<512xi32, #tpu.memory_space<hbm>>
        tpu.wait_dma2 semaphore(%run_scoped3A : memref<!tpu.dma_semaphore, #tpu.memory_space<semaphore_mem>>) src(%dma_wait3A_1194 : memref<512xi32, #tpu.memory_space<hbm>>) dst(%arg7 : memref<512xi32, #tpu.memory_space<vmem>>)
        tpu.yield
      }) : () -> ()
      %mul3A_905 = arith.constant 4 : i32
      %mul3A_906 = arith.muli %add3A, %mul3A_905 : i32
      "tpu.region"() ({
        %run_scoped3A = tpu.sem_alloc : memref<!tpu.dma_semaphore, #tpu.memory_space<semaphore_mem>>
        %dma_start3A_1191 = tpu.memref_slice %arg4[%mul3A_906] : memref<688128xf32, #tpu.memory_space<hbm>> -> memref<2048xf32, #tpu.memory_space<hbm>>
        %dma_start3A_1192 = tpu.memref_slice %arg4[%mul3A_906] : memref<688128xf32, #tpu.memory_space<hbm>> -> memref<2048xf32, #tpu.memory_space<hbm>>
        tpu.enqueue_dma source(%dma_start3A_1192 : memref<2048xf32, #tpu.memory_space<hbm>>) target(%arg10 : memref<2048xf32, #tpu.memory_space<vmem>>) target_semaphore(%run_scoped3A : memref<!tpu.dma_semaphore, #tpu.memory_space<semaphore_mem>>)
        %dma_wait3A_1193 = tpu.memref_slice %arg4[%mul3A_906] : memref<688128xf32, #tpu.memory_space<hbm>> -> memref<2048xf32, #tpu.memory_space<hbm>>
        %dma_wait3A_1194 = tpu.memref_slice %arg4[%mul3A_906] : memref<688128xf32, #tpu.memory_space<hbm>> -> memref<2048xf32, #tpu.memory_space<hbm>>
        tpu.wait_dma2 semaphore(%run_scoped3A : memref<!tpu.dma_semaphore, #tpu.memory_space<semaphore_mem>>) src(%dma_wait3A_1194 : memref<2048xf32, #tpu.memory_space<hbm>>) dst(%arg10 : memref<2048xf32, #tpu.memory_space<vmem>>)
        tpu.yield
      }) : () -> ()
      %scan3A_907 = arith.constant 0 : i32
      %scan3A_908 = arith.constant 0 : i32
      %scan3A_909 = arith.constant 32 : i32
      %scan3A_910 = arith.addi %scan3A_908, %scan3A_909 : i32
      %scan3A_911 = arith.constant 1 : i32
      scf.for %scan3A_1191 = %scan3A_908 to %scan3A_910 step %scan3A_911  : i32 {
        %mul3A_1192 = arith.constant 16 : i32
        %mul3A_1193 = arith.muli %scan3A_1191, %mul3A_1192 : i32
        %get3A = arith.index_cast %mul3A_1193 : i32 to index
        %get3A_1194 = tpu.vector_load %arg7[%get3A] {strides = array<i32>} : memref<512xi32, #tpu.memory_space<vmem>>, vector<16xi32>,
        %mul3A_1195 = arith.constant 10240 : i32
        %mul3A_1196 = arith.muli %arg0, %mul3A_1195 : i32
        %add3A_1197 = vector.broadcast %mul3A_1196 : i32 to vector<16xi32>
        %add3A_1198 = arith.addi %get3A_1194, %add3A_1197 : vector<16xi32>
        %shift_right_logical3A_1199 = arith.constant 2 : i32
        %shift_right_logical3A_1200 = arith.shrui %scan3A_1191, %shift_right_logical3A_1199 : i32
        %and3A = arith.constant 3 : i32
        %and3A_1201 = arith.andi %scan3A_1191, %and3A : i32
        %mul3A_1202 = arith.constant 16 : i32
        %mul3A_1203 = arith.muli %and3A_1201, %mul3A_1202 : i32
        %swap3A_1204 = arith.index_cast %shift_right_logical3A_1200 : i32 to index
        %swap3A_1205 = arith.index_cast %mul3A_1203 : i32 to index
        %swap3A_1206 = tpu.vector_load %arg8[%swap3A_1204, %swap3A_1205] {strides = array<i32>} : memref<8x64xi32, #tpu.memory_space<vmem>>, vector<16xi32>,
        tpu.vector_store %arg8[%swap3A_1204, %swap3A_1205], %add3A_1198 {strides = array<i32>} : memref<8x64xi32, #tpu.memory_space<vmem>>, vector<16xi32>,
      }
      %scan3A_912 = arith.constant 32 : i32
      "tpu.region"() ({
        %run_scoped3A = tpu.sem_alloc : memref<!tpu.dma_semaphore, #tpu.memory_space<semaphore_mem>>
        %dma_start3A_1191 = tpu.memref_slice %arg3[%add3A] : memref<172032xi32, #tpu.memory_space<hbm>> -> memref<512xi32, #tpu.memory_space<hbm>>
        %dma_start3A_1192 = tpu.memref_slice %arg3[%add3A] : memref<172032xi32, #tpu.memory_space<hbm>> -> memref<512xi32, #tpu.memory_space<hbm>>
        tpu.enqueue_dma source(%dma_start3A_1192 : memref<512xi32, #tpu.memory_space<hbm>>) target(%arg7 : memref<512xi32, #tpu.memory_space<vmem>>) target_semaphore(%run_scoped3A : memref<!tpu.dma_semaphore, #tpu.memory_space<semaphore_mem>>)
        %dma_wait3A_1193 = tpu.memref_slice %arg3[%add3A] : memref<172032xi32, #tpu.memory_space<hbm>> -> memref<512xi32, #tpu.memory_space<hbm>>
        %dma_wait3A_1194 = tpu.memref_slice %arg3[%add3A] : memref<172032xi32, #tpu.memory_space<hbm>> -> memref<512xi32, #tpu.memory_space<hbm>>
        tpu.wait_dma2 semaphore(%run_scoped3A : memref<!tpu.dma_semaphore, #tpu.memory_space<semaphore_mem>>) src(%dma_wait3A_1194 : memref<512xi32, #tpu.memory_space<hbm>>) dst(%arg7 : memref<512xi32, #tpu.memory_space<vmem>>)
        tpu.yield
      }) : () -> ()
      %scan3A_913 = arith.constant 0 : i32
      %scan3A_914 = arith.constant 0 : i32
      %scan3A_915 = arith.constant 32 : i32
      %scan3A_916 = arith.addi %scan3A_914, %scan3A_915 : i32
      %scan3A_917 = arith.constant 1 : i32
      scf.for %scan3A_1191 = %scan3A_914 to %scan3A_916 step %scan3A_917  : i32 {
        %mul3A_1192 = arith.constant 16 : i32
        %mul3A_1193 = arith.muli %scan3A_1191, %mul3A_1192 : i32
        %get3A = arith.index_cast %mul3A_1193 : i32 to index
        %get3A_1194 = tpu.vector_load %arg7[%get3A] {strides = array<i32>} : memref<512xi32, #tpu.memory_space<vmem>>, vector<16xi32>,
        %shift_right_logical3A_1195 = arith.constant 2 : i32
        %shift_right_logical3A_1196 = arith.shrui %scan3A_1191, %shift_right_logical3A_1195 : i32
        %and3A = arith.constant 3 : i32
        %and3A_1197 = arith.andi %scan3A_1191, %and3A : i32
        %mul3A_1198 = arith.constant 16 : i32
        %mul3A_1199 = arith.muli %and3A_1197, %mul3A_1198 : i32
        %swap3A_1200 = arith.index_cast %shift_right_logical3A_1196 : i32 to index
        %swap3A_1201 = arith.index_cast %mul3A_1199 : i32 to index
        %swap3A_1202 = tpu.vector_load %arg9[%swap3A_1200, %swap3A_1201] {strides = array<i32>} : memref<8x64xi32, #tpu.memory_space<vmem>>, vector<16xi32>,
        tpu.vector_store %arg9[%swap3A_1200, %swap3A_1201], %get3A_1194 {strides = array<i32>} : memref<8x64xi32, #tpu.memory_space<vmem>>, vector<16xi32>,
      }
      %scan3A_918 = arith.constant 32 : i32
      %dma_start3A = arith.constant 0 : i32
      %dma_start3A_919 = arith.constant 0 : i32
      %dma_start3A_920 = tpu.memref_slice %arg8[%dma_start3A, %dma_start3A_919] : memref<8x64xi32, #tpu.memory_space<vmem>> -> memref<1x64xi32, #tpu.memory_space<vmem>>
      %dma_start3A_921 = tpu.memref_squeeze %dma_start3A_920 : memref<1x64xi32, #tpu.memory_space<vmem>> -> memref<64xi32, #tpu.memory_space<vmem>>
      %dma_start3A_922 = arith.constant 0 : i32
      %dma_start3A_923 = arith.constant 0 : i32
      %dma_start3A_924 = tpu.memref_slice %arg5[%dma_start3A_922, %dma_start3A_923] : memref<20480x144xf32, #tpu.memory_space<hbm>> -> memref<20480x144xf32, #tpu.memory_space<hbm>>
      tpu.enqueue_indirect_dma source(%dma_start3A_924 : memref<20480x144xf32, #tpu.memory_space<hbm>>) target(%arg11 : memref<64x144xf32, #tpu.memory_space<vmem>>) offsets(%dma_start3A_921 : memref<64xi32, #tpu.memory_space<vmem>>) semaphore(%arg15 : memref<!tpu.dma_semaphore, #tpu.memory_space<semaphore_mem>>)
      %dma_start3A_925 = arith.constant 1 : i32
      %dma_start3A_926 = arith.constant 0 : i32
      %dma_start3A_927 = tpu.memref_slice %arg8[%dma_start3A_925, %dma_start3A_926] : memref<8x64xi32, #tpu.memory_space<vmem>> -> memref<1x64xi32, #tpu.memory_space<vmem>>
      %dma_start3A_928 = tpu.memref_squeeze %dma_start3A_927 : memref<1x64xi32, #tpu.memory_space<vmem>> -> memref<64xi32, #tpu.memory_space<vmem>>
      %dma_start3A_929 = arith.constant 0 : i32
      %dma_start3A_930 = arith.constant 0 : i32
      %dma_start3A_931 = tpu.memref_slice %arg5[%dma_start3A_929, %dma_start3A_930] : memref<20480x144xf32, #tpu.memory_space<hbm>> -> memref<20480x144xf32, #tpu.memory_space<hbm>>
      tpu.enqueue_indirect_dma source(%dma_start3A_931 : memref<20480x144xf32, #tpu.memory_space<hbm>>) target(%arg12 : memref<64x144xf32, #tpu.memory_space<vmem>>) offsets(%dma_start3A_928 : memref<64xi32, #tpu.memory_space<vmem>>) semaphore(%arg16 : memref<!tpu.dma_semaphore, #tpu.memory_space<semaphore_mem>>)
      %dma_wait3A_932 = arith.constant 0 : i32
      %dma_wait3A_933 = arith.constant 0 : i32
      %dma_wait3A_934 = tpu.memref_slice %arg8[%dma_wait3A_932, %dma_wait3A_933] : memref<8x64xi32, #tpu.memory_space<vmem>> -> memref<1x64xi32, #tpu.memory_space<vmem>>
      %dma_wait3A_935 = tpu.memref_squeeze %dma_wait3A_934 : memref<1x64xi32, #tpu.memory_space<vmem>> -> memref<64xi32, #tpu.memory_space<vmem>>
      %dma_wait3A_936 = arith.constant 0 : i32
      %dma_wait3A_937 = arith.constant 0 : i32
      %dma_wait3A_938 = tpu.memref_slice %arg5[%dma_wait3A_936, %dma_wait3A_937] : memref<20480x144xf32, #tpu.memory_space<hbm>> -> memref<20480x144xf32, #tpu.memory_space<hbm>>
      tpu.wait_indirect_dma semaphore(%arg15 : memref<!tpu.dma_semaphore, #tpu.memory_space<semaphore_mem>>) src(%dma_wait3A_938 : memref<20480x144xf32, #tpu.memory_space<hbm>>) dst(%arg11 : memref<64x144xf32, #tpu.memory_space<vmem>>)
      %broadcast_in_dim3A_939 = arith.constant 0 : i32
      %broadcast_in_dim3A_940 = vector.broadcast %broadcast_in_dim3A_939 : i32 to vector<16xi32>
      %add3A_941 = vector.broadcast %mul3A_0 : i32 to vector<16xi32>
      %add3A_942 = arith.addi %broadcast_in_dim3A_940, %add3A_941 : vector<16xi32>
      %parallel_loop3A = arith.constant 0 : i32
      %parallel_loop3A_943 = arith.constant 64 : i32
      %parallel_loop3A_944 = arith.constant 1 : i32
      %parallel_loop3A_945 = scf.for %parallel_loop3A_1191 = %parallel_loop3A to %parallel_loop3A_943 step %parallel_loop3A_944 iter_args(%parallel_loop3A_1192 = %add3A_942) -> (vector<16xi32>)  : i32 {
        %parallel_loop3A_1193 = tpu.vector_load_idx %arg10[%parallel_loop3A_1192] : memref<2048xf32, #tpu.memory_space<vmem>>[vector<16xi32>], vector<16xf32>,
        %parallel_loop3A_1194 = arith.constant 1 : i32
        %parallel_loop3A_1195 = vector.broadcast %parallel_loop3A_1194 : i32 to vector<16xi32>
        %parallel_loop3A_1196 = arith.addi %parallel_loop3A_1192, %parallel_loop3A_1195 : vector<16xi32>
        %parallel_loop3A_1197 = tpu.vector_load_idx %arg10[%parallel_loop3A_1196] : memref<2048xf32, #tpu.memory_space<vmem>>[vector<16xi32>], vector<16xf32>,
        %parallel_loop3A_1198 = arith.addi %parallel_loop3A_1192, %shift_right_logical3A_873 : vector<16xi32>
        %parallel_loop3A_1199 = tpu.vector_load_idx %arg10[%parallel_loop3A_1198] : memref<2048xf32, #tpu.memory_space<vmem>>[vector<16xi32>], vector<16xf32>,
        %parallel_loop3A_1200 = arith.index_cast %parallel_loop3A_1191 : i32 to index
        %parallel_loop3A_1201 = arith.constant 0 : index
        %parallel_loop3A_1202 = tpu.vector_load %arg11[%parallel_loop3A_1200, %parallel_loop3A_1201] {strides = array<i32>} : memref<64x144xf32, #tpu.memory_space<vmem>>, vector<16xf32>,
        %parallel_loop3A_1203 = arith.mulf %parallel_loop3A_1202, %parallel_loop3A_1193 : vector<16xf32>
        %parallel_loop3A_1204 = arith.index_cast %parallel_loop3A_1191 : i32 to index
        %parallel_loop3A_1205 = arith.constant 0 : index
        %parallel_loop3A_1206 = tpu.vector_load %arg11[%parallel_loop3A_1204, %parallel_loop3A_1205] {strides = array<i32>} : memref<64x144xf32, #tpu.memory_space<vmem>>, vector<16xf32>,
        tpu.vector_store %arg11[%parallel_loop3A_1204, %parallel_loop3A_1205], %parallel_loop3A_1203 {strides = array<i32>} : memref<64x144xf32, #tpu.memory_space<vmem>>, vector<16xf32>,
        %parallel_loop3A_1207 = arith.index_cast %parallel_loop3A_1191 : i32 to index
        %parallel_loop3A_1208 = arith.constant 16 : index
        %parallel_loop3A_1209 = tpu.vector_load %arg11[%parallel_loop3A_1207, %parallel_loop3A_1208] {strides = array<i32>} : memref<64x144xf32, #tpu.memory_space<vmem>>, vector<16xf32>,
        %parallel_loop3A_1210 = arith.mulf %parallel_loop3A_1209, %parallel_loop3A_1193 : vector<16xf32>
        %parallel_loop3A_1211 = arith.index_cast %parallel_loop3A_1191 : i32 to index
        %parallel_loop3A_1212 = arith.constant 16 : index
        %parallel_loop3A_1213 = tpu.vector_load %arg11[%parallel_loop3A_1211, %parallel_loop3A_1212] {strides = array<i32>} : memref<64x144xf32, #tpu.memory_space<vmem>>, vector<16xf32>,
        tpu.vector_store %arg11[%parallel_loop3A_1211, %parallel_loop3A_1212], %parallel_loop3A_1210 {strides = array<i32>} : memref<64x144xf32, #tpu.memory_space<vmem>>, vector<16xf32>,
        %parallel_loop3A_1214 = arith.index_cast %parallel_loop3A_1191 : i32 to index
        %parallel_loop3A_1215 = arith.constant 32 : index
        %parallel_loop3A_1216 = tpu.vector_load %arg11[%parallel_loop3A_1214, %parallel_loop3A_1215] {strides = array<i32>} : memref<64x144xf32, #tpu.memory_space<vmem>>, vector<16xf32>,
        %parallel_loop3A_1217 = arith.mulf %parallel_loop3A_1216, %parallel_loop3A_1193 : vector<16xf32>
        %parallel_loop3A_1218 = arith.index_cast %parallel_loop3A_1191 : i32 to index
        %parallel_loop3A_1219 = arith.constant 32 : index
        %parallel_loop3A_1220 = tpu.vector_load %arg11[%parallel_loop3A_1218, %parallel_loop3A_1219] {strides = array<i32>} : memref<64x144xf32, #tpu.memory_space<vmem>>, vector<16xf32>,
        tpu.vector_store %arg11[%parallel_loop3A_1218, %parallel_loop3A_1219], %parallel_loop3A_1217 {strides = array<i32>} : memref<64x144xf32, #tpu.memory_space<vmem>>, vector<16xf32>,
        %parallel_loop3A_1221 = arith.index_cast %parallel_loop3A_1191 : i32 to index
        %parallel_loop3A_1222 = arith.constant 48 : index
        %parallel_loop3A_1223 = tpu.vector_load %arg11[%parallel_loop3A_1221, %parallel_loop3A_1222] {strides = array<i32>} : memref<64x144xf32, #tpu.memory_space<vmem>>, vector<16xf32>,
        %parallel_loop3A_1224 = arith.mulf %parallel_loop3A_1223, %parallel_loop3A_1193 : vector<16xf32>
        %parallel_loop3A_1225 = arith.index_cast %parallel_loop3A_1191 : i32 to index
        %parallel_loop3A_1226 = arith.constant 48 : index
        %parallel_loop3A_1227 = tpu.vector_load %arg11[%parallel_loop3A_1225, %parallel_loop3A_1226] {strides = array<i32>} : memref<64x144xf32, #tpu.memory_space<vmem>>, vector<16xf32>,
        tpu.vector_store %arg11[%parallel_loop3A_1225, %parallel_loop3A_1226], %parallel_loop3A_1224 {strides = array<i32>} : memref<64x144xf32, #tpu.memory_space<vmem>>, vector<16xf32>,
        %parallel_loop3A_1228 = arith.index_cast %parallel_loop3A_1191 : i32 to index
        %parallel_loop3A_1229 = arith.constant 64 : index
        %parallel_loop3A_1230 = tpu.vector_load %arg11[%parallel_loop3A_1228, %parallel_loop3A_1229] {strides = array<i32>} : memref<64x144xf32, #tpu.memory_space<vmem>>, vector<16xf32>,
        %parallel_loop3A_1231 = arith.mulf %parallel_loop3A_1230, %parallel_loop3A_1197 : vector<16xf32>
        %parallel_loop3A_1232 = arith.index_cast %parallel_loop3A_1191 : i32 to index
        %parallel_loop3A_1233 = arith.constant 64 : index
        %parallel_loop3A_1234 = tpu.vector_load %arg11[%parallel_loop3A_1232, %parallel_loop3A_1233] {strides = array<i32>} : memref<64x144xf32, #tpu.memory_space<vmem>>, vector<16xf32>,
        tpu.vector_store %arg11[%parallel_loop3A_1232, %parallel_loop3A_1233], %parallel_loop3A_1231 {strides = array<i32>} : memref<64x144xf32, #tpu.memory_space<vmem>>, vector<16xf32>,
        %parallel_loop3A_1235 = arith.index_cast %parallel_loop3A_1191 : i32 to index
        %parallel_loop3A_1236 = arith.constant 80 : index
        %parallel_loop3A_1237 = tpu.vector_load %arg11[%parallel_loop3A_1235, %parallel_loop3A_1236] {strides = array<i32>} : memref<64x144xf32, #tpu.memory_space<vmem>>, vector<16xf32>,
        %parallel_loop3A_1238 = arith.mulf %parallel_loop3A_1237, %parallel_loop3A_1197 : vector<16xf32>
        %parallel_loop3A_1239 = arith.index_cast %parallel_loop3A_1191 : i32 to index
        %parallel_loop3A_1240 = arith.constant 80 : index
        %parallel_loop3A_1241 = tpu.vector_load %arg11[%parallel_loop3A_1239, %parallel_loop3A_1240] {strides = array<i32>} : memref<64x144xf32, #tpu.memory_space<vmem>>, vector<16xf32>,
        tpu.vector_store %arg11[%parallel_loop3A_1239, %parallel_loop3A_1240], %parallel_loop3A_1238 {strides = array<i32>} : memref<64x144xf32, #tpu.memory_space<vmem>>, vector<16xf32>,
        %parallel_loop3A_1242 = arith.index_cast %parallel_loop3A_1191 : i32 to index
        %parallel_loop3A_1243 = arith.constant 96 : index
        %parallel_loop3A_1244 = tpu.vector_load %arg11[%parallel_loop3A_1242, %parallel_loop3A_1243] {strides = array<i32>} : memref<64x144xf32, #tpu.memory_space<vmem>>, vector<16xf32>,
        %parallel_loop3A_1245 = arith.mulf %parallel_loop3A_1244, %parallel_loop3A_1197 : vector<16xf32>
        %parallel_loop3A_1246 = arith.index_cast %parallel_loop3A_1191 : i32 to index
        %parallel_loop3A_1247 = arith.constant 96 : index
        %parallel_loop3A_1248 = tpu.vector_load %arg11[%parallel_loop3A_1246, %parallel_loop3A_1247] {strides = array<i32>} : memref<64x144xf32, #tpu.memory_space<vmem>>, vector<16xf32>,
        tpu.vector_store %arg11[%parallel_loop3A_1246, %parallel_loop3A_1247], %parallel_loop3A_1245 {strides = array<i32>} : memref<64x144xf32, #tpu.memory_space<vmem>>, vector<16xf32>,
        %parallel_loop3A_1249 = arith.index_cast %parallel_loop3A_1191 : i32 to index
        %parallel_loop3A_1250 = arith.constant 112 : index
        %parallel_loop3A_1251 = tpu.vector_load %arg11[%parallel_loop3A_1249, %parallel_loop3A_1250] {strides = array<i32>} : memref<64x144xf32, #tpu.memory_space<vmem>>, vector<16xf32>,
        %parallel_loop3A_1252 = arith.mulf %parallel_loop3A_1251, %parallel_loop3A_1197 : vector<16xf32>
        %parallel_loop3A_1253 = arith.index_cast %parallel_loop3A_1191 : i32 to index
        %parallel_loop3A_1254 = arith.constant 112 : index
        %parallel_loop3A_1255 = tpu.vector_load %arg11[%parallel_loop3A_1253, %parallel_loop3A_1254] {strides = array<i32>} : memref<64x144xf32, #tpu.memory_space<vmem>>, vector<16xf32>,
        tpu.vector_store %arg11[%parallel_loop3A_1253, %parallel_loop3A_1254], %parallel_loop3A_1252 {strides = array<i32>} : memref<64x144xf32, #tpu.memory_space<vmem>>, vector<16xf32>,
        %parallel_loop3A_1256 = arith.index_cast %parallel_loop3A_1191 : i32 to index
        %parallel_loop3A_1257 = arith.constant 128 : index
        %parallel_loop3A_1258 = tpu.vector_load %arg11[%parallel_loop3A_1256, %parallel_loop3A_1257] {strides = array<i32>} : memref<64x144xf32, #tpu.memory_space<vmem>>, vector<16xf32>,
        %parallel_loop3A_1259 = arith.mulf %parallel_loop3A_1258, %parallel_loop3A_1199 : vector<16xf32>
        %parallel_loop3A_1260 = arith.index_cast %parallel_loop3A_1191 : i32 to index
        %parallel_loop3A_1261 = arith.constant 128 : index
        %parallel_loop3A_1262 = tpu.vector_load %arg11[%parallel_loop3A_1260, %parallel_loop3A_1261] {strides = array<i32>} : memref<64x144xf32, #tpu.memory_space<vmem>>, vector<16xf32>,
        tpu.vector_store %arg11[%parallel_loop3A_1260, %parallel_loop3A_1261], %parallel_loop3A_1259 {strides = array<i32>} : memref<64x144xf32, #tpu.memory_space<vmem>>, vector<16xf32>,
        %parallel_loop3A_1263 = arith.constant 4 : i32
        %parallel_loop3A_1264 = vector.broadcast %parallel_loop3A_1263 : i32 to vector<16xi32>
        %parallel_loop3A_1265 = arith.addi %parallel_loop3A_1192, %parallel_loop3A_1264 : vector<16xi32>
        scf.yield %parallel_loop3A_1265 : vector<16xi32>
      } {sc.loop_unroll_factor = 4 : i64, sc.parallel_access}
      %dma_start3A_946 = arith.constant 0 : i32
      %dma_start3A_947 = arith.constant 0 : i32
      %dma_start3A_948 = tpu.memref_slice %arg9[%dma_start3A_946, %dma_start3A_947] : memref<8x64xi32, #tpu.memory_space<vmem>> -> memref<1x64xi32, #tpu.memory_space<vmem>>
      %dma_start3A_949 = tpu.memref_squeeze %dma_start3A_948 : memref<1x64xi32, #tpu.memory_space<vmem>> -> memref<64xi32, #tpu.memory_space<vmem>>
      %dma_start3A_950 = arith.constant 0 : i32
      %dma_start3A_951 = arith.constant 0 : i32
      %dma_start3A_952 = tpu.memref_slice %arg14[%dma_start3A_950, %dma_start3A_951] : memref<10240x144xf32, #tpu.memory_space<vmem_shared>> -> memref<10240x144xf32, #tpu.memory_space<vmem_shared>>
      tpu.enqueue_indirect_dma source(%arg11 : memref<64x144xf32, #tpu.memory_space<vmem>>) target(%dma_start3A_952 : memref<10240x144xf32, #tpu.memory_space<vmem_shared>>) offsets(%dma_start3A_949 : memref<64xi32, #tpu.memory_space<vmem>>) semaphore(%arg17 : memref<!tpu.dma_semaphore, #tpu.memory_space<semaphore_mem>>) {add = true}
      %dma_wait3A_953 = arith.constant 1 : i32
      %dma_wait3A_954 = arith.constant 0 : i32
      %dma_wait3A_955 = tpu.memref_slice %arg8[%dma_wait3A_953, %dma_wait3A_954] : memref<8x64xi32, #tpu.memory_space<vmem>> -> memref<1x64xi32, #tpu.memory_space<vmem>>
      %dma_wait3A_956 = tpu.memref_squeeze %dma_wait3A_955 : memref<1x64xi32, #tpu.memory_space<vmem>> -> memref<64xi32, #tpu.memory_space<vmem>>
      %dma_wait3A_957 = arith.constant 0 : i32
      %dma_wait3A_958 = arith.constant 0 : i32
      %dma_wait3A_959 = tpu.memref_slice %arg5[%dma_wait3A_957, %dma_wait3A_958] : memref<20480x144xf32, #tpu.memory_space<hbm>> -> memref<20480x144xf32, #tpu.memory_space<hbm>>
      tpu.wait_indirect_dma semaphore(%arg16 : memref<!tpu.dma_semaphore, #tpu.memory_space<semaphore_mem>>) src(%dma_wait3A_959 : memref<20480x144xf32, #tpu.memory_space<hbm>>) dst(%arg12 : memref<64x144xf32, #tpu.memory_space<vmem>>)
      %broadcast_in_dim3A_960 = arith.constant 256 : i32
      %broadcast_in_dim3A_961 = vector.broadcast %broadcast_in_dim3A_960 : i32 to vector<16xi32>
      %add3A_962 = vector.broadcast %mul3A_0 : i32 to vector<16xi32>
      %add3A_963 = arith.addi %broadcast_in_dim3A_961, %add3A_962 : vector<16xi32>
      %parallel_loop3A_964 = arith.constant 0 : i32
      %parallel_loop3A_965 = arith.constant 64 : i32
      %parallel_loop3A_966 = arith.constant 1 : i32
      %parallel_loop3A_967 = scf.for %parallel_loop3A_1191 = %parallel_loop3A_964 to %parallel_loop3A_965 step %parallel_loop3A_966 iter_args(%parallel_loop3A_1192 = %add3A_963) -> (vector<16xi32>)  : i32 {
        %parallel_loop3A_1193 = tpu.vector_load_idx %arg10[%parallel_loop3A_1192] : memref<2048xf32, #tpu.memory_space<vmem>>[vector<16xi32>], vector<16xf32>,
        %parallel_loop3A_1194 = arith.constant 1 : i32
        %parallel_loop3A_1195 = vector.broadcast %parallel_loop3A_1194 : i32 to vector<16xi32>
        %parallel_loop3A_1196 = arith.addi %parallel_loop3A_1192, %parallel_loop3A_1195 : vector<16xi32>
        %parallel_loop3A_1197 = tpu.vector_load_idx %arg10[%parallel_loop3A_1196] : memref<2048xf32, #tpu.memory_space<vmem>>[vector<16xi32>], vector<16xf32>,
        %parallel_loop3A_1198 = arith.addi %parallel_loop3A_1192, %shift_right_logical3A_873 : vector<16xi32>
        %parallel_loop3A_1199 = tpu.vector_load_idx %arg10[%parallel_loop3A_1198] : memref<2048xf32, #tpu.memory_space<vmem>>[vector<16xi32>], vector<16xf32>,
        %parallel_loop3A_1200 = arith.index_cast %parallel_loop3A_1191 : i32 to index
        %parallel_loop3A_1201 = arith.constant 0 : index
        %parallel_loop3A_1202 = tpu.vector_load %arg12[%parallel_loop3A_1200, %parallel_loop3A_1201] {strides = array<i32>} : memref<64x144xf32, #tpu.memory_space<vmem>>, vector<16xf32>,
        %parallel_loop3A_1203 = arith.mulf %parallel_loop3A_1202, %parallel_loop3A_1193 : vector<16xf32>
        %parallel_loop3A_1204 = arith.index_cast %parallel_loop3A_1191 : i32 to index
        %parallel_loop3A_1205 = arith.constant 0 : index
        %parallel_loop3A_1206 = tpu.vector_load %arg12[%parallel_loop3A_1204, %parallel_loop3A_1205] {strides = array<i32>} : memref<64x144xf32, #tpu.memory_space<vmem>>, vector<16xf32>,
        tpu.vector_store %arg12[%parallel_loop3A_1204, %parallel_loop3A_1205], %parallel_loop3A_1203 {strides = array<i32>} : memref<64x144xf32, #tpu.memory_space<vmem>>, vector<16xf32>,
        %parallel_loop3A_1207 = arith.index_cast %parallel_loop3A_1191 : i32 to index
        %parallel_loop3A_1208 = arith.constant 16 : index
        %parallel_loop3A_1209 = tpu.vector_load %arg12[%parallel_loop3A_1207, %parallel_loop3A_1208] {strides = array<i32>} : memref<64x144xf32, #tpu.memory_space<vmem>>, vector<16xf32>,
        %parallel_loop3A_1210 = arith.mulf %parallel_loop3A_1209, %parallel_loop3A_1193 : vector<16xf32>
        %parallel_loop3A_1211 = arith.index_cast %parallel_loop3A_1191 : i32 to index
        %parallel_loop3A_1212 = arith.constant 16 : index
        %parallel_loop3A_1213 = tpu.vector_load %arg12[%parallel_loop3A_1211, %parallel_loop3A_1212] {strides = array<i32>} : memref<64x144xf32, #tpu.memory_space<vmem>>, vector<16xf32>,
        tpu.vector_store %arg12[%parallel_loop3A_1211, %parallel_loop3A_1212], %parallel_loop3A_1210 {strides = array<i32>} : memref<64x144xf32, #tpu.memory_space<vmem>>, vector<16xf32>,
        %parallel_loop3A_1214 = arith.index_cast %parallel_loop3A_1191 : i32 to index
        %parallel_loop3A_1215 = arith.constant 32 : index
        %parallel_loop3A_1216 = tpu.vector_load %arg12[%parallel_loop3A_1214, %parallel_loop3A_1215] {strides = array<i32>} : memref<64x144xf32, #tpu.memory_space<vmem>>, vector<16xf32>,
        %parallel_loop3A_1217 = arith.mulf %parallel_loop3A_1216, %parallel_loop3A_1193 : vector<16xf32>
        %parallel_loop3A_1218 = arith.index_cast %parallel_loop3A_1191 : i32 to index
        %parallel_loop3A_1219 = arith.constant 32 : index
        %parallel_loop3A_1220 = tpu.vector_load %arg12[%parallel_loop3A_1218, %parallel_loop3A_1219] {strides = array<i32>} : memref<64x144xf32, #tpu.memory_space<vmem>>, vector<16xf32>,
        tpu.vector_store %arg12[%parallel_loop3A_1218, %parallel_loop3A_1219], %parallel_loop3A_1217 {strides = array<i32>} : memref<64x144xf32, #tpu.memory_space<vmem>>, vector<16xf32>,
        %parallel_loop3A_1221 = arith.index_cast %parallel_loop3A_1191 : i32 to index
        %parallel_loop3A_1222 = arith.constant 48 : index
        %parallel_loop3A_1223 = tpu.vector_load %arg12[%parallel_loop3A_1221, %parallel_loop3A_1222] {strides = array<i32>} : memref<64x144xf32, #tpu.memory_space<vmem>>, vector<16xf32>,
        %parallel_loop3A_1224 = arith.mulf %parallel_loop3A_1223, %parallel_loop3A_1193 : vector<16xf32>
        %parallel_loop3A_1225 = arith.index_cast %parallel_loop3A_1191 : i32 to index
        %parallel_loop3A_1226 = arith.constant 48 : index
        %parallel_loop3A_1227 = tpu.vector_load %arg12[%parallel_loop3A_1225, %parallel_loop3A_1226] {strides = array<i32>} : memref<64x144xf32, #tpu.memory_space<vmem>>, vector<16xf32>,
        tpu.vector_store %arg12[%parallel_loop3A_1225, %parallel_loop3A_1226], %parallel_loop3A_1224 {strides = array<i32>} : memref<64x144xf32, #tpu.memory_space<vmem>>, vector<16xf32>,
        %parallel_loop3A_1228 = arith.index_cast %parallel_loop3A_1191 : i32 to index
        %parallel_loop3A_1229 = arith.constant 64 : index
        %parallel_loop3A_1230 = tpu.vector_load %arg12[%parallel_loop3A_1228, %parallel_loop3A_1229] {strides = array<i32>} : memref<64x144xf32, #tpu.memory_space<vmem>>, vector<16xf32>,
        %parallel_loop3A_1231 = arith.mulf %parallel_loop3A_1230, %parallel_loop3A_1197 : vector<16xf32>
        %parallel_loop3A_1232 = arith.index_cast %parallel_loop3A_1191 : i32 to index
        %parallel_loop3A_1233 = arith.constant 64 : index
        %parallel_loop3A_1234 = tpu.vector_load %arg12[%parallel_loop3A_1232, %parallel_loop3A_1233] {strides = array<i32>} : memref<64x144xf32, #tpu.memory_space<vmem>>, vector<16xf32>,
        tpu.vector_store %arg12[%parallel_loop3A_1232, %parallel_loop3A_1233], %parallel_loop3A_1231 {strides = array<i32>} : memref<64x144xf32, #tpu.memory_space<vmem>>, vector<16xf32>,
        %parallel_loop3A_1235 = arith.index_cast %parallel_loop3A_1191 : i32 to index
        %parallel_loop3A_1236 = arith.constant 80 : index
        %parallel_loop3A_1237 = tpu.vector_load %arg12[%parallel_loop3A_1235, %parallel_loop3A_1236] {strides = array<i32>} : memref<64x144xf32, #tpu.memory_space<vmem>>, vector<16xf32>,
        %parallel_loop3A_1238 = arith.mulf %parallel_loop3A_1237, %parallel_loop3A_1197 : vector<16xf32>
        %parallel_loop3A_1239 = arith.index_cast %parallel_loop3A_1191 : i32 to index
        %parallel_loop3A_1240 = arith.constant 80 : index
        %parallel_loop3A_1241 = tpu.vector_load %arg12[%parallel_loop3A_1239, %parallel_loop3A_1240] {strides = array<i32>} : memref<64x144xf32, #tpu.memory_space<vmem>>, vector<16xf32>,
        tpu.vector_store %arg12[%parallel_loop3A_1239, %parallel_loop3A_1240], %parallel_loop3A_1238 {strides = array<i32>} : memref<64x144xf32, #tpu.memory_space<vmem>>, vector<16xf32>,
        %parallel_loop3A_1242 = arith.index_cast %parallel_loop3A_1191 : i32 to index
        %parallel_loop3A_1243 = arith.constant 96 : index
        %parallel_loop3A_1244 = tpu.vector_load %arg12[%parallel_loop3A_1242, %parallel_loop3A_1243] {strides = array<i32>} : memref<64x144xf32, #tpu.memory_space<vmem>>, vector<16xf32>,
        %parallel_loop3A_1245 = arith.mulf %parallel_loop3A_1244, %parallel_loop3A_1197 : vector<16xf32>
        %parallel_loop3A_1246 = arith.index_cast %parallel_loop3A_1191 : i32 to index
        %parallel_loop3A_1247 = arith.constant 96 : index
        %parallel_loop3A_1248 = tpu.vector_load %arg12[%parallel_loop3A_1246, %parallel_loop3A_1247] {strides = array<i32>} : memref<64x144xf32, #tpu.memory_space<vmem>>, vector<16xf32>,
        tpu.vector_store %arg12[%parallel_loop3A_1246, %parallel_loop3A_1247], %parallel_loop3A_1245 {strides = array<i32>} : memref<64x144xf32, #tpu.memory_space<vmem>>, vector<16xf32>,
        %parallel_loop3A_1249 = arith.index_cast %parallel_loop3A_1191 : i32 to index
        %parallel_loop3A_1250 = arith.constant 112 : index
        %parallel_loop3A_1251 = tpu.vector_load %arg12[%parallel_loop3A_1249, %parallel_loop3A_1250] {strides = array<i32>} : memref<64x144xf32, #tpu.memory_space<vmem>>, vector<16xf32>,
        %parallel_loop3A_1252 = arith.mulf %parallel_loop3A_1251, %parallel_loop3A_1197 : vector<16xf32>
        %parallel_loop3A_1253 = arith.index_cast %parallel_loop3A_1191 : i32 to index
        %parallel_loop3A_1254 = arith.constant 112 : index
        %parallel_loop3A_1255 = tpu.vector_load %arg12[%parallel_loop3A_1253, %parallel_loop3A_1254] {strides = array<i32>} : memref<64x144xf32, #tpu.memory_space<vmem>>, vector<16xf32>,
        tpu.vector_store %arg12[%parallel_loop3A_1253, %parallel_loop3A_1254], %parallel_loop3A_1252 {strides = array<i32>} : memref<64x144xf32, #tpu.memory_space<vmem>>, vector<16xf32>,
        %parallel_loop3A_1256 = arith.index_cast %parallel_loop3A_1191 : i32 to index
        %parallel_loop3A_1257 = arith.constant 128 : index
        %parallel_loop3A_1258 = tpu.vector_load %arg12[%parallel_loop3A_1256, %parallel_loop3A_1257] {strides = array<i32>} : memref<64x144xf32, #tpu.memory_space<vmem>>, vector<16xf32>,
        %parallel_loop3A_1259 = arith.mulf %parallel_loop3A_1258, %parallel_loop3A_1199 : vector<16xf32>
        %parallel_loop3A_1260 = arith.index_cast %parallel_loop3A_1191 : i32 to index
        %parallel_loop3A_1261 = arith.constant 128 : index
        %parallel_loop3A_1262 = tpu.vector_load %arg12[%parallel_loop3A_1260, %parallel_loop3A_1261] {strides = array<i32>} : memref<64x144xf32, #tpu.memory_space<vmem>>, vector<16xf32>,
        tpu.vector_store %arg12[%parallel_loop3A_1260, %parallel_loop3A_1261], %parallel_loop3A_1259 {strides = array<i32>} : memref<64x144xf32, #tpu.memory_space<vmem>>, vector<16xf32>,
        %parallel_loop3A_1263 = arith.constant 4 : i32
        %parallel_loop3A_1264 = vector.broadcast %parallel_loop3A_1263 : i32 to vector<16xi32>
        %parallel_loop3A_1265 = arith.addi %parallel_loop3A_1192, %parallel_loop3A_1264 : vector<16xi32>
        scf.yield %parallel_loop3A_1265 : vector<16xi32>
      } {sc.loop_unroll_factor = 4 : i64, sc.parallel_access}
      %dma_start3A_968 = arith.constant 1 : i32
      %dma_start3A_969 = arith.constant 0 : i32
      %dma_start3A_970 = tpu.memref_slice %arg9[%dma_start3A_968, %dma_start3A_969] : memref<8x64xi32, #tpu.memory_space<vmem>> -> memref<1x64xi32, #tpu.memory_space<vmem>>
      %dma_start3A_971 = tpu.memref_squeeze %dma_start3A_970 : memref<1x64xi32, #tpu.memory_space<vmem>> -> memref<64xi32, #tpu.memory_space<vmem>>
      %dma_start3A_972 = arith.constant 0 : i32
      %dma_start3A_973 = arith.constant 0 : i32
      %dma_start3A_974 = tpu.memref_slice %arg14[%dma_start3A_972, %dma_start3A_973] : memref<10240x144xf32, #tpu.memory_space<vmem_shared>> -> memref<10240x144xf32, #tpu.memory_space<vmem_shared>>
      tpu.enqueue_indirect_dma source(%arg12 : memref<64x144xf32, #tpu.memory_space<vmem>>) target(%dma_start3A_974 : memref<10240x144xf32, #tpu.memory_space<vmem_shared>>) offsets(%dma_start3A_971 : memref<64xi32, #tpu.memory_space<vmem>>) semaphore(%arg18 : memref<!tpu.dma_semaphore, #tpu.memory_space<semaphore_mem>>) {add = true}
      %dma_wait3A_975 = arith.constant 0 : i32
      %dma_wait3A_976 = arith.constant 0 : i32
      %dma_wait3A_977 = tpu.memref_slice %arg9[%dma_wait3A_975, %dma_wait3A_976] : memref<8x64xi32, #tpu.memory_space<vmem>> -> memref<1x64xi32, #tpu.memory_space<vmem>>
      %dma_wait3A_978 = tpu.memref_squeeze %dma_wait3A_977 : memref<1x64xi32, #tpu.memory_space<vmem>> -> memref<64xi32, #tpu.memory_space<vmem>>
      %dma_wait3A_979 = arith.constant 0 : i32
      %dma_wait3A_980 = arith.constant 0 : i32
      %dma_wait3A_981 = tpu.memref_slice %arg14[%dma_wait3A_979, %dma_wait3A_980] : memref<10240x144xf32, #tpu.memory_space<vmem_shared>> -> memref<10240x144xf32, #tpu.memory_space<vmem_shared>>
      tpu.wait_indirect_dma semaphore(%arg17 : memref<!tpu.dma_semaphore, #tpu.memory_space<semaphore_mem>>) src(%arg11 : memref<64x144xf32, #tpu.memory_space<vmem>>) dst(%dma_wait3A_981 : memref<10240x144xf32, #tpu.memory_space<vmem_shared>>)
      %dma_start3A_982 = arith.constant 2 : i32
      %dma_start3A_983 = arith.constant 0 : i32
      %dma_start3A_984 = tpu.memref_slice %arg8[%dma_start3A_982, %dma_start3A_983] : memref<8x64xi32, #tpu.memory_space<vmem>> -> memref<1x64xi32, #tpu.memory_space<vmem>>
      %dma_start3A_985 = tpu.memref_squeeze %dma_start3A_984 : memref<1x64xi32, #tpu.memory_space<vmem>> -> memref<64xi32, #tpu.memory_space<vmem>>
      %dma_start3A_986 = arith.constant 0 : i32
      %dma_start3A_987 = arith.constant 0 : i32
      %dma_start3A_988 = tpu.memref_slice %arg5[%dma_start3A_986, %dma_start3A_987] : memref<20480x144xf32, #tpu.memory_space<hbm>> -> memref<20480x144xf32, #tpu.memory_space<hbm>>
      tpu.enqueue_indirect_dma source(%dma_start3A_988 : memref<20480x144xf32, #tpu.memory_space<hbm>>) target(%arg11 : memref<64x144xf32, #tpu.memory_space<vmem>>) offsets(%dma_start3A_985 : memref<64xi32, #tpu.memory_space<vmem>>) semaphore(%arg15 : memref<!tpu.dma_semaphore, #tpu.memory_space<semaphore_mem>>)
      %dma_wait3A_989 = arith.constant 2 : i32
      %dma_wait3A_990 = arith.constant 0 : i32
      %dma_wait3A_991 = tpu.memref_slice %arg8[%dma_wait3A_989, %dma_wait3A_990] : memref<8x64xi32, #tpu.memory_space<vmem>> -> memref<1x64xi32, #tpu.memory_space<vmem>>
      %dma_wait3A_992 = tpu.memref_squeeze %dma_wait3A_991 : memref<1x64xi32, #tpu.memory_space<vmem>> -> memref<64xi32, #tpu.memory_space<vmem>>
      %dma_wait3A_993 = arith.constant 0 : i32
      %dma_wait3A_994 = arith.constant 0 : i32
      %dma_wait3A_995 = tpu.memref_slice %arg5[%dma_wait3A_993, %dma_wait3A_994] : memref<20480x144xf32, #tpu.memory_space<hbm>> -> memref<20480x144xf32, #tpu.memory_space<hbm>>
      tpu.wait_indirect_dma semaphore(%arg15 : memref<!tpu.dma_semaphore, #tpu.memory_space<semaphore_mem>>) src(%dma_wait3A_995 : memref<20480x144xf32, #tpu.memory_space<hbm>>) dst(%arg11 : memref<64x144xf32, #tpu.memory_space<vmem>>)
      %broadcast_in_dim3A_996 = arith.constant 512 : i32
      %broadcast_in_dim3A_997 = vector.broadcast %broadcast_in_dim3A_996 : i32 to vector<16xi32>
      %add3A_998 = vector.broadcast %mul3A_0 : i32 to vector<16xi32>
      %add3A_999 = arith.addi %broadcast_in_dim3A_997, %add3A_998 : vector<16xi32>
      %parallel_loop3A_1000 = arith.constant 0 : i32
      %parallel_loop3A_1001 = arith.constant 64 : i32
      %parallel_loop3A_1002 = arith.constant 1 : i32
      %parallel_loop3A_1003 = scf.for %parallel_loop3A_1191 = %parallel_loop3A_1000 to %parallel_loop3A_1001 step %parallel_loop3A_1002 iter_args(%parallel_loop3A_1192 = %add3A_999) -> (vector<16xi32>)  : i32 {
        %parallel_loop3A_1193 = tpu.vector_load_idx %arg10[%parallel_loop3A_1192] : memref<2048xf32, #tpu.memory_space<vmem>>[vector<16xi32>], vector<16xf32>,
        %parallel_loop3A_1194 = arith.constant 1 : i32
        %parallel_loop3A_1195 = vector.broadcast %parallel_loop3A_1194 : i32 to vector<16xi32>
        %parallel_loop3A_1196 = arith.addi %parallel_loop3A_1192, %parallel_loop3A_1195 : vector<16xi32>
        %parallel_loop3A_1197 = tpu.vector_load_idx %arg10[%parallel_loop3A_1196] : memref<2048xf32, #tpu.memory_space<vmem>>[vector<16xi32>], vector<16xf32>,
        %parallel_loop3A_1198 = arith.addi %parallel_loop3A_1192, %shift_right_logical3A_873 : vector<16xi32>
        %parallel_loop3A_1199 = tpu.vector_load_idx %arg10[%parallel_loop3A_1198] : memref<2048xf32, #tpu.memory_space<vmem>>[vector<16xi32>], vector<16xf32>,
        %parallel_loop3A_1200 = arith.index_cast %parallel_loop3A_1191 : i32 to index
        %parallel_loop3A_1201 = arith.constant 0 : index
        %parallel_loop3A_1202 = tpu.vector_load %arg11[%parallel_loop3A_1200, %parallel_loop3A_1201] {strides = array<i32>} : memref<64x144xf32, #tpu.memory_space<vmem>>, vector<16xf32>,
        %parallel_loop3A_1203 = arith.mulf %parallel_loop3A_1202, %parallel_loop3A_1193 : vector<16xf32>
        %parallel_loop3A_1204 = arith.index_cast %parallel_loop3A_1191 : i32 to index
        %parallel_loop3A_1205 = arith.constant 0 : index
        %parallel_loop3A_1206 = tpu.vector_load %arg11[%parallel_loop3A_1204, %parallel_loop3A_1205] {strides = array<i32>} : memref<64x144xf32, #tpu.memory_space<vmem>>, vector<16xf32>,
        tpu.vector_store %arg11[%parallel_loop3A_1204, %parallel_loop3A_1205], %parallel_loop3A_1203 {strides = array<i32>} : memref<64x144xf32, #tpu.memory_space<vmem>>, vector<16xf32>,
        %parallel_loop3A_1207 = arith.index_cast %parallel_loop3A_1191 : i32 to index
        %parallel_loop3A_1208 = arith.constant 16 : index
        %parallel_loop3A_1209 = tpu.vector_load %arg11[%parallel_loop3A_1207, %parallel_loop3A_1208] {strides = array<i32>} : memref<64x144xf32, #tpu.memory_space<vmem>>, vector<16xf32>,
        %parallel_loop3A_1210 = arith.mulf %parallel_loop3A_1209, %parallel_loop3A_1193 : vector<16xf32>
        %parallel_loop3A_1211 = arith.index_cast %parallel_loop3A_1191 : i32 to index
        %parallel_loop3A_1212 = arith.constant 16 : index
        %parallel_loop3A_1213 = tpu.vector_load %arg11[%parallel_loop3A_1211, %parallel_loop3A_1212] {strides = array<i32>} : memref<64x144xf32, #tpu.memory_space<vmem>>, vector<16xf32>,
        tpu.vector_store %arg11[%parallel_loop3A_1211, %parallel_loop3A_1212], %parallel_loop3A_1210 {strides = array<i32>} : memref<64x144xf32, #tpu.memory_space<vmem>>, vector<16xf32>,
        %parallel_loop3A_1214 = arith.index_cast %parallel_loop3A_1191 : i32 to index
        %parallel_loop3A_1215 = arith.constant 32 : index
        %parallel_loop3A_1216 = tpu.vector_load %arg11[%parallel_loop3A_1214, %parallel_loop3A_1215] {strides = array<i32>} : memref<64x144xf32, #tpu.memory_space<vmem>>, vector<16xf32>,
        %parallel_loop3A_1217 = arith.mulf %parallel_loop3A_1216, %parallel_loop3A_1193 : vector<16xf32>
        %parallel_loop3A_1218 = arith.index_cast %parallel_loop3A_1191 : i32 to index
        %parallel_loop3A_1219 = arith.constant 32 : index
        %parallel_loop3A_1220 = tpu.vector_load %arg11[%parallel_loop3A_1218, %parallel_loop3A_1219] {strides = array<i32>} : memref<64x144xf32, #tpu.memory_space<vmem>>, vector<16xf32>,
        tpu.vector_store %arg11[%parallel_loop3A_1218, %parallel_loop3A_1219], %parallel_loop3A_1217 {strides = array<i32>} : memref<64x144xf32, #tpu.memory_space<vmem>>, vector<16xf32>,
        %parallel_loop3A_1221 = arith.index_cast %parallel_loop3A_1191 : i32 to index
        %parallel_loop3A_1222 = arith.constant 48 : index
        %parallel_loop3A_1223 = tpu.vector_load %arg11[%parallel_loop3A_1221, %parallel_loop3A_1222] {strides = array<i32>} : memref<64x144xf32, #tpu.memory_space<vmem>>, vector<16xf32>,
        %parallel_loop3A_1224 = arith.mulf %parallel_loop3A_1223, %parallel_loop3A_1193 : vector<16xf32>
        %parallel_loop3A_1225 = arith.index_cast %parallel_loop3A_1191 : i32 to index
        %parallel_loop3A_1226 = arith.constant 48 : index
        %parallel_loop3A_1227 = tpu.vector_load %arg11[%parallel_loop3A_1225, %parallel_loop3A_1226] {strides = array<i32>} : memref<64x144xf32, #tpu.memory_space<vmem>>, vector<16xf32>,
        tpu.vector_store %arg11[%parallel_loop3A_1225, %parallel_loop3A_1226], %parallel_loop3A_1224 {strides = array<i32>} : memref<64x144xf32, #tpu.memory_space<vmem>>, vector<16xf32>,
        %parallel_loop3A_1228 = arith.index_cast %parallel_loop3A_1191 : i32 to index
        %parallel_loop3A_1229 = arith.constant 64 : index
        %parallel_loop3A_1230 = tpu.vector_load %arg11[%parallel_loop3A_1228, %parallel_loop3A_1229] {strides = array<i32>} : memref<64x144xf32, #tpu.memory_space<vmem>>, vector<16xf32>,
        %parallel_loop3A_1231 = arith.mulf %parallel_loop3A_1230, %parallel_loop3A_1197 : vector<16xf32>
        %parallel_loop3A_1232 = arith.index_cast %parallel_loop3A_1191 : i32 to index
        %parallel_loop3A_1233 = arith.constant 64 : index
        %parallel_loop3A_1234 = tpu.vector_load %arg11[%parallel_loop3A_1232, %parallel_loop3A_1233] {strides = array<i32>} : memref<64x144xf32, #tpu.memory_space<vmem>>, vector<16xf32>,
        tpu.vector_store %arg11[%parallel_loop3A_1232, %parallel_loop3A_1233], %parallel_loop3A_1231 {strides = array<i32>} : memref<64x144xf32, #tpu.memory_space<vmem>>, vector<16xf32>,
        %parallel_loop3A_1235 = arith.index_cast %parallel_loop3A_1191 : i32 to index
        %parallel_loop3A_1236 = arith.constant 80 : index
        %parallel_loop3A_1237 = tpu.vector_load %arg11[%parallel_loop3A_1235, %parallel_loop3A_1236] {strides = array<i32>} : memref<64x144xf32, #tpu.memory_space<vmem>>, vector<16xf32>,
        %parallel_loop3A_1238 = arith.mulf %parallel_loop3A_1237, %parallel_loop3A_1197 : vector<16xf32>
        %parallel_loop3A_1239 = arith.index_cast %parallel_loop3A_1191 : i32 to index
        %parallel_loop3A_1240 = arith.constant 80 : index
        %parallel_loop3A_1241 = tpu.vector_load %arg11[%parallel_loop3A_1239, %parallel_loop3A_1240] {strides = array<i32>} : memref<64x144xf32, #tpu.memory_space<vmem>>, vector<16xf32>,
        tpu.vector_store %arg11[%parallel_loop3A_1239, %parallel_loop3A_1240], %parallel_loop3A_1238 {strides = array<i32>} : memref<64x144xf32, #tpu.memory_space<vmem>>, vector<16xf32>,
        %parallel_loop3A_1242 = arith.index_cast %parallel_loop3A_1191 : i32 to index
        %parallel_loop3A_1243 = arith.constant 96 : index
        %parallel_loop3A_1244 = tpu.vector_load %arg11[%parallel_loop3A_1242, %parallel_loop3A_1243] {strides = array<i32>} : memref<64x144xf32, #tpu.memory_space<vmem>>, vector<16xf32>,
        %parallel_loop3A_1245 = arith.mulf %parallel_loop3A_1244, %parallel_loop3A_1197 : vector<16xf32>
        %parallel_loop3A_1246 = arith.index_cast %parallel_loop3A_1191 : i32 to index
        %parallel_loop3A_1247 = arith.constant 96 : index
        %parallel_loop3A_1248 = tpu.vector_load %arg11[%parallel_loop3A_1246, %parallel_loop3A_1247] {strides = array<i32>} : memref<64x144xf32, #tpu.memory_space<vmem>>, vector<16xf32>,
        tpu.vector_store %arg11[%parallel_loop3A_1246, %parallel_loop3A_1247], %parallel_loop3A_1245 {strides = array<i32>} : memref<64x144xf32, #tpu.memory_space<vmem>>, vector<16xf32>,
        %parallel_loop3A_1249 = arith.index_cast %parallel_loop3A_1191 : i32 to index
        %parallel_loop3A_1250 = arith.constant 112 : index
        %parallel_loop3A_1251 = tpu.vector_load %arg11[%parallel_loop3A_1249, %parallel_loop3A_1250] {strides = array<i32>} : memref<64x144xf32, #tpu.memory_space<vmem>>, vector<16xf32>,
        %parallel_loop3A_1252 = arith.mulf %parallel_loop3A_1251, %parallel_loop3A_1197 : vector<16xf32>
        %parallel_loop3A_1253 = arith.index_cast %parallel_loop3A_1191 : i32 to index
        %parallel_loop3A_1254 = arith.constant 112 : index
        %parallel_loop3A_1255 = tpu.vector_load %arg11[%parallel_loop3A_1253, %parallel_loop3A_1254] {strides = array<i32>} : memref<64x144xf32, #tpu.memory_space<vmem>>, vector<16xf32>,
        tpu.vector_store %arg11[%parallel_loop3A_1253, %parallel_loop3A_1254], %parallel_loop3A_1252 {strides = array<i32>} : memref<64x144xf32, #tpu.memory_space<vmem>>, vector<16xf32>,
        %parallel_loop3A_1256 = arith.index_cast %parallel_loop3A_1191 : i32 to index
        %parallel_loop3A_1257 = arith.constant 128 : index
        %parallel_loop3A_1258 = tpu.vector_load %arg11[%parallel_loop3A_1256, %parallel_loop3A_1257] {strides = array<i32>} : memref<64x144xf32, #tpu.memory_space<vmem>>, vector<16xf32>,
        %parallel_loop3A_1259 = arith.mulf %parallel_loop3A_1258, %parallel_loop3A_1199 : vector<16xf32>
        %parallel_loop3A_1260 = arith.index_cast %parallel_loop3A_1191 : i32 to index
        %parallel_loop3A_1261 = arith.constant 128 : index
        %parallel_loop3A_1262 = tpu.vector_load %arg11[%parallel_loop3A_1260, %parallel_loop3A_1261] {strides = array<i32>} : memref<64x144xf32, #tpu.memory_space<vmem>>, vector<16xf32>,
        tpu.vector_store %arg11[%parallel_loop3A_1260, %parallel_loop3A_1261], %parallel_loop3A_1259 {strides = array<i32>} : memref<64x144xf32, #tpu.memory_space<vmem>>, vector<16xf32>,
        %parallel_loop3A_1263 = arith.constant 4 : i32
        %parallel_loop3A_1264 = vector.broadcast %parallel_loop3A_1263 : i32 to vector<16xi32>
        %parallel_loop3A_1265 = arith.addi %parallel_loop3A_1192, %parallel_loop3A_1264 : vector<16xi32>
        scf.yield %parallel_loop3A_1265 : vector<16xi32>
      } {sc.loop_unroll_factor = 4 : i64, sc.parallel_access}
      %dma_start3A_1004 = arith.constant 2 : i32
      %dma_start3A_1005 = arith.constant 0 : i32
      %dma_start3A_1006 = tpu.memref_slice %arg9[%dma_start3A_1004, %dma_start3A_1005] : memref<8x64xi32, #tpu.memory_space<vmem>> -> memref<1x64xi32, #tpu.memory_space<vmem>>
      %dma_start3A_1007 = tpu.memref_squeeze %dma_start3A_1006 : memref<1x64xi32, #tpu.memory_space<vmem>> -> memref<64xi32, #tpu.memory_space<vmem>>
      %dma_start3A_1008 = arith.constant 0 : i32
      %dma_start3A_1009 = arith.constant 0 : i32
      %dma_start3A_1010 = tpu.memref_slice %arg14[%dma_start3A_1008, %dma_start3A_1009] : memref<10240x144xf32, #tpu.memory_space<vmem_shared>> -> memref<10240x144xf32, #tpu.memory_space<vmem_shared>>
      tpu.enqueue_indirect_dma source(%arg11 : memref<64x144xf32, #tpu.memory_space<vmem>>) target(%dma_start3A_1010 : memref<10240x144xf32, #tpu.memory_space<vmem_shared>>) offsets(%dma_start3A_1007 : memref<64xi32, #tpu.memory_space<vmem>>) semaphore(%arg17 : memref<!tpu.dma_semaphore, #tpu.memory_space<semaphore_mem>>) {add = true}
      %dma_wait3A_1011 = arith.constant 1 : i32
      %dma_wait3A_1012 = arith.constant 0 : i32
      %dma_wait3A_1013 = tpu.memref_slice %arg9[%dma_wait3A_1011, %dma_wait3A_1012] : memref<8x64xi32, #tpu.memory_space<vmem>> -> memref<1x64xi32, #tpu.memory_space<vmem>>
      %dma_wait3A_1014 = tpu.memref_squeeze %dma_wait3A_1013 : memref<1x64xi32, #tpu.memory_space<vmem>> -> memref<64xi32, #tpu.memory_space<vmem>>
      %dma_wait3A_1015 = arith.constant 0 : i32
      %dma_wait3A_1016 = arith.constant 0 : i32
      %dma_wait3A_1017 = tpu.memref_slice %arg14[%dma_wait3A_1015, %dma_wait3A_1016] : memref<10240x144xf32, #tpu.memory_space<vmem_shared>> -> memref<10240x144xf32, #tpu.memory_space<vmem_shared>>
      tpu.wait_indirect_dma semaphore(%arg18 : memref<!tpu.dma_semaphore, #tpu.memory_space<semaphore_mem>>) src(%arg12 : memref<64x144xf32, #tpu.memory_space<vmem>>) dst(%dma_wait3A_1017 : memref<10240x144xf32, #tpu.memory_space<vmem_shared>>)
      %dma_start3A_1018 = arith.constant 3 : i32
      %dma_start3A_1019 = arith.constant 0 : i32
      %dma_start3A_1020 = tpu.memref_slice %arg8[%dma_start3A_1018, %dma_start3A_1019] : memref<8x64xi32, #tpu.memory_space<vmem>> -> memref<1x64xi32, #tpu.memory_space<vmem>>
      %dma_start3A_1021 = tpu.memref_squeeze %dma_start3A_1020 : memref<1x64xi32, #tpu.memory_space<vmem>> -> memref<64xi32, #tpu.memory_space<vmem>>
      %dma_start3A_1022 = arith.constant 0 : i32
      %dma_start3A_1023 = arith.constant 0 : i32
      %dma_start3A_1024 = tpu.memref_slice %arg5[%dma_start3A_1022, %dma_start3A_1023] : memref<20480x144xf32, #tpu.memory_space<hbm>> -> memref<20480x144xf32, #tpu.memory_space<hbm>>
      tpu.enqueue_indirect_dma source(%dma_start3A_1024 : memref<20480x144xf32, #tpu.memory_space<hbm>>) target(%arg12 : memref<64x144xf32, #tpu.memory_space<vmem>>) offsets(%dma_start3A_1021 : memref<64xi32, #tpu.memory_space<vmem>>) semaphore(%arg16 : memref<!tpu.dma_semaphore, #tpu.memory_space<semaphore_mem>>)
      %dma_wait3A_1025 = arith.constant 3 : i32
      %dma_wait3A_1026 = arith.constant 0 : i32
      %dma_wait3A_1027 = tpu.memref_slice %arg8[%dma_wait3A_1025, %dma_wait3A_1026] : memref<8x64xi32, #tpu.memory_space<vmem>> -> memref<1x64xi32, #tpu.memory_space<vmem>>
      %dma_wait3A_1028 = tpu.memref_squeeze %dma_wait3A_1027 : memref<1x64xi32, #tpu.memory_space<vmem>> -> memref<64xi32, #tpu.memory_space<vmem>>
      %dma_wait3A_1029 = arith.constant 0 : i32
      %dma_wait3A_1030 = arith.constant 0 : i32
      %dma_wait3A_1031 = tpu.memref_slice %arg5[%dma_wait3A_1029, %dma_wait3A_1030] : memref<20480x144xf32, #tpu.memory_space<hbm>> -> memref<20480x144xf32, #tpu.memory_space<hbm>>
      tpu.wait_indirect_dma semaphore(%arg16 : memref<!tpu.dma_semaphore, #tpu.memory_space<semaphore_mem>>) src(%dma_wait3A_1031 : memref<20480x144xf32, #tpu.memory_space<hbm>>) dst(%arg12 : memref<64x144xf32, #tpu.memory_space<vmem>>)
      %broadcast_in_dim3A_1032 = arith.constant 768 : i32
      %broadcast_in_dim3A_1033 = vector.broadcast %broadcast_in_dim3A_1032 : i32 to vector<16xi32>
      %add3A_1034 = vector.broadcast %mul3A_0 : i32 to vector<16xi32>
      %add3A_1035 = arith.addi %broadcast_in_dim3A_1033, %add3A_1034 : vector<16xi32>
      %parallel_loop3A_1036 = arith.constant 0 : i32
      %parallel_loop3A_1037 = arith.constant 64 : i32
      %parallel_loop3A_1038 = arith.constant 1 : i32
      %parallel_loop3A_1039 = scf.for %parallel_loop3A_1191 = %parallel_loop3A_1036 to %parallel_loop3A_1037 step %parallel_loop3A_1038 iter_args(%parallel_loop3A_1192 = %add3A_1035) -> (vector<16xi32>)  : i32 {
        %parallel_loop3A_1193 = tpu.vector_load_idx %arg10[%parallel_loop3A_1192] : memref<2048xf32, #tpu.memory_space<vmem>>[vector<16xi32>], vector<16xf32>,
        %parallel_loop3A_1194 = arith.constant 1 : i32
        %parallel_loop3A_1195 = vector.broadcast %parallel_loop3A_1194 : i32 to vector<16xi32>
        %parallel_loop3A_1196 = arith.addi %parallel_loop3A_1192, %parallel_loop3A_1195 : vector<16xi32>
        %parallel_loop3A_1197 = tpu.vector_load_idx %arg10[%parallel_loop3A_1196] : memref<2048xf32, #tpu.memory_space<vmem>>[vector<16xi32>], vector<16xf32>,
        %parallel_loop3A_1198 = arith.addi %parallel_loop3A_1192, %shift_right_logical3A_873 : vector<16xi32>
        %parallel_loop3A_1199 = tpu.vector_load_idx %arg10[%parallel_loop3A_1198] : memref<2048xf32, #tpu.memory_space<vmem>>[vector<16xi32>], vector<16xf32>,
        %parallel_loop3A_1200 = arith.index_cast %parallel_loop3A_1191 : i32 to index
        %parallel_loop3A_1201 = arith.constant 0 : index
        %parallel_loop3A_1202 = tpu.vector_load %arg12[%parallel_loop3A_1200, %parallel_loop3A_1201] {strides = array<i32>} : memref<64x144xf32, #tpu.memory_space<vmem>>, vector<16xf32>,
        %parallel_loop3A_1203 = arith.mulf %parallel_loop3A_1202, %parallel_loop3A_1193 : vector<16xf32>
        %parallel_loop3A_1204 = arith.index_cast %parallel_loop3A_1191 : i32 to index
        %parallel_loop3A_1205 = arith.constant 0 : index
        %parallel_loop3A_1206 = tpu.vector_load %arg12[%parallel_loop3A_1204, %parallel_loop3A_1205] {strides = array<i32>} : memref<64x144xf32, #tpu.memory_space<vmem>>, vector<16xf32>,
        tpu.vector_store %arg12[%parallel_loop3A_1204, %parallel_loop3A_1205], %parallel_loop3A_1203 {strides = array<i32>} : memref<64x144xf32, #tpu.memory_space<vmem>>, vector<16xf32>,
        %parallel_loop3A_1207 = arith.index_cast %parallel_loop3A_1191 : i32 to index
        %parallel_loop3A_1208 = arith.constant 16 : index
        %parallel_loop3A_1209 = tpu.vector_load %arg12[%parallel_loop3A_1207, %parallel_loop3A_1208] {strides = array<i32>} : memref<64x144xf32, #tpu.memory_space<vmem>>, vector<16xf32>,
        %parallel_loop3A_1210 = arith.mulf %parallel_loop3A_1209, %parallel_loop3A_1193 : vector<16xf32>
        %parallel_loop3A_1211 = arith.index_cast %parallel_loop3A_1191 : i32 to index
        %parallel_loop3A_1212 = arith.constant 16 : index
        %parallel_loop3A_1213 = tpu.vector_load %arg12[%parallel_loop3A_1211, %parallel_loop3A_1212] {strides = array<i32>} : memref<64x144xf32, #tpu.memory_space<vmem>>, vector<16xf32>,
        tpu.vector_store %arg12[%parallel_loop3A_1211, %parallel_loop3A_1212], %parallel_loop3A_1210 {strides = array<i32>} : memref<64x144xf32, #tpu.memory_space<vmem>>, vector<16xf32>,
        %parallel_loop3A_1214 = arith.index_cast %parallel_loop3A_1191 : i32 to index
        %parallel_loop3A_1215 = arith.constant 32 : index
        %parallel_loop3A_1216 = tpu.vector_load %arg12[%parallel_loop3A_1214, %parallel_loop3A_1215] {strides = array<i32>} : memref<64x144xf32, #tpu.memory_space<vmem>>, vector<16xf32>,
        %parallel_loop3A_1217 = arith.mulf %parallel_loop3A_1216, %parallel_loop3A_1193 : vector<16xf32>
        %parallel_loop3A_1218 = arith.index_cast %parallel_loop3A_1191 : i32 to index
        %parallel_loop3A_1219 = arith.constant 32 : index
        %parallel_loop3A_1220 = tpu.vector_load %arg12[%parallel_loop3A_1218, %parallel_loop3A_1219] {strides = array<i32>} : memref<64x144xf32, #tpu.memory_space<vmem>>, vector<16xf32>,
        tpu.vector_store %arg12[%parallel_loop3A_1218, %parallel_loop3A_1219], %parallel_loop3A_1217 {strides = array<i32>} : memref<64x144xf32, #tpu.memory_space<vmem>>, vector<16xf32>,
        %parallel_loop3A_1221 = arith.index_cast %parallel_loop3A_1191 : i32 to index
        %parallel_loop3A_1222 = arith.constant 48 : index
        %parallel_loop3A_1223 = tpu.vector_load %arg12[%parallel_loop3A_1221, %parallel_loop3A_1222] {strides = array<i32>} : memref<64x144xf32, #tpu.memory_space<vmem>>, vector<16xf32>,
        %parallel_loop3A_1224 = arith.mulf %parallel_loop3A_1223, %parallel_loop3A_1193 : vector<16xf32>
        %parallel_loop3A_1225 = arith.index_cast %parallel_loop3A_1191 : i32 to index
        %parallel_loop3A_1226 = arith.constant 48 : index
        %parallel_loop3A_1227 = tpu.vector_load %arg12[%parallel_loop3A_1225, %parallel_loop3A_1226] {strides = array<i32>} : memref<64x144xf32, #tpu.memory_space<vmem>>, vector<16xf32>,
        tpu.vector_store %arg12[%parallel_loop3A_1225, %parallel_loop3A_1226], %parallel_loop3A_1224 {strides = array<i32>} : memref<64x144xf32, #tpu.memory_space<vmem>>, vector<16xf32>,
        %parallel_loop3A_1228 = arith.index_cast %parallel_loop3A_1191 : i32 to index
        %parallel_loop3A_1229 = arith.constant 64 : index
        %parallel_loop3A_1230 = tpu.vector_load %arg12[%parallel_loop3A_1228, %parallel_loop3A_1229] {strides = array<i32>} : memref<64x144xf32, #tpu.memory_space<vmem>>, vector<16xf32>,
        %parallel_loop3A_1231 = arith.mulf %parallel_loop3A_1230, %parallel_loop3A_1197 : vector<16xf32>
        %parallel_loop3A_1232 = arith.index_cast %parallel_loop3A_1191 : i32 to index
        %parallel_loop3A_1233 = arith.constant 64 : index
        %parallel_loop3A_1234 = tpu.vector_load %arg12[%parallel_loop3A_1232, %parallel_loop3A_1233] {strides = array<i32>} : memref<64x144xf32, #tpu.memory_space<vmem>>, vector<16xf32>,
        tpu.vector_store %arg12[%parallel_loop3A_1232, %parallel_loop3A_1233], %parallel_loop3A_1231 {strides = array<i32>} : memref<64x144xf32, #tpu.memory_space<vmem>>, vector<16xf32>,
        %parallel_loop3A_1235 = arith.index_cast %parallel_loop3A_1191 : i32 to index
        %parallel_loop3A_1236 = arith.constant 80 : index
        %parallel_loop3A_1237 = tpu.vector_load %arg12[%parallel_loop3A_1235, %parallel_loop3A_1236] {strides = array<i32>} : memref<64x144xf32, #tpu.memory_space<vmem>>, vector<16xf32>,
        %parallel_loop3A_1238 = arith.mulf %parallel_loop3A_1237, %parallel_loop3A_1197 : vector<16xf32>
        %parallel_loop3A_1239 = arith.index_cast %parallel_loop3A_1191 : i32 to index
        %parallel_loop3A_1240 = arith.constant 80 : index
        %parallel_loop3A_1241 = tpu.vector_load %arg12[%parallel_loop3A_1239, %parallel_loop3A_1240] {strides = array<i32>} : memref<64x144xf32, #tpu.memory_space<vmem>>, vector<16xf32>,
        tpu.vector_store %arg12[%parallel_loop3A_1239, %parallel_loop3A_1240], %parallel_loop3A_1238 {strides = array<i32>} : memref<64x144xf32, #tpu.memory_space<vmem>>, vector<16xf32>,
        %parallel_loop3A_1242 = arith.index_cast %parallel_loop3A_1191 : i32 to index
        %parallel_loop3A_1243 = arith.constant 96 : index
        %parallel_loop3A_1244 = tpu.vector_load %arg12[%parallel_loop3A_1242, %parallel_loop3A_1243] {strides = array<i32>} : memref<64x144xf32, #tpu.memory_space<vmem>>, vector<16xf32>,
        %parallel_loop3A_1245 = arith.mulf %parallel_loop3A_1244, %parallel_loop3A_1197 : vector<16xf32>
        %parallel_loop3A_1246 = arith.index_cast %parallel_loop3A_1191 : i32 to index
        %parallel_loop3A_1247 = arith.constant 96 : index
        %parallel_loop3A_1248 = tpu.vector_load %arg12[%parallel_loop3A_1246, %parallel_loop3A_1247] {strides = array<i32>} : memref<64x144xf32, #tpu.memory_space<vmem>>, vector<16xf32>,
        tpu.vector_store %arg12[%parallel_loop3A_1246, %parallel_loop3A_1247], %parallel_loop3A_1245 {strides = array<i32>} : memref<64x144xf32, #tpu.memory_space<vmem>>, vector<16xf32>,
        %parallel_loop3A_1249 = arith.index_cast %parallel_loop3A_1191 : i32 to index
        %parallel_loop3A_1250 = arith.constant 112 : index
        %parallel_loop3A_1251 = tpu.vector_load %arg12[%parallel_loop3A_1249, %parallel_loop3A_1250] {strides = array<i32>} : memref<64x144xf32, #tpu.memory_space<vmem>>, vector<16xf32>,
        %parallel_loop3A_1252 = arith.mulf %parallel_loop3A_1251, %parallel_loop3A_1197 : vector<16xf32>
        %parallel_loop3A_1253 = arith.index_cast %parallel_loop3A_1191 : i32 to index
        %parallel_loop3A_1254 = arith.constant 112 : index
        %parallel_loop3A_1255 = tpu.vector_load %arg12[%parallel_loop3A_1253, %parallel_loop3A_1254] {strides = array<i32>} : memref<64x144xf32, #tpu.memory_space<vmem>>, vector<16xf32>,
        tpu.vector_store %arg12[%parallel_loop3A_1253, %parallel_loop3A_1254], %parallel_loop3A_1252 {strides = array<i32>} : memref<64x144xf32, #tpu.memory_space<vmem>>, vector<16xf32>,
        %parallel_loop3A_1256 = arith.index_cast %parallel_loop3A_1191 : i32 to index
        %parallel_loop3A_1257 = arith.constant 128 : index
        %parallel_loop3A_1258 = tpu.vector_load %arg12[%parallel_loop3A_1256, %parallel_loop3A_1257] {strides = array<i32>} : memref<64x144xf32, #tpu.memory_space<vmem>>, vector<16xf32>,
        %parallel_loop3A_1259 = arith.mulf %parallel_loop3A_1258, %parallel_loop3A_1199 : vector<16xf32>
        %parallel_loop3A_1260 = arith.index_cast %parallel_loop3A_1191 : i32 to index
        %parallel_loop3A_1261 = arith.constant 128 : index
        %parallel_loop3A_1262 = tpu.vector_load %arg12[%parallel_loop3A_1260, %parallel_loop3A_1261] {strides = array<i32>} : memref<64x144xf32, #tpu.memory_space<vmem>>, vector<16xf32>,
        tpu.vector_store %arg12[%parallel_loop3A_1260, %parallel_loop3A_1261], %parallel_loop3A_1259 {strides = array<i32>} : memref<64x144xf32, #tpu.memory_space<vmem>>, vector<16xf32>,
        %parallel_loop3A_1263 = arith.constant 4 : i32
        %parallel_loop3A_1264 = vector.broadcast %parallel_loop3A_1263 : i32 to vector<16xi32>
        %parallel_loop3A_1265 = arith.addi %parallel_loop3A_1192, %parallel_loop3A_1264 : vector<16xi32>
        scf.yield %parallel_loop3A_1265 : vector<16xi32>
      } {sc.loop_unroll_factor = 4 : i64, sc.parallel_access}
      %dma_start3A_1040 = arith.constant 3 : i32
      %dma_start3A_1041 = arith.constant 0 : i32
      %dma_start3A_1042 = tpu.memref_slice %arg9[%dma_start3A_1040, %dma_start3A_1041] : memref<8x64xi32, #tpu.memory_space<vmem>> -> memref<1x64xi32, #tpu.memory_space<vmem>>
      %dma_start3A_1043 = tpu.memref_squeeze %dma_start3A_1042 : memref<1x64xi32, #tpu.memory_space<vmem>> -> memref<64xi32, #tpu.memory_space<vmem>>
      %dma_start3A_1044 = arith.constant 0 : i32
      %dma_start3A_1045 = arith.constant 0 : i32
      %dma_start3A_1046 = tpu.memref_slice %arg14[%dma_start3A_1044, %dma_start3A_1045] : memref<10240x144xf32, #tpu.memory_space<vmem_shared>> -> memref<10240x144xf32, #tpu.memory_space<vmem_shared>>
      tpu.enqueue_indirect_dma source(%arg12 : memref<64x144xf32, #tpu.memory_space<vmem>>) target(%dma_start3A_1046 : memref<10240x144xf32, #tpu.memory_space<vmem_shared>>) offsets(%dma_start3A_1043 : memref<64xi32, #tpu.memory_space<vmem>>) semaphore(%arg18 : memref<!tpu.dma_semaphore, #tpu.memory_space<semaphore_mem>>) {add = true}
      %dma_wait3A_1047 = arith.constant 2 : i32
      %dma_wait3A_1048 = arith.constant 0 : i32
      %dma_wait3A_1049 = tpu.memref_slice %arg9[%dma_wait3A_1047, %dma_wait3A_1048] : memref<8x64xi32, #tpu.memory_space<vmem>> -> memref<1x64xi32, #tpu.memory_space<vmem>>
      %dma_wait3A_1050 = tpu.memref_squeeze %dma_wait3A_1049 : memref<1x64xi32, #tpu.memory_space<vmem>> -> memref<64xi32, #tpu.memory_space<vmem>>
      %dma_wait3A_1051 = arith.constant 0 : i32
      %dma_wait3A_1052 = arith.constant 0 : i32
      %dma_wait3A_1053 = tpu.memref_slice %arg14[%dma_wait3A_1051, %dma_wait3A_1052] : memref<10240x144xf32, #tpu.memory_space<vmem_shared>> -> memref<10240x144xf32, #tpu.memory_space<vmem_shared>>
      tpu.wait_indirect_dma semaphore(%arg17 : memref<!tpu.dma_semaphore, #tpu.memory_space<semaphore_mem>>) src(%arg11 : memref<64x144xf32, #tpu.memory_space<vmem>>) dst(%dma_wait3A_1053 : memref<10240x144xf32, #tpu.memory_space<vmem_shared>>)
      %dma_start3A_1054 = arith.constant 4 : i32
      %dma_start3A_1055 = arith.constant 0 : i32
      %dma_start3A_1056 = tpu.memref_slice %arg8[%dma_start3A_1054, %dma_start3A_1055] : memref<8x64xi32, #tpu.memory_space<vmem>> -> memref<1x64xi32, #tpu.memory_space<vmem>>
      %dma_start3A_1057 = tpu.memref_squeeze %dma_start3A_1056 : memref<1x64xi32, #tpu.memory_space<vmem>> -> memref<64xi32, #tpu.memory_space<vmem>>
      %dma_start3A_1058 = arith.constant 0 : i32
      %dma_start3A_1059 = arith.constant 0 : i32
      %dma_start3A_1060 = tpu.memref_slice %arg5[%dma_start3A_1058, %dma_start3A_1059] : memref<20480x144xf32, #tpu.memory_space<hbm>> -> memref<20480x144xf32, #tpu.memory_space<hbm>>
      tpu.enqueue_indirect_dma source(%dma_start3A_1060 : memref<20480x144xf32, #tpu.memory_space<hbm>>) target(%arg11 : memref<64x144xf32, #tpu.memory_space<vmem>>) offsets(%dma_start3A_1057 : memref<64xi32, #tpu.memory_space<vmem>>) semaphore(%arg15 : memref<!tpu.dma_semaphore, #tpu.memory_space<semaphore_mem>>)
      %dma_wait3A_1061 = arith.constant 4 : i32
      %dma_wait3A_1062 = arith.constant 0 : i32
      %dma_wait3A_1063 = tpu.memref_slice %arg8[%dma_wait3A_1061, %dma_wait3A_1062] : memref<8x64xi32, #tpu.memory_space<vmem>> -> memref<1x64xi32, #tpu.memory_space<vmem>>
      %dma_wait3A_1064 = tpu.memref_squeeze %dma_wait3A_1063 : memref<1x64xi32, #tpu.memory_space<vmem>> -> memref<64xi32, #tpu.memory_space<vmem>>
      %dma_wait3A_1065 = arith.constant 0 : i32
      %dma_wait3A_1066 = arith.constant 0 : i32
      %dma_wait3A_1067 = tpu.memref_slice %arg5[%dma_wait3A_1065, %dma_wait3A_1066] : memref<20480x144xf32, #tpu.memory_space<hbm>> -> memref<20480x144xf32, #tpu.memory_space<hbm>>
      tpu.wait_indirect_dma semaphore(%arg15 : memref<!tpu.dma_semaphore, #tpu.memory_space<semaphore_mem>>) src(%dma_wait3A_1067 : memref<20480x144xf32, #tpu.memory_space<hbm>>) dst(%arg11 : memref<64x144xf32, #tpu.memory_space<vmem>>)
      %broadcast_in_dim3A_1068 = arith.constant 1024 : i32
      %broadcast_in_dim3A_1069 = vector.broadcast %broadcast_in_dim3A_1068 : i32 to vector<16xi32>
      %add3A_1070 = vector.broadcast %mul3A_0 : i32 to vector<16xi32>
      %add3A_1071 = arith.addi %broadcast_in_dim3A_1069, %add3A_1070 : vector<16xi32>
      %parallel_loop3A_1072 = arith.constant 0 : i32
      %parallel_loop3A_1073 = arith.constant 64 : i32
      %parallel_loop3A_1074 = arith.constant 1 : i32
      %parallel_loop3A_1075 = scf.for %parallel_loop3A_1191 = %parallel_loop3A_1072 to %parallel_loop3A_1073 step %parallel_loop3A_1074 iter_args(%parallel_loop3A_1192 = %add3A_1071) -> (vector<16xi32>)  : i32 {
        %parallel_loop3A_1193 = tpu.vector_load_idx %arg10[%parallel_loop3A_1192] : memref<2048xf32, #tpu.memory_space<vmem>>[vector<16xi32>], vector<16xf32>,
        %parallel_loop3A_1194 = arith.constant 1 : i32
        %parallel_loop3A_1195 = vector.broadcast %parallel_loop3A_1194 : i32 to vector<16xi32>
        %parallel_loop3A_1196 = arith.addi %parallel_loop3A_1192, %parallel_loop3A_1195 : vector<16xi32>
        %parallel_loop3A_1197 = tpu.vector_load_idx %arg10[%parallel_loop3A_1196] : memref<2048xf32, #tpu.memory_space<vmem>>[vector<16xi32>], vector<16xf32>,
        %parallel_loop3A_1198 = arith.addi %parallel_loop3A_1192, %shift_right_logical3A_873 : vector<16xi32>
        %parallel_loop3A_1199 = tpu.vector_load_idx %arg10[%parallel_loop3A_1198] : memref<2048xf32, #tpu.memory_space<vmem>>[vector<16xi32>], vector<16xf32>,
        %parallel_loop3A_1200 = arith.index_cast %parallel_loop3A_1191 : i32 to index
        %parallel_loop3A_1201 = arith.constant 0 : index
        %parallel_loop3A_1202 = tpu.vector_load %arg11[%parallel_loop3A_1200, %parallel_loop3A_1201] {strides = array<i32>} : memref<64x144xf32, #tpu.memory_space<vmem>>, vector<16xf32>,
        %parallel_loop3A_1203 = arith.mulf %parallel_loop3A_1202, %parallel_loop3A_1193 : vector<16xf32>
        %parallel_loop3A_1204 = arith.index_cast %parallel_loop3A_1191 : i32 to index
        %parallel_loop3A_1205 = arith.constant 0 : index
        %parallel_loop3A_1206 = tpu.vector_load %arg11[%parallel_loop3A_1204, %parallel_loop3A_1205] {strides = array<i32>} : memref<64x144xf32, #tpu.memory_space<vmem>>, vector<16xf32>,
        tpu.vector_store %arg11[%parallel_loop3A_1204, %parallel_loop3A_1205], %parallel_loop3A_1203 {strides = array<i32>} : memref<64x144xf32, #tpu.memory_space<vmem>>, vector<16xf32>,
        %parallel_loop3A_1207 = arith.index_cast %parallel_loop3A_1191 : i32 to index
        %parallel_loop3A_1208 = arith.constant 16 : index
        %parallel_loop3A_1209 = tpu.vector_load %arg11[%parallel_loop3A_1207, %parallel_loop3A_1208] {strides = array<i32>} : memref<64x144xf32, #tpu.memory_space<vmem>>, vector<16xf32>,
        %parallel_loop3A_1210 = arith.mulf %parallel_loop3A_1209, %parallel_loop3A_1193 : vector<16xf32>
        %parallel_loop3A_1211 = arith.index_cast %parallel_loop3A_1191 : i32 to index
        %parallel_loop3A_1212 = arith.constant 16 : index
        %parallel_loop3A_1213 = tpu.vector_load %arg11[%parallel_loop3A_1211, %parallel_loop3A_1212] {strides = array<i32>} : memref<64x144xf32, #tpu.memory_space<vmem>>, vector<16xf32>,
        tpu.vector_store %arg11[%parallel_loop3A_1211, %parallel_loop3A_1212], %parallel_loop3A_1210 {strides = array<i32>} : memref<64x144xf32, #tpu.memory_space<vmem>>, vector<16xf32>,
        %parallel_loop3A_1214 = arith.index_cast %parallel_loop3A_1191 : i32 to index
        %parallel_loop3A_1215 = arith.constant 32 : index
        %parallel_loop3A_1216 = tpu.vector_load %arg11[%parallel_loop3A_1214, %parallel_loop3A_1215] {strides = array<i32>} : memref<64x144xf32, #tpu.memory_space<vmem>>, vector<16xf32>,
        %parallel_loop3A_1217 = arith.mulf %parallel_loop3A_1216, %parallel_loop3A_1193 : vector<16xf32>
        %parallel_loop3A_1218 = arith.index_cast %parallel_loop3A_1191 : i32 to index
        %parallel_loop3A_1219 = arith.constant 32 : index
        %parallel_loop3A_1220 = tpu.vector_load %arg11[%parallel_loop3A_1218, %parallel_loop3A_1219] {strides = array<i32>} : memref<64x144xf32, #tpu.memory_space<vmem>>, vector<16xf32>,
        tpu.vector_store %arg11[%parallel_loop3A_1218, %parallel_loop3A_1219], %parallel_loop3A_1217 {strides = array<i32>} : memref<64x144xf32, #tpu.memory_space<vmem>>, vector<16xf32>,
        %parallel_loop3A_1221 = arith.index_cast %parallel_loop3A_1191 : i32 to index
        %parallel_loop3A_1222 = arith.constant 48 : index
        %parallel_loop3A_1223 = tpu.vector_load %arg11[%parallel_loop3A_1221, %parallel_loop3A_1222] {strides = array<i32>} : memref<64x144xf32, #tpu.memory_space<vmem>>, vector<16xf32>,
        %parallel_loop3A_1224 = arith.mulf %parallel_loop3A_1223, %parallel_loop3A_1193 : vector<16xf32>
        %parallel_loop3A_1225 = arith.index_cast %parallel_loop3A_1191 : i32 to index
        %parallel_loop3A_1226 = arith.constant 48 : index
        %parallel_loop3A_1227 = tpu.vector_load %arg11[%parallel_loop3A_1225, %parallel_loop3A_1226] {strides = array<i32>} : memref<64x144xf32, #tpu.memory_space<vmem>>, vector<16xf32>,
        tpu.vector_store %arg11[%parallel_loop3A_1225, %parallel_loop3A_1226], %parallel_loop3A_1224 {strides = array<i32>} : memref<64x144xf32, #tpu.memory_space<vmem>>, vector<16xf32>,
        %parallel_loop3A_1228 = arith.index_cast %parallel_loop3A_1191 : i32 to index
        %parallel_loop3A_1229 = arith.constant 64 : index
        %parallel_loop3A_1230 = tpu.vector_load %arg11[%parallel_loop3A_1228, %parallel_loop3A_1229] {strides = array<i32>} : memref<64x144xf32, #tpu.memory_space<vmem>>, vector<16xf32>,
        %parallel_loop3A_1231 = arith.mulf %parallel_loop3A_1230, %parallel_loop3A_1197 : vector<16xf32>
        %parallel_loop3A_1232 = arith.index_cast %parallel_loop3A_1191 : i32 to index
        %parallel_loop3A_1233 = arith.constant 64 : index
        %parallel_loop3A_1234 = tpu.vector_load %arg11[%parallel_loop3A_1232, %parallel_loop3A_1233] {strides = array<i32>} : memref<64x144xf32, #tpu.memory_space<vmem>>, vector<16xf32>,
        tpu.vector_store %arg11[%parallel_loop3A_1232, %parallel_loop3A_1233], %parallel_loop3A_1231 {strides = array<i32>} : memref<64x144xf32, #tpu.memory_space<vmem>>, vector<16xf32>,
        %parallel_loop3A_1235 = arith.index_cast %parallel_loop3A_1191 : i32 to index
        %parallel_loop3A_1236 = arith.constant 80 : index
        %parallel_loop3A_1237 = tpu.vector_load %arg11[%parallel_loop3A_1235, %parallel_loop3A_1236] {strides = array<i32>} : memref<64x144xf32, #tpu.memory_space<vmem>>, vector<16xf32>,
        %parallel_loop3A_1238 = arith.mulf %parallel_loop3A_1237, %parallel_loop3A_1197 : vector<16xf32>
        %parallel_loop3A_1239 = arith.index_cast %parallel_loop3A_1191 : i32 to index
        %parallel_loop3A_1240 = arith.constant 80 : index
        %parallel_loop3A_1241 = tpu.vector_load %arg11[%parallel_loop3A_1239, %parallel_loop3A_1240] {strides = array<i32>} : memref<64x144xf32, #tpu.memory_space<vmem>>, vector<16xf32>,
        tpu.vector_store %arg11[%parallel_loop3A_1239, %parallel_loop3A_1240], %parallel_loop3A_1238 {strides = array<i32>} : memref<64x144xf32, #tpu.memory_space<vmem>>, vector<16xf32>,
        %parallel_loop3A_1242 = arith.index_cast %parallel_loop3A_1191 : i32 to index
        %parallel_loop3A_1243 = arith.constant 96 : index
        %parallel_loop3A_1244 = tpu.vector_load %arg11[%parallel_loop3A_1242, %parallel_loop3A_1243] {strides = array<i32>} : memref<64x144xf32, #tpu.memory_space<vmem>>, vector<16xf32>,
        %parallel_loop3A_1245 = arith.mulf %parallel_loop3A_1244, %parallel_loop3A_1197 : vector<16xf32>
        %parallel_loop3A_1246 = arith.index_cast %parallel_loop3A_1191 : i32 to index
        %parallel_loop3A_1247 = arith.constant 96 : index
        %parallel_loop3A_1248 = tpu.vector_load %arg11[%parallel_loop3A_1246, %parallel_loop3A_1247] {strides = array<i32>} : memref<64x144xf32, #tpu.memory_space<vmem>>, vector<16xf32>,
        tpu.vector_store %arg11[%parallel_loop3A_1246, %parallel_loop3A_1247], %parallel_loop3A_1245 {strides = array<i32>} : memref<64x144xf32, #tpu.memory_space<vmem>>, vector<16xf32>,
        %parallel_loop3A_1249 = arith.index_cast %parallel_loop3A_1191 : i32 to index
        %parallel_loop3A_1250 = arith.constant 112 : index
        %parallel_loop3A_1251 = tpu.vector_load %arg11[%parallel_loop3A_1249, %parallel_loop3A_1250] {strides = array<i32>} : memref<64x144xf32, #tpu.memory_space<vmem>>, vector<16xf32>,
        %parallel_loop3A_1252 = arith.mulf %parallel_loop3A_1251, %parallel_loop3A_1197 : vector<16xf32>
        %parallel_loop3A_1253 = arith.index_cast %parallel_loop3A_1191 : i32 to index
        %parallel_loop3A_1254 = arith.constant 112 : index
        %parallel_loop3A_1255 = tpu.vector_load %arg11[%parallel_loop3A_1253, %parallel_loop3A_1254] {strides = array<i32>} : memref<64x144xf32, #tpu.memory_space<vmem>>, vector<16xf32>,
        tpu.vector_store %arg11[%parallel_loop3A_1253, %parallel_loop3A_1254], %parallel_loop3A_1252 {strides = array<i32>} : memref<64x144xf32, #tpu.memory_space<vmem>>, vector<16xf32>,
        %parallel_loop3A_1256 = arith.index_cast %parallel_loop3A_1191 : i32 to index
        %parallel_loop3A_1257 = arith.constant 128 : index
        %parallel_loop3A_1258 = tpu.vector_load %arg11[%parallel_loop3A_1256, %parallel_loop3A_1257] {strides = array<i32>} : memref<64x144xf32, #tpu.memory_space<vmem>>, vector<16xf32>,
        %parallel_loop3A_1259 = arith.mulf %parallel_loop3A_1258, %parallel_loop3A_1199 : vector<16xf32>
        %parallel_loop3A_1260 = arith.index_cast %parallel_loop3A_1191 : i32 to index
        %parallel_loop3A_1261 = arith.constant 128 : index
        %parallel_loop3A_1262 = tpu.vector_load %arg11[%parallel_loop3A_1260, %parallel_loop3A_1261] {strides = array<i32>} : memref<64x144xf32, #tpu.memory_space<vmem>>, vector<16xf32>,
        tpu.vector_store %arg11[%parallel_loop3A_1260, %parallel_loop3A_1261], %parallel_loop3A_1259 {strides = array<i32>} : memref<64x144xf32, #tpu.memory_space<vmem>>, vector<16xf32>,
        %parallel_loop3A_1263 = arith.constant 4 : i32
        %parallel_loop3A_1264 = vector.broadcast %parallel_loop3A_1263 : i32 to vector<16xi32>
        %parallel_loop3A_1265 = arith.addi %parallel_loop3A_1192, %parallel_loop3A_1264 : vector<16xi32>
        scf.yield %parallel_loop3A_1265 : vector<16xi32>
      } {sc.loop_unroll_factor = 4 : i64, sc.parallel_access}
      %dma_start3A_1076 = arith.constant 4 : i32
      %dma_start3A_1077 = arith.constant 0 : i32
      %dma_start3A_1078 = tpu.memref_slice %arg9[%dma_start3A_1076, %dma_start3A_1077] : memref<8x64xi32, #tpu.memory_space<vmem>> -> memref<1x64xi32, #tpu.memory_space<vmem>>
      %dma_start3A_1079 = tpu.memref_squeeze %dma_start3A_1078 : memref<1x64xi32, #tpu.memory_space<vmem>> -> memref<64xi32, #tpu.memory_space<vmem>>
      %dma_start3A_1080 = arith.constant 0 : i32
      %dma_start3A_1081 = arith.constant 0 : i32
      %dma_start3A_1082 = tpu.memref_slice %arg14[%dma_start3A_1080, %dma_start3A_1081] : memref<10240x144xf32, #tpu.memory_space<vmem_shared>> -> memref<10240x144xf32, #tpu.memory_space<vmem_shared>>
      tpu.enqueue_indirect_dma source(%arg11 : memref<64x144xf32, #tpu.memory_space<vmem>>) target(%dma_start3A_1082 : memref<10240x144xf32, #tpu.memory_space<vmem_shared>>) offsets(%dma_start3A_1079 : memref<64xi32, #tpu.memory_space<vmem>>) semaphore(%arg17 : memref<!tpu.dma_semaphore, #tpu.memory_space<semaphore_mem>>) {add = true}
      %dma_wait3A_1083 = arith.constant 3 : i32
      %dma_wait3A_1084 = arith.constant 0 : i32
      %dma_wait3A_1085 = tpu.memref_slice %arg9[%dma_wait3A_1083, %dma_wait3A_1084] : memref<8x64xi32, #tpu.memory_space<vmem>> -> memref<1x64xi32, #tpu.memory_space<vmem>>
      %dma_wait3A_1086 = tpu.memref_squeeze %dma_wait3A_1085 : memref<1x64xi32, #tpu.memory_space<vmem>> -> memref<64xi32, #tpu.memory_space<vmem>>
      %dma_wait3A_1087 = arith.constant 0 : i32
      %dma_wait3A_1088 = arith.constant 0 : i32
      %dma_wait3A_1089 = tpu.memref_slice %arg14[%dma_wait3A_1087, %dma_wait3A_1088] : memref<10240x144xf32, #tpu.memory_space<vmem_shared>> -> memref<10240x144xf32, #tpu.memory_space<vmem_shared>>
      tpu.wait_indirect_dma semaphore(%arg18 : memref<!tpu.dma_semaphore, #tpu.memory_space<semaphore_mem>>) src(%arg12 : memref<64x144xf32, #tpu.memory_space<vmem>>) dst(%dma_wait3A_1089 : memref<10240x144xf32, #tpu.memory_space<vmem_shared>>)
      %dma_start3A_1090 = arith.constant 5 : i32
      %dma_start3A_1091 = arith.constant 0 : i32
      %dma_start3A_1092 = tpu.memref_slice %arg8[%dma_start3A_1090, %dma_start3A_1091] : memref<8x64xi32, #tpu.memory_space<vmem>> -> memref<1x64xi32, #tpu.memory_space<vmem>>
      %dma_start3A_1093 = tpu.memref_squeeze %dma_start3A_1092 : memref<1x64xi32, #tpu.memory_space<vmem>> -> memref<64xi32, #tpu.memory_space<vmem>>
      %dma_start3A_1094 = arith.constant 0 : i32
      %dma_start3A_1095 = arith.constant 0 : i32
      %dma_start3A_1096 = tpu.memref_slice %arg5[%dma_start3A_1094, %dma_start3A_1095] : memref<20480x144xf32, #tpu.memory_space<hbm>> -> memref<20480x144xf32, #tpu.memory_space<hbm>>
      tpu.enqueue_indirect_dma source(%dma_start3A_1096 : memref<20480x144xf32, #tpu.memory_space<hbm>>) target(%arg12 : memref<64x144xf32, #tpu.memory_space<vmem>>) offsets(%dma_start3A_1093 : memref<64xi32, #tpu.memory_space<vmem>>) semaphore(%arg16 : memref<!tpu.dma_semaphore, #tpu.memory_space<semaphore_mem>>)
      %dma_wait3A_1097 = arith.constant 5 : i32
      %dma_wait3A_1098 = arith.constant 0 : i32
      %dma_wait3A_1099 = tpu.memref_slice %arg8[%dma_wait3A_1097, %dma_wait3A_1098] : memref<8x64xi32, #tpu.memory_space<vmem>> -> memref<1x64xi32, #tpu.memory_space<vmem>>
      %dma_wait3A_1100 = tpu.memref_squeeze %dma_wait3A_1099 : memref<1x64xi32, #tpu.memory_space<vmem>> -> memref<64xi32, #tpu.memory_space<vmem>>
      %dma_wait3A_1101 = arith.constant 0 : i32
      %dma_wait3A_1102 = arith.constant 0 : i32
      %dma_wait3A_1103 = tpu.memref_slice %arg5[%dma_wait3A_1101, %dma_wait3A_1102] : memref<20480x144xf32, #tpu.memory_space<hbm>> -> memref<20480x144xf32, #tpu.memory_space<hbm>>
      tpu.wait_indirect_dma semaphore(%arg16 : memref<!tpu.dma_semaphore, #tpu.memory_space<semaphore_mem>>) src(%dma_wait3A_1103 : memref<20480x144xf32, #tpu.memory_space<hbm>>) dst(%arg12 : memref<64x144xf32, #tpu.memory_space<vmem>>)
      %broadcast_in_dim3A_1104 = arith.constant 1280 : i32
      %broadcast_in_dim3A_1105 = vector.broadcast %broadcast_in_dim3A_1104 : i32 to vector<16xi32>
      %add3A_1106 = vector.broadcast %mul3A_0 : i32 to vector<16xi32>
      %add3A_1107 = arith.addi %broadcast_in_dim3A_1105, %add3A_1106 : vector<16xi32>
      %parallel_loop3A_1108 = arith.constant 0 : i32
      %parallel_loop3A_1109 = arith.constant 64 : i32
      %parallel_loop3A_1110 = arith.constant 1 : i32
      %parallel_loop3A_1111 = scf.for %parallel_loop3A_1191 = %parallel_loop3A_1108 to %parallel_loop3A_1109 step %parallel_loop3A_1110 iter_args(%parallel_loop3A_1192 = %add3A_1107) -> (vector<16xi32>)  : i32 {
        %parallel_loop3A_1193 = tpu.vector_load_idx %arg10[%parallel_loop3A_1192] : memref<2048xf32, #tpu.memory_space<vmem>>[vector<16xi32>], vector<16xf32>,
        %parallel_loop3A_1194 = arith.constant 1 : i32
        %parallel_loop3A_1195 = vector.broadcast %parallel_loop3A_1194 : i32 to vector<16xi32>
        %parallel_loop3A_1196 = arith.addi %parallel_loop3A_1192, %parallel_loop3A_1195 : vector<16xi32>
        %parallel_loop3A_1197 = tpu.vector_load_idx %arg10[%parallel_loop3A_1196] : memref<2048xf32, #tpu.memory_space<vmem>>[vector<16xi32>], vector<16xf32>,
        %parallel_loop3A_1198 = arith.addi %parallel_loop3A_1192, %shift_right_logical3A_873 : vector<16xi32>
        %parallel_loop3A_1199 = tpu.vector_load_idx %arg10[%parallel_loop3A_1198] : memref<2048xf32, #tpu.memory_space<vmem>>[vector<16xi32>], vector<16xf32>,
        %parallel_loop3A_1200 = arith.index_cast %parallel_loop3A_1191 : i32 to index
        %parallel_loop3A_1201 = arith.constant 0 : index
        %parallel_loop3A_1202 = tpu.vector_load %arg12[%parallel_loop3A_1200, %parallel_loop3A_1201] {strides = array<i32>} : memref<64x144xf32, #tpu.memory_space<vmem>>, vector<16xf32>,
        %parallel_loop3A_1203 = arith.mulf %parallel_loop3A_1202, %parallel_loop3A_1193 : vector<16xf32>
        %parallel_loop3A_1204 = arith.index_cast %parallel_loop3A_1191 : i32 to index
        %parallel_loop3A_1205 = arith.constant 0 : index
        %parallel_loop3A_1206 = tpu.vector_load %arg12[%parallel_loop3A_1204, %parallel_loop3A_1205] {strides = array<i32>} : memref<64x144xf32, #tpu.memory_space<vmem>>, vector<16xf32>,
        tpu.vector_store %arg12[%parallel_loop3A_1204, %parallel_loop3A_1205], %parallel_loop3A_1203 {strides = array<i32>} : memref<64x144xf32, #tpu.memory_space<vmem>>, vector<16xf32>,
        %parallel_loop3A_1207 = arith.index_cast %parallel_loop3A_1191 : i32 to index
        %parallel_loop3A_1208 = arith.constant 16 : index
        %parallel_loop3A_1209 = tpu.vector_load %arg12[%parallel_loop3A_1207, %parallel_loop3A_1208] {strides = array<i32>} : memref<64x144xf32, #tpu.memory_space<vmem>>, vector<16xf32>,
        %parallel_loop3A_1210 = arith.mulf %parallel_loop3A_1209, %parallel_loop3A_1193 : vector<16xf32>
        %parallel_loop3A_1211 = arith.index_cast %parallel_loop3A_1191 : i32 to index
        %parallel_loop3A_1212 = arith.constant 16 : index
        %parallel_loop3A_1213 = tpu.vector_load %arg12[%parallel_loop3A_1211, %parallel_loop3A_1212] {strides = array<i32>} : memref<64x144xf32, #tpu.memory_space<vmem>>, vector<16xf32>,
        tpu.vector_store %arg12[%parallel_loop3A_1211, %parallel_loop3A_1212], %parallel_loop3A_1210 {strides = array<i32>} : memref<64x144xf32, #tpu.memory_space<vmem>>, vector<16xf32>,
        %parallel_loop3A_1214 = arith.index_cast %parallel_loop3A_1191 : i32 to index
        %parallel_loop3A_1215 = arith.constant 32 : index
        %parallel_loop3A_1216 = tpu.vector_load %arg12[%parallel_loop3A_1214, %parallel_loop3A_1215] {strides = array<i32>} : memref<64x144xf32, #tpu.memory_space<vmem>>, vector<16xf32>,
        %parallel_loop3A_1217 = arith.mulf %parallel_loop3A_1216, %parallel_loop3A_1193 : vector<16xf32>
        %parallel_loop3A_1218 = arith.index_cast %parallel_loop3A_1191 : i32 to index
        %parallel_loop3A_1219 = arith.constant 32 : index
        %parallel_loop3A_1220 = tpu.vector_load %arg12[%parallel_loop3A_1218, %parallel_loop3A_1219] {strides = array<i32>} : memref<64x144xf32, #tpu.memory_space<vmem>>, vector<16xf32>,
        tpu.vector_store %arg12[%parallel_loop3A_1218, %parallel_loop3A_1219], %parallel_loop3A_1217 {strides = array<i32>} : memref<64x144xf32, #tpu.memory_space<vmem>>, vector<16xf32>,
        %parallel_loop3A_1221 = arith.index_cast %parallel_loop3A_1191 : i32 to index
        %parallel_loop3A_1222 = arith.constant 48 : index
        %parallel_loop3A_1223 = tpu.vector_load %arg12[%parallel_loop3A_1221, %parallel_loop3A_1222] {strides = array<i32>} : memref<64x144xf32, #tpu.memory_space<vmem>>, vector<16xf32>,
        %parallel_loop3A_1224 = arith.mulf %parallel_loop3A_1223, %parallel_loop3A_1193 : vector<16xf32>
        %parallel_loop3A_1225 = arith.index_cast %parallel_loop3A_1191 : i32 to index
        %parallel_loop3A_1226 = arith.constant 48 : index
        %parallel_loop3A_1227 = tpu.vector_load %arg12[%parallel_loop3A_1225, %parallel_loop3A_1226] {strides = array<i32>} : memref<64x144xf32, #tpu.memory_space<vmem>>, vector<16xf32>,
        tpu.vector_store %arg12[%parallel_loop3A_1225, %parallel_loop3A_1226], %parallel_loop3A_1224 {strides = array<i32>} : memref<64x144xf32, #tpu.memory_space<vmem>>, vector<16xf32>,
        %parallel_loop3A_1228 = arith.index_cast %parallel_loop3A_1191 : i32 to index
        %parallel_loop3A_1229 = arith.constant 64 : index
        %parallel_loop3A_1230 = tpu.vector_load %arg12[%parallel_loop3A_1228, %parallel_loop3A_1229] {strides = array<i32>} : memref<64x144xf32, #tpu.memory_space<vmem>>, vector<16xf32>,
        %parallel_loop3A_1231 = arith.mulf %parallel_loop3A_1230, %parallel_loop3A_1197 : vector<16xf32>
        %parallel_loop3A_1232 = arith.index_cast %parallel_loop3A_1191 : i32 to index
        %parallel_loop3A_1233 = arith.constant 64 : index
        %parallel_loop3A_1234 = tpu.vector_load %arg12[%parallel_loop3A_1232, %parallel_loop3A_1233] {strides = array<i32>} : memref<64x144xf32, #tpu.memory_space<vmem>>, vector<16xf32>,
        tpu.vector_store %arg12[%parallel_loop3A_1232, %parallel_loop3A_1233], %parallel_loop3A_1231 {strides = array<i32>} : memref<64x144xf32, #tpu.memory_space<vmem>>, vector<16xf32>,
        %parallel_loop3A_1235 = arith.index_cast %parallel_loop3A_1191 : i32 to index
        %parallel_loop3A_1236 = arith.constant 80 : index
        %parallel_loop3A_1237 = tpu.vector_load %arg12[%parallel_loop3A_1235, %parallel_loop3A_1236] {strides = array<i32>} : memref<64x144xf32, #tpu.memory_space<vmem>>, vector<16xf32>,
        %parallel_loop3A_1238 = arith.mulf %parallel_loop3A_1237, %parallel_loop3A_1197 : vector<16xf32>
        %parallel_loop3A_1239 = arith.index_cast %parallel_loop3A_1191 : i32 to index
        %parallel_loop3A_1240 = arith.constant 80 : index
        %parallel_loop3A_1241 = tpu.vector_load %arg12[%parallel_loop3A_1239, %parallel_loop3A_1240] {strides = array<i32>} : memref<64x144xf32, #tpu.memory_space<vmem>>, vector<16xf32>,
        tpu.vector_store %arg12[%parallel_loop3A_1239, %parallel_loop3A_1240], %parallel_loop3A_1238 {strides = array<i32>} : memref<64x144xf32, #tpu.memory_space<vmem>>, vector<16xf32>,
        %parallel_loop3A_1242 = arith.index_cast %parallel_loop3A_1191 : i32 to index
        %parallel_loop3A_1243 = arith.constant 96 : index
        %parallel_loop3A_1244 = tpu.vector_load %arg12[%parallel_loop3A_1242, %parallel_loop3A_1243] {strides = array<i32>} : memref<64x144xf32, #tpu.memory_space<vmem>>, vector<16xf32>,
        %parallel_loop3A_1245 = arith.mulf %parallel_loop3A_1244, %parallel_loop3A_1197 : vector<16xf32>
        %parallel_loop3A_1246 = arith.index_cast %parallel_loop3A_1191 : i32 to index
        %parallel_loop3A_1247 = arith.constant 96 : index
        %parallel_loop3A_1248 = tpu.vector_load %arg12[%parallel_loop3A_1246, %parallel_loop3A_1247] {strides = array<i32>} : memref<64x144xf32, #tpu.memory_space<vmem>>, vector<16xf32>,
        tpu.vector_store %arg12[%parallel_loop3A_1246, %parallel_loop3A_1247], %parallel_loop3A_1245 {strides = array<i32>} : memref<64x144xf32, #tpu.memory_space<vmem>>, vector<16xf32>,
        %parallel_loop3A_1249 = arith.index_cast %parallel_loop3A_1191 : i32 to index
        %parallel_loop3A_1250 = arith.constant 112 : index
        %parallel_loop3A_1251 = tpu.vector_load %arg12[%parallel_loop3A_1249, %parallel_loop3A_1250] {strides = array<i32>} : memref<64x144xf32, #tpu.memory_space<vmem>>, vector<16xf32>,
        %parallel_loop3A_1252 = arith.mulf %parallel_loop3A_1251, %parallel_loop3A_1197 : vector<16xf32>
        %parallel_loop3A_1253 = arith.index_cast %parallel_loop3A_1191 : i32 to index
        %parallel_loop3A_1254 = arith.constant 112 : index
        %parallel_loop3A_1255 = tpu.vector_load %arg12[%parallel_loop3A_1253, %parallel_loop3A_1254] {strides = array<i32>} : memref<64x144xf32, #tpu.memory_space<vmem>>, vector<16xf32>,
        tpu.vector_store %arg12[%parallel_loop3A_1253, %parallel_loop3A_1254], %parallel_loop3A_1252 {strides = array<i32>} : memref<64x144xf32, #tpu.memory_space<vmem>>, vector<16xf32>,
        %parallel_loop3A_1256 = arith.index_cast %parallel_loop3A_1191 : i32 to index
        %parallel_loop3A_1257 = arith.constant 128 : index
        %parallel_loop3A_1258 = tpu.vector_load %arg12[%parallel_loop3A_1256, %parallel_loop3A_1257] {strides = array<i32>} : memref<64x144xf32, #tpu.memory_space<vmem>>, vector<16xf32>,
        %parallel_loop3A_1259 = arith.mulf %parallel_loop3A_1258, %parallel_loop3A_1199 : vector<16xf32>
        %parallel_loop3A_1260 = arith.index_cast %parallel_loop3A_1191 : i32 to index
        %parallel_loop3A_1261 = arith.constant 128 : index
        %parallel_loop3A_1262 = tpu.vector_load %arg12[%parallel_loop3A_1260, %parallel_loop3A_1261] {strides = array<i32>} : memref<64x144xf32, #tpu.memory_space<vmem>>, vector<16xf32>,
        tpu.vector_store %arg12[%parallel_loop3A_1260, %parallel_loop3A_1261], %parallel_loop3A_1259 {strides = array<i32>} : memref<64x144xf32, #tpu.memory_space<vmem>>, vector<16xf32>,
        %parallel_loop3A_1263 = arith.constant 4 : i32
        %parallel_loop3A_1264 = vector.broadcast %parallel_loop3A_1263 : i32 to vector<16xi32>
        %parallel_loop3A_1265 = arith.addi %parallel_loop3A_1192, %parallel_loop3A_1264 : vector<16xi32>
        scf.yield %parallel_loop3A_1265 : vector<16xi32>
      } {sc.loop_unroll_factor = 4 : i64, sc.parallel_access}
      %dma_start3A_1112 = arith.constant 5 : i32
      %dma_start3A_1113 = arith.constant 0 : i32
      %dma_start3A_1114 = tpu.memref_slice %arg9[%dma_start3A_1112, %dma_start3A_1113] : memref<8x64xi32, #tpu.memory_space<vmem>> -> memref<1x64xi32, #tpu.memory_space<vmem>>
      %dma_start3A_1115 = tpu.memref_squeeze %dma_start3A_1114 : memref<1x64xi32, #tpu.memory_space<vmem>> -> memref<64xi32, #tpu.memory_space<vmem>>
      %dma_start3A_1116 = arith.constant 0 : i32
      %dma_start3A_1117 = arith.constant 0 : i32
      %dma_start3A_1118 = tpu.memref_slice %arg14[%dma_start3A_1116, %dma_start3A_1117] : memref<10240x144xf32, #tpu.memory_space<vmem_shared>> -> memref<10240x144xf32, #tpu.memory_space<vmem_shared>>
      tpu.enqueue_indirect_dma source(%arg12 : memref<64x144xf32, #tpu.memory_space<vmem>>) target(%dma_start3A_1118 : memref<10240x144xf32, #tpu.memory_space<vmem_shared>>) offsets(%dma_start3A_1115 : memref<64xi32, #tpu.memory_space<vmem>>) semaphore(%arg18 : memref<!tpu.dma_semaphore, #tpu.memory_space<semaphore_mem>>) {add = true}
      %dma_wait3A_1119 = arith.constant 4 : i32
      %dma_wait3A_1120 = arith.constant 0 : i32
      %dma_wait3A_1121 = tpu.memref_slice %arg9[%dma_wait3A_1119, %dma_wait3A_1120] : memref<8x64xi32, #tpu.memory_space<vmem>> -> memref<1x64xi32, #tpu.memory_space<vmem>>
      %dma_wait3A_1122 = tpu.memref_squeeze %dma_wait3A_1121 : memref<1x64xi32, #tpu.memory_space<vmem>> -> memref<64xi32, #tpu.memory_space<vmem>>
      %dma_wait3A_1123 = arith.constant 0 : i32
      %dma_wait3A_1124 = arith.constant 0 : i32
      %dma_wait3A_1125 = tpu.memref_slice %arg14[%dma_wait3A_1123, %dma_wait3A_1124] : memref<10240x144xf32, #tpu.memory_space<vmem_shared>> -> memref<10240x144xf32, #tpu.memory_space<vmem_shared>>
      tpu.wait_indirect_dma semaphore(%arg17 : memref<!tpu.dma_semaphore, #tpu.memory_space<semaphore_mem>>) src(%arg11 : memref<64x144xf32, #tpu.memory_space<vmem>>) dst(%dma_wait3A_1125 : memref<10240x144xf32, #tpu.memory_space<vmem_shared>>)
      %dma_start3A_1126 = arith.constant 6 : i32
      %dma_start3A_1127 = arith.constant 0 : i32
      %dma_start3A_1128 = tpu.memref_slice %arg8[%dma_start3A_1126, %dma_start3A_1127] : memref<8x64xi32, #tpu.memory_space<vmem>> -> memref<1x64xi32, #tpu.memory_space<vmem>>
      %dma_start3A_1129 = tpu.memref_squeeze %dma_start3A_1128 : memref<1x64xi32, #tpu.memory_space<vmem>> -> memref<64xi32, #tpu.memory_space<vmem>>
      %dma_start3A_1130 = arith.constant 0 : i32
      %dma_start3A_1131 = arith.constant 0 : i32
      %dma_start3A_1132 = tpu.memref_slice %arg5[%dma_start3A_1130, %dma_start3A_1131] : memref<20480x144xf32, #tpu.memory_space<hbm>> -> memref<20480x144xf32, #tpu.memory_space<hbm>>
      tpu.enqueue_indirect_dma source(%dma_start3A_1132 : memref<20480x144xf32, #tpu.memory_space<hbm>>) target(%arg11 : memref<64x144xf32, #tpu.memory_space<vmem>>) offsets(%dma_start3A_1129 : memref<64xi32, #tpu.memory_space<vmem>>) semaphore(%arg15 : memref<!tpu.dma_semaphore, #tpu.memory_space<semaphore_mem>>)
      %dma_wait3A_1133 = arith.constant 6 : i32
      %dma_wait3A_1134 = arith.constant 0 : i32
      %dma_wait3A_1135 = tpu.memref_slice %arg8[%dma_wait3A_1133, %dma_wait3A_1134] : memref<8x64xi32, #tpu.memory_space<vmem>> -> memref<1x64xi32, #tpu.memory_space<vmem>>
      %dma_wait3A_1136 = tpu.memref_squeeze %dma_wait3A_1135 : memref<1x64xi32, #tpu.memory_space<vmem>> -> memref<64xi32, #tpu.memory_space<vmem>>
      %dma_wait3A_1137 = arith.constant 0 : i32
      %dma_wait3A_1138 = arith.constant 0 : i32
      %dma_wait3A_1139 = tpu.memref_slice %arg5[%dma_wait3A_1137, %dma_wait3A_1138] : memref<20480x144xf32, #tpu.memory_space<hbm>> -> memref<20480x144xf32, #tpu.memory_space<hbm>>
      tpu.wait_indirect_dma semaphore(%arg15 : memref<!tpu.dma_semaphore, #tpu.memory_space<semaphore_mem>>) src(%dma_wait3A_1139 : memref<20480x144xf32, #tpu.memory_space<hbm>>) dst(%arg11 : memref<64x144xf32, #tpu.memory_space<vmem>>)
      %broadcast_in_dim3A_1140 = arith.constant 1536 : i32
      %broadcast_in_dim3A_1141 = vector.broadcast %broadcast_in_dim3A_1140 : i32 to vector<16xi32>
      %add3A_1142 = vector.broadcast %mul3A_0 : i32 to vector<16xi32>
      %add3A_1143 = arith.addi %broadcast_in_dim3A_1141, %add3A_1142 : vector<16xi32>
      %parallel_loop3A_1144 = arith.constant 0 : i32
      %parallel_loop3A_1145 = arith.constant 64 : i32
      %parallel_loop3A_1146 = arith.constant 1 : i32
      %parallel_loop3A_1147 = scf.for %parallel_loop3A_1191 = %parallel_loop3A_1144 to %parallel_loop3A_1145 step %parallel_loop3A_1146 iter_args(%parallel_loop3A_1192 = %add3A_1143) -> (vector<16xi32>)  : i32 {
        %parallel_loop3A_1193 = tpu.vector_load_idx %arg10[%parallel_loop3A_1192] : memref<2048xf32, #tpu.memory_space<vmem>>[vector<16xi32>], vector<16xf32>,
        %parallel_loop3A_1194 = arith.constant 1 : i32
        %parallel_loop3A_1195 = vector.broadcast %parallel_loop3A_1194 : i32 to vector<16xi32>
        %parallel_loop3A_1196 = arith.addi %parallel_loop3A_1192, %parallel_loop3A_1195 : vector<16xi32>
        %parallel_loop3A_1197 = tpu.vector_load_idx %arg10[%parallel_loop3A_1196] : memref<2048xf32, #tpu.memory_space<vmem>>[vector<16xi32>], vector<16xf32>,
        %parallel_loop3A_1198 = arith.addi %parallel_loop3A_1192, %shift_right_logical3A_873 : vector<16xi32>
        %parallel_loop3A_1199 = tpu.vector_load_idx %arg10[%parallel_loop3A_1198] : memref<2048xf32, #tpu.memory_space<vmem>>[vector<16xi32>], vector<16xf32>,
        %parallel_loop3A_1200 = arith.index_cast %parallel_loop3A_1191 : i32 to index
        %parallel_loop3A_1201 = arith.constant 0 : index
        %parallel_loop3A_1202 = tpu.vector_load %arg11[%parallel_loop3A_1200, %parallel_loop3A_1201] {strides = array<i32>} : memref<64x144xf32, #tpu.memory_space<vmem>>, vector<16xf32>,
        %parallel_loop3A_1203 = arith.mulf %parallel_loop3A_1202, %parallel_loop3A_1193 : vector<16xf32>
        %parallel_loop3A_1204 = arith.index_cast %parallel_loop3A_1191 : i32 to index
        %parallel_loop3A_1205 = arith.constant 0 : index
        %parallel_loop3A_1206 = tpu.vector_load %arg11[%parallel_loop3A_1204, %parallel_loop3A_1205] {strides = array<i32>} : memref<64x144xf32, #tpu.memory_space<vmem>>, vector<16xf32>,
        tpu.vector_store %arg11[%parallel_loop3A_1204, %parallel_loop3A_1205], %parallel_loop3A_1203 {strides = array<i32>} : memref<64x144xf32, #tpu.memory_space<vmem>>, vector<16xf32>,
        %parallel_loop3A_1207 = arith.index_cast %parallel_loop3A_1191 : i32 to index
        %parallel_loop3A_1208 = arith.constant 16 : index
        %parallel_loop3A_1209 = tpu.vector_load %arg11[%parallel_loop3A_1207, %parallel_loop3A_1208] {strides = array<i32>} : memref<64x144xf32, #tpu.memory_space<vmem>>, vector<16xf32>,
        %parallel_loop3A_1210 = arith.mulf %parallel_loop3A_1209, %parallel_loop3A_1193 : vector<16xf32>
        %parallel_loop3A_1211 = arith.index_cast %parallel_loop3A_1191 : i32 to index
        %parallel_loop3A_1212 = arith.constant 16 : index
        %parallel_loop3A_1213 = tpu.vector_load %arg11[%parallel_loop3A_1211, %parallel_loop3A_1212] {strides = array<i32>} : memref<64x144xf32, #tpu.memory_space<vmem>>, vector<16xf32>,
        tpu.vector_store %arg11[%parallel_loop3A_1211, %parallel_loop3A_1212], %parallel_loop3A_1210 {strides = array<i32>} : memref<64x144xf32, #tpu.memory_space<vmem>>, vector<16xf32>,
        %parallel_loop3A_1214 = arith.index_cast %parallel_loop3A_1191 : i32 to index
        %parallel_loop3A_1215 = arith.constant 32 : index
        %parallel_loop3A_1216 = tpu.vector_load %arg11[%parallel_loop3A_1214, %parallel_loop3A_1215] {strides = array<i32>} : memref<64x144xf32, #tpu.memory_space<vmem>>, vector<16xf32>,
        %parallel_loop3A_1217 = arith.mulf %parallel_loop3A_1216, %parallel_loop3A_1193 : vector<16xf32>
        %parallel_loop3A_1218 = arith.index_cast %parallel_loop3A_1191 : i32 to index
        %parallel_loop3A_1219 = arith.constant 32 : index
        %parallel_loop3A_1220 = tpu.vector_load %arg11[%parallel_loop3A_1218, %parallel_loop3A_1219] {strides = array<i32>} : memref<64x144xf32, #tpu.memory_space<vmem>>, vector<16xf32>,
        tpu.vector_store %arg11[%parallel_loop3A_1218, %parallel_loop3A_1219], %parallel_loop3A_1217 {strides = array<i32>} : memref<64x144xf32, #tpu.memory_space<vmem>>, vector<16xf32>,
        %parallel_loop3A_1221 = arith.index_cast %parallel_loop3A_1191 : i32 to index
        %parallel_loop3A_1222 = arith.constant 48 : index
        %parallel_loop3A_1223 = tpu.vector_load %arg11[%parallel_loop3A_1221, %parallel_loop3A_1222] {strides = array<i32>} : memref<64x144xf32, #tpu.memory_space<vmem>>, vector<16xf32>,
        %parallel_loop3A_1224 = arith.mulf %parallel_loop3A_1223, %parallel_loop3A_1193 : vector<16xf32>
        %parallel_loop3A_1225 = arith.index_cast %parallel_loop3A_1191 : i32 to index
        %parallel_loop3A_1226 = arith.constant 48 : index
        %parallel_loop3A_1227 = tpu.vector_load %arg11[%parallel_loop3A_1225, %parallel_loop3A_1226] {strides = array<i32>} : memref<64x144xf32, #tpu.memory_space<vmem>>, vector<16xf32>,
        tpu.vector_store %arg11[%parallel_loop3A_1225, %parallel_loop3A_1226], %parallel_loop3A_1224 {strides = array<i32>} : memref<64x144xf32, #tpu.memory_space<vmem>>, vector<16xf32>,
        %parallel_loop3A_1228 = arith.index_cast %parallel_loop3A_1191 : i32 to index
        %parallel_loop3A_1229 = arith.constant 64 : index
        %parallel_loop3A_1230 = tpu.vector_load %arg11[%parallel_loop3A_1228, %parallel_loop3A_1229] {strides = array<i32>} : memref<64x144xf32, #tpu.memory_space<vmem>>, vector<16xf32>,
        %parallel_loop3A_1231 = arith.mulf %parallel_loop3A_1230, %parallel_loop3A_1197 : vector<16xf32>
        %parallel_loop3A_1232 = arith.index_cast %parallel_loop3A_1191 : i32 to index
        %parallel_loop3A_1233 = arith.constant 64 : index
        %parallel_loop3A_1234 = tpu.vector_load %arg11[%parallel_loop3A_1232, %parallel_loop3A_1233] {strides = array<i32>} : memref<64x144xf32, #tpu.memory_space<vmem>>, vector<16xf32>,
        tpu.vector_store %arg11[%parallel_loop3A_1232, %parallel_loop3A_1233], %parallel_loop3A_1231 {strides = array<i32>} : memref<64x144xf32, #tpu.memory_space<vmem>>, vector<16xf32>,
        %parallel_loop3A_1235 = arith.index_cast %parallel_loop3A_1191 : i32 to index
        %parallel_loop3A_1236 = arith.constant 80 : index
        %parallel_loop3A_1237 = tpu.vector_load %arg11[%parallel_loop3A_1235, %parallel_loop3A_1236] {strides = array<i32>} : memref<64x144xf32, #tpu.memory_space<vmem>>, vector<16xf32>,
        %parallel_loop3A_1238 = arith.mulf %parallel_loop3A_1237, %parallel_loop3A_1197 : vector<16xf32>
        %parallel_loop3A_1239 = arith.index_cast %parallel_loop3A_1191 : i32 to index
        %parallel_loop3A_1240 = arith.constant 80 : index
        %parallel_loop3A_1241 = tpu.vector_load %arg11[%parallel_loop3A_1239, %parallel_loop3A_1240] {strides = array<i32>} : memref<64x144xf32, #tpu.memory_space<vmem>>, vector<16xf32>,
        tpu.vector_store %arg11[%parallel_loop3A_1239, %parallel_loop3A_1240], %parallel_loop3A_1238 {strides = array<i32>} : memref<64x144xf32, #tpu.memory_space<vmem>>, vector<16xf32>,
        %parallel_loop3A_1242 = arith.index_cast %parallel_loop3A_1191 : i32 to index
        %parallel_loop3A_1243 = arith.constant 96 : index
        %parallel_loop3A_1244 = tpu.vector_load %arg11[%parallel_loop3A_1242, %parallel_loop3A_1243] {strides = array<i32>} : memref<64x144xf32, #tpu.memory_space<vmem>>, vector<16xf32>,
        %parallel_loop3A_1245 = arith.mulf %parallel_loop3A_1244, %parallel_loop3A_1197 : vector<16xf32>
        %parallel_loop3A_1246 = arith.index_cast %parallel_loop3A_1191 : i32 to index
        %parallel_loop3A_1247 = arith.constant 96 : index
        %parallel_loop3A_1248 = tpu.vector_load %arg11[%parallel_loop3A_1246, %parallel_loop3A_1247] {strides = array<i32>} : memref<64x144xf32, #tpu.memory_space<vmem>>, vector<16xf32>,
        tpu.vector_store %arg11[%parallel_loop3A_1246, %parallel_loop3A_1247], %parallel_loop3A_1245 {strides = array<i32>} : memref<64x144xf32, #tpu.memory_space<vmem>>, vector<16xf32>,
        %parallel_loop3A_1249 = arith.index_cast %parallel_loop3A_1191 : i32 to index
        %parallel_loop3A_1250 = arith.constant 112 : index
        %parallel_loop3A_1251 = tpu.vector_load %arg11[%parallel_loop3A_1249, %parallel_loop3A_1250] {strides = array<i32>} : memref<64x144xf32, #tpu.memory_space<vmem>>, vector<16xf32>,
        %parallel_loop3A_1252 = arith.mulf %parallel_loop3A_1251, %parallel_loop3A_1197 : vector<16xf32>
        %parallel_loop3A_1253 = arith.index_cast %parallel_loop3A_1191 : i32 to index
        %parallel_loop3A_1254 = arith.constant 112 : index
        %parallel_loop3A_1255 = tpu.vector_load %arg11[%parallel_loop3A_1253, %parallel_loop3A_1254] {strides = array<i32>} : memref<64x144xf32, #tpu.memory_space<vmem>>, vector<16xf32>,
        tpu.vector_store %arg11[%parallel_loop3A_1253, %parallel_loop3A_1254], %parallel_loop3A_1252 {strides = array<i32>} : memref<64x144xf32, #tpu.memory_space<vmem>>, vector<16xf32>,
        %parallel_loop3A_1256 = arith.index_cast %parallel_loop3A_1191 : i32 to index
        %parallel_loop3A_1257 = arith.constant 128 : index
        %parallel_loop3A_1258 = tpu.vector_load %arg11[%parallel_loop3A_1256, %parallel_loop3A_1257] {strides = array<i32>} : memref<64x144xf32, #tpu.memory_space<vmem>>, vector<16xf32>,
        %parallel_loop3A_1259 = arith.mulf %parallel_loop3A_1258, %parallel_loop3A_1199 : vector<16xf32>
        %parallel_loop3A_1260 = arith.index_cast %parallel_loop3A_1191 : i32 to index
        %parallel_loop3A_1261 = arith.constant 128 : index
        %parallel_loop3A_1262 = tpu.vector_load %arg11[%parallel_loop3A_1260, %parallel_loop3A_1261] {strides = array<i32>} : memref<64x144xf32, #tpu.memory_space<vmem>>, vector<16xf32>,
        tpu.vector_store %arg11[%parallel_loop3A_1260, %parallel_loop3A_1261], %parallel_loop3A_1259 {strides = array<i32>} : memref<64x144xf32, #tpu.memory_space<vmem>>, vector<16xf32>,
        %parallel_loop3A_1263 = arith.constant 4 : i32
        %parallel_loop3A_1264 = vector.broadcast %parallel_loop3A_1263 : i32 to vector<16xi32>
        %parallel_loop3A_1265 = arith.addi %parallel_loop3A_1192, %parallel_loop3A_1264 : vector<16xi32>
        scf.yield %parallel_loop3A_1265 : vector<16xi32>
      } {sc.loop_unroll_factor = 4 : i64, sc.parallel_access}
      %dma_start3A_1148 = arith.constant 6 : i32
      %dma_start3A_1149 = arith.constant 0 : i32
      %dma_start3A_1150 = tpu.memref_slice %arg9[%dma_start3A_1148, %dma_start3A_1149] : memref<8x64xi32, #tpu.memory_space<vmem>> -> memref<1x64xi32, #tpu.memory_space<vmem>>
      %dma_start3A_1151 = tpu.memref_squeeze %dma_start3A_1150 : memref<1x64xi32, #tpu.memory_space<vmem>> -> memref<64xi32, #tpu.memory_space<vmem>>
      %dma_start3A_1152 = arith.constant 0 : i32
      %dma_start3A_1153 = arith.constant 0 : i32
      %dma_start3A_1154 = tpu.memref_slice %arg14[%dma_start3A_1152, %dma_start3A_1153] : memref<10240x144xf32, #tpu.memory_space<vmem_shared>> -> memref<10240x144xf32, #tpu.memory_space<vmem_shared>>
      tpu.enqueue_indirect_dma source(%arg11 : memref<64x144xf32, #tpu.memory_space<vmem>>) target(%dma_start3A_1154 : memref<10240x144xf32, #tpu.memory_space<vmem_shared>>) offsets(%dma_start3A_1151 : memref<64xi32, #tpu.memory_space<vmem>>) semaphore(%arg17 : memref<!tpu.dma_semaphore, #tpu.memory_space<semaphore_mem>>) {add = true}
      %dma_wait3A_1155 = arith.constant 5 : i32
      %dma_wait3A_1156 = arith.constant 0 : i32
      %dma_wait3A_1157 = tpu.memref_slice %arg9[%dma_wait3A_1155, %dma_wait3A_1156] : memref<8x64xi32, #tpu.memory_space<vmem>> -> memref<1x64xi32, #tpu.memory_space<vmem>>
      %dma_wait3A_1158 = tpu.memref_squeeze %dma_wait3A_1157 : memref<1x64xi32, #tpu.memory_space<vmem>> -> memref<64xi32, #tpu.memory_space<vmem>>
      %dma_wait3A_1159 = arith.constant 0 : i32
      %dma_wait3A_1160 = arith.constant 0 : i32
      %dma_wait3A_1161 = tpu.memref_slice %arg14[%dma_wait3A_1159, %dma_wait3A_1160] : memref<10240x144xf32, #tpu.memory_space<vmem_shared>> -> memref<10240x144xf32, #tpu.memory_space<vmem_shared>>
      tpu.wait_indirect_dma semaphore(%arg18 : memref<!tpu.dma_semaphore, #tpu.memory_space<semaphore_mem>>) src(%arg12 : memref<64x144xf32, #tpu.memory_space<vmem>>) dst(%dma_wait3A_1161 : memref<10240x144xf32, #tpu.memory_space<vmem_shared>>)
      %dma_start3A_1162 = arith.constant 7 : i32
      %dma_start3A_1163 = arith.constant 0 : i32
      %dma_start3A_1164 = tpu.memref_slice %arg8[%dma_start3A_1162, %dma_start3A_1163] : memref<8x64xi32, #tpu.memory_space<vmem>> -> memref<1x64xi32, #tpu.memory_space<vmem>>
      %dma_start3A_1165 = tpu.memref_squeeze %dma_start3A_1164 : memref<1x64xi32, #tpu.memory_space<vmem>> -> memref<64xi32, #tpu.memory_space<vmem>>
      %dma_start3A_1166 = arith.constant 0 : i32
      %dma_start3A_1167 = arith.constant 0 : i32
      %dma_start3A_1168 = tpu.memref_slice %arg5[%dma_start3A_1166, %dma_start3A_1167] : memref<20480x144xf32, #tpu.memory_space<hbm>> -> memref<20480x144xf32, #tpu.memory_space<hbm>>
      tpu.enqueue_indirect_dma source(%dma_start3A_1168 : memref<20480x144xf32, #tpu.memory_space<hbm>>) target(%arg12 : memref<64x144xf32, #tpu.memory_space<vmem>>) offsets(%dma_start3A_1165 : memref<64xi32, #tpu.memory_space<vmem>>) semaphore(%arg16 : memref<!tpu.dma_semaphore, #tpu.memory_space<semaphore_mem>>)
      %dma_wait3A_1169 = arith.constant 7 : i32
      %dma_wait3A_1170 = arith.constant 0 : i32
      %dma_wait3A_1171 = tpu.memref_slice %arg8[%dma_wait3A_1169, %dma_wait3A_1170] : memref<8x64xi32, #tpu.memory_space<vmem>> -> memref<1x64xi32, #tpu.memory_space<vmem>>
      %dma_wait3A_1172 = tpu.memref_squeeze %dma_wait3A_1171 : memref<1x64xi32, #tpu.memory_space<vmem>> -> memref<64xi32, #tpu.memory_space<vmem>>
      %dma_wait3A_1173 = arith.constant 0 : i32
      %dma_wait3A_1174 = arith.constant 0 : i32
      %dma_wait3A_1175 = tpu.memref_slice %arg5[%dma_wait3A_1173, %dma_wait3A_1174] : memref<20480x144xf32, #tpu.memory_space<hbm>> -> memref<20480x144xf32, #tpu.memory_space<hbm>>
      tpu.wait_indirect_dma semaphore(%arg16 : memref<!tpu.dma_semaphore, #tpu.memory_space<semaphore_mem>>) src(%dma_wait3A_1175 : memref<20480x144xf32, #tpu.memory_space<hbm>>) dst(%arg12 : memref<64x144xf32, #tpu.memory_space<vmem>>)
      %broadcast_in_dim3A_1176 = arith.constant 1792 : i32
      %broadcast_in_dim3A_1177 = vector.broadcast %broadcast_in_dim3A_1176 : i32 to vector<16xi32>
      %add3A_1178 = vector.broadcast %mul3A_0 : i32 to vector<16xi32>
      %add3A_1179 = arith.addi %broadcast_in_dim3A_1177, %add3A_1178 : vector<16xi32>
      %parallel_loop3A_1180 = arith.constant 0 : i32
      %parallel_loop3A_1181 = arith.constant 64 : i32
      %parallel_loop3A_1182 = arith.constant 1 : i32
      %parallel_loop3A_1183 = scf.for %parallel_loop3A_1191 = %parallel_loop3A_1180 to %parallel_loop3A_1181 step %parallel_loop3A_1182 iter_args(%parallel_loop3A_1192 = %add3A_1179) -> (vector<16xi32>)  : i32 {
        %parallel_loop3A_1193 = tpu.vector_load_idx %arg10[%parallel_loop3A_1192] : memref<2048xf32, #tpu.memory_space<vmem>>[vector<16xi32>], vector<16xf32>,
        %parallel_loop3A_1194 = arith.constant 1 : i32
        %parallel_loop3A_1195 = vector.broadcast %parallel_loop3A_1194 : i32 to vector<16xi32>
        %parallel_loop3A_1196 = arith.addi %parallel_loop3A_1192, %parallel_loop3A_1195 : vector<16xi32>
        %parallel_loop3A_1197 = tpu.vector_load_idx %arg10[%parallel_loop3A_1196] : memref<2048xf32, #tpu.memory_space<vmem>>[vector<16xi32>], vector<16xf32>,
        %parallel_loop3A_1198 = arith.addi %parallel_loop3A_1192, %shift_right_logical3A_873 : vector<16xi32>
        %parallel_loop3A_1199 = tpu.vector_load_idx %arg10[%parallel_loop3A_1198] : memref<2048xf32, #tpu.memory_space<vmem>>[vector<16xi32>], vector<16xf32>,
        %parallel_loop3A_1200 = arith.index_cast %parallel_loop3A_1191 : i32 to index
        %parallel_loop3A_1201 = arith.constant 0 : index
        %parallel_loop3A_1202 = tpu.vector_load %arg12[%parallel_loop3A_1200, %parallel_loop3A_1201] {strides = array<i32>} : memref<64x144xf32, #tpu.memory_space<vmem>>, vector<16xf32>,
        %parallel_loop3A_1203 = arith.mulf %parallel_loop3A_1202, %parallel_loop3A_1193 : vector<16xf32>
        %parallel_loop3A_1204 = arith.index_cast %parallel_loop3A_1191 : i32 to index
        %parallel_loop3A_1205 = arith.constant 0 : index
        %parallel_loop3A_1206 = tpu.vector_load %arg12[%parallel_loop3A_1204, %parallel_loop3A_1205] {strides = array<i32>} : memref<64x144xf32, #tpu.memory_space<vmem>>, vector<16xf32>,
        tpu.vector_store %arg12[%parallel_loop3A_1204, %parallel_loop3A_1205], %parallel_loop3A_1203 {strides = array<i32>} : memref<64x144xf32, #tpu.memory_space<vmem>>, vector<16xf32>,
        %parallel_loop3A_1207 = arith.index_cast %parallel_loop3A_1191 : i32 to index
        %parallel_loop3A_1208 = arith.constant 16 : index
        %parallel_loop3A_1209 = tpu.vector_load %arg12[%parallel_loop3A_1207, %parallel_loop3A_1208] {strides = array<i32>} : memref<64x144xf32, #tpu.memory_space<vmem>>, vector<16xf32>,
        %parallel_loop3A_1210 = arith.mulf %parallel_loop3A_1209, %parallel_loop3A_1193 : vector<16xf32>
        %parallel_loop3A_1211 = arith.index_cast %parallel_loop3A_1191 : i32 to index
        %parallel_loop3A_1212 = arith.constant 16 : index
        %parallel_loop3A_1213 = tpu.vector_load %arg12[%parallel_loop3A_1211, %parallel_loop3A_1212] {strides = array<i32>} : memref<64x144xf32, #tpu.memory_space<vmem>>, vector<16xf32>,
        tpu.vector_store %arg12[%parallel_loop3A_1211, %parallel_loop3A_1212], %parallel_loop3A_1210 {strides = array<i32>} : memref<64x144xf32, #tpu.memory_space<vmem>>, vector<16xf32>,
        %parallel_loop3A_1214 = arith.index_cast %parallel_loop3A_1191 : i32 to index
        %parallel_loop3A_1215 = arith.constant 32 : index
        %parallel_loop3A_1216 = tpu.vector_load %arg12[%parallel_loop3A_1214, %parallel_loop3A_1215] {strides = array<i32>} : memref<64x144xf32, #tpu.memory_space<vmem>>, vector<16xf32>,
        %parallel_loop3A_1217 = arith.mulf %parallel_loop3A_1216, %parallel_loop3A_1193 : vector<16xf32>
        %parallel_loop3A_1218 = arith.index_cast %parallel_loop3A_1191 : i32 to index
        %parallel_loop3A_1219 = arith.constant 32 : index
        %parallel_loop3A_1220 = tpu.vector_load %arg12[%parallel_loop3A_1218, %parallel_loop3A_1219] {strides = array<i32>} : memref<64x144xf32, #tpu.memory_space<vmem>>, vector<16xf32>,
        tpu.vector_store %arg12[%parallel_loop3A_1218, %parallel_loop3A_1219], %parallel_loop3A_1217 {strides = array<i32>} : memref<64x144xf32, #tpu.memory_space<vmem>>, vector<16xf32>,
        %parallel_loop3A_1221 = arith.index_cast %parallel_loop3A_1191 : i32 to index
        %parallel_loop3A_1222 = arith.constant 48 : index
        %parallel_loop3A_1223 = tpu.vector_load %arg12[%parallel_loop3A_1221, %parallel_loop3A_1222] {strides = array<i32>} : memref<64x144xf32, #tpu.memory_space<vmem>>, vector<16xf32>,
        %parallel_loop3A_1224 = arith.mulf %parallel_loop3A_1223, %parallel_loop3A_1193 : vector<16xf32>
        %parallel_loop3A_1225 = arith.index_cast %parallel_loop3A_1191 : i32 to index
        %parallel_loop3A_1226 = arith.constant 48 : index
        %parallel_loop3A_1227 = tpu.vector_load %arg12[%parallel_loop3A_1225, %parallel_loop3A_1226] {strides = array<i32>} : memref<64x144xf32, #tpu.memory_space<vmem>>, vector<16xf32>,
        tpu.vector_store %arg12[%parallel_loop3A_1225, %parallel_loop3A_1226], %parallel_loop3A_1224 {strides = array<i32>} : memref<64x144xf32, #tpu.memory_space<vmem>>, vector<16xf32>,
        %parallel_loop3A_1228 = arith.index_cast %parallel_loop3A_1191 : i32 to index
        %parallel_loop3A_1229 = arith.constant 64 : index
        %parallel_loop3A_1230 = tpu.vector_load %arg12[%parallel_loop3A_1228, %parallel_loop3A_1229] {strides = array<i32>} : memref<64x144xf32, #tpu.memory_space<vmem>>, vector<16xf32>,
        %parallel_loop3A_1231 = arith.mulf %parallel_loop3A_1230, %parallel_loop3A_1197 : vector<16xf32>
        %parallel_loop3A_1232 = arith.index_cast %parallel_loop3A_1191 : i32 to index
        %parallel_loop3A_1233 = arith.constant 64 : index
        %parallel_loop3A_1234 = tpu.vector_load %arg12[%parallel_loop3A_1232, %parallel_loop3A_1233] {strides = array<i32>} : memref<64x144xf32, #tpu.memory_space<vmem>>, vector<16xf32>,
        tpu.vector_store %arg12[%parallel_loop3A_1232, %parallel_loop3A_1233], %parallel_loop3A_1231 {strides = array<i32>} : memref<64x144xf32, #tpu.memory_space<vmem>>, vector<16xf32>,
        %parallel_loop3A_1235 = arith.index_cast %parallel_loop3A_1191 : i32 to index
        %parallel_loop3A_1236 = arith.constant 80 : index
        %parallel_loop3A_1237 = tpu.vector_load %arg12[%parallel_loop3A_1235, %parallel_loop3A_1236] {strides = array<i32>} : memref<64x144xf32, #tpu.memory_space<vmem>>, vector<16xf32>,
        %parallel_loop3A_1238 = arith.mulf %parallel_loop3A_1237, %parallel_loop3A_1197 : vector<16xf32>
        %parallel_loop3A_1239 = arith.index_cast %parallel_loop3A_1191 : i32 to index
        %parallel_loop3A_1240 = arith.constant 80 : index
        %parallel_loop3A_1241 = tpu.vector_load %arg12[%parallel_loop3A_1239, %parallel_loop3A_1240] {strides = array<i32>} : memref<64x144xf32, #tpu.memory_space<vmem>>, vector<16xf32>,
        tpu.vector_store %arg12[%parallel_loop3A_1239, %parallel_loop3A_1240], %parallel_loop3A_1238 {strides = array<i32>} : memref<64x144xf32, #tpu.memory_space<vmem>>, vector<16xf32>,
        %parallel_loop3A_1242 = arith.index_cast %parallel_loop3A_1191 : i32 to index
        %parallel_loop3A_1243 = arith.constant 96 : index
        %parallel_loop3A_1244 = tpu.vector_load %arg12[%parallel_loop3A_1242, %parallel_loop3A_1243] {strides = array<i32>} : memref<64x144xf32, #tpu.memory_space<vmem>>, vector<16xf32>,
        %parallel_loop3A_1245 = arith.mulf %parallel_loop3A_1244, %parallel_loop3A_1197 : vector<16xf32>
        %parallel_loop3A_1246 = arith.index_cast %parallel_loop3A_1191 : i32 to index
        %parallel_loop3A_1247 = arith.constant 96 : index
        %parallel_loop3A_1248 = tpu.vector_load %arg12[%parallel_loop3A_1246, %parallel_loop3A_1247] {strides = array<i32>} : memref<64x144xf32, #tpu.memory_space<vmem>>, vector<16xf32>,
        tpu.vector_store %arg12[%parallel_loop3A_1246, %parallel_loop3A_1247], %parallel_loop3A_1245 {strides = array<i32>} : memref<64x144xf32, #tpu.memory_space<vmem>>, vector<16xf32>,
        %parallel_loop3A_1249 = arith.index_cast %parallel_loop3A_1191 : i32 to index
        %parallel_loop3A_1250 = arith.constant 112 : index
        %parallel_loop3A_1251 = tpu.vector_load %arg12[%parallel_loop3A_1249, %parallel_loop3A_1250] {strides = array<i32>} : memref<64x144xf32, #tpu.memory_space<vmem>>, vector<16xf32>,
        %parallel_loop3A_1252 = arith.mulf %parallel_loop3A_1251, %parallel_loop3A_1197 : vector<16xf32>
        %parallel_loop3A_1253 = arith.index_cast %parallel_loop3A_1191 : i32 to index
        %parallel_loop3A_1254 = arith.constant 112 : index
        %parallel_loop3A_1255 = tpu.vector_load %arg12[%parallel_loop3A_1253, %parallel_loop3A_1254] {strides = array<i32>} : memref<64x144xf32, #tpu.memory_space<vmem>>, vector<16xf32>,
        tpu.vector_store %arg12[%parallel_loop3A_1253, %parallel_loop3A_1254], %parallel_loop3A_1252 {strides = array<i32>} : memref<64x144xf32, #tpu.memory_space<vmem>>, vector<16xf32>,
        %parallel_loop3A_1256 = arith.index_cast %parallel_loop3A_1191 : i32 to index
        %parallel_loop3A_1257 = arith.constant 128 : index
        %parallel_loop3A_1258 = tpu.vector_load %arg12[%parallel_loop3A_1256, %parallel_loop3A_1257] {strides = array<i32>} : memref<64x144xf32, #tpu.memory_space<vmem>>, vector<16xf32>,
        %parallel_loop3A_1259 = arith.mulf %parallel_loop3A_1258, %parallel_loop3A_1199 : vector<16xf32>
        %parallel_loop3A_1260 = arith.index_cast %parallel_loop3A_1191 : i32 to index
        %parallel_loop3A_1261 = arith.constant 128 : index
        %parallel_loop3A_1262 = tpu.vector_load %arg12[%parallel_loop3A_1260, %parallel_loop3A_1261] {strides = array<i32>} : memref<64x144xf32, #tpu.memory_space<vmem>>, vector<16xf32>,
        tpu.vector_store %arg12[%parallel_loop3A_1260, %parallel_loop3A_1261], %parallel_loop3A_1259 {strides = array<i32>} : memref<64x144xf32, #tpu.memory_space<vmem>>, vector<16xf32>,
        %parallel_loop3A_1263 = arith.constant 4 : i32
        %parallel_loop3A_1264 = vector.broadcast %parallel_loop3A_1263 : i32 to vector<16xi32>
        %parallel_loop3A_1265 = arith.addi %parallel_loop3A_1192, %parallel_loop3A_1264 : vector<16xi32>
        scf.yield %parallel_loop3A_1265 : vector<16xi32>
      } {sc.loop_unroll_factor = 4 : i64, sc.parallel_access}
      %dma_start3A_1184 = arith.constant 7 : i32
      %dma_start3A_1185 = arith.constant 0 : i32
      %dma_start3A_1186 = tpu.memref_slice %arg9[%dma_start3A_1184, %dma_start3A_1185] : memref<8x64xi32, #tpu.memory_space<vmem>> -> memref<1x64xi32, #tpu.memory_space<vmem>>
      %dma_start3A_1187 = tpu.memref_squeeze %dma_start3A_1186 : memref<1x64xi32, #tpu.memory_space<vmem>> -> memref<64xi32, #tpu.memory_space<vmem>>
      %dma_start3A_1188 = arith.constant 0 : i32
      %dma_start3A_1189 = arith.constant 0 : i32
      %dma_start3A_1190 = tpu.memref_slice %arg14[%dma_start3A_1188, %dma_start3A_1189] : memref<10240x144xf32, #tpu.memory_space<vmem_shared>> -> memref<10240x144xf32, #tpu.memory_space<vmem_shared>>
      tpu.enqueue_indirect_dma source(%arg12 : memref<64x144xf32, #tpu.memory_space<vmem>>) target(%dma_start3A_1190 : memref<10240x144xf32, #tpu.memory_space<vmem_shared>>) offsets(%dma_start3A_1187 : memref<64xi32, #tpu.memory_space<vmem>>) semaphore(%arg18 : memref<!tpu.dma_semaphore, #tpu.memory_space<semaphore_mem>>) {add = true}
    }
    %scan3A_879 = arith.constant 21 : i32
    %dma_wait3A = arith.constant 6 : i32
    %dma_wait3A_880 = arith.constant 0 : i32
    %dma_wait3A_881 = tpu.memref_slice %arg9[%dma_wait3A, %dma_wait3A_880] : memref<8x64xi32, #tpu.memory_space<vmem>> -> memref<1x64xi32, #tpu.memory_space<vmem>>
    %dma_wait3A_882 = tpu.memref_squeeze %dma_wait3A_881 : memref<1x64xi32, #tpu.memory_space<vmem>> -> memref<64xi32, #tpu.memory_space<vmem>>
    %dma_wait3A_883 = arith.constant 0 : i32
    %dma_wait3A_884 = arith.constant 0 : i32
    %dma_wait3A_885 = tpu.memref_slice %arg14[%dma_wait3A_883, %dma_wait3A_884] : memref<10240x144xf32, #tpu.memory_space<vmem_shared>> -> memref<10240x144xf32, #tpu.memory_space<vmem_shared>>
    tpu.wait_indirect_dma semaphore(%arg17 : memref<!tpu.dma_semaphore, #tpu.memory_space<semaphore_mem>>) src(%arg11 : memref<64x144xf32, #tpu.memory_space<vmem>>) dst(%dma_wait3A_885 : memref<10240x144xf32, #tpu.memory_space<vmem_shared>>)
    %dma_wait3A_886 = arith.constant 7 : i32
    %dma_wait3A_887 = arith.constant 0 : i32
    %dma_wait3A_888 = tpu.memref_slice %arg9[%dma_wait3A_886, %dma_wait3A_887] : memref<8x64xi32, #tpu.memory_space<vmem>> -> memref<1x64xi32, #tpu.memory_space<vmem>>
    %dma_wait3A_889 = tpu.memref_squeeze %dma_wait3A_888 : memref<1x64xi32, #tpu.memory_space<vmem>> -> memref<64xi32, #tpu.memory_space<vmem>>
    %dma_wait3A_890 = arith.constant 0 : i32
    %dma_wait3A_891 = arith.constant 0 : i32
    %dma_wait3A_892 = tpu.memref_slice %arg14[%dma_wait3A_890, %dma_wait3A_891] : memref<10240x144xf32, #tpu.memory_space<vmem_shared>> -> memref<10240x144xf32, #tpu.memory_space<vmem_shared>>
    tpu.wait_indirect_dma semaphore(%arg18 : memref<!tpu.dma_semaphore, #tpu.memory_space<semaphore_mem>>) src(%arg12 : memref<64x144xf32, #tpu.memory_space<vmem>>) dst(%dma_wait3A_892 : memref<10240x144xf32, #tpu.memory_space<vmem_shared>>)
    %barrier3A_893 = arith.constant 0 : index
    tpu.barrier barrier_id(%barrier3A_893)
    %scan3A_894 = arith.constant 0 : i32
    %scan3A_895 = arith.constant 0 : i32
    %scan3A_896 = arith.constant 40 : i32
    %scan3A_897 = arith.addi %scan3A_895, %scan3A_896 : i32
    %scan3A_898 = arith.constant 1 : i32
    scf.for %scan3A_900 = %scan3A_895 to %scan3A_897 step %scan3A_898  : i32 {
      %mul3A_901 = arith.constant 640 : i32
      %mul3A_902 = arith.muli %arg1, %mul3A_901 : i32
      %mul3A_903 = arith.constant 16 : i32
      %mul3A_904 = arith.muli %scan3A_900, %mul3A_903 : i32
      %add3A = arith.addi %mul3A_902, %mul3A_904 : i32
      "tpu.region"() ({
        %run_scoped3A = tpu.sem_alloc : memref<!tpu.dma_semaphore, #tpu.memory_space<semaphore_mem>>
        %dma_start3A = arith.constant 0 : i32
        %dma_start3A_908 = tpu.memref_slice %arg14[%add3A, %dma_start3A] : memref<10240x144xf32, #tpu.memory_space<vmem_shared>> -> memref<16x144xf32, #tpu.memory_space<vmem_shared>>
        %dma_start3A_909 = arith.constant 0 : i32
        %dma_start3A_910 = tpu.memref_slice %arg14[%add3A, %dma_start3A_909] : memref<10240x144xf32, #tpu.memory_space<vmem_shared>> -> memref<16x144xf32, #tpu.memory_space<vmem_shared>>
        tpu.enqueue_dma source(%dma_start3A_910 : memref<16x144xf32, #tpu.memory_space<vmem_shared>>) target(%arg13 : memref<16x144xf32, #tpu.memory_space<vmem>>) target_semaphore(%run_scoped3A : memref<!tpu.dma_semaphore, #tpu.memory_space<semaphore_mem>>)
        %dma_wait3A_911 = arith.constant 0 : i32
        %dma_wait3A_912 = tpu.memref_slice %arg14[%add3A, %dma_wait3A_911] : memref<10240x144xf32, #tpu.memory_space<vmem_shared>> -> memref<16x144xf32, #tpu.memory_space<vmem_shared>>
        %dma_wait3A_913 = arith.constant 0 : i32
        %dma_wait3A_914 = tpu.memref_slice %arg14[%add3A, %dma_wait3A_913] : memref<10240x144xf32, #tpu.memory_space<vmem_shared>> -> memref<16x144xf32, #tpu.memory_space<vmem_shared>>
        tpu.wait_dma2 semaphore(%run_scoped3A : memref<!tpu.dma_semaphore, #tpu.memory_space<semaphore_mem>>) src(%dma_wait3A_914 : memref<16x144xf32, #tpu.memory_space<vmem_shared>>) dst(%arg13 : memref<16x144xf32, #tpu.memory_space<vmem>>)
        tpu.yield
      }) : () -> ()
      %mul3A_905 = arith.constant 10240 : i32
      %mul3A_906 = arith.muli %arg0, %mul3A_905 : i32
      %add3A_907 = arith.addi %mul3A_906, %add3A : i32
      "tpu.region"() ({
        %run_scoped3A = tpu.sem_alloc : memref<!tpu.dma_semaphore, #tpu.memory_space<semaphore_mem>>
        %dma_start3A = arith.constant 0 : i32
        %dma_start3A_908 = tpu.memref_slice %arg6[%add3A_907, %dma_start3A] : memref<20480x144xf32, #tpu.memory_space<hbm>> -> memref<16x144xf32, #tpu.memory_space<hbm>>
        %dma_start3A_909 = arith.constant 0 : i32
        %dma_start3A_910 = tpu.memref_slice %arg6[%add3A_907, %dma_start3A_909] : memref<20480x144xf32, #tpu.memory_space<hbm>> -> memref<16x144xf32, #tpu.memory_space<hbm>>
        tpu.enqueue_dma source(%arg13 : memref<16x144xf32, #tpu.memory_space<vmem>>) target(%dma_start3A_910 : memref<16x144xf32, #tpu.memory_space<hbm>>) target_semaphore(%run_scoped3A : memref<!tpu.dma_semaphore, #tpu.memory_space<semaphore_mem>>)
        %dma_wait3A_911 = arith.constant 0 : i32
        %dma_wait3A_912 = tpu.memref_slice %arg6[%add3A_907, %dma_wait3A_911] : memref<20480x144xf32, #tpu.memory_space<hbm>> -> memref<16x144xf32, #tpu.memory_space<hbm>>
        %dma_wait3A_913 = arith.constant 0 : i32
        %dma_wait3A_914 = tpu.memref_slice %arg6[%add3A_907, %dma_wait3A_913] : memref<20480x144xf32, #tpu.memory_space<hbm>> -> memref<16x144xf32, #tpu.memory_space<hbm>>
        tpu.wait_dma2 semaphore(%run_scoped3A : memref<!tpu.dma_semaphore, #tpu.memory_space<semaphore_mem>>) src(%arg13 : memref<16x144xf32, #tpu.memory_space<vmem>>) dst(%dma_wait3A_914 : memref<16x144xf32, #tpu.memory_space<hbm>>)
        tpu.yield
      }) : () -> ()
    }
    %scan3A_899 = arith.constant 40 : i32
    return
  }
}

module attributes {stable_mosaic.version = 14 : i64} {
  func.func @_ep_body(%arg0: i32, %arg1: memref<8192x16xf32, #tpu.memory_space<vmem>>, %arg2: memref<4x16xf32, #tpu.memory_space<vmem>>, %arg3: memref<4x8192xf32, #tpu.memory_space<vmem>>) attributes {dimension_semantics = [#tpu.dimension_semantics<arbitrary>], iteration_bounds = array<i64: 21>, scalar_prefetch = 0 : i64, scratch_operands = 0 : i64, tpu.core_type = #tpu.core_type<tc>, window_params = [{transform_indices = @transform_0, window_bounds = array<i64: 8192, 16>}, {pipeline_mode = #tpu.pipeline_mode<synchronous>, transform_indices = @transform_1, window_bounds = array<i64: 4, 16>}, {transform_indices = @transform_2, window_bounds = array<i64: 4, 8192>}]} {
    %mul3A = arith.constant 8192 : i32
    %mul3A_0 = arith.muli %arg0, %mul3A : i32
    %iota3A = tpu.iota {dimensions = array<i32: 1>} : vector<4x8192xi32>
    %add3A = vector.broadcast %mul3A_0 : i32 to vector<4x8192xi32>
    %add3A_1 = arith.addi %add3A, %iota3A : vector<4x8192xi32>
    %get3A = arith.constant 0 : index
    %get3A_2 = arith.constant 0 : index
    %get3A_3 = vector.load %arg2[%get3A, %get3A_2] : memref<4x16xf32, #tpu.memory_space<vmem>>, vector<4x16xf32>
    %get3A_4 = arith.constant 0 : index
    %get3A_5 = arith.constant 0 : index
    %get3A_6 = vector.load %arg1[%get3A_4, %get3A_5] : memref<8192x16xf32, #tpu.memory_space<vmem>>, vector<8192x16xf32>
    %dot_general3A = arith.constant dense<0.000000e+00> : vector<4x8192xf32>
    %dot_general3A_7 = tpu.matmul %get3A_3, %get3A_6, %dot_general3A {dimension_numbers = #tpu.dot_dimension_numbers<[1], [1], [0], [0], [0, 0, 1, 0], [], []>, transpose_lhs_hint = false} : vector<4x16xf32>, vector<8192x16xf32>, vector<4x8192xf32> -> vector<4x8192xf32>
    %lt3A = arith.constant 160000 : i32
    %lt3A_8 = vector.broadcast %lt3A : i32 to vector<4x8192xi32>
    %lt3A_9 = arith.cmpi slt, %add3A_1, %lt3A_8 : vector<4x8192xi32>
    %jit3A = arith.constant 0.000000e+00 : f32
    %broadcast_in_dim3A = vector.broadcast %jit3A : f32 to vector<4x8192xf32>
    %select_n3A = arith.select %lt3A_9, %dot_general3A_7, %broadcast_in_dim3A : vector<4x8192xi1>, vector<4x8192xf32>
    %swap3A = arith.constant 0 : index
    %swap3A_10 = arith.constant 0 : index
    %swap3A_11 = vector.load %arg3[%swap3A, %swap3A_10] : memref<4x8192xf32, #tpu.memory_space<vmem>>, vector<4x8192xf32>
    tpu.vector_store %arg3[%swap3A, %swap3A_10], %select_n3A {strides = array<i32>} : memref<4x8192xf32, #tpu.memory_space<vmem>>, vector<4x8192xf32>,
    return
  }
  func.func @transform_0(%arg0: i32) -> (i32, i32) {
    %min3A = arith.constant 19 : i32
    %min3A_0 = arith.minsi %arg0, %min3A : i32
    %c0_i32 = arith.constant 0 : i32
    %c0_i32_1 = arith.constant 0 : i32
    return %min3A_0, %c0_i32 : i32, i32
  }
  func.func @transform_1(%arg0: i32) -> (i32, i32) {
    %c0_i32 = arith.constant 0 : i32
    %c0_i32_0 = arith.constant 0 : i32
    %c0_i32_1 = arith.constant 0 : i32
    return %c0_i32, %c0_i32_0 : i32, i32
  }
  func.func @transform_2(%arg0: i32) -> (i32, i32) {
    %c0_i32 = arith.constant 0 : i32
    %c0_i32_0 = arith.constant 0 : i32
    return %c0_i32, %arg0 : i32, i32
  }
}

module attributes {stable_mosaic.version = 14 : i64} {
  func.func @_dense_body(%arg0: i32, %arg1: i32, %arg2: memref<1024x256xf32, #tpu.memory_space<vmem>>, %arg3: memref<256x128xf32, #tpu.memory_space<vmem>>, %arg4: memref<128x4xf32, #tpu.memory_space<vmem>>, %arg5: memref<128x4xf32, #tpu.memory_space<vmem>>, %arg6: memref<1024x144xf32, #tpu.memory_space<vmem>>, %arg7: memref<1024x4xf32, #tpu.memory_space<vmem>>, %arg8: memref<1024x4xf32, #tpu.memory_space<vmem>>) attributes {dimension_semantics = [#tpu.dimension_semantics<arbitrary>, #tpu.dimension_semantics<arbitrary>], iteration_bounds = array<i64: 10, 2>, scalar_prefetch = 0 : i64, scratch_operands = 0 : i64, tpu.core_type = #tpu.core_type<tc>, window_params = [{transform_indices = @transform_0, window_bounds = array<i64: 1024, 256>}, {transform_indices = @transform_1, window_bounds = array<i64: 256, 128>}, {transform_indices = @transform_2, window_bounds = array<i64: 128, 4>}, {transform_indices = @transform_3, window_bounds = array<i64: 128, 4>}, {transform_indices = @transform_4, window_bounds = array<i64: 1024, 144>}, {transform_indices = @transform_5, window_bounds = array<i64: 1024, 4>}, {transform_indices = @transform_6, window_bounds = array<i64: 1024, 4>}]} {
    %get3A = arith.constant 0 : index
    %get3A_0 = arith.constant 0 : index
    %get3A_1 = vector.load %arg2[%get3A, %get3A_0] : memref<1024x256xf32, #tpu.memory_space<vmem>>, vector<1024x256xf32>
    %get3A_2 = arith.constant 0 : index
    %get3A_3 = arith.constant 0 : index
    %get3A_4 = vector.load %arg3[%get3A_2, %get3A_3] : memref<256x128xf32, #tpu.memory_space<vmem>>, vector<256x128xf32>
    %dot_general3A = arith.constant dense<0.000000e+00> : vector<1024x128xf32>
    %dot_general3A_5 = tpu.matmul %get3A_1, %get3A_4, %dot_general3A {dimension_numbers = #tpu.dot_dimension_numbers<[1], [0], [0], [1], [0, 0, 1, 1], [], []>, transpose_lhs_hint = false} : vector<1024x256xf32>, vector<256x128xf32>, vector<1024x128xf32> -> vector<1024x128xf32>
    %swap3A = arith.constant 0 : index
    %swap3A_6 = arith.constant 0 : index
    %swap3A_7 = vector.load %arg6[%swap3A, %swap3A_6] : memref<1024x144xf32, #tpu.memory_space<vmem>>, vector<1024x128xf32>
    tpu.vector_store %arg6[%swap3A, %swap3A_6], %dot_general3A_5 {strides = array<i32>} : memref<1024x144xf32, #tpu.memory_space<vmem>>, vector<1024x128xf32>,
    %broadcast_in_dim3A = arith.constant 1.000000e+00 : f32
    %broadcast_in_dim3A_8 = vector.broadcast %broadcast_in_dim3A : f32 to vector<1024x16xf32>
    %swap3A_9 = arith.constant 0 : index
    %swap3A_10 = arith.constant 128 : index
    %swap3A_11 = vector.load %arg6[%swap3A_9, %swap3A_10] : memref<1024x144xf32, #tpu.memory_space<vmem>>, vector<1024x16xf32>
    tpu.vector_store %arg6[%swap3A_9, %swap3A_10], %broadcast_in_dim3A_8 {strides = array<i32>} : memref<1024x144xf32, #tpu.memory_space<vmem>>, vector<1024x16xf32>,
    %get3A_12 = arith.constant 0 : index
    %get3A_13 = arith.constant 0 : index
    %get3A_14 = vector.load %arg4[%get3A_12, %get3A_13] : memref<128x4xf32, #tpu.memory_space<vmem>>, vector<128x4xf32>
    %dot_general3A_15 = arith.constant dense<0.000000e+00> : vector<1024x4xf32>
    %dot_general3A_16 = tpu.matmul %dot_general3A_5, %get3A_14, %dot_general3A_15 {dimension_numbers = #tpu.dot_dimension_numbers<[1], [0], [0], [1], [0, 0, 1, 1], [], []>, transpose_lhs_hint = false} : vector<1024x128xf32>, vector<128x4xf32>, vector<1024x4xf32> -> vector<1024x4xf32>
    %get3A_17 = arith.constant 0 : index
    %get3A_18 = arith.constant 0 : index
    %get3A_19 = vector.load %arg5[%get3A_17, %get3A_18] : memref<128x4xf32, #tpu.memory_space<vmem>>, vector<128x4xf32>
    %dot_general3A_20 = arith.constant dense<0.000000e+00> : vector<1024x4xf32>
    %dot_general3A_21 = tpu.matmul %dot_general3A_5, %get3A_19, %dot_general3A_20 {dimension_numbers = #tpu.dot_dimension_numbers<[1], [0], [0], [1], [0, 0, 1, 1], [], []>, transpose_lhs_hint = false} : vector<1024x128xf32>, vector<128x4xf32>, vector<1024x4xf32> -> vector<1024x4xf32>
    %eq3A = arith.constant 0 : i32
    %eq3A_22 = arith.cmpi eq, %arg1, %eq3A : i32
    %convert_element_type3A = arith.extui %eq3A_22 : i1 to i32
    %cond3A = arith.constant 0 : i32
    %cond3A_23 = arith.cmpi ne, %convert_element_type3A, %cond3A : i32
    scf.if %cond3A_23 {
      %swap3A_29 = arith.constant 0 : index
      %swap3A_30 = arith.constant 0 : index
      %swap3A_31 = vector.load %arg7[%swap3A_29, %swap3A_30] : memref<1024x4xf32, #tpu.memory_space<vmem>>, vector<1024x4xf32>
      tpu.vector_store %arg7[%swap3A_29, %swap3A_30], %dot_general3A_16 {strides = array<i32>} : memref<1024x4xf32, #tpu.memory_space<vmem>>, vector<1024x4xf32>,
      %swap3A_32 = arith.constant 0 : index
      %swap3A_33 = arith.constant 0 : index
      %swap3A_34 = vector.load %arg8[%swap3A_32, %swap3A_33] : memref<1024x4xf32, #tpu.memory_space<vmem>>, vector<1024x4xf32>
      tpu.vector_store %arg8[%swap3A_32, %swap3A_33], %dot_general3A_21 {strides = array<i32>} : memref<1024x4xf32, #tpu.memory_space<vmem>>, vector<1024x4xf32>,
    } else {
    }
    %eq3A_24 = arith.constant 1 : i32
    %eq3A_25 = arith.cmpi eq, %arg1, %eq3A_24 : i32
    %convert_element_type3A_26 = arith.extui %eq3A_25 : i1 to i32
    %cond3A_27 = arith.constant 0 : i32
    %cond3A_28 = arith.cmpi ne, %convert_element_type3A_26, %cond3A_27 : i32
    scf.if %cond3A_28 {
      %get3A_29 = arith.constant 0 : index
      %get3A_30 = arith.constant 0 : index
      %get3A_31 = vector.load %arg7[%get3A_29, %get3A_30] : memref<1024x4xf32, #tpu.memory_space<vmem>>, vector<1024x4xf32>
      %add3A = arith.addf %get3A_31, %dot_general3A_16 : vector<1024x4xf32>
      %swap3A_32 = arith.constant 0 : index
      %swap3A_33 = arith.constant 0 : index
      %swap3A_34 = vector.load %arg7[%swap3A_32, %swap3A_33] : memref<1024x4xf32, #tpu.memory_space<vmem>>, vector<1024x4xf32>
      tpu.vector_store %arg7[%swap3A_32, %swap3A_33], %add3A {strides = array<i32>} : memref<1024x4xf32, #tpu.memory_space<vmem>>, vector<1024x4xf32>,
      %get3A_35 = arith.constant 0 : index
      %get3A_36 = arith.constant 0 : index
      %get3A_37 = vector.load %arg8[%get3A_35, %get3A_36] : memref<1024x4xf32, #tpu.memory_space<vmem>>, vector<1024x4xf32>
      %add3A_38 = arith.addf %get3A_37, %dot_general3A_21 : vector<1024x4xf32>
      %swap3A_39 = arith.constant 0 : index
      %swap3A_40 = arith.constant 0 : index
      %swap3A_41 = vector.load %arg8[%swap3A_39, %swap3A_40] : memref<1024x4xf32, #tpu.memory_space<vmem>>, vector<1024x4xf32>
      tpu.vector_store %arg8[%swap3A_39, %swap3A_40], %add3A_38 {strides = array<i32>} : memref<1024x4xf32, #tpu.memory_space<vmem>>, vector<1024x4xf32>,
    } else {
    }
    return
  }
  func.func @transform_0(%arg0: i32, %arg1: i32) -> (i32, i32) {
    %c0_i32 = arith.constant 0 : i32
    %c0_i32_0 = arith.constant 0 : i32
    return %arg0, %c0_i32 : i32, i32
  }
  func.func @transform_1(%arg0: i32, %arg1: i32) -> (i32, i32) {
    %c0_i32 = arith.constant 0 : i32
    %c0_i32_0 = arith.constant 0 : i32
    return %c0_i32, %arg1 : i32, i32
  }
  func.func @transform_2(%arg0: i32, %arg1: i32) -> (i32, i32) {
    %c0_i32 = arith.constant 0 : i32
    %c0_i32_0 = arith.constant 0 : i32
    return %arg1, %c0_i32 : i32, i32
  }
  func.func @transform_3(%arg0: i32, %arg1: i32) -> (i32, i32) {
    %c0_i32 = arith.constant 0 : i32
    %c0_i32_0 = arith.constant 0 : i32
    return %arg1, %c0_i32 : i32, i32
  }
  func.func @transform_4(%arg0: i32, %arg1: i32) -> (i32, i32) {
    %mul3A = arith.constant 10 : i32
    %mul3A_0 = arith.muli %arg1, %mul3A : i32
    %add3A = arith.addi %mul3A_0, %arg0 : i32
    %c0_i32 = arith.constant 0 : i32
    %c0_i32_1 = arith.constant 0 : i32
    return %add3A, %c0_i32 : i32, i32
  }
  func.func @transform_5(%arg0: i32, %arg1: i32) -> (i32, i32) {
    %c0_i32 = arith.constant 0 : i32
    %c0_i32_0 = arith.constant 0 : i32
    return %arg0, %c0_i32 : i32, i32
  }
  func.func @transform_6(%arg0: i32, %arg1: i32) -> (i32, i32) {
    %c0_i32 = arith.constant 0 : i32
    %c0_i32_0 = arith.constant 0 : i32
    return %arg0, %c0_i32 : i32, i32
  }
}

module attributes {stable_mosaic.version = 14 : i64} {
  func.func @_norm_body(%arg0: i32, %arg1: memref<2048x144xf32, #tpu.memory_space<vmem>>, %arg2: memref<144x2xf32, #tpu.memory_space<vmem>>, %arg3: memref<2x144xf32, #tpu.memory_space<vmem>>, %arg4: memref<1x1x128xf32, #tpu.memory_space<vmem>>, %arg5: memref<2048x128xf32, #tpu.memory_space<vmem>>) attributes {dimension_semantics = [#tpu.dimension_semantics<arbitrary>], iteration_bounds = array<i64: 10>, scalar_prefetch = 0 : i64, scratch_operands = 0 : i64, tpu.core_type = #tpu.core_type<tc>, window_params = [{transform_indices = @transform_0, window_bounds = array<i64: 2048, 144>}, {pipeline_mode = #tpu.pipeline_mode<synchronous>, transform_indices = @transform_1, window_bounds = array<i64: 144, 2>}, {pipeline_mode = #tpu.pipeline_mode<synchronous>, transform_indices = @transform_2, window_bounds = array<i64: 2, 144>}, {transform_indices = @transform_3, window_bounds = array<i64: 1, 1, 128>}, {transform_indices = @transform_4, window_bounds = array<i64: 2048, 128>}]} {
    %get3A = arith.constant 0 : index
    %get3A_0 = arith.constant 0 : index
    %get3A_1 = vector.load %arg1[%get3A, %get3A_0] : memref<2048x144xf32, #tpu.memory_space<vmem>>, vector<2048x144xf32>
    %get3A_2 = arith.constant 0 : index
    %get3A_3 = arith.constant 0 : index
    %get3A_4 = vector.load %arg2[%get3A_2, %get3A_3] : memref<144x2xf32, #tpu.memory_space<vmem>>, vector<144x2xf32>
    %dot_general3A = arith.constant dense<0.000000e+00> : vector<2048x2xf32>
    %dot_general3A_5 = tpu.matmul %get3A_1, %get3A_4, %dot_general3A {dimension_numbers = #tpu.dot_dimension_numbers<[1], [0], [0], [1], [0, 0, 1, 1], [], []>, transpose_lhs_hint = false} : vector<2048x144xf32>, vector<144x2xf32>, vector<2048x2xf32> -> vector<2048x2xf32>
    %add3A = arith.constant 9.99999971E-10 : f32
    %add3A_6 = vector.broadcast %add3A : f32 to vector<2048x2xf32>
    %add3A_7 = arith.addf %dot_general3A_5, %add3A_6 : vector<2048x2xf32>
    %div3A = arith.constant 1.000000e+00 : f32
    %div3A_8 = vector.broadcast %div3A : f32 to vector<2048x2xf32>
    %div3A_9 = arith.divf %div3A_8, %add3A_7 : vector<2048x2xf32>
    %get3A_10 = arith.constant 0 : index
    %get3A_11 = arith.constant 0 : index
    %get3A_12 = vector.load %arg3[%get3A_10, %get3A_11] : memref<2x144xf32, #tpu.memory_space<vmem>>, vector<2x144xf32>
    %dot_general3A_13 = arith.constant dense<0.000000e+00> : vector<2048x144xf32>
    %dot_general3A_14 = tpu.matmul %div3A_9, %get3A_12, %dot_general3A_13 {dimension_numbers = #tpu.dot_dimension_numbers<[1], [0], [0], [1], [0, 0, 1, 1], [], []>, transpose_lhs_hint = false} : vector<2048x2xf32>, vector<2x144xf32>, vector<2048x144xf32> -> vector<2048x144xf32>
    %mul3A = arith.mulf %get3A_1, %dot_general3A_14 : vector<2048x144xf32>
    %slice3A = vector.extract_strided_slice %mul3A {offsets = [0, 0], sizes = [2048, 128], strides = [1, 1]} : vector<2048x144xf32> to vector<2048x128xf32>
    %get3A_15 = arith.constant 0 : index
    %get3A_16 = arith.constant 0 : index
    %get3A_17 = arith.constant 0 : index
    %get3A_18 = vector.load %arg4[%get3A_15, %get3A_16, %get3A_17] : memref<1x1x128xf32, #tpu.memory_space<vmem>>, vector<1x1x128xf32>
    %squeeze3A = vector.shape_cast %get3A_18 : vector<1x1x128xf32> to vector<1x128xf32>
    %add3A_19 = vector.broadcast %squeeze3A : vector<1x128xf32> to vector<2048x128xf32>
    %add3A_20 = arith.addf %slice3A, %add3A_19 : vector<2048x128xf32>
    %swap3A = arith.constant 0 : index
    %swap3A_21 = arith.constant 0 : index
    %swap3A_22 = vector.load %arg5[%swap3A, %swap3A_21] : memref<2048x128xf32, #tpu.memory_space<vmem>>, vector<2048x128xf32>
    tpu.vector_store %arg5[%swap3A, %swap3A_21], %add3A_20 {strides = array<i32>} : memref<2048x128xf32, #tpu.memory_space<vmem>>, vector<2048x128xf32>,
    return
  }
  func.func @transform_0(%arg0: i32) -> (i32, i32) {
    %c0_i32 = arith.constant 0 : i32
    %c0_i32_0 = arith.constant 0 : i32
    return %arg0, %c0_i32 : i32, i32
  }
  func.func @transform_1(%arg0: i32) -> (i32, i32) {
    %c0_i32 = arith.constant 0 : i32
    %c0_i32_0 = arith.constant 0 : i32
    %c0_i32_1 = arith.constant 0 : i32
    return %c0_i32, %c0_i32_0 : i32, i32
  }
  func.func @transform_2(%arg0: i32) -> (i32, i32) {
    %c0_i32 = arith.constant 0 : i32
    %c0_i32_0 = arith.constant 0 : i32
    %c0_i32_1 = arith.constant 0 : i32
    return %c0_i32, %c0_i32_0 : i32, i32
  }
  func.func @transform_3(%arg0: i32) -> (i32, i32, i32) {
    %jit3A = arith.constant 5 : i32
    %div3A = arith.divsi %arg0, %jit3A : i32
    %sign3A = arith.constant 0 : i32
    %sign3A_0 = arith.cmpi sgt, %arg0, %sign3A : i32
    %sign3A_1 = arith.extui %sign3A_0 : i1 to i32
    %sign3A_2 = arith.constant 0 : i32
    %sign3A_3 = arith.cmpi slt, %arg0, %sign3A_2 : i32
    %sign3A_4 = arith.extui %sign3A_3 : i1 to i32
    %sign3A_5 = arith.subi %sign3A_1, %sign3A_4 : i32
    %sign3A_6 = arith.constant 0 : i32
    %sign3A_7 = arith.cmpi sgt, %jit3A, %sign3A_6 : i32
    %sign3A_8 = arith.extui %sign3A_7 : i1 to i32
    %sign3A_9 = arith.constant 0 : i32
    %sign3A_10 = arith.cmpi slt, %jit3A, %sign3A_9 : i32
    %sign3A_11 = arith.extui %sign3A_10 : i1 to i32
    %sign3A_12 = arith.subi %sign3A_8, %sign3A_11 : i32
    %ne3A = arith.cmpi ne, %sign3A_5, %sign3A_12 : i32
    %rem3A = arith.remsi %arg0, %jit3A : i32
    %ne3A_13 = arith.constant 0 : i32
    %ne3A_14 = arith.cmpi ne, %rem3A, %ne3A_13 : i32
    %and3A = arith.andi %ne3A, %ne3A_14 : i1
    %sub3A = arith.constant 1 : i32
    %sub3A_15 = arith.subi %div3A, %sub3A : i32
    %select_n3A = arith.select %and3A, %sub3A_15, %div3A : i32
    %c0_i32 = arith.constant 0 : i32
    %c0_i32_16 = arith.constant 0 : i32
    %c0_i32_17 = arith.constant 0 : i32
    return %select_n3A, %c0_i32, %c0_i32_16 : i32, i32, i32
  }
  func.func @transform_4(%arg0: i32) -> (i32, i32) {
    %c0_i32 = arith.constant 0 : i32
    %c0_i32_0 = arith.constant 0 : i32
    return %arg0, %c0_i32 : i32, i32
  }
}

</mosaic_0001>

<sc_bundles>
// kernel: kernel.10.cloned.1.call-start
scs
__scs_entry_jumppad:
0x0: {  	(pc) =	sbr.rel $0x88, $3  }
0x1: {  	(tag) =	ssettag $0x0;
	lr =	simm.s32 $0x1  }
0x2: {  	[smem:$0x3F99] =	sst lr;
	_ =	strace $0xD0000000  }
0x3: {  	_ = 	snop  }
0x4: {  	_ = 	snop  }
0x5: {  	_ = 	snop  }
0x6: {  	_ = 	snop  }
0x7: {  	_ = 	snop  }
__scs_overlays_trampoline_lowered:
0x8: {  	[smem:$0x3FA8] =	sst s0  }
0x9: {  	[smem:$0x3FA9] =	sst s1  }
0xa: {  	[smem:$0x3FAA] =	sst s2  }
0xb: {  	[smem:$0x3FAB] =	sst s3  }
0xc: {  	[smem:$0x3FAC] =	sst s4  }
0xd: {  	[smem:$0x3FAD] =	sst s5  }
0xe: {  	[smem:$0x3FAE] =	sst s6  }
0xf: {  	[smem:$0x3FAF] =	sst s7  }
0x10: {  	[smem:$0x3FB0] =	sst s8  }
0x11: {  	[smem:$0x3FB1] =	sst s9;
	s0 =	simm.s32 @!p0 $0x0  }
0x12: {  	s1 =	sld [smem:$0x3F97];
	s0 =	simm.s32 @p0 $0x1  }
0x13: {  	[smem:$0x3FB2] =	sst s0;
	s0 =	simm.s32 @!p1 $0x0  }
0x14: {  	s2 =	sld [smem:$0x3F96];
	s0 =	simm.s32 @p1 $0x1  }
0x15: {  	[smem:$0x3FB3] =	sst s0;
	s0 =	simm.s32 @!p2 $0x0  }
0x16: {  	s3 =	sld [smem:$0x3FDB];
	s0 =	simm.s32 @p2 $0x1  }
0x17: {  	s4 =	simm.s32 $0x1BF5;
	[smem:$0x3FB5] =	sst s0  }
0x18: {  	s0 =	sld [smem:$0x3F98];
	_ =	swait.ge [sflag:s4], $0x0  }
0x19: {  	s7 =	sld [smem:$0x3F99]  }
0x1a: {  	s8 =	sadd.s32 $0xFFFFE003, lr  }
0x1b: {  	s9 =	sadd.s32 $0xFFFFFEF7, lr;
	s5 =	simm.s32 $0xFFFFFFFF;
	p2 =	slt.u32 s8, $0xFFFFF086  }
0x1c: {  	p1 =	slt.u32 s9, $0xF7A;
	s5 =	simm.s32 @!p2 $0x0  }
0x1d: {  	s5 =	simm.s32 @p1 $0x1;
	p0 =	seq.s32 s7, s2  }
0x1e: {  	s7 =	smul.u32 @!p0 $0xF7A, s2;
	p2 =	seq.s32 @!p0 s5, $0x0  }
0x1f: {  	s9 =	smul.u32 $0xF7A, s1;
	s8 =	simm.s32 @!p0 $0x1BF5;
	p2 =	por !p2, p0  }
0x20: {  	[sflag:s8] =	ssyncset.s32 @!p0 $0xFFFFF086;
	s6 =	sadd.s32 @!p0 s3, s7;
	s7 =	simm.s32 @!p0 $0x108  }
0x21: {  	s3 =	sadd.s32 s3, s9;
	s6 =	sadd.s32 @!p0 $0x88, s6;
	s7 =	simm.s32 @p2 $0x1082  }
0x22: {  	[simem:s7], [sflag:s8] =	dma.local @!p0 [hbm:s6], $0xF7A  }
0x23: {  	s9 =	sor.u32 $0xD0000000, s2;
	s6 =	simm.s32 $0x108;
	_ =	swait.ge @!p0 [sflag:s8], $0x0  }
0x24: {  	s3 =	sadd.s32 $0x88, s3;
	s6 =	simm.s32 @!p1 $0x1082;
	[sflag:s4] =	ssyncset.s32 $0xFFFFF086  }
0x25: {  	[simem:s6], [sflag:s4] =	dma.local [hbm:s3], $0xF7A  }
0x26: {  	[smem:$0x3F99] =	sst s1;
	(tag) =	ssettag s2;
	_ =	strace s9  }
0x27: {  	s1 =	sld [smem:$0x3FA9]  }
0x28: {  	s2 =	sld [smem:$0x3FAA]  }
0x29: {  	s4 =	sld [smem:$0x3FAC]  }
0x2a: {  	p0 =	seq.s32 s5, $0x0;
	s5 =	sld [smem:$0x3FAD]  }
0x2b: {  	s6 =	sld [smem:$0x3FAE]  }
0x2c: {  	s7 =	sld [smem:$0x3FAF]  }
0x2d: {  	s3 =	simm.s32 $0x108;
	s8 =	sld [smem:$0x3FB0]  }
0x2e: {  	s3 =	simm.s32 @!p0 $0x1082;
	s9 =	sld [smem:$0x3FB1]  }
0x2f: {  	lr =	sadd.s32 s0, s3;
	s0 =	sld [smem:$0x3FA8]  }
0x30: {  	s3 =	sld [smem:$0x3FAB]  }
0x31: {  	[smem:$0x3FB4] =	sst s10  }
0x32: {  	s10 =	sld [smem:$0x3FB2];
	_ =	sdelay $0x3  }
0x33: {  	p0 =	seq.s32 s10, $0x1;
	s10 =	sld [smem:$0x3FB4];
	_ =	sdelay $0x3  }
0x34: {  	[smem:$0x3FB4] =	sst s10  }
0x35: {  	s10 =	sld [smem:$0x3FB3];
	_ =	sdelay $0x3  }
0x36: {  	p1 =	seq.s32 s10, $0x1;
	s10 =	sld [smem:$0x3FB4];
	_ =	sdelay $0x3  }
0x37: {  	[smem:$0x3FB4] =	sst s10  }
0x38: {  	s10 =	sld [smem:$0x3FB5]  }
0x39: {  	_ = 	snop;
	(pc) =	sbr.ind lr, $3  }
0x3a: {  	_ = 	snop  }
0x3b: {  	_ = 	snop  }
0x3c: {  	p2 =	seq.s32 s10, $0x1;
	s10 =	sld [smem:$0x3FB4]  }
0x3d: {  	_ =	shalt  }
0x3e: {  	_ =	shalt  }
0x3f: {  	_ =	shalt  }
0x40: {  	_ =	shalt  }
0x41: {  	_ =	shalt  }
0x42: {  	_ =	shalt  }
0x43: {  	_ =	shalt  }
0x44: {  	_ =	shalt  }
0x45: {  	_ =	shalt  }
0x46: {  	_ =	shalt  }
0x47: {  	_ =	shalt  }
0x48: {  	_ =	shalt  }
0x49: {  	_ =	shalt  }
0x4a: {  	_ =	shalt  }
0x4b: {  	_ =	shalt  }
0x4c: {  	_ =	shalt  }
0x4d: {  	_ =	shalt  }
0x4e: {  	_ =	shalt  }
0x4f: {  	_ =	shalt  }
0x50: {  	_ =	shalt  }
0x51: {  	_ =	shalt  }
0x52: {  	_ =	shalt  }
0x53: {  	_ =	shalt  }
0x54: {  	_ =	shalt  }
0x55: {  	_ =	shalt  }
0x56: {  	_ =	shalt  }
0x57: {  	_ =	shalt  }
0x58: {  	_ =	shalt  }
0x59: {  	_ =	shalt  }
0x5a: {  	_ =	shalt  }
0x5b: {  	_ =	shalt  }
0x5c: {  	_ =	shalt  }
0x5d: {  	_ =	shalt  }
0x5e: {  	_ =	shalt  }
0x5f: {  	_ =	shalt  }
0x60: {  	_ =	shalt  }
0x61: {  	_ =	shalt  }
0x62: {  	_ =	shalt  }
0x63: {  	_ =	shalt  }
0x64: {  	_ =	shalt  }
0x65: {  	_ =	shalt  }
0x66: {  	_ =	shalt  }
0x67: {  	_ =	shalt  }
0x68: {  	_ =	shalt  }
0x69: {  	_ =	shalt  }
0x6a: {  	_ =	shalt  }
0x6b: {  	_ =	shalt  }
0x6c: {  	_ =	shalt  }
0x6d: {  	_ =	shalt  }
0x6e: {  	_ =	shalt  }
0x6f: {  	_ =	shalt  }
0x70: {  	_ =	shalt  }
0x71: {  	_ =	shalt  }
0x72: {  	_ =	shalt  }
0x73: {  	_ =	shalt  }
0x74: {  	_ =	shalt  }
0x75: {  	_ =	shalt  }
0x76: {  	_ =	shalt  }
0x77: {  	_ =	shalt  }
0x78: {  	_ =	shalt  }
0x79: {  	_ =	shalt  }
0x7a: {  	_ =	shalt  }
0x7b: {  	_ =	shalt  }
0x7c: {  	_ =	shalt  }
0x7d: {  	_ =	shalt  }
0x7e: {  	_ =	shalt  }
0x7f: {  	_ =	shalt  }
0x80: {  	_ =	shalt  }
0x81: {  	_ =	shalt  }
0x82: {  	_ =	shalt  }
0x83: {  	_ =	shalt  }
0x84: {  	_ =	shalt  }
0x85: {  	_ =	shalt  }
0x86: {  	_ =	shalt  }
0x87: {  	_ =	shalt  }
.Lfunc_end0:
.L_simem_size_0:
called_computation.1_lowered:
.L_overlay_start_0:
0x88: {  	s2 =	sld [smem:$0x3FD9]  }
0x89: {  	s3 =	sld [smem:$0x3FFE];
	_ =	sdelay $0x1  }
0x8a: {  	s1 =	srdreg.scid  }
0x8b: {  	s0 =	sand.u32 $0x1, s1  }
0x8c: {  	s16 =	sshll.u32 s0, $0xA;
	s2 =	sadd.s32 s3, s2  }
0x8d: {  	s2 =	sadd.s32 s2, s16  }
0x8e: {  	[smem:$0x3FC0] =	sst s2  }
0x8f: {  	_ = 	snop  }
0x90: {  	(tm) =	ssettm $0x1  }
0x91: {  	s17 =	sld [smem:$0x3FFB];
	_ =	sdelay $0x3  }
0x92: {  	_ =	strace s17  }
0x93: {  	s2 =	sld [smem:$0x3FFC];
	_ =	sdelay $0x3  }
0x94: {  	_ =	strace s2  }
0x95: {  	s2 =	sld [smem:$0x3FFD];
	_ =	sdelay $0x3  }
0x96: {  	_ =	strace s2  }
0x97: {  	_ =	strace $0x8FFFFFFF  }
0x98: {  	s18 =	sld [smem:$0x3FDB];
	_ =	sdelay $0x1  }
0x99: {  	s19 =	simm.s32 $_scs_section_size  }
0x9a: {  	s4 =	simm.s32 $_size__tile_overlayer_lowered;
	s5 =	simm.s32 $_tile_overlayer_lowered  }
0x9b: {  	s22 =	simm.s32 $0x1BFF;
	s21 =	sshll.u32 s5, $0x1;
	s2 =	sadd.s32 s19, s18  }
0x9c: {  	s6 =	simm.s32 $0x0;
	s20 =	sshll.u32 s4, $0x1;
	s4 =	sadd.s32 s21, s2  }
0x9d: {  	[timem:s6], [sflag:s22] =	dma.local [hbm:s4], s20  }
0x9e: {  	_ =	swait.ge [sflag:s22], s20  }
0x9f: {  	s3 =	ssub.s32 $0x0, s20;
	[sflag:s22] =	ssyncset.done $0x0  }
0xa0: {  	[sflag:s22] =	ssyncadd.s32 s3;
	_ =	sdelay $0x1  }
0xa1: {  	s23 =	simm.s32 $0x1B8B  }
0xa2: {  	_ =	swait.ge [sflag:s23], $0x1  }
0xa3: {  	[sflag:s23] =	ssyncset.done $0x0  }
0xa4: {  	s25 =	simm.s32 $0x1B8E;
	s24 =	sld [smem:$0x3FFE];
	[sflag:s23] =	ssyncadd.s32 $0xFFFFFFFF  }
0xa5: {  	s26 =	simm.s32 $execute0_lowered;
	[smem:$0x3FD2] =	sst s25  }
0xa6: {  	s4 =	sshll.u32 s26, $0x1;
	_ =	strace $0x80000049;
	[dreg:$0x1] =	wrdreg $0xFFFFFFFF  }
0xa7: {  	s28 =	simm.s32 $_size_execute0_lowered;
	s2 =	sadd.s32 s2, s4;
	[dreg:$0x0] =	wrdreg $0x0  }
0xa8: {  	s4 =	sshll.u32 s28, $0x1;
	[dreg:$0x2] =	wrdreg s2  }
0xa9: {  	[dreg:$0x3] =	wrdreg s4  }
0xaa: {  	[dreg:$0x4] =	wrdreg $0xC0  }
0xab: {  	_ =	task [dreg:s6], $0x5FFFF  }
0xac: {  	[dreg:$0x1] =	wrdreg $0xFFFFFFFF  }
0xad: {  	[dreg:$0x0] =	wrdreg $0x60  }
0xae: {  	[dreg:$0x2] =	wrdreg s24  }
0xaf: {  	[dreg:$0x3] =	wrdreg $0x5F000  }
0xb0: {  	[dreg:$0x4] =	wrdreg $0x9  }
0xb1: {  	_ =	task.clear_ibuf [dreg:s6], $0x5FFFF;
	_ =	strace $0x90000049  }
0xb2: {  	s29 =	simm.s32 $0x9;
	_ =	strace $0x8000004B  }
0xb3: {  	_ =	swait.ge [sflag:s29], $0x1  }
0xb4: {  	[sflag:s29] =	ssyncadd.s32 $0xFFFFFFFF  }
0xb5: {  	_ =	strace $0x9000004B  }
0xb6: {  	_ =	sfence  }
0xb7: {  	s30 =	sld [smem:$0x0];
	_ =	sdelay $0x2  }
0xb8: {  	s31 =	sshll.u32 s1, $0xD;
	s1 =	sshrl.u32 s1, $0x2  }
0xb9: {  	s3 =	sand.u32 $0x4000, s31;
	s1 =	sadd.s32 s1, s30  }
0xba: {  	s0 =	sor.u32 s3, s0;
	s1 =	sshll.u32 s1, $0x11  }
0xbb: {  	s0 =	sor.u32 s1, s0  }
0xbc: {  	s0 =	sadd.s32 $0x8F2B, s0  }
0xbd: {  	[sflag:s0] =	ssyncadd.remote.s32 $0x1  }
0xbe: {  	_ =	sfence.sel $0xFFFF  }
0xbf: {  	[dreg:$0x0] =	wrdreg $0xFFFFFFFF;
	(pc) =	sbr.abs _section_cstart, $3  }
0xc0: {  	[dreg:$0x1] =	wrdreg $0xFFFFFFFF  }
0xc1: {  	_ =	task.clear_ibuf [dreg:s6], $0x2FFFF;
	_ =	strace $0x9FFFFFFF  }
0xc2: {  	(tm) =	ssettm $0x7FFFFFFF  }
0xc3: {  	_ =	shalt  }
tec
execute0_lowered:
.L_overlay_start_1:
0x0: {  	(tag) =	ssettag $0x1  }
0x1: {  	s0 =	rddreg [dreg:$0x0]  }
0x2: {  	s1 =	rddreg [dreg:$0x1]  }
0x3: {  	s2 =	simm.s32 $0x0;
	s4 =	srdreg.scid;
	s12 =	stileid.u32  }
0x4: {  	s13 =	simm.s32 $0x5;
	s14 =	simm.s32 $0x600;
	s15 =	simm.s32 $0x40  }
0x5: {  	s17 =	simm.s32 $0xE00;
	s19 =	simm.s32 $0x3200;
	s20 =	simm.s32 $0x1  }
0x6: {  	s22 =	simm.s32 $0x2;
	s24 =	simm.s32 $0x3;
	s28 =	simm.s32 $0x4  }
0x7: {  	s18 =	simm.s32 $0x580;
	s21 =	simm.s32 $0x3C0;
	s23 =	simm.s32 $0x5C0  }
0x8: {  	[smem:$0x7FF] =	sst s2;
	s3 =	sadd.s32 $0x2200, s0;
	s5 =	sadd.s32 $0x7600, s0  }
0x9: {  	s4 =	sand.u32 $0x1, s4;
	s6 =	sadd.s32 $0xAF200, s0;
	s10 =	smul.u32 $0x5A000, s12  }
0xa: {  	s7 =	sadd.s32 $0xCA00, s0;
	s11 =	smul.u32 $0x2D00, s12;
	_ =	strace $0x8000004A  }
0xb: {  	v10 =	vlaneseq.u32;
	s8 =	smul.u32 $0x2D000, s4;
	s9 =	ssub.s32 $0x2, s4;
	s16 =	sshll.u32 s4, $0x1  }
0xc: {  	v9 =	vimm.f32 $0.0e+00;
	v10 =	vshrl.u32 v10, $0x3;
	s4 =	smul.u32 $0x2800, s4;
	s31 =	sshrl.u32 s9, $0x1;
	s10 =	sshrl.u32 s10, $0x2  }
0xd: {  	v11 =	vor.u32 $0x4, v10;
	v12 =	vor.u32 $0x8, v10;
	v0 =	vmov s16;
	s16 =	simm.s32 $0x380;
	s0 =	sadd.s32 s8, s0;
	s9 =	ssub.s32 s9, s31  }
0xe: {  	v13 =	vor.u32 $0xC, v10;
	s8 =	smul.u32 $0x2A00, s12;
	s10 =	sadd.s32 s10, s1;
	s12 =	simm.s32 $0x5600;
	v1 =	vmov s4;
	v2 =	vor.u32 $0x100, v0  }
0xf: {  	v3 =	vor.u32 $0x200, v0;
	v4 =	vor.u32 $0x300, v0;
	v5 =	vor.u32 $0x400, v0;
	s4 =	simm.s32 $0x0;
	s0 =	sadd.s32 s11, s0;
	s9 =	smax.u32 s9, $0x1  }
0x10: {  	v6 =	vor.u32 $0x500, v0;
	v7 =	vor.u32 $0x600, v0;
	v8 =	vor.u32 $0x700, v0;
	[dreg:$0x3] =	wrdreg s9;
	s11 =	sadd.s32 $0xC4200, s0;
	s9 =	simm.s32 $0x540  }
.LBB2_1:
0x11: {  	[tilespmem:$0x5600] =	vst v9  }
0x12: {  	[tilespmem:$0x5610] =	vst v9  }
0x13: {  	[tilespmem:$0x5620] =	vst v9  }
0x14: {  	[tilespmem:$0x5630] =	vst v9  }
0x15: {  	[tilespmem:$0x5640] =	vst v9  }
0x16: {  	[tilespmem:$0x5650] =	vst v9  }
0x17: {  	[tilespmem:$0x5660] =	vst v9  }
0x18: {  	[tilespmem:$0x5670] =	vst v9  }
0x19: {  	[tilespmem:$0x5680] =	vst v9  }
0x1a: {  	[tilespmem:$0x5690] =	vst v9  }
0x1b: {  	[tilespmem:$0x56A0] =	vst v9  }
0x1c: {  	[tilespmem:$0x56B0] =	vst v9  }
0x1d: {  	[tilespmem:$0x56C0] =	vst v9  }
0x1e: {  	[tilespmem:$0x56D0] =	vst v9  }
0x1f: {  	[tilespmem:$0x56E0] =	vst v9  }
0x20: {  	[tilespmem:$0x56F0] =	vst v9  }
0x21: {  	[tilespmem:$0x5700] =	vst v9  }
0x22: {  	[tilespmem:$0x5710] =	vst v9  }
0x23: {  	[tilespmem:$0x5720] =	vst v9  }
0x24: {  	[tilespmem:$0x5730] =	vst v9  }
0x25: {  	[tilespmem:$0x5740] =	vst v9  }
0x26: {  	[tilespmem:$0x5750] =	vst v9  }
0x27: {  	[tilespmem:$0x5760] =	vst v9  }
0x28: {  	[tilespmem:$0x5770] =	vst v9  }
0x29: {  	[tilespmem:$0x5780] =	vst v9  }
0x2a: {  	[tilespmem:$0x5790] =	vst v9  }
0x2b: {  	[tilespmem:$0x57A0] =	vst v9  }
0x2c: {  	[tilespmem:$0x57B0] =	vst v9  }
0x2d: {  	[tilespmem:$0x57C0] =	vst v9  }
0x2e: {  	[tilespmem:$0x57D0] =	vst v9  }
0x2f: {  	[tilespmem:$0x57E0] =	vst v9  }
0x30: {  	[tilespmem:$0x57F0] =	vst v9  }
0x31: {  	[tilespmem:$0x5800] =	vst v9  }
0x32: {  	[tilespmem:$0x5810] =	vst v9  }
0x33: {  	[tilespmem:$0x5820] =	vst v9  }
0x34: {  	[tilespmem:$0x5830] =	vst v9  }
0x35: {  	[tilespmem:$0x5840] =	vst v9  }
0x36: {  	[tilespmem:$0x5850] =	vst v9  }
0x37: {  	[tilespmem:$0x5860] =	vst v9  }
0x38: {  	[tilespmem:$0x5870] =	vst v9  }
0x39: {  	[tilespmem:$0x5880] =	vst v9  }
0x3a: {  	[tilespmem:$0x5890] =	vst v9  }
0x3b: {  	[tilespmem:$0x58A0] =	vst v9  }
0x3c: {  	[tilespmem:$0x58B0] =	vst v9  }
0x3d: {  	[tilespmem:$0x58C0] =	vst v9  }
0x3e: {  	[tilespmem:$0x58D0] =	vst v9  }
0x3f: {  	[tilespmem:$0x58E0] =	vst v9  }
0x40: {  	[tilespmem:$0x58F0] =	vst v9  }
0x41: {  	[tilespmem:$0x5900] =	vst v9  }
0x42: {  	[tilespmem:$0x5910] =	vst v9  }
0x43: {  	[tilespmem:$0x5920] =	vst v9  }
0x44: {  	[tilespmem:$0x5930] =	vst v9  }
0x45: {  	[tilespmem:$0x5940] =	vst v9  }
0x46: {  	[tilespmem:$0x5950] =	vst v9  }
0x47: {  	[tilespmem:$0x5960] =	vst v9  }
0x48: {  	[tilespmem:$0x5970] =	vst v9  }
0x49: {  	[tilespmem:$0x5980] =	vst v9  }
0x4a: {  	[tilespmem:$0x5990] =	vst v9  }
0x4b: {  	[tilespmem:$0x59A0] =	vst v9  }
0x4c: {  	[tilespmem:$0x59B0] =	vst v9  }
0x4d: {  	[tilespmem:$0x59C0] =	vst v9  }
0x4e: {  	[tilespmem:$0x59D0] =	vst v9  }
0x4f: {  	[tilespmem:$0x59E0] =	vst v9  }
0x50: {  	[tilespmem:$0x59F0] =	vst v9  }
0x51: {  	[tilespmem:$0x5A00] =	vst v9  }
0x52: {  	[tilespmem:$0x5A10] =	vst v9  }
0x53: {  	[tilespmem:$0x5A20] =	vst v9  }
0x54: {  	[tilespmem:$0x5A30] =	vst v9  }
0x55: {  	[tilespmem:$0x5A40] =	vst v9  }
0x56: {  	[tilespmem:$0x5A50] =	vst v9  }
0x57: {  	[tilespmem:$0x5A60] =	vst v9  }
0x58: {  	[tilespmem:$0x5A70] =	vst v9  }
0x59: {  	[tilespmem:$0x5A80] =	vst v9  }
0x5a: {  	[tilespmem:$0x5A90] =	vst v9  }
0x5b: {  	[tilespmem:$0x5AA0] =	vst v9  }
0x5c: {  	[tilespmem:$0x5AB0] =	vst v9  }
0x5d: {  	[tilespmem:$0x5AC0] =	vst v9  }
0x5e: {  	[tilespmem:$0x5AD0] =	vst v9  }
0x5f: {  	[tilespmem:$0x5AE0] =	vst v9  }
0x60: {  	[tilespmem:$0x5AF0] =	vst v9  }
0x61: {  	[tilespmem:$0x5B00] =	vst v9  }
0x62: {  	[tilespmem:$0x5B10] =	vst v9  }
0x63: {  	[tilespmem:$0x5B20] =	vst v9  }
0x64: {  	[tilespmem:$0x5B30] =	vst v9  }
0x65: {  	[tilespmem:$0x5B40] =	vst v9  }
0x66: {  	[tilespmem:$0x5B50] =	vst v9  }
0x67: {  	[tilespmem:$0x5B60] =	vst v9  }
0x68: {  	[tilespmem:$0x5B70] =	vst v9  }
0x69: {  	[tilespmem:$0x5B80] =	vst v9  }
0x6a: {  	[tilespmem:$0x5B90] =	vst v9  }
0x6b: {  	[tilespmem:$0x5BA0] =	vst v9  }
0x6c: {  	[tilespmem:$0x5BB0] =	vst v9  }
0x6d: {  	[tilespmem:$0x5BC0] =	vst v9  }
0x6e: {  	[tilespmem:$0x5BD0] =	vst v9  }
0x6f: {  	[tilespmem:$0x5BE0] =	vst v9  }
0x70: {  	[tilespmem:$0x5BF0] =	vst v9  }
0x71: {  	[tilespmem:$0x5C00] =	vst v9  }
0x72: {  	[tilespmem:$0x5C10] =	vst v9  }
0x73: {  	[tilespmem:$0x5C20] =	vst v9  }
0x74: {  	[tilespmem:$0x5C30] =	vst v9  }
0x75: {  	[tilespmem:$0x5C40] =	vst v9  }
0x76: {  	[tilespmem:$0x5C50] =	vst v9  }
0x77: {  	[tilespmem:$0x5C60] =	vst v9  }
0x78: {  	[tilespmem:$0x5C70] =	vst v9  }
0x79: {  	[tilespmem:$0x5C80] =	vst v9  }
0x7a: {  	[tilespmem:$0x5C90] =	vst v9  }
0x7b: {  	[tilespmem:$0x5CA0] =	vst v9  }
0x7c: {  	[tilespmem:$0x5CB0] =	vst v9  }
0x7d: {  	[tilespmem:$0x5CC0] =	vst v9  }
0x7e: {  	[tilespmem:$0x5CD0] =	vst v9  }
0x7f: {  	[tilespmem:$0x5CE0] =	vst v9  }
0x80: {  	[tilespmem:$0x5CF0] =	vst v9  }
0x81: {  	[tilespmem:$0x5D00] =	vst v9  }
0x82: {  	[tilespmem:$0x5D10] =	vst v9  }
0x83: {  	[tilespmem:$0x5D20] =	vst v9  }
0x84: {  	[tilespmem:$0x5D30] =	vst v9  }
0x85: {  	[tilespmem:$0x5D40] =	vst v9  }
0x86: {  	[tilespmem:$0x5D50] =	vst v9  }
0x87: {  	[tilespmem:$0x5D60] =	vst v9  }
0x88: {  	[tilespmem:$0x5D70] =	vst v9  }
0x89: {  	[tilespmem:$0x5D80] =	vst v9  }
0x8a: {  	[tilespmem:$0x5D90] =	vst v9  }
0x8b: {  	[tilespmem:$0x5DA0] =	vst v9  }
0x8c: {  	[tilespmem:$0x5DB0] =	vst v9  }
0x8d: {  	[tilespmem:$0x5DC0] =	vst v9  }
0x8e: {  	[tilespmem:$0x5DD0] =	vst v9  }
0x8f: {  	[tilespmem:$0x5DE0] =	vst v9  }
0x90: {  	[tilespmem:$0x5DF0] =	vst v9  }
0x91: {  	[tilespmem:$0x5E00] =	vst v9  }
0x92: {  	[tilespmem:$0x5E10] =	vst v9  }
0x93: {  	[tilespmem:$0x5E20] =	vst v9  }
0x94: {  	[tilespmem:$0x5E30] =	vst v9  }
0x95: {  	[tilespmem:$0x5E40] =	vst v9  }
0x96: {  	[tilespmem:$0x5E50] =	vst v9  }
0x97: {  	[tilespmem:$0x5E60] =	vst v9  }
0x98: {  	[tilespmem:$0x5E70] =	vst v9  }
0x99: {  	[tilespmem:$0x5E80] =	vst v9  }
0x9a: {  	[tilespmem:$0x5E90] =	vst v9  }
0x9b: {  	[tilespmem:$0x5EA0] =	vst v9  }
0x9c: {  	[tilespmem:$0x5EB0] =	vst v9  }
0x9d: {  	[tilespmem:$0x5EC0] =	vst v9  }
0x9e: {  	[tilespmem:$0x5ED0] =	vst v9  }
0x9f: {  	[tilespmem:$0x5EE0] =	vst v9  }
0xa0: {  	[dreg:$0x4] =	wrdreg s4;
	[tilespmem:$0x5EF0] =	vst v9;
	s0 =	sadd.s32 $0x0, s10  }
0xa1: {  	[spmem:s0] =	stream.linear.scatter [tilespmem:s12], [sflag:$0x5], $0x900, $0x38;
	[tilespmem:$0x1C700] =	vst v63  }
0xa2: {  	s25 =	simm.s32 $0x2400;
	_ =	swait.ge [sflag:s13], $0x900  }
.LBB2_2:
0xa3: {  	s0 =	sshra.s32 s25, $0x2;
	[sflag:s13] =	ssyncset.done $0x0;
	p0 =	sne.s32 s25, $0x57C00  }
.Ltmp0:
0xa4: {  	s0 =	sadd.s32 s0, s10;
	[sflag:s13] =	ssyncadd.s32 $0xFFFFF700;
	(pc) =	sbr.rel @p0 .LBB2_2-.Ltmp0, $3  }
0xa5: {  	[spmem:s0] =	stream.linear.scatter [tilespmem:s12], [sflag:$0x5], $0x900, $0x38;
	[tilespmem:$0x1C700] =	vst v63  }
0xa6: {  	s25 =	sadd.s32 $0x2400, s25;
	_ =	sdelay $0x1  }
0xa7: {  	_ =	swait.ge [sflag:s13], $0x900  }
0xa8: {  	[sflag:s13] =	ssyncset.done $0x0  }
0xa9: {  	[sflag:s13] =	ssyncadd.s32 $0xFFFFF700  }
0xaa: {  	s25 =	simm.s32 $0x0;
	s26 =	simm.s32 $0x0;
	[bflag:$0x0] =	sbarrier.arrive $0xFFFF  }
.LBB2_4:
0xab: {  	p0 =	seq.s32 s26, $0x0  }
0xac: {  	s0 =	simm.s32 @!p0 $0x3  }
0xad: {  	_ =	swait.ge @!p0 [sflag:s0], $0x2400  }
0xae: {  	[sflag:s0] =	ssyncset.done @!p0 $0x0  }
0xaf: {  	s29 =	sshll.u32 s26, $0x9;
	[sflag:s0] =	ssyncadd.s32 @!p0 $0xFFFFDC00;
	s0 =	simm.s32 @!p0 $0x4  }
0xb0: {  	s30 =	sadd.s32 s8, s29;
	_ =	swait.ge @!p0 [sflag:s0], $0x2400  }
0xb1: {  	s29 =	sshrl.u32 s30, $0x3;
	[sflag:s0] =	ssyncset.done @!p0 $0x0  }
0xb2: {  	s4 =	sadd.s32 s3, s29;
	[sflag:s0] =	ssyncadd.s32 @!p0 $0xFFFFDC00  }
0xb3: {  	[tilespmem:s25], [sflag:$0x5] =	stream.linear.gather [hbm4b:s4+s25], $0x200, $0x38;
	[tilespmem:$0x1C700] =	vst v63  }
0xb4: {  	_ =	swait.ge [sflag:s13], $0x200  }
0xb5: {  	s4 =	sshrl.u32 s30, $0x1;
	[sflag:s13] =	ssyncset.done $0x0  }
0xb6: {  	s0 =	sadd.s32 s6, s4;
	[sflag:s13] =	ssyncadd.s32 $0xFFFFFE00  }
0xb7: {  	[tilespmem:s14], [sflag:$0x5] =	stream.linear.gather [hbm4b:s0+s25], $0x800, $0x38;
	[tilespmem:$0x1C700] =	vst v63  }
0xb8: {  	_ =	swait.ge [sflag:s13], $0x800  }
0xb9: {  	[sflag:s13] =	ssyncset.done $0x0  }
0xba: {  	[sflag:s13] =	ssyncadd.s32 $0xFFFFF800  }
0xbb: {  	s31 =	simm.s32 $0x10;
	s30 =	simm.s32 $0x0;
	s0 =	simm.s32 $0x0;
	v14 =	vld [tilespmem:s25+$0x0]  }
.LBB2_5:
0xbc: {  	p0 =	sne.s32 s31, $0x1F0;
	_ =	sdelay $0x1  }
.Ltmp1:
0xbd: {  	(pc) =	sbr.rel @p0 .LBB2_5-.Ltmp1, $4  }
0xbe: {  	_ = 	snop  }
0xbf: {  	s4 =	sand.u32 $0x1F0, s30;
	s30 =	smov.u32 s31;
	v14 =	vadd.s32 v1, v14  }
0xc0: {  	s0 =	sadd.s32 $0x10, s0;
	[tilespmem:s4+$0x200] =	vst v14  }
0xc1: {  	s31 =	sadd.s32 $0x10, s31;
	v14 =	vld [tilespmem:s0+$0x0]  }
0xc2: {  	_ =	sdelay $0x3  }
0xc3: {  	s0 =	sand.u32 $0x1F0, s30;
	v14 =	vadd.s32 v1, v14  }
0xc4: {  	s31 =	sadd.s32 s5, s29;
	s29 =	simm.s32 $0x0;
	[tilespmem:s0+$0x200] =	vst v14  }
0xc5: {  	[tilespmem:s29], [sflag:$0x5] =	stream.linear.gather [hbm4b:s31+s29], $0x200, $0x38;
	[tilespmem:$0x1C700] =	vst v63  }
0xc6: {  	_ =	swait.ge [sflag:s13], $0x200  }
0xc7: {  	[sflag:s13] =	ssyncset.done $0x0  }
0xc8: {  	[sflag:s13] =	ssyncadd.s32 $0xFFFFFE00  }
0xc9: {  	v14 =	vld [tilespmem:s29+$0x0];
	_ =	sdelay $0x2  }
0xca: {  	s30 =	sand.u32 $0x1F0, s29;
	s0 =	simm.s32 $0x10  }
.LBB2_7:
0xcb: {  	p0 =	sne.s32 s0, $0x1F0  }
0xcc: {  	[tilespmem:s30+$0x400] =	vst v14;
	s29 =	sadd.s32 $0x10, s29;
	s4 =	smov.u32 s0;
	s0 =	sadd.s32 $0x10, s0  }
.Ltmp2:
0xcd: {  	v14 =	vld [tilespmem:s29+$0x0];
	(pc) =	sbr.rel @p0 .LBB2_7-.Ltmp2, $2  }
0xce: {  	_ =	sdelay $0x2  }
0xcf: {  	s30 =	sand.u32 $0x1F0, s4  }
0xd0: {  	[tilespmem:s30+$0x400] =	vst v14;
	s0 =	simm.s32 $0x200  }
0xd1: {  	[tilespmem:s17], [sflag:$0x1] =	stream.indirect.gather [hbm4b:s7+s15], $0x90, s0, s15, $0xb8;
	[tilespmem:$0x1C700] =	vst v63  }
0xd2: {  	s4 =	simm.s32 $0x240  }
0xd3: {  	v14 =	vadd.s32 v13, v0;
	[tilespmem:s19], [sflag:$0x2] =	stream.indirect.gather [hbm4b:s7+s15], $0x90, s4, s15, $0xb8;
	[tilespmem:$0x1C700] =	vst v63  }
0xd4: {  	_ =	swait.ge [sflag:s20], $0x2400  }
0xd5: {  	v15 =	vor.u32 $0x1, v0;
	[sflag:s20] =	ssyncset.done $0x0  }
0xd6: {  	v16 =	vor.u32 v10, v0;
	[sflag:s20] =	ssyncadd.s32 $0xFFFFDC00  }
0xd7: {  	v17 =	vadd.s32 $0x4, v0;
	v18 =	vld.idx.msk [tilespmem:v0+s14+$0x0], $0xffff  }
0xd8: {  	s29 =	simm.s32 $0xF20;
	v19 =	vadd.s32 $0x5, v0;
	v20 =	vld.idx.msk [tilespmem:v14+s14+$0x0], $0xffff  }
0xd9: {  	v21 =	vld [tilespmem:s29+$0x110]  }
0xda: {  	v22 =	vld.idx.msk [tilespmem:v15+s14+$0x0], $0xffff  }
0xdb: {  	v23 =	vld.idx.msk [tilespmem:v16+s14+$0x0], $0xffff  }
0xdc: {  	v17 =	vld.idx.msk [tilespmem:v17+s14+$0x0], $0xffff  }
0xdd: {  	v19 =	vld.idx.msk [tilespmem:v19+s14+$0x0], $0xffff  }
0xde: {  	v16 =	vld [tilespmem:s29+$0xFFFFFEF0]  }
0xdf: {  	v28 =	vadd.s32 $0x8, v0;
	v26 =	vld [tilespmem:s29+$0xFFFFFF00]  }
0xe0: {  	v27 =	vld [tilespmem:s29+$0xFFFFFF10]  }
0xe1: {  	v14 =	vadd.s32 v11, v0;
	v29 =	vld [tilespmem:s29+$0xFFFFFF20]  }
0xe2: {  	v31 =	vld [tilespmem:s29+$0xFFFFFF30]  }
0xe3: {  	v32 =	vld [tilespmem:s29+$0xFFFFFF40]  }
0xe4: {  	v28 =	vld.idx.msk [tilespmem:v28+s14+$0x0], $0xffff  }
0xe5: {  	v61 =	vld [tilespmem:s29+$0xFFFFFF60]  }
0xe6: {  	v24 =	vld.idx.msk [tilespmem:v14+s14+$0x0], $0xffff  }
0xe7: {  	v25 =	vadd.s32 $0xD, v0;
	v14 =	vld [tilespmem:s29+$0xFFFFFEE0];
	v16 =	vmul.f32 v16, v18  }
0xe8: {  	v34 =	vld [tilespmem:s29+$0xFFFFFF90]  }
0xe9: {  	v15 =	vadd.s32 $0xC, v0;
	v26 =	vmul.f32 v26, v18;
	[tilespmem:s29+$0xFFFFFEF0] =	vst v16;
	v16 =	vld [tilespmem:s29+$0xFFFFFF70]  }
0xea: {  	v33 =	vadd.s32 $0x9, v0;
	v62 =	vld [tilespmem:s29+$0xFFFFFFB0];
	v31 =	vmul.f32 v31, v22  }
0xeb: {  	v20 =	vmul.f32 v21, v20;
	v21 =	vld [tilespmem:s29+$0xFFFFFF80];
	[tilespmem:s29+$0xFFFFFF00] =	vst v26;
	v26 =	vmul.f32 v29, v22  }
0xec: {  	[tilespmem:s29+$0xFFFFFF30] =	vst v31;
	v30 =	vmul.f32 v14, v18;
	v14 =	vld.idx.msk [tilespmem:v25+s14+$0x0], $0xffff  }
0xed: {  	[tilespmem:s29+$0xFFFFFF20] =	vst v26;
	v25 =	vld [tilespmem:s29+$0xFFFFFF50]  }
0xee: {  	v15 =	vld.idx.msk [tilespmem:v15+s14+$0x0], $0xffff;
	[tilespmem:s29+$0x110] =	vst v20;
	v16 =	vmul.f32 v16, v17  }
0xef: {  	v33 =	vld.idx.msk [tilespmem:v33+s14+$0x0], $0xffff;
	v18 =	vmul.f32 v27, v18;
	[tilespmem:s29+$0xFFFFFEE0] =	vst v30  }
0xf0: {  	v20 =	vld [tilespmem:s29+$0xFFFFFFA0];
	v27 =	vadd.s32 v12, v0;
	[tilespmem:s29+$0xFFFFFF70] =	vst v16;
	v16 =	vmul.f32 v21, v17  }
0xf1: {  	v63 =	vld [tilespmem:s29+$0xFFFFFFE0];
	[tilespmem:s29+$0xFFFFFF10] =	vst v18;
	v21 =	vmul.f32 v32, v22  }
0xf2: {  	v18 =	vld [tilespmem:s29+$0xFFFFFFC0];
	v22 =	vmul.f32 v25, v22;
	[tilespmem:s29+$0xFFFFFF80] =	vst v16  }
0xf3: {  	v26 =	vld [tilespmem:s29+$0xFFFFFFD0];
	[tilespmem:s29+$0xFFFFFF40] =	vst v21;
	v21 =	vmul.f32 v61, v23  }
0xf4: {  	v25 =	vld [tilespmem:s29+$0x0];
	[tilespmem:s29+$0xFFFFFF50] =	vst v22;
	v22 =	vmul.f32 v34, v17  }
0xf5: {  	v16 =	vld.idx.msk [tilespmem:v27+s14+$0x0], $0xffff;
	v17 =	vmul.f32 v20, v17;
	[tilespmem:s29+$0xFFFFFF60] =	vst v21  }
0xf6: {  	v20 =	vld [tilespmem:s29+$0x10];
	v21 =	vmul.f32 v62, v19;
	[tilespmem:s29+$0xFFFFFF90] =	vst v22  }
0xf7: {  	v23 =	vld [tilespmem:s29+$0xFFFFFFF0];
	[tilespmem:s29+$0xFFFFFFA0] =	vst v17;
	v17 =	vmul.f32 v18, v19  }
0xf8: {  	v22 =	vld [tilespmem:s29+$0x20];
	[tilespmem:s29+$0xFFFFFFB0] =	vst v21;
	v21 =	vmul.f32 v26, v19  }
0xf9: {  	v18 =	vld [tilespmem:s29+$0x30];
	v19 =	vmul.f32 v63, v19;
	[tilespmem:s29+$0xFFFFFFC0] =	vst v17  }
0xfa: {  	v26 =	vld [tilespmem:s29+$0x40];
	v17 =	vmul.f32 v25, v28;
	[tilespmem:s29+$0xFFFFFFD0] =	vst v21  }
0xfb: {  	v25 =	vld [tilespmem:s29+$0x50];
	v20 =	vmul.f32 v20, v28;
	[tilespmem:s29+$0xFFFFFFE0] =	vst v19  }
0xfc: {  	v27 =	vld [tilespmem:s29+$0x60];
	[tilespmem:s29+$0x0] =	vst v17;
	v17 =	vmul.f32 v23, v24  }
0xfd: {  	v23 =	vld [tilespmem:s29+$0x70];
	v19 =	vmul.f32 v22, v28;
	[tilespmem:s29+$0x10] =	vst v20  }
0xfe: {  	v20 =	vld [tilespmem:s29+$0xA0];
	[tilespmem:s29+$0xFFFFFFF0] =	vst v17;
	v17 =	vmul.f32 v18, v28  }
0xff: {  	v22 =	vld [tilespmem:s29+$0xC0];
	v21 =	vmul.f32 v26, v33;
	[tilespmem:s29+$0x20] =	vst v19  }
0x100: {  	v18 =	vld [tilespmem:s29+$0x80];
	[tilespmem:s29+$0x30] =	vst v17;
	v17 =	vmul.f32 v25, v33  }
0x101: {  	v24 =	vmul.f32 v27, v33;
	v19 =	vld [tilespmem:s29+$0x90];
	[tilespmem:s29+$0x40] =	vst v21  }
0x102: {  	s31 =	simm.s32 $0x0;
	s30 =	simm.s32 $0xF20;
	v21 =	vld [tilespmem:s29+$0xB0];
	v23 =	vmul.f32 v23, v33;
	[tilespmem:s29+$0x50] =	vst v17;
	v17 =	vadd.s32 $0x10, v0  }
.LBB2_9:
0x103: {  	v25 =	vor.u32 $0x1, v17;
	v26 =	vor.u32 v10, v17;
	v27 =	vadd.s32 v13, v17;
	s31 =	sadd.s32 $0x4, s31;
	[tilespmem:s29+$0x60] =	vst v24;
	v24 =	vld [tilespmem:s29+$0xD0]  }
0x104: {  	v28 =	vadd.s32 $0x4, v17;
	v29 =	vadd.s32 $0x5, v17;
	v30 =	vadd.s32 v11, v17;
	p0 =	slt.u32 s31, $0x3C;
	[tilespmem:s29+$0x70] =	vst v23;
	v23 =	vld [tilespmem:s29+$0xE0]  }
0x105: {  	v31 =	vadd.s32 $0x8, v17;
	v32 =	vadd.s32 $0x9, v17;
	v33 =	vadd.s32 v12, v17;
	v34 =	vld [tilespmem:s29+$0xF0]  }
0x106: {  	v16 =	vmul.f32 v18, v16;
	v18 =	vmul.f32 v19, v15;
	v19 =	vld [tilespmem:s29+$0x100]  }
0x107: {  	v20 =	vmul.f32 v20, v15;
	v21 =	vmul.f32 v21, v15;
	v35 =	vld.idx.msk [tilespmem:v17+s14+$0x0], $0xffff  }
0x108: {  	s29 =	sadd.s32 $0x240, s29;
	v15 =	vmul.f32 v22, v15;
	v27 =	vld.idx.msk [tilespmem:v27+s14+$0x0], $0xffff;
	[tilespmem:s30+$0x80] =	vst v16;
	v16 =	vmul.f32 v24, v14  }
0x109: {  	v22 =	vld [tilespmem:s29+$0x110];
	[tilespmem:s30+$0x90] =	vst v18;
	v18 =	vmul.f32 v23, v14  }
0x10a: {  	v24 =	vadd.s32 $0xC, v17;
	v23 =	vld.idx.msk [tilespmem:v25+s14+$0x0], $0xffff;
	[tilespmem:s30+$0xA0] =	vst v20;
	v20 =	vmul.f32 v34, v14  }
0x10b: {  	v25 =	vld.idx.msk [tilespmem:v26+s14+$0x0], $0xffff;
	v26 =	vadd.s32 $0xD, v17;
	[tilespmem:s30+$0xB0] =	vst v21;
	v19 =	vmul.f32 v19, v14  }
0x10c: {  	v21 =	vld.idx.msk [tilespmem:v28+s14+$0x0], $0xffff;
	[tilespmem:s30+$0xC0] =	vst v15  }
0x10d: {  	v28 =	vld.idx.msk [tilespmem:v29+s14+$0x0], $0xffff;
	[tilespmem:s30+$0xD0] =	vst v16  }
0x10e: {  	v29 =	vld.idx.msk [tilespmem:v30+s14+$0x0], $0xffff;
	v16 =	vmul.f32 v22, v27;
	[tilespmem:s30+$0xE0] =	vst v18  }
0x10f: {  	v15 =	vld.idx.msk [tilespmem:v24+s14+$0x0], $0xffff;
	[tilespmem:s30+$0xF0] =	vst v20  }
0x110: {  	v14 =	vld.idx.msk [tilespmem:v26+s14+$0x0], $0xffff;
	[tilespmem:s29+$0x110] =	vst v16  }
0x111: {  	v18 =	vld.idx.msk [tilespmem:v31+s14+$0x0], $0xffff;
	[tilespmem:s30+$0x100] =	vst v19;
	s30 =	smov.u32 s29  }
0x112: {  	v22 =	vld.idx.msk [tilespmem:v32+s14+$0x0], $0xffff  }
0x113: {  	v16 =	vld.idx.msk [tilespmem:v33+s14+$0x0], $0xffff  }
0x114: {  	v19 =	vld [tilespmem:s29+$0xFFFFFEE0]  }
0x115: {  	v20 =	vld [tilespmem:s29+$0xFFFFFEF0]  }
0x116: {  	v24 =	vld [tilespmem:s29+$0xFFFFFF00]  }
0x117: {  	v26 =	vld [tilespmem:s29+$0xFFFFFF10]  }
0x118: {  	v27 =	vld [tilespmem:s29+$0xFFFFFF20]  }
0x119: {  	v19 =	vmul.f32 v19, v35;
	v30 =	vld [tilespmem:s29+$0xFFFFFF30]  }
0x11a: {  	v20 =	vmul.f32 v20, v35;
	v31 =	vld [tilespmem:s29+$0xFFFFFF40]  }
0x11b: {  	[tilespmem:s29+$0xFFFFFEE0] =	vst v19;
	v19 =	vmul.f32 v24, v35;
	v24 =	vld [tilespmem:s29+$0xFFFFFF50]  }
0x11c: {  	[tilespmem:s29+$0xFFFFFEF0] =	vst v20;
	v20 =	vmul.f32 v26, v35;
	v26 =	vld [tilespmem:s29+$0xFFFFFF60]  }
0x11d: {  	[tilespmem:s29+$0xFFFFFF00] =	vst v19;
	v19 =	vmul.f32 v27, v23;
	v27 =	vld [tilespmem:s29+$0xFFFFFF70]  }
0x11e: {  	[tilespmem:s29+$0xFFFFFF10] =	vst v20;
	v20 =	vmul.f32 v30, v23;
	v30 =	vld [tilespmem:s29+$0xFFFFFF80]  }
0x11f: {  	[tilespmem:s29+$0xFFFFFF20] =	vst v19;
	v19 =	vmul.f32 v31, v23;
	v31 =	vld [tilespmem:s29+$0xFFFFFF90]  }
0x120: {  	[tilespmem:s29+$0xFFFFFF30] =	vst v20;
	v20 =	vmul.f32 v24, v23;
	v23 =	vld [tilespmem:s29+$0xFFFFFFA0]  }
0x121: {  	[tilespmem:s29+$0xFFFFFF40] =	vst v19;
	v19 =	vmul.f32 v26, v25;
	v24 =	vld [tilespmem:s29+$0xFFFFFFB0]  }
0x122: {  	[tilespmem:s29+$0xFFFFFF50] =	vst v20;
	v20 =	vmul.f32 v27, v21;
	v25 =	vld [tilespmem:s29+$0xFFFFFFC0]  }
0x123: {  	[tilespmem:s29+$0xFFFFFF60] =	vst v19;
	v19 =	vmul.f32 v30, v21;
	v26 =	vld [tilespmem:s29+$0xFFFFFFD0]  }
0x124: {  	[tilespmem:s29+$0xFFFFFF70] =	vst v20;
	v20 =	vmul.f32 v31, v21;
	v27 =	vld [tilespmem:s29+$0xFFFFFFE0]  }
0x125: {  	[tilespmem:s29+$0xFFFFFF80] =	vst v19;
	v19 =	vmul.f32 v23, v21;
	v21 =	vld [tilespmem:s29+$0xFFFFFFF0]  }
0x126: {  	[tilespmem:s29+$0xFFFFFF90] =	vst v20;
	v20 =	vmul.f32 v24, v28;
	v23 =	vld [tilespmem:s29+$0x0]  }
0x127: {  	[tilespmem:s29+$0xFFFFFFA0] =	vst v19;
	v19 =	vmul.f32 v25, v28;
	v24 =	vld [tilespmem:s29+$0x10]  }
0x128: {  	[tilespmem:s29+$0xFFFFFFB0] =	vst v20;
	v20 =	vmul.f32 v26, v28;
	v25 =	vld [tilespmem:s29+$0x20]  }
0x129: {  	[tilespmem:s29+$0xFFFFFFC0] =	vst v19;
	v19 =	vmul.f32 v27, v28;
	v26 =	vld [tilespmem:s29+$0x30]  }
0x12a: {  	[tilespmem:s29+$0xFFFFFFD0] =	vst v20;
	v20 =	vmul.f32 v21, v29;
	v21 =	vld [tilespmem:s29+$0x40]  }
0x12b: {  	[tilespmem:s29+$0xFFFFFFE0] =	vst v19;
	v19 =	vmul.f32 v23, v18;
	v23 =	vld [tilespmem:s29+$0x50]  }
0x12c: {  	[tilespmem:s29+$0xFFFFFFF0] =	vst v20;
	v20 =	vmul.f32 v24, v18;
	v24 =	vld [tilespmem:s29+$0x60]  }
0x12d: {  	[tilespmem:s29+$0x0] =	vst v19;
	v19 =	vmul.f32 v25, v18;
	v25 =	vld [tilespmem:s29+$0x70]  }
.Ltmp3:
0x12e: {  	[tilespmem:s29+$0x10] =	vst v20;
	v20 =	vmul.f32 v26, v18;
	v18 =	vld [tilespmem:s29+$0x80];
	(pc) =	sbr.rel @p0 .LBB2_9-.Ltmp3, $4  }
0x12f: {  	[tilespmem:s29+$0x20] =	vst v19;
	v21 =	vmul.f32 v21, v22;
	v19 =	vld [tilespmem:s29+$0x90]  }
0x130: {  	[tilespmem:s29+$0x30] =	vst v20;
	v23 =	vmul.f32 v23, v22;
	v20 =	vld [tilespmem:s29+$0xA0]  }
0x131: {  	[tilespmem:s29+$0x40] =	vst v21;
	v24 =	vmul.f32 v24, v22;
	v21 =	vld [tilespmem:s29+$0xB0]  }
0x132: {  	v17 =	vadd.s32 $0x10, v17;
	[tilespmem:s29+$0x50] =	vst v23;
	v23 =	vmul.f32 v25, v22;
	v22 =	vld [tilespmem:s29+$0xC0]  }
0x133: {  	v17 =	vld [tilespmem:s29+$0xD0];
	[tilespmem:s29+$0x60] =	vst v24;
	v16 =	vmul.f32 v18, v16  }
0x134: {  	v24 =	vld [tilespmem:s29+$0xE0];
	[tilespmem:s29+$0x70] =	vst v23;
	v19 =	vmul.f32 v19, v15  }
0x135: {  	v18 =	vld [tilespmem:s29+$0xF0];
	v20 =	vmul.f32 v20, v15;
	[tilespmem:s30+$0x80] =	vst v16  }
0x136: {  	v23 =	vld [tilespmem:s29+$0x100];
	v16 =	vmul.f32 v21, v15;
	[tilespmem:s30+$0x90] =	vst v19  }
0x137: {  	v15 =	vmul.f32 v22, v15;
	[tilespmem:s30+$0xA0] =	vst v20  }
0x138: {  	v17 =	vmul.f32 v17, v14;
	[tilespmem:s30+$0xB0] =	vst v16  }
0x139: {  	v16 =	vmul.f32 v24, v14;
	[tilespmem:s30+$0xC0] =	vst v15  }
0x13a: {  	v15 =	vmul.f32 v18, v14;
	[tilespmem:s30+$0xD0] =	vst v17  }
0x13b: {  	v14 =	vmul.f32 v23, v14;
	[tilespmem:s30+$0xE0] =	vst v16  }
0x13c: {  	[tilespmem:s30+$0xF0] =	vst v15  }
0x13d: {  	s0 =	simm.s32 $0x400;
	[tilespmem:s30+$0x100] =	vst v14  }
0x13e: {  	v14 =	vadd.s32 v13, v2;
	[spmem:s1] =	stream.indirect.scatter.add.f32 [tilespmem:s17], [sflag:$0x3], $0x90, s0, s15, $0xb8;
	[tilespmem:$0x1C700] =	vst v63  }
0x13f: {  	_ =	swait.ge [sflag:s22], $0x2400  }
0x140: {  	v15 =	vor.u32 $0x1, v2;
	[sflag:s22] =	ssyncset.done $0x0  }
0x141: {  	v16 =	vor.u32 v10, v2;
	[sflag:s22] =	ssyncadd.s32 $0xFFFFDC00  }
0x142: {  	v17 =	vadd.s32 $0x4, v2;
	v18 =	vld.idx.msk [tilespmem:v2+s14+$0x0], $0xffff  }
0x143: {  	s29 =	simm.s32 $0x3320;
	v19 =	vadd.s32 $0x5, v2;
	v20 =	vld.idx.msk [tilespmem:v14+s14+$0x0], $0xffff  }
0x144: {  	v21 =	vld [tilespmem:s29+$0x110]  }
0x145: {  	v22 =	vld.idx.msk [tilespmem:v15+s14+$0x0], $0xffff  }
0x146: {  	v23 =	vld.idx.msk [tilespmem:v16+s14+$0x0], $0xffff  }
0x147: {  	v17 =	vld.idx.msk [tilespmem:v17+s14+$0x0], $0xffff  }
0x148: {  	v19 =	vld.idx.msk [tilespmem:v19+s14+$0x0], $0xffff  }
0x149: {  	v16 =	vld [tilespmem:s29+$0xFFFFFEF0]  }
0x14a: {  	v28 =	vadd.s32 $0x8, v2;
	v26 =	vld [tilespmem:s29+$0xFFFFFF00]  }
0x14b: {  	v27 =	vld [tilespmem:s29+$0xFFFFFF10]  }
0x14c: {  	v14 =	vadd.s32 v11, v2;
	v29 =	vld [tilespmem:s29+$0xFFFFFF20]  }
0x14d: {  	v31 =	vld [tilespmem:s29+$0xFFFFFF30]  }
0x14e: {  	v32 =	vld [tilespmem:s29+$0xFFFFFF40]  }
0x14f: {  	v28 =	vld.idx.msk [tilespmem:v28+s14+$0x0], $0xffff  }
0x150: {  	v61 =	vld [tilespmem:s29+$0xFFFFFF60]  }
0x151: {  	v24 =	vld.idx.msk [tilespmem:v14+s14+$0x0], $0xffff  }
0x152: {  	v25 =	vadd.s32 $0xD, v2;
	v14 =	vld [tilespmem:s29+$0xFFFFFEE0];
	v16 =	vmul.f32 v16, v18  }
0x153: {  	v34 =	vld [tilespmem:s29+$0xFFFFFF90]  }
0x154: {  	v15 =	vadd.s32 $0xC, v2;
	v26 =	vmul.f32 v26, v18;
	[tilespmem:s29+$0xFFFFFEF0] =	vst v16;
	v16 =	vld [tilespmem:s29+$0xFFFFFF70]  }
0x155: {  	v33 =	vadd.s32 $0x9, v2;
	v62 =	vld [tilespmem:s29+$0xFFFFFFB0];
	v31 =	vmul.f32 v31, v22  }
0x156: {  	v20 =	vmul.f32 v21, v20;
	v21 =	vld [tilespmem:s29+$0xFFFFFF80];
	[tilespmem:s29+$0xFFFFFF00] =	vst v26;
	v26 =	vmul.f32 v29, v22  }
0x157: {  	[tilespmem:s29+$0xFFFFFF30] =	vst v31;
	v30 =	vmul.f32 v14, v18;
	v14 =	vld.idx.msk [tilespmem:v25+s14+$0x0], $0xffff  }
0x158: {  	[tilespmem:s29+$0xFFFFFF20] =	vst v26;
	v25 =	vld [tilespmem:s29+$0xFFFFFF50]  }
0x159: {  	v15 =	vld.idx.msk [tilespmem:v15+s14+$0x0], $0xffff;
	[tilespmem:s29+$0x110] =	vst v20;
	v16 =	vmul.f32 v16, v17  }
0x15a: {  	v33 =	vld.idx.msk [tilespmem:v33+s14+$0x0], $0xffff;
	v18 =	vmul.f32 v27, v18;
	[tilespmem:s29+$0xFFFFFEE0] =	vst v30  }
0x15b: {  	v20 =	vld [tilespmem:s29+$0xFFFFFFA0];
	v27 =	vadd.s32 v12, v2;
	[tilespmem:s29+$0xFFFFFF70] =	vst v16;
	v16 =	vmul.f32 v21, v17  }
0x15c: {  	v63 =	vld [tilespmem:s29+$0xFFFFFFE0];
	[tilespmem:s29+$0xFFFFFF10] =	vst v18;
	v21 =	vmul.f32 v32, v22  }
0x15d: {  	v18 =	vld [tilespmem:s29+$0xFFFFFFC0];
	v22 =	vmul.f32 v25, v22;
	[tilespmem:s29+$0xFFFFFF80] =	vst v16  }
0x15e: {  	v26 =	vld [tilespmem:s29+$0xFFFFFFD0];
	[tilespmem:s29+$0xFFFFFF40] =	vst v21;
	v21 =	vmul.f32 v61, v23  }
0x15f: {  	v25 =	vld [tilespmem:s29+$0x0];
	[tilespmem:s29+$0xFFFFFF50] =	vst v22;
	v22 =	vmul.f32 v34, v17  }
0x160: {  	v16 =	vld.idx.msk [tilespmem:v27+s14+$0x0], $0xffff;
	v17 =	vmul.f32 v20, v17;
	[tilespmem:s29+$0xFFFFFF60] =	vst v21  }
0x161: {  	v20 =	vld [tilespmem:s29+$0x10];
	v21 =	vmul.f32 v62, v19;
	[tilespmem:s29+$0xFFFFFF90] =	vst v22  }
0x162: {  	v23 =	vld [tilespmem:s29+$0xFFFFFFF0];
	[tilespmem:s29+$0xFFFFFFA0] =	vst v17;
	v17 =	vmul.f32 v18, v19  }
0x163: {  	v22 =	vld [tilespmem:s29+$0x20];
	[tilespmem:s29+$0xFFFFFFB0] =	vst v21;
	v21 =	vmul.f32 v26, v19  }
0x164: {  	v18 =	vld [tilespmem:s29+$0x30];
	v19 =	vmul.f32 v63, v19;
	[tilespmem:s29+$0xFFFFFFC0] =	vst v17  }
0x165: {  	v26 =	vld [tilespmem:s29+$0x40];
	v17 =	vmul.f32 v25, v28;
	[tilespmem:s29+$0xFFFFFFD0] =	vst v21  }
0x166: {  	v25 =	vld [tilespmem:s29+$0x50];
	v20 =	vmul.f32 v20, v28;
	[tilespmem:s29+$0xFFFFFFE0] =	vst v19  }
0x167: {  	v27 =	vld [tilespmem:s29+$0x60];
	[tilespmem:s29+$0x0] =	vst v17;
	v17 =	vmul.f32 v23, v24  }
0x168: {  	v23 =	vld [tilespmem:s29+$0x70];
	v19 =	vmul.f32 v22, v28;
	[tilespmem:s29+$0x10] =	vst v20  }
0x169: {  	v20 =	vld [tilespmem:s29+$0xA0];
	[tilespmem:s29+$0xFFFFFFF0] =	vst v17;
	v17 =	vmul.f32 v18, v28  }
0x16a: {  	v22 =	vld [tilespmem:s29+$0xC0];
	v21 =	vmul.f32 v26, v33;
	[tilespmem:s29+$0x20] =	vst v19  }
0x16b: {  	v18 =	vld [tilespmem:s29+$0x80];
	[tilespmem:s29+$0x30] =	vst v17;
	v17 =	vmul.f32 v25, v33  }
0x16c: {  	v24 =	vmul.f32 v27, v33;
	v19 =	vld [tilespmem:s29+$0x90];
	[tilespmem:s29+$0x40] =	vst v21  }
0x16d: {  	s31 =	simm.s32 $0x0;
	s30 =	simm.s32 $0x3320;
	v21 =	vld [tilespmem:s29+$0xB0];
	v23 =	vmul.f32 v23, v33;
	[tilespmem:s29+$0x50] =	vst v17;
	v17 =	vadd.s32 $0x10, v2  }
.LBB2_11:
0x16e: {  	v25 =	vor.u32 $0x1, v17;
	v26 =	vor.u32 v10, v17;
	v27 =	vadd.s32 v13, v17;
	s31 =	sadd.s32 $0x4, s31;
	[tilespmem:s29+$0x60] =	vst v24;
	v24 =	vld [tilespmem:s29+$0xD0]  }
0x16f: {  	v28 =	vadd.s32 $0x4, v17;
	v29 =	vadd.s32 $0x5, v17;
	v30 =	vadd.s32 v11, v17;
	p0 =	slt.u32 s31, $0x3C;
	[tilespmem:s29+$0x70] =	vst v23;
	v23 =	vld [tilespmem:s29+$0xE0]  }
0x170: {  	v31 =	vadd.s32 $0x8, v17;
	v32 =	vadd.s32 $0x9, v17;
	v33 =	vadd.s32 v12, v17;
	v34 =	vld [tilespmem:s29+$0xF0]  }
0x171: {  	v16 =	vmul.f32 v18, v16;
	v18 =	vmul.f32 v19, v15;
	v19 =	vld [tilespmem:s29+$0x100]  }
0x172: {  	v20 =	vmul.f32 v20, v15;
	v21 =	vmul.f32 v21, v15;
	v35 =	vld.idx.msk [tilespmem:v17+s14+$0x0], $0xffff  }
0x173: {  	s29 =	sadd.s32 $0x240, s29;
	v15 =	vmul.f32 v22, v15;
	v27 =	vld.idx.msk [tilespmem:v27+s14+$0x0], $0xffff;
	[tilespmem:s30+$0x80] =	vst v16;
	v16 =	vmul.f32 v24, v14  }
0x174: {  	v22 =	vld [tilespmem:s29+$0x110];
	[tilespmem:s30+$0x90] =	vst v18;
	v18 =	vmul.f32 v23, v14  }
0x175: {  	v24 =	vadd.s32 $0xC, v17;
	v23 =	vld.idx.msk [tilespmem:v25+s14+$0x0], $0xffff;
	[tilespmem:s30+$0xA0] =	vst v20;
	v20 =	vmul.f32 v34, v14  }
0x176: {  	v25 =	vld.idx.msk [tilespmem:v26+s14+$0x0], $0xffff;
	v26 =	vadd.s32 $0xD, v17;
	[tilespmem:s30+$0xB0] =	vst v21;
	v19 =	vmul.f32 v19, v14  }
0x177: {  	v21 =	vld.idx.msk [tilespmem:v28+s14+$0x0], $0xffff;
	[tilespmem:s30+$0xC0] =	vst v15  }
0x178: {  	v28 =	vld.idx.msk [tilespmem:v29+s14+$0x0], $0xffff;
	[tilespmem:s30+$0xD0] =	vst v16  }
0x179: {  	v29 =	vld.idx.msk [tilespmem:v30+s14+$0x0], $0xffff;
	v16 =	vmul.f32 v22, v27;
	[tilespmem:s30+$0xE0] =	vst v18  }
0x17a: {  	v15 =	vld.idx.msk [tilespmem:v24+s14+$0x0], $0xffff;
	[tilespmem:s30+$0xF0] =	vst v20  }
0x17b: {  	v14 =	vld.idx.msk [tilespmem:v26+s14+$0x0], $0xffff;
	[tilespmem:s29+$0x110] =	vst v16  }
0x17c: {  	v18 =	vld.idx.msk [tilespmem:v31+s14+$0x0], $0xffff;
	[tilespmem:s30+$0x100] =	vst v19;
	s30 =	smov.u32 s29  }
0x17d: {  	v22 =	vld.idx.msk [tilespmem:v32+s14+$0x0], $0xffff  }
0x17e: {  	v16 =	vld.idx.msk [tilespmem:v33+s14+$0x0], $0xffff  }
0x17f: {  	v19 =	vld [tilespmem:s29+$0xFFFFFEE0]  }
0x180: {  	v20 =	vld [tilespmem:s29+$0xFFFFFEF0]  }
0x181: {  	v24 =	vld [tilespmem:s29+$0xFFFFFF00]  }
0x182: {  	v26 =	vld [tilespmem:s29+$0xFFFFFF10]  }
0x183: {  	v27 =	vld [tilespmem:s29+$0xFFFFFF20]  }
0x184: {  	v19 =	vmul.f32 v19, v35;
	v30 =	vld [tilespmem:s29+$0xFFFFFF30]  }
0x185: {  	v20 =	vmul.f32 v20, v35;
	v31 =	vld [tilespmem:s29+$0xFFFFFF40]  }
0x186: {  	[tilespmem:s29+$0xFFFFFEE0] =	vst v19;
	v19 =	vmul.f32 v24, v35;
	v24 =	vld [tilespmem:s29+$0xFFFFFF50]  }
0x187: {  	[tilespmem:s29+$0xFFFFFEF0] =	vst v20;
	v20 =	vmul.f32 v26, v35;
	v26 =	vld [tilespmem:s29+$0xFFFFFF60]  }
0x188: {  	[tilespmem:s29+$0xFFFFFF00] =	vst v19;
	v19 =	vmul.f32 v27, v23;
	v27 =	vld [tilespmem:s29+$0xFFFFFF70]  }
0x189: {  	[tilespmem:s29+$0xFFFFFF10] =	vst v20;
	v20 =	vmul.f32 v30, v23;
	v30 =	vld [tilespmem:s29+$0xFFFFFF80]  }
0x18a: {  	[tilespmem:s29+$0xFFFFFF20] =	vst v19;
	v19 =	vmul.f32 v31, v23;
	v31 =	vld [tilespmem:s29+$0xFFFFFF90]  }
0x18b: {  	[tilespmem:s29+$0xFFFFFF30] =	vst v20;
	v20 =	vmul.f32 v24, v23;
	v23 =	vld [tilespmem:s29+$0xFFFFFFA0]  }
0x18c: {  	[tilespmem:s29+$0xFFFFFF40] =	vst v19;
	v19 =	vmul.f32 v26, v25;
	v24 =	vld [tilespmem:s29+$0xFFFFFFB0]  }
0x18d: {  	[tilespmem:s29+$0xFFFFFF50] =	vst v20;
	v20 =	vmul.f32 v27, v21;
	v25 =	vld [tilespmem:s29+$0xFFFFFFC0]  }
0x18e: {  	[tilespmem:s29+$0xFFFFFF60] =	vst v19;
	v19 =	vmul.f32 v30, v21;
	v26 =	vld [tilespmem:s29+$0xFFFFFFD0]  }
0x18f: {  	[tilespmem:s29+$0xFFFFFF70] =	vst v20;
	v20 =	vmul.f32 v31, v21;
	v27 =	vld [tilespmem:s29+$0xFFFFFFE0]  }
0x190: {  	[tilespmem:s29+$0xFFFFFF80] =	vst v19;
	v19 =	vmul.f32 v23, v21;
	v21 =	vld [tilespmem:s29+$0xFFFFFFF0]  }
0x191: {  	[tilespmem:s29+$0xFFFFFF90] =	vst v20;
	v20 =	vmul.f32 v24, v28;
	v23 =	vld [tilespmem:s29+$0x0]  }
0x192: {  	[tilespmem:s29+$0xFFFFFFA0] =	vst v19;
	v19 =	vmul.f32 v25, v28;
	v24 =	vld [tilespmem:s29+$0x10]  }
0x193: {  	[tilespmem:s29+$0xFFFFFFB0] =	vst v20;
	v20 =	vmul.f32 v26, v28;
	v25 =	vld [tilespmem:s29+$0x20]  }
0x194: {  	[tilespmem:s29+$0xFFFFFFC0] =	vst v19;
	v19 =	vmul.f32 v27, v28;
	v26 =	vld [tilespmem:s29+$0x30]  }
0x195: {  	[tilespmem:s29+$0xFFFFFFD0] =	vst v20;
	v20 =	vmul.f32 v21, v29;
	v21 =	vld [tilespmem:s29+$0x40]  }
0x196: {  	[tilespmem:s29+$0xFFFFFFE0] =	vst v19;
	v19 =	vmul.f32 v23, v18;
	v23 =	vld [tilespmem:s29+$0x50]  }
0x197: {  	[tilespmem:s29+$0xFFFFFFF0] =	vst v20;
	v20 =	vmul.f32 v24, v18;
	v24 =	vld [tilespmem:s29+$0x60]  }
0x198: {  	[tilespmem:s29+$0x0] =	vst v19;
	v19 =	vmul.f32 v25, v18;
	v25 =	vld [tilespmem:s29+$0x70]  }
.Ltmp4:
0x199: {  	[tilespmem:s29+$0x10] =	vst v20;
	v20 =	vmul.f32 v26, v18;
	v18 =	vld [tilespmem:s29+$0x80];
	(pc) =	sbr.rel @p0 .LBB2_11-.Ltmp4, $4  }
0x19a: {  	[tilespmem:s29+$0x20] =	vst v19;
	v21 =	vmul.f32 v21, v22;
	v19 =	vld [tilespmem:s29+$0x90]  }
0x19b: {  	[tilespmem:s29+$0x30] =	vst v20;
	v23 =	vmul.f32 v23, v22;
	v20 =	vld [tilespmem:s29+$0xA0]  }
0x19c: {  	[tilespmem:s29+$0x40] =	vst v21;
	v24 =	vmul.f32 v24, v22;
	v21 =	vld [tilespmem:s29+$0xB0]  }
0x19d: {  	v17 =	vadd.s32 $0x10, v17;
	[tilespmem:s29+$0x50] =	vst v23;
	v23 =	vmul.f32 v25, v22;
	v22 =	vld [tilespmem:s29+$0xC0]  }
0x19e: {  	v17 =	vld [tilespmem:s29+$0xD0];
	[tilespmem:s29+$0x60] =	vst v24;
	v16 =	vmul.f32 v18, v16  }
0x19f: {  	v24 =	vld [tilespmem:s29+$0xE0];
	[tilespmem:s29+$0x70] =	vst v23;
	v19 =	vmul.f32 v19, v15  }
0x1a0: {  	v18 =	vld [tilespmem:s29+$0xF0];
	v20 =	vmul.f32 v20, v15;
	[tilespmem:s30+$0x80] =	vst v16  }
0x1a1: {  	v23 =	vld [tilespmem:s29+$0x100];
	v16 =	vmul.f32 v21, v15;
	[tilespmem:s30+$0x90] =	vst v19  }
0x1a2: {  	v15 =	vmul.f32 v22, v15;
	[tilespmem:s30+$0xA0] =	vst v20  }
0x1a3: {  	v17 =	vmul.f32 v17, v14;
	[tilespmem:s30+$0xB0] =	vst v16  }
0x1a4: {  	v16 =	vmul.f32 v24, v14;
	[tilespmem:s30+$0xC0] =	vst v15  }
0x1a5: {  	v15 =	vmul.f32 v18, v14;
	[tilespmem:s30+$0xD0] =	vst v17  }
0x1a6: {  	v14 =	vmul.f32 v23, v14;
	[tilespmem:s30+$0xE0] =	vst v16  }
0x1a7: {  	[tilespmem:s30+$0xF0] =	vst v15  }
0x1a8: {  	s0 =	simm.s32 $0x440;
	[tilespmem:s30+$0x100] =	vst v14  }
0x1a9: {  	[spmem:s1] =	stream.indirect.scatter.add.f32 [tilespmem:s19], [sflag:$0x4], $0x90, s0, s15, $0xb8;
	[tilespmem:$0x1C700] =	vst v63  }
0x1aa: {  	_ =	swait.ge [sflag:s24], $0x2400  }
0x1ab: {  	[sflag:s24] =	ssyncset.done $0x0  }
0x1ac: {  	s4 =	simm.s32 $0x280;
	[sflag:s24] =	ssyncadd.s32 $0xFFFFDC00  }
0x1ad: {  	v14 =	vadd.s32 v13, v3;
	[tilespmem:s17], [sflag:$0x1] =	stream.indirect.gather [hbm4b:s7+s15], $0x90, s4, s15, $0xb8;
	[tilespmem:$0x1C700] =	vst v63  }
0x1ae: {  	_ =	swait.ge [sflag:s20], $0x2400  }
0x1af: {  	v15 =	vor.u32 $0x1, v3;
	[sflag:s20] =	ssyncset.done $0x0  }
0x1b0: {  	v16 =	vor.u32 v10, v3;
	[sflag:s20] =	ssyncadd.s32 $0xFFFFDC00  }
0x1b1: {  	v17 =	vadd.s32 $0x4, v3;
	v18 =	vld.idx.msk [tilespmem:v3+s14+$0x0], $0xffff  }
0x1b2: {  	s29 =	simm.s32 $0xF20;
	v19 =	vadd.s32 $0x5, v3;
	v20 =	vld.idx.msk [tilespmem:v14+s14+$0x0], $0xffff  }
0x1b3: {  	v21 =	vld [tilespmem:s29+$0x110]  }
0x1b4: {  	v22 =	vld.idx.msk [tilespmem:v15+s14+$0x0], $0xffff  }
0x1b5: {  	v23 =	vld.idx.msk [tilespmem:v16+s14+$0x0], $0xffff  }
0x1b6: {  	v17 =	vld.idx.msk [tilespmem:v17+s14+$0x0], $0xffff  }
0x1b7: {  	v19 =	vld.idx.msk [tilespmem:v19+s14+$0x0], $0xffff  }
0x1b8: {  	v16 =	vld [tilespmem:s29+$0xFFFFFEF0]  }
0x1b9: {  	v28 =	vadd.s32 $0x8, v3;
	v26 =	vld [tilespmem:s29+$0xFFFFFF00]  }
0x1ba: {  	v27 =	vld [tilespmem:s29+$0xFFFFFF10]  }
0x1bb: {  	v14 =	vadd.s32 v11, v3;
	v29 =	vld [tilespmem:s29+$0xFFFFFF20]  }
0x1bc: {  	v31 =	vld [tilespmem:s29+$0xFFFFFF30]  }
0x1bd: {  	v32 =	vld [tilespmem:s29+$0xFFFFFF40]  }
0x1be: {  	v28 =	vld.idx.msk [tilespmem:v28+s14+$0x0], $0xffff  }
0x1bf: {  	v61 =	vld [tilespmem:s29+$0xFFFFFF60]  }
0x1c0: {  	v24 =	vld.idx.msk [tilespmem:v14+s14+$0x0], $0xffff  }
0x1c1: {  	v25 =	vadd.s32 $0xD, v3;
	v14 =	vld [tilespmem:s29+$0xFFFFFEE0];
	v16 =	vmul.f32 v16, v18  }
0x1c2: {  	v34 =	vld [tilespmem:s29+$0xFFFFFF90]  }
0x1c3: {  	v15 =	vadd.s32 $0xC, v3;
	v26 =	vmul.f32 v26, v18;
	[tilespmem:s29+$0xFFFFFEF0] =	vst v16;
	v16 =	vld [tilespmem:s29+$0xFFFFFF70]  }
0x1c4: {  	v33 =	vadd.s32 $0x9, v3;
	v62 =	vld [tilespmem:s29+$0xFFFFFFB0];
	v31 =	vmul.f32 v31, v22  }
0x1c5: {  	v20 =	vmul.f32 v21, v20;
	v21 =	vld [tilespmem:s29+$0xFFFFFF80];
	[tilespmem:s29+$0xFFFFFF00] =	vst v26;
	v26 =	vmul.f32 v29, v22  }
0x1c6: {  	[tilespmem:s29+$0xFFFFFF30] =	vst v31;
	v30 =	vmul.f32 v14, v18;
	v14 =	vld.idx.msk [tilespmem:v25+s14+$0x0], $0xffff  }
0x1c7: {  	[tilespmem:s29+$0xFFFFFF20] =	vst v26;
	v25 =	vld [tilespmem:s29+$0xFFFFFF50]  }
0x1c8: {  	v15 =	vld.idx.msk [tilespmem:v15+s14+$0x0], $0xffff;
	[tilespmem:s29+$0x110] =	vst v20;
	v16 =	vmul.f32 v16, v17  }
0x1c9: {  	v33 =	vld.idx.msk [tilespmem:v33+s14+$0x0], $0xffff;
	v18 =	vmul.f32 v27, v18;
	[tilespmem:s29+$0xFFFFFEE0] =	vst v30  }
0x1ca: {  	v20 =	vld [tilespmem:s29+$0xFFFFFFA0];
	v27 =	vadd.s32 v12, v3;
	[tilespmem:s29+$0xFFFFFF70] =	vst v16;
	v16 =	vmul.f32 v21, v17  }
0x1cb: {  	v63 =	vld [tilespmem:s29+$0xFFFFFFE0];
	[tilespmem:s29+$0xFFFFFF10] =	vst v18;
	v21 =	vmul.f32 v32, v22  }
0x1cc: {  	v18 =	vld [tilespmem:s29+$0xFFFFFFC0];
	v22 =	vmul.f32 v25, v22;
	[tilespmem:s29+$0xFFFFFF80] =	vst v16  }
0x1cd: {  	v26 =	vld [tilespmem:s29+$0xFFFFFFD0];
	[tilespmem:s29+$0xFFFFFF40] =	vst v21;
	v21 =	vmul.f32 v61, v23  }
0x1ce: {  	v25 =	vld [tilespmem:s29+$0x0];
	[tilespmem:s29+$0xFFFFFF50] =	vst v22;
	v22 =	vmul.f32 v34, v17  }
0x1cf: {  	v16 =	vld.idx.msk [tilespmem:v27+s14+$0x0], $0xffff;
	v17 =	vmul.f32 v20, v17;
	[tilespmem:s29+$0xFFFFFF60] =	vst v21  }
0x1d0: {  	v20 =	vld [tilespmem:s29+$0x10];
	v21 =	vmul.f32 v62, v19;
	[tilespmem:s29+$0xFFFFFF90] =	vst v22  }
0x1d1: {  	v23 =	vld [tilespmem:s29+$0xFFFFFFF0];
	[tilespmem:s29+$0xFFFFFFA0] =	vst v17;
	v17 =	vmul.f32 v18, v19  }
0x1d2: {  	v22 =	vld [tilespmem:s29+$0x20];
	[tilespmem:s29+$0xFFFFFFB0] =	vst v21;
	v21 =	vmul.f32 v26, v19  }
0x1d3: {  	v18 =	vld [tilespmem:s29+$0x30];
	v19 =	vmul.f32 v63, v19;
	[tilespmem:s29+$0xFFFFFFC0] =	vst v17  }
0x1d4: {  	v26 =	vld [tilespmem:s29+$0x40];
	v17 =	vmul.f32 v25, v28;
	[tilespmem:s29+$0xFFFFFFD0] =	vst v21  }
0x1d5: {  	v25 =	vld [tilespmem:s29+$0x50];
	v20 =	vmul.f32 v20, v28;
	[tilespmem:s29+$0xFFFFFFE0] =	vst v19  }
0x1d6: {  	v27 =	vld [tilespmem:s29+$0x60];
	[tilespmem:s29+$0x0] =	vst v17;
	v17 =	vmul.f32 v23, v24  }
0x1d7: {  	v23 =	vld [tilespmem:s29+$0x70];
	v19 =	vmul.f32 v22, v28;
	[tilespmem:s29+$0x10] =	vst v20  }
0x1d8: {  	v20 =	vld [tilespmem:s29+$0xA0];
	[tilespmem:s29+$0xFFFFFFF0] =	vst v17;
	v17 =	vmul.f32 v18, v28  }
0x1d9: {  	v22 =	vld [tilespmem:s29+$0xC0];
	v21 =	vmul.f32 v26, v33;
	[tilespmem:s29+$0x20] =	vst v19  }
0x1da: {  	v18 =	vld [tilespmem:s29+$0x80];
	[tilespmem:s29+$0x30] =	vst v17;
	v17 =	vmul.f32 v25, v33  }
0x1db: {  	v24 =	vmul.f32 v27, v33;
	v19 =	vld [tilespmem:s29+$0x90];
	[tilespmem:s29+$0x40] =	vst v21  }
0x1dc: {  	s31 =	simm.s32 $0x0;
	s30 =	simm.s32 $0xF20;
	v21 =	vld [tilespmem:s29+$0xB0];
	v23 =	vmul.f32 v23, v33;
	[tilespmem:s29+$0x50] =	vst v17;
	v17 =	vadd.s32 $0x10, v3  }
.LBB2_13:
0x1dd: {  	v25 =	vor.u32 $0x1, v17;
	v26 =	vor.u32 v10, v17;
	v27 =	vadd.s32 v13, v17;
	s31 =	sadd.s32 $0x4, s31;
	[tilespmem:s29+$0x60] =	vst v24;
	v24 =	vld [tilespmem:s29+$0xD0]  }
0x1de: {  	v28 =	vadd.s32 $0x4, v17;
	v29 =	vadd.s32 $0x5, v17;
	v30 =	vadd.s32 v11, v17;
	p0 =	slt.u32 s31, $0x3C;
	[tilespmem:s29+$0x70] =	vst v23;
	v23 =	vld [tilespmem:s29+$0xE0]  }
0x1df: {  	v31 =	vadd.s32 $0x8, v17;
	v32 =	vadd.s32 $0x9, v17;
	v33 =	vadd.s32 v12, v17;
	v34 =	vld [tilespmem:s29+$0xF0]  }
0x1e0: {  	v16 =	vmul.f32 v18, v16;
	v18 =	vmul.f32 v19, v15;
	v19 =	vld [tilespmem:s29+$0x100]  }
0x1e1: {  	v20 =	vmul.f32 v20, v15;
	v21 =	vmul.f32 v21, v15;
	v35 =	vld.idx.msk [tilespmem:v17+s14+$0x0], $0xffff  }
0x1e2: {  	s29 =	sadd.s32 $0x240, s29;
	v15 =	vmul.f32 v22, v15;
	v27 =	vld.idx.msk [tilespmem:v27+s14+$0x0], $0xffff;
	[tilespmem:s30+$0x80] =	vst v16;
	v16 =	vmul.f32 v24, v14  }
0x1e3: {  	v22 =	vld [tilespmem:s29+$0x110];
	[tilespmem:s30+$0x90] =	vst v18;
	v18 =	vmul.f32 v23, v14  }
0x1e4: {  	v24 =	vadd.s32 $0xC, v17;
	v23 =	vld.idx.msk [tilespmem:v25+s14+$0x0], $0xffff;
	[tilespmem:s30+$0xA0] =	vst v20;
	v20 =	vmul.f32 v34, v14  }
0x1e5: {  	v25 =	vld.idx.msk [tilespmem:v26+s14+$0x0], $0xffff;
	v26 =	vadd.s32 $0xD, v17;
	[tilespmem:s30+$0xB0] =	vst v21;
	v19 =	vmul.f32 v19, v14  }
0x1e6: {  	v21 =	vld.idx.msk [tilespmem:v28+s14+$0x0], $0xffff;
	[tilespmem:s30+$0xC0] =	vst v15  }
0x1e7: {  	v28 =	vld.idx.msk [tilespmem:v29+s14+$0x0], $0xffff;
	[tilespmem:s30+$0xD0] =	vst v16  }
0x1e8: {  	v29 =	vld.idx.msk [tilespmem:v30+s14+$0x0], $0xffff;
	v16 =	vmul.f32 v22, v27;
	[tilespmem:s30+$0xE0] =	vst v18  }
0x1e9: {  	v15 =	vld.idx.msk [tilespmem:v24+s14+$0x0], $0xffff;
	[tilespmem:s30+$0xF0] =	vst v20  }
0x1ea: {  	v14 =	vld.idx.msk [tilespmem:v26+s14+$0x0], $0xffff;
	[tilespmem:s29+$0x110] =	vst v16  }
0x1eb: {  	v18 =	vld.idx.msk [tilespmem:v31+s14+$0x0], $0xffff;
	[tilespmem:s30+$0x100] =	vst v19;
	s30 =	smov.u32 s29  }
0x1ec: {  	v22 =	vld.idx.msk [tilespmem:v32+s14+$0x0], $0xffff  }
0x1ed: {  	v16 =	vld.idx.msk [tilespmem:v33+s14+$0x0], $0xffff  }
0x1ee: {  	v19 =	vld [tilespmem:s29+$0xFFFFFEE0]  }
0x1ef: {  	v20 =	vld [tilespmem:s29+$0xFFFFFEF0]  }
0x1f0: {  	v24 =	vld [tilespmem:s29+$0xFFFFFF00]  }
0x1f1: {  	v26 =	vld [tilespmem:s29+$0xFFFFFF10]  }
0x1f2: {  	v27 =	vld [tilespmem:s29+$0xFFFFFF20]  }
0x1f3: {  	v19 =	vmul.f32 v19, v35;
	v30 =	vld [tilespmem:s29+$0xFFFFFF30]  }
0x1f4: {  	v20 =	vmul.f32 v20, v35;
	v31 =	vld [tilespmem:s29+$0xFFFFFF40]  }
0x1f5: {  	[tilespmem:s29+$0xFFFFFEE0] =	vst v19;
	v19 =	vmul.f32 v24, v35;
	v24 =	vld [tilespmem:s29+$0xFFFFFF50]  }
0x1f6: {  	[tilespmem:s29+$0xFFFFFEF0] =	vst v20;
	v20 =	vmul.f32 v26, v35;
	v26 =	vld [tilespmem:s29+$0xFFFFFF60]  }
0x1f7: {  	[tilespmem:s29+$0xFFFFFF00] =	vst v19;
	v19 =	vmul.f32 v27, v23;
	v27 =	vld [tilespmem:s29+$0xFFFFFF70]  }
0x1f8: {  	[tilespmem:s29+$0xFFFFFF10] =	vst v20;
	v20 =	vmul.f32 v30, v23;
	v30 =	vld [tilespmem:s29+$0xFFFFFF80]  }
0x1f9: {  	[tilespmem:s29+$0xFFFFFF20] =	vst v19;
	v19 =	vmul.f32 v31, v23;
	v31 =	vld [tilespmem:s29+$0xFFFFFF90]  }
0x1fa: {  	[tilespmem:s29+$0xFFFFFF30] =	vst v20;
	v20 =	vmul.f32 v24, v23;
	v23 =	vld [tilespmem:s29+$0xFFFFFFA0]  }
0x1fb: {  	[tilespmem:s29+$0xFFFFFF40] =	vst v19;
	v19 =	vmul.f32 v26, v25;
	v24 =	vld [tilespmem:s29+$0xFFFFFFB0]  }
0x1fc: {  	[tilespmem:s29+$0xFFFFFF50] =	vst v20;
	v20 =	vmul.f32 v27, v21;
	v25 =	vld [tilespmem:s29+$0xFFFFFFC0]  }
0x1fd: {  	[tilespmem:s29+$0xFFFFFF60] =	vst v19;
	v19 =	vmul.f32 v30, v21;
	v26 =	vld [tilespmem:s29+$0xFFFFFFD0]  }
0x1fe: {  	[tilespmem:s29+$0xFFFFFF70] =	vst v20;
	v20 =	vmul.f32 v31, v21;
	v27 =	vld [tilespmem:s29+$0xFFFFFFE0]  }
0x1ff: {  	[tilespmem:s29+$0xFFFFFF80] =	vst v19;
	v19 =	vmul.f32 v23, v21;
	v21 =	vld [tilespmem:s29+$0xFFFFFFF0]  }
0x200: {  	[tilespmem:s29+$0xFFFFFF90] =	vst v20;
	v20 =	vmul.f32 v24, v28;
	v23 =	vld [tilespmem:s29+$0x0]  }
0x201: {  	[tilespmem:s29+$0xFFFFFFA0] =	vst v19;
	v19 =	vmul.f32 v25, v28;
	v24 =	vld [tilespmem:s29+$0x10]  }
0x202: {  	[tilespmem:s29+$0xFFFFFFB0] =	vst v20;
	v20 =	vmul.f32 v26, v28;
	v25 =	vld [tilespmem:s29+$0x20]  }
0x203: {  	[tilespmem:s29+$0xFFFFFFC0] =	vst v19;
	v19 =	vmul.f32 v27, v28;
	v26 =	vld [tilespmem:s29+$0x30]  }
0x204: {  	[tilespmem:s29+$0xFFFFFFD0] =	vst v20;
	v20 =	vmul.f32 v21, v29;
	v21 =	vld [tilespmem:s29+$0x40]  }
0x205: {  	[tilespmem:s29+$0xFFFFFFE0] =	vst v19;
	v19 =	vmul.f32 v23, v18;
	v23 =	vld [tilespmem:s29+$0x50]  }
0x206: {  	[tilespmem:s29+$0xFFFFFFF0] =	vst v20;
	v20 =	vmul.f32 v24, v18;
	v24 =	vld [tilespmem:s29+$0x60]  }
0x207: {  	[tilespmem:s29+$0x0] =	vst v19;
	v19 =	vmul.f32 v25, v18;
	v25 =	vld [tilespmem:s29+$0x70]  }
.Ltmp5:
0x208: {  	[tilespmem:s29+$0x10] =	vst v20;
	v20 =	vmul.f32 v26, v18;
	v18 =	vld [tilespmem:s29+$0x80];
	(pc) =	sbr.rel @p0 .LBB2_13-.Ltmp5, $4  }
0x209: {  	[tilespmem:s29+$0x20] =	vst v19;
	v21 =	vmul.f32 v21, v22;
	v19 =	vld [tilespmem:s29+$0x90]  }
0x20a: {  	[tilespmem:s29+$0x30] =	vst v20;
	v23 =	vmul.f32 v23, v22;
	v20 =	vld [tilespmem:s29+$0xA0]  }
0x20b: {  	[tilespmem:s29+$0x40] =	vst v21;
	v24 =	vmul.f32 v24, v22;
	v21 =	vld [tilespmem:s29+$0xB0]  }
0x20c: {  	v17 =	vadd.s32 $0x10, v17;
	[tilespmem:s29+$0x50] =	vst v23;
	v23 =	vmul.f32 v25, v22;
	v22 =	vld [tilespmem:s29+$0xC0]  }
0x20d: {  	v17 =	vld [tilespmem:s29+$0xD0];
	[tilespmem:s29+$0x60] =	vst v24;
	v16 =	vmul.f32 v18, v16  }
0x20e: {  	v24 =	vld [tilespmem:s29+$0xE0];
	[tilespmem:s29+$0x70] =	vst v23;
	v19 =	vmul.f32 v19, v15  }
0x20f: {  	v18 =	vld [tilespmem:s29+$0xF0];
	v20 =	vmul.f32 v20, v15;
	[tilespmem:s30+$0x80] =	vst v16  }
0x210: {  	v23 =	vld [tilespmem:s29+$0x100];
	v16 =	vmul.f32 v21, v15;
	[tilespmem:s30+$0x90] =	vst v19  }
0x211: {  	v15 =	vmul.f32 v22, v15;
	[tilespmem:s30+$0xA0] =	vst v20  }
0x212: {  	v17 =	vmul.f32 v17, v14;
	[tilespmem:s30+$0xB0] =	vst v16  }
0x213: {  	v16 =	vmul.f32 v24, v14;
	[tilespmem:s30+$0xC0] =	vst v15  }
0x214: {  	v15 =	vmul.f32 v18, v14;
	[tilespmem:s30+$0xD0] =	vst v17  }
0x215: {  	v14 =	vmul.f32 v23, v14;
	[tilespmem:s30+$0xE0] =	vst v16  }
0x216: {  	[tilespmem:s30+$0xF0] =	vst v15  }
0x217: {  	s0 =	simm.s32 $0x480;
	[tilespmem:s30+$0x100] =	vst v14  }
0x218: {  	[spmem:s1] =	stream.indirect.scatter.add.f32 [tilespmem:s17], [sflag:$0x3], $0x90, s0, s15, $0xb8;
	[tilespmem:$0x1C700] =	vst v63  }
0x219: {  	_ =	swait.ge [sflag:s28], $0x2400  }
0x21a: {  	[sflag:s28] =	ssyncset.done $0x0  }
0x21b: {  	s4 =	simm.s32 $0x2C0;
	[sflag:s28] =	ssyncadd.s32 $0xFFFFDC00  }
0x21c: {  	v14 =	vadd.s32 v13, v4;
	[tilespmem:s19], [sflag:$0x2] =	stream.indirect.gather [hbm4b:s7+s15], $0x90, s4, s15, $0xb8;
	[tilespmem:$0x1C700] =	vst v63  }
0x21d: {  	_ =	swait.ge [sflag:s22], $0x2400  }
0x21e: {  	v15 =	vor.u32 $0x1, v4;
	[sflag:s22] =	ssyncset.done $0x0  }
0x21f: {  	v16 =	vor.u32 v10, v4;
	[sflag:s22] =	ssyncadd.s32 $0xFFFFDC00  }
0x220: {  	v17 =	vadd.s32 $0x4, v4;
	v18 =	vld.idx.msk [tilespmem:v4+s14+$0x0], $0xffff  }
0x221: {  	s29 =	simm.s32 $0x3320;
	v19 =	vadd.s32 $0x5, v4;
	v20 =	vld.idx.msk [tilespmem:v14+s14+$0x0], $0xffff  }
0x222: {  	v21 =	vld [tilespmem:s29+$0x110]  }
0x223: {  	v22 =	vld.idx.msk [tilespmem:v15+s14+$0x0], $0xffff  }
0x224: {  	v23 =	vld.idx.msk [tilespmem:v16+s14+$0x0], $0xffff  }
0x225: {  	v17 =	vld.idx.msk [tilespmem:v17+s14+$0x0], $0xffff  }
0x226: {  	v19 =	vld.idx.msk [tilespmem:v19+s14+$0x0], $0xffff  }
0x227: {  	v16 =	vld [tilespmem:s29+$0xFFFFFEF0]  }
0x228: {  	v28 =	vadd.s32 $0x8, v4;
	v26 =	vld [tilespmem:s29+$0xFFFFFF00]  }
0x229: {  	v27 =	vld [tilespmem:s29+$0xFFFFFF10]  }
0x22a: {  	v14 =	vadd.s32 v11, v4;
	v29 =	vld [tilespmem:s29+$0xFFFFFF20]  }
0x22b: {  	v31 =	vld [tilespmem:s29+$0xFFFFFF30]  }
0x22c: {  	v32 =	vld [tilespmem:s29+$0xFFFFFF40]  }
0x22d: {  	v28 =	vld.idx.msk [tilespmem:v28+s14+$0x0], $0xffff  }
0x22e: {  	v61 =	vld [tilespmem:s29+$0xFFFFFF60]  }
0x22f: {  	v24 =	vld.idx.msk [tilespmem:v14+s14+$0x0], $0xffff  }
0x230: {  	v25 =	vadd.s32 $0xD, v4;
	v14 =	vld [tilespmem:s29+$0xFFFFFEE0];
	v16 =	vmul.f32 v16, v18  }
0x231: {  	v34 =	vld [tilespmem:s29+$0xFFFFFF90]  }
0x232: {  	v15 =	vadd.s32 $0xC, v4;
	v26 =	vmul.f32 v26, v18;
	[tilespmem:s29+$0xFFFFFEF0] =	vst v16;
	v16 =	vld [tilespmem:s29+$0xFFFFFF70]  }
0x233: {  	v33 =	vadd.s32 $0x9, v4;
	v62 =	vld [tilespmem:s29+$0xFFFFFFB0];
	v31 =	vmul.f32 v31, v22  }
0x234: {  	v20 =	vmul.f32 v21, v20;
	v21 =	vld [tilespmem:s29+$0xFFFFFF80];
	[tilespmem:s29+$0xFFFFFF00] =	vst v26;
	v26 =	vmul.f32 v29, v22  }
0x235: {  	[tilespmem:s29+$0xFFFFFF30] =	vst v31;
	v30 =	vmul.f32 v14, v18;
	v14 =	vld.idx.msk [tilespmem:v25+s14+$0x0], $0xffff  }
0x236: {  	[tilespmem:s29+$0xFFFFFF20] =	vst v26;
	v25 =	vld [tilespmem:s29+$0xFFFFFF50]  }
0x237: {  	v15 =	vld.idx.msk [tilespmem:v15+s14+$0x0], $0xffff;
	[tilespmem:s29+$0x110] =	vst v20;
	v16 =	vmul.f32 v16, v17  }
0x238: {  	v33 =	vld.idx.msk [tilespmem:v33+s14+$0x0], $0xffff;
	v18 =	vmul.f32 v27, v18;
	[tilespmem:s29+$0xFFFFFEE0] =	vst v30  }
0x239: {  	v20 =	vld [tilespmem:s29+$0xFFFFFFA0];
	v27 =	vadd.s32 v12, v4;
	[tilespmem:s29+$0xFFFFFF70] =	vst v16;
	v16 =	vmul.f32 v21, v17  }
0x23a: {  	v63 =	vld [tilespmem:s29+$0xFFFFFFE0];
	[tilespmem:s29+$0xFFFFFF10] =	vst v18;
	v21 =	vmul.f32 v32, v22  }
0x23b: {  	v18 =	vld [tilespmem:s29+$0xFFFFFFC0];
	v22 =	vmul.f32 v25, v22;
	[tilespmem:s29+$0xFFFFFF80] =	vst v16  }
0x23c: {  	v26 =	vld [tilespmem:s29+$0xFFFFFFD0];
	[tilespmem:s29+$0xFFFFFF40] =	vst v21;
	v21 =	vmul.f32 v61, v23  }
0x23d: {  	v25 =	vld [tilespmem:s29+$0x0];
	[tilespmem:s29+$0xFFFFFF50] =	vst v22;
	v22 =	vmul.f32 v34, v17  }
0x23e: {  	v16 =	vld.idx.msk [tilespmem:v27+s14+$0x0], $0xffff;
	v17 =	vmul.f32 v20, v17;
	[tilespmem:s29+$0xFFFFFF60] =	vst v21  }
0x23f: {  	v20 =	vld [tilespmem:s29+$0x10];
	v21 =	vmul.f32 v62, v19;
	[tilespmem:s29+$0xFFFFFF90] =	vst v22  }
0x240: {  	v23 =	vld [tilespmem:s29+$0xFFFFFFF0];
	[tilespmem:s29+$0xFFFFFFA0] =	vst v17;
	v17 =	vmul.f32 v18, v19  }
0x241: {  	v22 =	vld [tilespmem:s29+$0x20];
	[tilespmem:s29+$0xFFFFFFB0] =	vst v21;
	v21 =	vmul.f32 v26, v19  }
0x242: {  	v18 =	vld [tilespmem:s29+$0x30];
	v19 =	vmul.f32 v63, v19;
	[tilespmem:s29+$0xFFFFFFC0] =	vst v17  }
0x243: {  	v26 =	vld [tilespmem:s29+$0x40];
	v17 =	vmul.f32 v25, v28;
	[tilespmem:s29+$0xFFFFFFD0] =	vst v21  }
0x244: {  	v25 =	vld [tilespmem:s29+$0x50];
	v20 =	vmul.f32 v20, v28;
	[tilespmem:s29+$0xFFFFFFE0] =	vst v19  }
0x245: {  	v27 =	vld [tilespmem:s29+$0x60];
	[tilespmem:s29+$0x0] =	vst v17;
	v17 =	vmul.f32 v23, v24  }
0x246: {  	v23 =	vld [tilespmem:s29+$0x70];
	v19 =	vmul.f32 v22, v28;
	[tilespmem:s29+$0x10] =	vst v20  }
0x247: {  	v20 =	vld [tilespmem:s29+$0xA0];
	[tilespmem:s29+$0xFFFFFFF0] =	vst v17;
	v17 =	vmul.f32 v18, v28  }
0x248: {  	v22 =	vld [tilespmem:s29+$0xC0];
	v21 =	vmul.f32 v26, v33;
	[tilespmem:s29+$0x20] =	vst v19  }
0x249: {  	v18 =	vld [tilespmem:s29+$0x80];
	[tilespmem:s29+$0x30] =	vst v17;
	v17 =	vmul.f32 v25, v33  }
0x24a: {  	v24 =	vmul.f32 v27, v33;
	v19 =	vld [tilespmem:s29+$0x90];
	[tilespmem:s29+$0x40] =	vst v21  }
0x24b: {  	s31 =	simm.s32 $0x0;
	s30 =	simm.s32 $0x3320;
	v21 =	vld [tilespmem:s29+$0xB0];
	v23 =	vmul.f32 v23, v33;
	[tilespmem:s29+$0x50] =	vst v17;
	v17 =	vadd.s32 $0x10, v4  }
.LBB2_15:
0x24c: {  	v25 =	vor.u32 $0x1, v17;
	v26 =	vor.u32 v10, v17;
	v27 =	vadd.s32 v13, v17;
	s31 =	sadd.s32 $0x4, s31;
	[tilespmem:s29+$0x60] =	vst v24;
	v24 =	vld [tilespmem:s29+$0xD0]  }
0x24d: {  	v28 =	vadd.s32 $0x4, v17;
	v29 =	vadd.s32 $0x5, v17;
	v30 =	vadd.s32 v11, v17;
	p0 =	slt.u32 s31, $0x3C;
	[tilespmem:s29+$0x70] =	vst v23;
	v23 =	vld [tilespmem:s29+$0xE0]  }
0x24e: {  	v31 =	vadd.s32 $0x8, v17;
	v32 =	vadd.s32 $0x9, v17;
	v33 =	vadd.s32 v12, v17;
	v34 =	vld [tilespmem:s29+$0xF0]  }
0x24f: {  	v16 =	vmul.f32 v18, v16;
	v18 =	vmul.f32 v19, v15;
	v19 =	vld [tilespmem:s29+$0x100]  }
0x250: {  	v20 =	vmul.f32 v20, v15;
	v21 =	vmul.f32 v21, v15;
	v35 =	vld.idx.msk [tilespmem:v17+s14+$0x0], $0xffff  }
0x251: {  	s29 =	sadd.s32 $0x240, s29;
	v15 =	vmul.f32 v22, v15;
	v27 =	vld.idx.msk [tilespmem:v27+s14+$0x0], $0xffff;
	[tilespmem:s30+$0x80] =	vst v16;
	v16 =	vmul.f32 v24, v14  }
0x252: {  	v22 =	vld [tilespmem:s29+$0x110];
	[tilespmem:s30+$0x90] =	vst v18;
	v18 =	vmul.f32 v23, v14  }
0x253: {  	v24 =	vadd.s32 $0xC, v17;
	v23 =	vld.idx.msk [tilespmem:v25+s14+$0x0], $0xffff;
	[tilespmem:s30+$0xA0] =	vst v20;
	v20 =	vmul.f32 v34, v14  }
0x254: {  	v25 =	vld.idx.msk [tilespmem:v26+s14+$0x0], $0xffff;
	v26 =	vadd.s32 $0xD, v17;
	[tilespmem:s30+$0xB0] =	vst v21;
	v19 =	vmul.f32 v19, v14  }
0x255: {  	v21 =	vld.idx.msk [tilespmem:v28+s14+$0x0], $0xffff;
	[tilespmem:s30+$0xC0] =	vst v15  }
0x256: {  	v28 =	vld.idx.msk [tilespmem:v29+s14+$0x0], $0xffff;
	[tilespmem:s30+$0xD0] =	vst v16  }
0x257: {  	v29 =	vld.idx.msk [tilespmem:v30+s14+$0x0], $0xffff;
	v16 =	vmul.f32 v22, v27;
	[tilespmem:s30+$0xE0] =	vst v18  }
0x258: {  	v15 =	vld.idx.msk [tilespmem:v24+s14+$0x0], $0xffff;
	[tilespmem:s30+$0xF0] =	vst v20  }
0x259: {  	v14 =	vld.idx.msk [tilespmem:v26+s14+$0x0], $0xffff;
	[tilespmem:s29+$0x110] =	vst v16  }
0x25a: {  	v18 =	vld.idx.msk [tilespmem:v31+s14+$0x0], $0xffff;
	[tilespmem:s30+$0x100] =	vst v19;
	s30 =	smov.u32 s29  }
0x25b: {  	v22 =	vld.idx.msk [tilespmem:v32+s14+$0x0], $0xffff  }
0x25c: {  	v16 =	vld.idx.msk [tilespmem:v33+s14+$0x0], $0xffff  }
0x25d: {  	v19 =	vld [tilespmem:s29+$0xFFFFFEE0]  }
0x25e: {  	v20 =	vld [tilespmem:s29+$0xFFFFFEF0]  }
0x25f: {  	v24 =	vld [tilespmem:s29+$0xFFFFFF00]  }
0x260: {  	v26 =	vld [tilespmem:s29+$0xFFFFFF10]  }
0x261: {  	v27 =	vld [tilespmem:s29+$0xFFFFFF20]  }
0x262: {  	v19 =	vmul.f32 v19, v35;
	v30 =	vld [tilespmem:s29+$0xFFFFFF30]  }
0x263: {  	v20 =	vmul.f32 v20, v35;
	v31 =	vld [tilespmem:s29+$0xFFFFFF40]  }
0x264: {  	[tilespmem:s29+$0xFFFFFEE0] =	vst v19;
	v19 =	vmul.f32 v24, v35;
	v24 =	vld [tilespmem:s29+$0xFFFFFF50]  }
0x265: {  	[tilespmem:s29+$0xFFFFFEF0] =	vst v20;
	v20 =	vmul.f32 v26, v35;
	v26 =	vld [tilespmem:s29+$0xFFFFFF60]  }
0x266: {  	[tilespmem:s29+$0xFFFFFF00] =	vst v19;
	v19 =	vmul.f32 v27, v23;
	v27 =	vld [tilespmem:s29+$0xFFFFFF70]  }
0x267: {  	[tilespmem:s29+$0xFFFFFF10] =	vst v20;
	v20 =	vmul.f32 v30, v23;
	v30 =	vld [tilespmem:s29+$0xFFFFFF80]  }
0x268: {  	[tilespmem:s29+$0xFFFFFF20] =	vst v19;
	v19 =	vmul.f32 v31, v23;
	v31 =	vld [tilespmem:s29+$0xFFFFFF90]  }
0x269: {  	[tilespmem:s29+$0xFFFFFF30] =	vst v20;
	v20 =	vmul.f32 v24, v23;
	v23 =	vld [tilespmem:s29+$0xFFFFFFA0]  }
0x26a: {  	[tilespmem:s29+$0xFFFFFF40] =	vst v19;
	v19 =	vmul.f32 v26, v25;
	v24 =	vld [tilespmem:s29+$0xFFFFFFB0]  }
0x26b: {  	[tilespmem:s29+$0xFFFFFF50] =	vst v20;
	v20 =	vmul.f32 v27, v21;
	v25 =	vld [tilespmem:s29+$0xFFFFFFC0]  }
0x26c: {  	[tilespmem:s29+$0xFFFFFF60] =	vst v19;
	v19 =	vmul.f32 v30, v21;
	v26 =	vld [tilespmem:s29+$0xFFFFFFD0]  }
0x26d: {  	[tilespmem:s29+$0xFFFFFF70] =	vst v20;
	v20 =	vmul.f32 v31, v21;
	v27 =	vld [tilespmem:s29+$0xFFFFFFE0]  }
0x26e: {  	[tilespmem:s29+$0xFFFFFF80] =	vst v19;
	v19 =	vmul.f32 v23, v21;
	v21 =	vld [tilespmem:s29+$0xFFFFFFF0]  }
0x26f: {  	[tilespmem:s29+$0xFFFFFF90] =	vst v20;
	v20 =	vmul.f32 v24, v28;
	v23 =	vld [tilespmem:s29+$0x0]  }
0x270: {  	[tilespmem:s29+$0xFFFFFFA0] =	vst v19;
	v19 =	vmul.f32 v25, v28;
	v24 =	vld [tilespmem:s29+$0x10]  }
0x271: {  	[tilespmem:s29+$0xFFFFFFB0] =	vst v20;
	v20 =	vmul.f32 v26, v28;
	v25 =	vld [tilespmem:s29+$0x20]  }
0x272: {  	[tilespmem:s29+$0xFFFFFFC0] =	vst v19;
	v19 =	vmul.f32 v27, v28;
	v26 =	vld [tilespmem:s29+$0x30]  }
0x273: {  	[tilespmem:s29+$0xFFFFFFD0] =	vst v20;
	v20 =	vmul.f32 v21, v29;
	v21 =	vld [tilespmem:s29+$0x40]  }
0x274: {  	[tilespmem:s29+$0xFFFFFFE0] =	vst v19;
	v19 =	vmul.f32 v23, v18;
	v23 =	vld [tilespmem:s29+$0x50]  }
0x275: {  	[tilespmem:s29+$0xFFFFFFF0] =	vst v20;
	v20 =	vmul.f32 v24, v18;
	v24 =	vld [tilespmem:s29+$0x60]  }
0x276: {  	[tilespmem:s29+$0x0] =	vst v19;
	v19 =	vmul.f32 v25, v18;
	v25 =	vld [tilespmem:s29+$0x70]  }
.Ltmp6:
0x277: {  	[tilespmem:s29+$0x10] =	vst v20;
	v20 =	vmul.f32 v26, v18;
	v18 =	vld [tilespmem:s29+$0x80];
	(pc) =	sbr.rel @p0 .LBB2_15-.Ltmp6, $4  }
0x278: {  	[tilespmem:s29+$0x20] =	vst v19;
	v21 =	vmul.f32 v21, v22;
	v19 =	vld [tilespmem:s29+$0x90]  }
0x279: {  	[tilespmem:s29+$0x30] =	vst v20;
	v23 =	vmul.f32 v23, v22;
	v20 =	vld [tilespmem:s29+$0xA0]  }
0x27a: {  	[tilespmem:s29+$0x40] =	vst v21;
	v24 =	vmul.f32 v24, v22;
	v21 =	vld [tilespmem:s29+$0xB0]  }
0x27b: {  	v17 =	vadd.s32 $0x10, v17;
	[tilespmem:s29+$0x50] =	vst v23;
	v23 =	vmul.f32 v25, v22;
	v22 =	vld [tilespmem:s29+$0xC0]  }
0x27c: {  	v17 =	vld [tilespmem:s29+$0xD0];
	[tilespmem:s29+$0x60] =	vst v24;
	v16 =	vmul.f32 v18, v16  }
0x27d: {  	v24 =	vld [tilespmem:s29+$0xE0];
	[tilespmem:s29+$0x70] =	vst v23;
	v19 =	vmul.f32 v19, v15  }
0x27e: {  	v18 =	vld [tilespmem:s29+$0xF0];
	v20 =	vmul.f32 v20, v15;
	[tilespmem:s30+$0x80] =	vst v16  }
0x27f: {  	v23 =	vld [tilespmem:s29+$0x100];
	v16 =	vmul.f32 v21, v15;
	[tilespmem:s30+$0x90] =	vst v19  }
0x280: {  	v15 =	vmul.f32 v22, v15;
	[tilespmem:s30+$0xA0] =	vst v20  }
0x281: {  	v17 =	vmul.f32 v17, v14;
	[tilespmem:s30+$0xB0] =	vst v16  }
0x282: {  	v16 =	vmul.f32 v24, v14;
	[tilespmem:s30+$0xC0] =	vst v15  }
0x283: {  	v15 =	vmul.f32 v18, v14;
	[tilespmem:s30+$0xD0] =	vst v17  }
0x284: {  	v14 =	vmul.f32 v23, v14;
	[tilespmem:s30+$0xE0] =	vst v16  }
0x285: {  	[tilespmem:s30+$0xF0] =	vst v15  }
0x286: {  	s0 =	simm.s32 $0x4C0;
	[tilespmem:s30+$0x100] =	vst v14  }
0x287: {  	[spmem:s1] =	stream.indirect.scatter.add.f32 [tilespmem:s19], [sflag:$0x4], $0x90, s0, s15, $0xb8;
	[tilespmem:$0x1C700] =	vst v63  }
0x288: {  	_ =	swait.ge [sflag:s24], $0x2400  }
0x289: {  	[sflag:s24] =	ssyncset.done $0x0  }
0x28a: {  	s4 =	simm.s32 $0x300;
	[sflag:s24] =	ssyncadd.s32 $0xFFFFDC00  }
0x28b: {  	v14 =	vadd.s32 v13, v5;
	[tilespmem:s17], [sflag:$0x1] =	stream.indirect.gather [hbm4b:s7+s15], $0x90, s4, s15, $0xb8;
	[tilespmem:$0x1C700] =	vst v63  }
0x28c: {  	_ =	swait.ge [sflag:s20], $0x2400  }
0x28d: {  	v15 =	vor.u32 $0x1, v5;
	[sflag:s20] =	ssyncset.done $0x0  }
0x28e: {  	v16 =	vor.u32 v10, v5;
	[sflag:s20] =	ssyncadd.s32 $0xFFFFDC00  }
0x28f: {  	v17 =	vadd.s32 $0x4, v5;
	v18 =	vld.idx.msk [tilespmem:v5+s14+$0x0], $0xffff  }
0x290: {  	s29 =	simm.s32 $0xF20;
	v19 =	vadd.s32 $0x5, v5;
	v20 =	vld.idx.msk [tilespmem:v14+s14+$0x0], $0xffff  }
0x291: {  	v21 =	vld [tilespmem:s29+$0x110]  }
0x292: {  	v22 =	vld.idx.msk [tilespmem:v15+s14+$0x0], $0xffff  }
0x293: {  	v23 =	vld.idx.msk [tilespmem:v16+s14+$0x0], $0xffff  }
0x294: {  	v17 =	vld.idx.msk [tilespmem:v17+s14+$0x0], $0xffff  }
0x295: {  	v19 =	vld.idx.msk [tilespmem:v19+s14+$0x0], $0xffff  }
0x296: {  	v16 =	vld [tilespmem:s29+$0xFFFFFEF0]  }
0x297: {  	v28 =	vadd.s32 $0x8, v5;
	v26 =	vld [tilespmem:s29+$0xFFFFFF00]  }
0x298: {  	v27 =	vld [tilespmem:s29+$0xFFFFFF10]  }
0x299: {  	v14 =	vadd.s32 v11, v5;
	v29 =	vld [tilespmem:s29+$0xFFFFFF20]  }
0x29a: {  	v31 =	vld [tilespmem:s29+$0xFFFFFF30]  }
0x29b: {  	v32 =	vld [tilespmem:s29+$0xFFFFFF40]  }
0x29c: {  	v28 =	vld.idx.msk [tilespmem:v28+s14+$0x0], $0xffff  }
0x29d: {  	v61 =	vld [tilespmem:s29+$0xFFFFFF60]  }
0x29e: {  	v24 =	vld.idx.msk [tilespmem:v14+s14+$0x0], $0xffff  }
0x29f: {  	v25 =	vadd.s32 $0xD, v5;
	v14 =	vld [tilespmem:s29+$0xFFFFFEE0];
	v16 =	vmul.f32 v16, v18  }
0x2a0: {  	v34 =	vld [tilespmem:s29+$0xFFFFFF90]  }
0x2a1: {  	v15 =	vadd.s32 $0xC, v5;
	v26 =	vmul.f32 v26, v18;
	[tilespmem:s29+$0xFFFFFEF0] =	vst v16;
	v16 =	vld [tilespmem:s29+$0xFFFFFF70]  }
0x2a2: {  	v33 =	vadd.s32 $0x9, v5;
	v62 =	vld [tilespmem:s29+$0xFFFFFFB0];
	v31 =	vmul.f32 v31, v22  }
0x2a3: {  	v20 =	vmul.f32 v21, v20;
	v21 =	vld [tilespmem:s29+$0xFFFFFF80];
	[tilespmem:s29+$0xFFFFFF00] =	vst v26;
	v26 =	vmul.f32 v29, v22  }
0x2a4: {  	[tilespmem:s29+$0xFFFFFF30] =	vst v31;
	v30 =	vmul.f32 v14, v18;
	v14 =	vld.idx.msk [tilespmem:v25+s14+$0x0], $0xffff  }
0x2a5: {  	[tilespmem:s29+$0xFFFFFF20] =	vst v26;
	v25 =	vld [tilespmem:s29+$0xFFFFFF50]  }
0x2a6: {  	v15 =	vld.idx.msk [tilespmem:v15+s14+$0x0], $0xffff;
	[tilespmem:s29+$0x110] =	vst v20;
	v16 =	vmul.f32 v16, v17  }
0x2a7: {  	v33 =	vld.idx.msk [tilespmem:v33+s14+$0x0], $0xffff;
	v18 =	vmul.f32 v27, v18;
	[tilespmem:s29+$0xFFFFFEE0] =	vst v30  }
0x2a8: {  	v20 =	vld [tilespmem:s29+$0xFFFFFFA0];
	v27 =	vadd.s32 v12, v5;
	[tilespmem:s29+$0xFFFFFF70] =	vst v16;
	v16 =	vmul.f32 v21, v17  }
0x2a9: {  	v63 =	vld [tilespmem:s29+$0xFFFFFFE0];
	[tilespmem:s29+$0xFFFFFF10] =	vst v18;
	v21 =	vmul.f32 v32, v22  }
0x2aa: {  	v18 =	vld [tilespmem:s29+$0xFFFFFFC0];
	v22 =	vmul.f32 v25, v22;
	[tilespmem:s29+$0xFFFFFF80] =	vst v16  }
0x2ab: {  	v26 =	vld [tilespmem:s29+$0xFFFFFFD0];
	[tilespmem:s29+$0xFFFFFF40] =	vst v21;
	v21 =	vmul.f32 v61, v23  }
0x2ac: {  	v25 =	vld [tilespmem:s29+$0x0];
	[tilespmem:s29+$0xFFFFFF50] =	vst v22;
	v22 =	vmul.f32 v34, v17  }
0x2ad: {  	v16 =	vld.idx.msk [tilespmem:v27+s14+$0x0], $0xffff;
	v17 =	vmul.f32 v20, v17;
	[tilespmem:s29+$0xFFFFFF60] =	vst v21  }
0x2ae: {  	v20 =	vld [tilespmem:s29+$0x10];
	v21 =	vmul.f32 v62, v19;
	[tilespmem:s29+$0xFFFFFF90] =	vst v22  }
0x2af: {  	v23 =	vld [tilespmem:s29+$0xFFFFFFF0];
	[tilespmem:s29+$0xFFFFFFA0] =	vst v17;
	v17 =	vmul.f32 v18, v19  }
0x2b0: {  	v22 =	vld [tilespmem:s29+$0x20];
	[tilespmem:s29+$0xFFFFFFB0] =	vst v21;
	v21 =	vmul.f32 v26, v19  }
0x2b1: {  	v18 =	vld [tilespmem:s29+$0x30];
	v19 =	vmul.f32 v63, v19;
	[tilespmem:s29+$0xFFFFFFC0] =	vst v17  }
0x2b2: {  	v26 =	vld [tilespmem:s29+$0x40];
	v17 =	vmul.f32 v25, v28;
	[tilespmem:s29+$0xFFFFFFD0] =	vst v21  }
0x2b3: {  	v25 =	vld [tilespmem:s29+$0x50];
	v20 =	vmul.f32 v20, v28;
	[tilespmem:s29+$0xFFFFFFE0] =	vst v19  }
0x2b4: {  	v27 =	vld [tilespmem:s29+$0x60];
	[tilespmem:s29+$0x0] =	vst v17;
	v17 =	vmul.f32 v23, v24  }
0x2b5: {  	v23 =	vld [tilespmem:s29+$0x70];
	v19 =	vmul.f32 v22, v28;
	[tilespmem:s29+$0x10] =	vst v20  }
0x2b6: {  	v20 =	vld [tilespmem:s29+$0xA0];
	[tilespmem:s29+$0xFFFFFFF0] =	vst v17;
	v17 =	vmul.f32 v18, v28  }
0x2b7: {  	v22 =	vld [tilespmem:s29+$0xC0];
	v21 =	vmul.f32 v26, v33;
	[tilespmem:s29+$0x20] =	vst v19  }
0x2b8: {  	v18 =	vld [tilespmem:s29+$0x80];
	[tilespmem:s29+$0x30] =	vst v17;
	v17 =	vmul.f32 v25, v33  }
0x2b9: {  	v24 =	vmul.f32 v27, v33;
	v19 =	vld [tilespmem:s29+$0x90];
	[tilespmem:s29+$0x40] =	vst v21  }
0x2ba: {  	s31 =	simm.s32 $0x0;
	s30 =	simm.s32 $0xF20;
	v21 =	vld [tilespmem:s29+$0xB0];
	v23 =	vmul.f32 v23, v33;
	[tilespmem:s29+$0x50] =	vst v17;
	v17 =	vadd.s32 $0x10, v5  }
.LBB2_17:
0x2bb: {  	v25 =	vor.u32 $0x1, v17;
	v26 =	vor.u32 v10, v17;
	v27 =	vadd.s32 v13, v17;
	s31 =	sadd.s32 $0x4, s31;
	[tilespmem:s29+$0x60] =	vst v24;
	v24 =	vld [tilespmem:s29+$0xD0]  }
0x2bc: {  	v28 =	vadd.s32 $0x4, v17;
	v29 =	vadd.s32 $0x5, v17;
	v30 =	vadd.s32 v11, v17;
	p0 =	slt.u32 s31, $0x3C;
	[tilespmem:s29+$0x70] =	vst v23;
	v23 =	vld [tilespmem:s29+$0xE0]  }
0x2bd: {  	v31 =	vadd.s32 $0x8, v17;
	v32 =	vadd.s32 $0x9, v17;
	v33 =	vadd.s32 v12, v17;
	v34 =	vld [tilespmem:s29+$0xF0]  }
0x2be: {  	v16 =	vmul.f32 v18, v16;
	v18 =	vmul.f32 v19, v15;
	v19 =	vld [tilespmem:s29+$0x100]  }
0x2bf: {  	v20 =	vmul.f32 v20, v15;
	v21 =	vmul.f32 v21, v15;
	v35 =	vld.idx.msk [tilespmem:v17+s14+$0x0], $0xffff  }
0x2c0: {  	s29 =	sadd.s32 $0x240, s29;
	v15 =	vmul.f32 v22, v15;
	v27 =	vld.idx.msk [tilespmem:v27+s14+$0x0], $0xffff;
	[tilespmem:s30+$0x80] =	vst v16;
	v16 =	vmul.f32 v24, v14  }
0x2c1: {  	v22 =	vld [tilespmem:s29+$0x110];
	[tilespmem:s30+$0x90] =	vst v18;
	v18 =	vmul.f32 v23, v14  }
0x2c2: {  	v24 =	vadd.s32 $0xC, v17;
	v23 =	vld.idx.msk [tilespmem:v25+s14+$0x0], $0xffff;
	[tilespmem:s30+$0xA0] =	vst v20;
	v20 =	vmul.f32 v34, v14  }
0x2c3: {  	v25 =	vld.idx.msk [tilespmem:v26+s14+$0x0], $0xffff;
	v26 =	vadd.s32 $0xD, v17;
	[tilespmem:s30+$0xB0] =	vst v21;
	v19 =	vmul.f32 v19, v14  }
0x2c4: {  	v21 =	vld.idx.msk [tilespmem:v28+s14+$0x0], $0xffff;
	[tilespmem:s30+$0xC0] =	vst v15  }
0x2c5: {  	v28 =	vld.idx.msk [tilespmem:v29+s14+$0x0], $0xffff;
	[tilespmem:s30+$0xD0] =	vst v16  }
0x2c6: {  	v29 =	vld.idx.msk [tilespmem:v30+s14+$0x0], $0xffff;
	v16 =	vmul.f32 v22, v27;
	[tilespmem:s30+$0xE0] =	vst v18  }
0x2c7: {  	v15 =	vld.idx.msk [tilespmem:v24+s14+$0x0], $0xffff;
	[tilespmem:s30+$0xF0] =	vst v20  }
0x2c8: {  	v14 =	vld.idx.msk [tilespmem:v26+s14+$0x0], $0xffff;
	[tilespmem:s29+$0x110] =	vst v16  }
0x2c9: {  	v18 =	vld.idx.msk [tilespmem:v31+s14+$0x0], $0xffff;
	[tilespmem:s30+$0x100] =	vst v19;
	s30 =	smov.u32 s29  }
0x2ca: {  	v22 =	vld.idx.msk [tilespmem:v32+s14+$0x0], $0xffff  }
0x2cb: {  	v16 =	vld.idx.msk [tilespmem:v33+s14+$0x0], $0xffff  }
0x2cc: {  	v19 =	vld [tilespmem:s29+$0xFFFFFEE0]  }
0x2cd: {  	v20 =	vld [tilespmem:s29+$0xFFFFFEF0]  }
0x2ce: {  	v24 =	vld [tilespmem:s29+$0xFFFFFF00]  }
0x2cf: {  	v26 =	vld [tilespmem:s29+$0xFFFFFF10]  }
0x2d0: {  	v27 =	vld [tilespmem:s29+$0xFFFFFF20]  }
0x2d1: {  	v19 =	vmul.f32 v19, v35;
	v30 =	vld [tilespmem:s29+$0xFFFFFF30]  }
0x2d2: {  	v20 =	vmul.f32 v20, v35;
	v31 =	vld [tilespmem:s29+$0xFFFFFF40]  }
0x2d3: {  	[tilespmem:s29+$0xFFFFFEE0] =	vst v19;
	v19 =	vmul.f32 v24, v35;
	v24 =	vld [tilespmem:s29+$0xFFFFFF50]  }
0x2d4: {  	[tilespmem:s29+$0xFFFFFEF0] =	vst v20;
	v20 =	vmul.f32 v26, v35;
	v26 =	vld [tilespmem:s29+$0xFFFFFF60]  }
0x2d5: {  	[tilespmem:s29+$0xFFFFFF00] =	vst v19;
	v19 =	vmul.f32 v27, v23;
	v27 =	vld [tilespmem:s29+$0xFFFFFF70]  }
0x2d6: {  	[tilespmem:s29+$0xFFFFFF10] =	vst v20;
	v20 =	vmul.f32 v30, v23;
	v30 =	vld [tilespmem:s29+$0xFFFFFF80]  }
0x2d7: {  	[tilespmem:s29+$0xFFFFFF20] =	vst v19;
	v19 =	vmul.f32 v31, v23;
	v31 =	vld [tilespmem:s29+$0xFFFFFF90]  }
0x2d8: {  	[tilespmem:s29+$0xFFFFFF30] =	vst v20;
	v20 =	vmul.f32 v24, v23;
	v23 =	vld [tilespmem:s29+$0xFFFFFFA0]  }
0x2d9: {  	[tilespmem:s29+$0xFFFFFF40] =	vst v19;
	v19 =	vmul.f32 v26, v25;
	v24 =	vld [tilespmem:s29+$0xFFFFFFB0]  }
0x2da: {  	[tilespmem:s29+$0xFFFFFF50] =	vst v20;
	v20 =	vmul.f32 v27, v21;
	v25 =	vld [tilespmem:s29+$0xFFFFFFC0]  }
0x2db: {  	[tilespmem:s29+$0xFFFFFF60] =	vst v19;
	v19 =	vmul.f32 v30, v21;
	v26 =	vld [tilespmem:s29+$0xFFFFFFD0]  }
0x2dc: {  	[tilespmem:s29+$0xFFFFFF70] =	vst v20;
	v20 =	vmul.f32 v31, v21;
	v27 =	vld [tilespmem:s29+$0xFFFFFFE0]  }
0x2dd: {  	[tilespmem:s29+$0xFFFFFF80] =	vst v19;
	v19 =	vmul.f32 v23, v21;
	v21 =	vld [tilespmem:s29+$0xFFFFFFF0]  }
0x2de: {  	[tilespmem:s29+$0xFFFFFF90] =	vst v20;
	v20 =	vmul.f32 v24, v28;
	v23 =	vld [tilespmem:s29+$0x0]  }
0x2df: {  	[tilespmem:s29+$0xFFFFFFA0] =	vst v19;
	v19 =	vmul.f32 v25, v28;
	v24 =	vld [tilespmem:s29+$0x10]  }
0x2e0: {  	[tilespmem:s29+$0xFFFFFFB0] =	vst v20;
	v20 =	vmul.f32 v26, v28;
	v25 =	vld [tilespmem:s29+$0x20]  }
0x2e1: {  	[tilespmem:s29+$0xFFFFFFC0] =	vst v19;
	v19 =	vmul.f32 v27, v28;
	v26 =	vld [tilespmem:s29+$0x30]  }
0x2e2: {  	[tilespmem:s29+$0xFFFFFFD0] =	vst v20;
	v20 =	vmul.f32 v21, v29;
	v21 =	vld [tilespmem:s29+$0x40]  }
0x2e3: {  	[tilespmem:s29+$0xFFFFFFE0] =	vst v19;
	v19 =	vmul.f32 v23, v18;
	v23 =	vld [tilespmem:s29+$0x50]  }
0x2e4: {  	[tilespmem:s29+$0xFFFFFFF0] =	vst v20;
	v20 =	vmul.f32 v24, v18;
	v24 =	vld [tilespmem:s29+$0x60]  }
0x2e5: {  	[tilespmem:s29+$0x0] =	vst v19;
	v19 =	vmul.f32 v25, v18;
	v25 =	vld [tilespmem:s29+$0x70]  }
.Ltmp7:
0x2e6: {  	[tilespmem:s29+$0x10] =	vst v20;
	v20 =	vmul.f32 v26, v18;
	v18 =	vld [tilespmem:s29+$0x80];
	(pc) =	sbr.rel @p0 .LBB2_17-.Ltmp7, $4  }
0x2e7: {  	[tilespmem:s29+$0x20] =	vst v19;
	v21 =	vmul.f32 v21, v22;
	v19 =	vld [tilespmem:s29+$0x90]  }
0x2e8: {  	[tilespmem:s29+$0x30] =	vst v20;
	v23 =	vmul.f32 v23, v22;
	v20 =	vld [tilespmem:s29+$0xA0]  }
0x2e9: {  	[tilespmem:s29+$0x40] =	vst v21;
	v24 =	vmul.f32 v24, v22;
	v21 =	vld [tilespmem:s29+$0xB0]  }
0x2ea: {  	v17 =	vadd.s32 $0x10, v17;
	[tilespmem:s29+$0x50] =	vst v23;
	v23 =	vmul.f32 v25, v22;
	v22 =	vld [tilespmem:s29+$0xC0]  }
0x2eb: {  	v17 =	vld [tilespmem:s29+$0xD0];
	[tilespmem:s29+$0x60] =	vst v24;
	v16 =	vmul.f32 v18, v16  }
0x2ec: {  	v24 =	vld [tilespmem:s29+$0xE0];
	[tilespmem:s29+$0x70] =	vst v23;
	v19 =	vmul.f32 v19, v15  }
0x2ed: {  	v18 =	vld [tilespmem:s29+$0xF0];
	v20 =	vmul.f32 v20, v15;
	[tilespmem:s30+$0x80] =	vst v16  }
0x2ee: {  	v23 =	vld [tilespmem:s29+$0x100];
	v16 =	vmul.f32 v21, v15;
	[tilespmem:s30+$0x90] =	vst v19  }
0x2ef: {  	v15 =	vmul.f32 v22, v15;
	[tilespmem:s30+$0xA0] =	vst v20  }
0x2f0: {  	v17 =	vmul.f32 v17, v14;
	[tilespmem:s30+$0xB0] =	vst v16  }
0x2f1: {  	v16 =	vmul.f32 v24, v14;
	[tilespmem:s30+$0xC0] =	vst v15  }
0x2f2: {  	v15 =	vmul.f32 v18, v14;
	[tilespmem:s30+$0xD0] =	vst v17  }
0x2f3: {  	v14 =	vmul.f32 v23, v14;
	[tilespmem:s30+$0xE0] =	vst v16  }
0x2f4: {  	[tilespmem:s30+$0xF0] =	vst v15  }
0x2f5: {  	s0 =	simm.s32 $0x500;
	[tilespmem:s30+$0x100] =	vst v14  }
0x2f6: {  	[spmem:s1] =	stream.indirect.scatter.add.f32 [tilespmem:s17], [sflag:$0x3], $0x90, s0, s15, $0xb8;
	[tilespmem:$0x1C700] =	vst v63  }
0x2f7: {  	_ =	swait.ge [sflag:s28], $0x2400  }
0x2f8: {  	[sflag:s28] =	ssyncset.done $0x0  }
0x2f9: {  	s4 =	simm.s32 $0x340;
	[sflag:s28] =	ssyncadd.s32 $0xFFFFDC00  }
0x2fa: {  	v14 =	vadd.s32 v13, v6;
	[tilespmem:s19], [sflag:$0x2] =	stream.indirect.gather [hbm4b:s7+s15], $0x90, s4, s15, $0xb8;
	[tilespmem:$0x1C700] =	vst v63  }
0x2fb: {  	_ =	swait.ge [sflag:s22], $0x2400  }
0x2fc: {  	v15 =	vor.u32 $0x1, v6;
	[sflag:s22] =	ssyncset.done $0x0  }
0x2fd: {  	v16 =	vor.u32 v10, v6;
	[sflag:s22] =	ssyncadd.s32 $0xFFFFDC00  }
0x2fe: {  	v17 =	vadd.s32 $0x4, v6;
	v18 =	vld.idx.msk [tilespmem:v6+s14+$0x0], $0xffff  }
0x2ff: {  	s29 =	simm.s32 $0x3320;
	v19 =	vadd.s32 $0x5, v6;
	v20 =	vld.idx.msk [tilespmem:v14+s14+$0x0], $0xffff  }
0x300: {  	v21 =	vld [tilespmem:s29+$0x110]  }
0x301: {  	v22 =	vld.idx.msk [tilespmem:v15+s14+$0x0], $0xffff  }
0x302: {  	v23 =	vld.idx.msk [tilespmem:v16+s14+$0x0], $0xffff  }
0x303: {  	v17 =	vld.idx.msk [tilespmem:v17+s14+$0x0], $0xffff  }
0x304: {  	v19 =	vld.idx.msk [tilespmem:v19+s14+$0x0], $0xffff  }
0x305: {  	v16 =	vld [tilespmem:s29+$0xFFFFFEF0]  }
0x306: {  	v28 =	vadd.s32 $0x8, v6;
	v26 =	vld [tilespmem:s29+$0xFFFFFF00]  }
0x307: {  	v27 =	vld [tilespmem:s29+$0xFFFFFF10]  }
0x308: {  	v14 =	vadd.s32 v11, v6;
	v29 =	vld [tilespmem:s29+$0xFFFFFF20]  }
0x309: {  	v31 =	vld [tilespmem:s29+$0xFFFFFF30]  }
0x30a: {  	v32 =	vld [tilespmem:s29+$0xFFFFFF40]  }
0x30b: {  	v28 =	vld.idx.msk [tilespmem:v28+s14+$0x0], $0xffff  }
0x30c: {  	v61 =	vld [tilespmem:s29+$0xFFFFFF60]  }
0x30d: {  	v24 =	vld.idx.msk [tilespmem:v14+s14+$0x0], $0xffff  }
0x30e: {  	v25 =	vadd.s32 $0xD, v6;
	v14 =	vld [tilespmem:s29+$0xFFFFFEE0];
	v16 =	vmul.f32 v16, v18  }
0x30f: {  	v34 =	vld [tilespmem:s29+$0xFFFFFF90]  }
0x310: {  	v15 =	vadd.s32 $0xC, v6;
	v26 =	vmul.f32 v26, v18;
	[tilespmem:s29+$0xFFFFFEF0] =	vst v16;
	v16 =	vld [tilespmem:s29+$0xFFFFFF70]  }
0x311: {  	v33 =	vadd.s32 $0x9, v6;
	v62 =	vld [tilespmem:s29+$0xFFFFFFB0];
	v31 =	vmul.f32 v31, v22  }
0x312: {  	v20 =	vmul.f32 v21, v20;
	v21 =	vld [tilespmem:s29+$0xFFFFFF80];
	[tilespmem:s29+$0xFFFFFF00] =	vst v26;
	v26 =	vmul.f32 v29, v22  }
0x313: {  	[tilespmem:s29+$0xFFFFFF30] =	vst v31;
	v30 =	vmul.f32 v14, v18;
	v14 =	vld.idx.msk [tilespmem:v25+s14+$0x0], $0xffff  }
0x314: {  	[tilespmem:s29+$0xFFFFFF20] =	vst v26;
	v25 =	vld [tilespmem:s29+$0xFFFFFF50]  }
0x315: {  	v15 =	vld.idx.msk [tilespmem:v15+s14+$0x0], $0xffff;
	[tilespmem:s29+$0x110] =	vst v20;
	v16 =	vmul.f32 v16, v17  }
0x316: {  	v33 =	vld.idx.msk [tilespmem:v33+s14+$0x0], $0xffff;
	v18 =	vmul.f32 v27, v18;
	[tilespmem:s29+$0xFFFFFEE0] =	vst v30  }
0x317: {  	v20 =	vld [tilespmem:s29+$0xFFFFFFA0];
	v27 =	vadd.s32 v12, v6;
	[tilespmem:s29+$0xFFFFFF70] =	vst v16;
	v16 =	vmul.f32 v21, v17  }
0x318: {  	v63 =	vld [tilespmem:s29+$0xFFFFFFE0];
	[tilespmem:s29+$0xFFFFFF10] =	vst v18;
	v21 =	vmul.f32 v32, v22  }
0x319: {  	v18 =	vld [tilespmem:s29+$0xFFFFFFC0];
	v22 =	vmul.f32 v25, v22;
	[tilespmem:s29+$0xFFFFFF80] =	vst v16  }
0x31a: {  	v26 =	vld [tilespmem:s29+$0xFFFFFFD0];
	[tilespmem:s29+$0xFFFFFF40] =	vst v21;
	v21 =	vmul.f32 v61, v23  }
0x31b: {  	v25 =	vld [tilespmem:s29+$0x0];
	[tilespmem:s29+$0xFFFFFF50] =	vst v22;
	v22 =	vmul.f32 v34, v17  }
0x31c: {  	v16 =	vld.idx.msk [tilespmem:v27+s14+$0x0], $0xffff;
	v17 =	vmul.f32 v20, v17;
	[tilespmem:s29+$0xFFFFFF60] =	vst v21  }
0x31d: {  	v20 =	vld [tilespmem:s29+$0x10];
	v21 =	vmul.f32 v62, v19;
	[tilespmem:s29+$0xFFFFFF90] =	vst v22  }
0x31e: {  	v23 =	vld [tilespmem:s29+$0xFFFFFFF0];
	[tilespmem:s29+$0xFFFFFFA0] =	vst v17;
	v17 =	vmul.f32 v18, v19  }
0x31f: {  	v22 =	vld [tilespmem:s29+$0x20];
	[tilespmem:s29+$0xFFFFFFB0] =	vst v21;
	v21 =	vmul.f32 v26, v19  }
0x320: {  	v18 =	vld [tilespmem:s29+$0x30];
	v19 =	vmul.f32 v63, v19;
	[tilespmem:s29+$0xFFFFFFC0] =	vst v17  }
0x321: {  	v26 =	vld [tilespmem:s29+$0x40];
	v17 =	vmul.f32 v25, v28;
	[tilespmem:s29+$0xFFFFFFD0] =	vst v21  }
0x322: {  	v25 =	vld [tilespmem:s29+$0x50];
	v20 =	vmul.f32 v20, v28;
	[tilespmem:s29+$0xFFFFFFE0] =	vst v19  }
0x323: {  	v27 =	vld [tilespmem:s29+$0x60];
	[tilespmem:s29+$0x0] =	vst v17;
	v17 =	vmul.f32 v23, v24  }
0x324: {  	v23 =	vld [tilespmem:s29+$0x70];
	v19 =	vmul.f32 v22, v28;
	[tilespmem:s29+$0x10] =	vst v20  }
0x325: {  	v20 =	vld [tilespmem:s29+$0xA0];
	[tilespmem:s29+$0xFFFFFFF0] =	vst v17;
	v17 =	vmul.f32 v18, v28  }
0x326: {  	v22 =	vld [tilespmem:s29+$0xC0];
	v21 =	vmul.f32 v26, v33;
	[tilespmem:s29+$0x20] =	vst v19  }
0x327: {  	v18 =	vld [tilespmem:s29+$0x80];
	[tilespmem:s29+$0x30] =	vst v17;
	v17 =	vmul.f32 v25, v33  }
0x328: {  	v24 =	vmul.f32 v27, v33;
	v19 =	vld [tilespmem:s29+$0x90];
	[tilespmem:s29+$0x40] =	vst v21  }
0x329: {  	s31 =	simm.s32 $0x0;
	s30 =	simm.s32 $0x3320;
	v21 =	vld [tilespmem:s29+$0xB0];
	v23 =	vmul.f32 v23, v33;
	[tilespmem:s29+$0x50] =	vst v17;
	v17 =	vadd.s32 $0x10, v6  }
.LBB2_19:
0x32a: {  	v25 =	vor.u32 $0x1, v17;
	v26 =	vor.u32 v10, v17;
	v27 =	vadd.s32 v13, v17;
	s31 =	sadd.s32 $0x4, s31;
	[tilespmem:s29+$0x60] =	vst v24;
	v24 =	vld [tilespmem:s29+$0xD0]  }
0x32b: {  	v28 =	vadd.s32 $0x4, v17;
	v29 =	vadd.s32 $0x5, v17;
	v30 =	vadd.s32 v11, v17;
	p0 =	slt.u32 s31, $0x3C;
	[tilespmem:s29+$0x70] =	vst v23;
	v23 =	vld [tilespmem:s29+$0xE0]  }
0x32c: {  	v31 =	vadd.s32 $0x8, v17;
	v32 =	vadd.s32 $0x9, v17;
	v33 =	vadd.s32 v12, v17;
	v34 =	vld [tilespmem:s29+$0xF0]  }
0x32d: {  	v16 =	vmul.f32 v18, v16;
	v18 =	vmul.f32 v19, v15;
	v19 =	vld [tilespmem:s29+$0x100]  }
0x32e: {  	v20 =	vmul.f32 v20, v15;
	v21 =	vmul.f32 v21, v15;
	v35 =	vld.idx.msk [tilespmem:v17+s14+$0x0], $0xffff  }
0x32f: {  	s29 =	sadd.s32 $0x240, s29;
	v15 =	vmul.f32 v22, v15;
	v27 =	vld.idx.msk [tilespmem:v27+s14+$0x0], $0xffff;
	[tilespmem:s30+$0x80] =	vst v16;
	v16 =	vmul.f32 v24, v14  }
0x330: {  	v22 =	vld [tilespmem:s29+$0x110];
	[tilespmem:s30+$0x90] =	vst v18;
	v18 =	vmul.f32 v23, v14  }
0x331: {  	v24 =	vadd.s32 $0xC, v17;
	v23 =	vld.idx.msk [tilespmem:v25+s14+$0x0], $0xffff;
	[tilespmem:s30+$0xA0] =	vst v20;
	v20 =	vmul.f32 v34, v14  }
0x332: {  	v25 =	vld.idx.msk [tilespmem:v26+s14+$0x0], $0xffff;
	v26 =	vadd.s32 $0xD, v17;
	[tilespmem:s30+$0xB0] =	vst v21;
	v19 =	vmul.f32 v19, v14  }
0x333: {  	v21 =	vld.idx.msk [tilespmem:v28+s14+$0x0], $0xffff;
	[tilespmem:s30+$0xC0] =	vst v15  }
0x334: {  	v28 =	vld.idx.msk [tilespmem:v29+s14+$0x0], $0xffff;
	[tilespmem:s30+$0xD0] =	vst v16  }
0x335: {  	v29 =	vld.idx.msk [tilespmem:v30+s14+$0x0], $0xffff;
	v16 =	vmul.f32 v22, v27;
	[tilespmem:s30+$0xE0] =	vst v18  }
0x336: {  	v15 =	vld.idx.msk [tilespmem:v24+s14+$0x0], $0xffff;
	[tilespmem:s30+$0xF0] =	vst v20  }
0x337: {  	v14 =	vld.idx.msk [tilespmem:v26+s14+$0x0], $0xffff;
	[tilespmem:s29+$0x110] =	vst v16  }
0x338: {  	v18 =	vld.idx.msk [tilespmem:v31+s14+$0x0], $0xffff;
	[tilespmem:s30+$0x100] =	vst v19;
	s30 =	smov.u32 s29  }
0x339: {  	v22 =	vld.idx.msk [tilespmem:v32+s14+$0x0], $0xffff  }
0x33a: {  	v16 =	vld.idx.msk [tilespmem:v33+s14+$0x0], $0xffff  }
0x33b: {  	v19 =	vld [tilespmem:s29+$0xFFFFFEE0]  }
0x33c: {  	v20 =	vld [tilespmem:s29+$0xFFFFFEF0]  }
0x33d: {  	v24 =	vld [tilespmem:s29+$0xFFFFFF00]  }
0x33e: {  	v26 =	vld [tilespmem:s29+$0xFFFFFF10]  }
0x33f: {  	v27 =	vld [tilespmem:s29+$0xFFFFFF20]  }
0x340: {  	v19 =	vmul.f32 v19, v35;
	v30 =	vld [tilespmem:s29+$0xFFFFFF30]  }
0x341: {  	v20 =	vmul.f32 v20, v35;
	v31 =	vld [tilespmem:s29+$0xFFFFFF40]  }
0x342: {  	[tilespmem:s29+$0xFFFFFEE0] =	vst v19;
	v19 =	vmul.f32 v24, v35;
	v24 =	vld [tilespmem:s29+$0xFFFFFF50]  }
0x343: {  	[tilespmem:s29+$0xFFFFFEF0] =	vst v20;
	v20 =	vmul.f32 v26, v35;
	v26 =	vld [tilespmem:s29+$0xFFFFFF60]  }
0x344: {  	[tilespmem:s29+$0xFFFFFF00] =	vst v19;
	v19 =	vmul.f32 v27, v23;
	v27 =	vld [tilespmem:s29+$0xFFFFFF70]  }
0x345: {  	[tilespmem:s29+$0xFFFFFF10] =	vst v20;
	v20 =	vmul.f32 v30, v23;
	v30 =	vld [tilespmem:s29+$0xFFFFFF80]  }
0x346: {  	[tilespmem:s29+$0xFFFFFF20] =	vst v19;
	v19 =	vmul.f32 v31, v23;
	v31 =	vld [tilespmem:s29+$0xFFFFFF90]  }
0x347: {  	[tilespmem:s29+$0xFFFFFF30] =	vst v20;
	v20 =	vmul.f32 v24, v23;
	v23 =	vld [tilespmem:s29+$0xFFFFFFA0]  }
0x348: {  	[tilespmem:s29+$0xFFFFFF40] =	vst v19;
	v19 =	vmul.f32 v26, v25;
	v24 =	vld [tilespmem:s29+$0xFFFFFFB0]  }
0x349: {  	[tilespmem:s29+$0xFFFFFF50] =	vst v20;
	v20 =	vmul.f32 v27, v21;
	v25 =	vld [tilespmem:s29+$0xFFFFFFC0]  }
0x34a: {  	[tilespmem:s29+$0xFFFFFF60] =	vst v19;
	v19 =	vmul.f32 v30, v21;
	v26 =	vld [tilespmem:s29+$0xFFFFFFD0]  }
0x34b: {  	[tilespmem:s29+$0xFFFFFF70] =	vst v20;
	v20 =	vmul.f32 v31, v21;
	v27 =	vld [tilespmem:s29+$0xFFFFFFE0]  }
0x34c: {  	[tilespmem:s29+$0xFFFFFF80] =	vst v19;
	v19 =	vmul.f32 v23, v21;
	v21 =	vld [tilespmem:s29+$0xFFFFFFF0]  }
0x34d: {  	[tilespmem:s29+$0xFFFFFF90] =	vst v20;
	v20 =	vmul.f32 v24, v28;
	v23 =	vld [tilespmem:s29+$0x0]  }
0x34e: {  	[tilespmem:s29+$0xFFFFFFA0] =	vst v19;
	v19 =	vmul.f32 v25, v28;
	v24 =	vld [tilespmem:s29+$0x10]  }
0x34f: {  	[tilespmem:s29+$0xFFFFFFB0] =	vst v20;
	v20 =	vmul.f32 v26, v28;
	v25 =	vld [tilespmem:s29+$0x20]  }
0x350: {  	[tilespmem:s29+$0xFFFFFFC0] =	vst v19;
	v19 =	vmul.f32 v27, v28;
	v26 =	vld [tilespmem:s29+$0x30]  }
0x351: {  	[tilespmem:s29+$0xFFFFFFD0] =	vst v20;
	v20 =	vmul.f32 v21, v29;
	v21 =	vld [tilespmem:s29+$0x40]  }
0x352: {  	[tilespmem:s29+$0xFFFFFFE0] =	vst v19;
	v19 =	vmul.f32 v23, v18;
	v23 =	vld [tilespmem:s29+$0x50]  }
0x353: {  	[tilespmem:s29+$0xFFFFFFF0] =	vst v20;
	v20 =	vmul.f32 v24, v18;
	v24 =	vld [tilespmem:s29+$0x60]  }
0x354: {  	[tilespmem:s29+$0x0] =	vst v19;
	v19 =	vmul.f32 v25, v18;
	v25 =	vld [tilespmem:s29+$0x70]  }
.Ltmp8:
0x355: {  	[tilespmem:s29+$0x10] =	vst v20;
	v20 =	vmul.f32 v26, v18;
	v18 =	vld [tilespmem:s29+$0x80];
	(pc) =	sbr.rel @p0 .LBB2_19-.Ltmp8, $4  }
0x356: {  	[tilespmem:s29+$0x20] =	vst v19;
	v21 =	vmul.f32 v21, v22;
	v19 =	vld [tilespmem:s29+$0x90]  }
0x357: {  	[tilespmem:s29+$0x30] =	vst v20;
	v23 =	vmul.f32 v23, v22;
	v20 =	vld [tilespmem:s29+$0xA0]  }
0x358: {  	[tilespmem:s29+$0x40] =	vst v21;
	v24 =	vmul.f32 v24, v22;
	v21 =	vld [tilespmem:s29+$0xB0]  }
0x359: {  	v17 =	vadd.s32 $0x10, v17;
	[tilespmem:s29+$0x50] =	vst v23;
	v23 =	vmul.f32 v25, v22;
	v22 =	vld [tilespmem:s29+$0xC0]  }
0x35a: {  	v17 =	vld [tilespmem:s29+$0xD0];
	[tilespmem:s29+$0x60] =	vst v24;
	v16 =	vmul.f32 v18, v16  }
0x35b: {  	v24 =	vld [tilespmem:s29+$0xE0];
	[tilespmem:s29+$0x70] =	vst v23;
	v19 =	vmul.f32 v19, v15  }
0x35c: {  	v18 =	vld [tilespmem:s29+$0xF0];
	v20 =	vmul.f32 v20, v15;
	[tilespmem:s30+$0x80] =	vst v16  }
0x35d: {  	v23 =	vld [tilespmem:s29+$0x100];
	v16 =	vmul.f32 v21, v15;
	[tilespmem:s30+$0x90] =	vst v19  }
0x35e: {  	v15 =	vmul.f32 v22, v15;
	[tilespmem:s30+$0xA0] =	vst v20  }
0x35f: {  	v17 =	vmul.f32 v17, v14;
	[tilespmem:s30+$0xB0] =	vst v16  }
0x360: {  	v16 =	vmul.f32 v24, v14;
	[tilespmem:s30+$0xC0] =	vst v15  }
0x361: {  	v15 =	vmul.f32 v18, v14;
	[tilespmem:s30+$0xD0] =	vst v17  }
0x362: {  	v14 =	vmul.f32 v23, v14;
	[tilespmem:s30+$0xE0] =	vst v16  }
0x363: {  	[tilespmem:s30+$0xF0] =	vst v15  }
0x364: {  	[tilespmem:s30+$0x100] =	vst v14  }
0x365: {  	[spmem:s1] =	stream.indirect.scatter.add.f32 [tilespmem:s19], [sflag:$0x4], $0x90, s9, s15, $0xb8;
	[tilespmem:$0x1C700] =	vst v63  }
0x366: {  	_ =	swait.ge [sflag:s24], $0x2400  }
0x367: {  	[sflag:s24] =	ssyncset.done $0x0  }
0x368: {  	[sflag:s24] =	ssyncadd.s32 $0xFFFFDC00  }
0x369: {  	v14 =	vadd.s32 v13, v7;
	[tilespmem:s17], [sflag:$0x1] =	stream.indirect.gather [hbm4b:s7+s15], $0x90, s16, s15, $0xb8;
	[tilespmem:$0x1C700] =	vst v63  }
0x36a: {  	_ =	swait.ge [sflag:s20], $0x2400  }
0x36b: {  	v15 =	vor.u32 $0x1, v7;
	[sflag:s20] =	ssyncset.done $0x0  }
0x36c: {  	v16 =	vor.u32 v10, v7;
	[sflag:s20] =	ssyncadd.s32 $0xFFFFDC00  }
0x36d: {  	v17 =	vadd.s32 $0x4, v7;
	v18 =	vld.idx.msk [tilespmem:v7+s14+$0x0], $0xffff  }
0x36e: {  	s29 =	simm.s32 $0xF20;
	v19 =	vadd.s32 $0x5, v7;
	v20 =	vld.idx.msk [tilespmem:v14+s14+$0x0], $0xffff  }
0x36f: {  	v21 =	vld [tilespmem:s29+$0x110]  }
0x370: {  	v22 =	vld.idx.msk [tilespmem:v15+s14+$0x0], $0xffff  }
0x371: {  	v23 =	vld.idx.msk [tilespmem:v16+s14+$0x0], $0xffff  }
0x372: {  	v17 =	vld.idx.msk [tilespmem:v17+s14+$0x0], $0xffff  }
0x373: {  	v19 =	vld.idx.msk [tilespmem:v19+s14+$0x0], $0xffff  }
0x374: {  	v16 =	vld [tilespmem:s29+$0xFFFFFEF0]  }
0x375: {  	v28 =	vadd.s32 $0x8, v7;
	v26 =	vld [tilespmem:s29+$0xFFFFFF00]  }
0x376: {  	v27 =	vld [tilespmem:s29+$0xFFFFFF10]  }
0x377: {  	v14 =	vadd.s32 v11, v7;
	v29 =	vld [tilespmem:s29+$0xFFFFFF20]  }
0x378: {  	v31 =	vld [tilespmem:s29+$0xFFFFFF30]  }
0x379: {  	v32 =	vld [tilespmem:s29+$0xFFFFFF40]  }
0x37a: {  	v28 =	vld.idx.msk [tilespmem:v28+s14+$0x0], $0xffff  }
0x37b: {  	v61 =	vld [tilespmem:s29+$0xFFFFFF60]  }
0x37c: {  	v24 =	vld.idx.msk [tilespmem:v14+s14+$0x0], $0xffff  }
0x37d: {  	v25 =	vadd.s32 $0xD, v7;
	v14 =	vld [tilespmem:s29+$0xFFFFFEE0];
	v16 =	vmul.f32 v16, v18  }
0x37e: {  	v34 =	vld [tilespmem:s29+$0xFFFFFF90]  }
0x37f: {  	v15 =	vadd.s32 $0xC, v7;
	v26 =	vmul.f32 v26, v18;
	[tilespmem:s29+$0xFFFFFEF0] =	vst v16;
	v16 =	vld [tilespmem:s29+$0xFFFFFF70]  }
0x380: {  	v33 =	vadd.s32 $0x9, v7;
	v62 =	vld [tilespmem:s29+$0xFFFFFFB0];
	v31 =	vmul.f32 v31, v22  }
0x381: {  	v20 =	vmul.f32 v21, v20;
	v21 =	vld [tilespmem:s29+$0xFFFFFF80];
	[tilespmem:s29+$0xFFFFFF00] =	vst v26;
	v26 =	vmul.f32 v29, v22  }
0x382: {  	[tilespmem:s29+$0xFFFFFF30] =	vst v31;
	v30 =	vmul.f32 v14, v18;
	v14 =	vld.idx.msk [tilespmem:v25+s14+$0x0], $0xffff  }
0x383: {  	[tilespmem:s29+$0xFFFFFF20] =	vst v26;
	v25 =	vld [tilespmem:s29+$0xFFFFFF50]  }
0x384: {  	v15 =	vld.idx.msk [tilespmem:v15+s14+$0x0], $0xffff;
	[tilespmem:s29+$0x110] =	vst v20;
	v16 =	vmul.f32 v16, v17  }
0x385: {  	v33 =	vld.idx.msk [tilespmem:v33+s14+$0x0], $0xffff;
	v18 =	vmul.f32 v27, v18;
	[tilespmem:s29+$0xFFFFFEE0] =	vst v30  }
0x386: {  	v20 =	vld [tilespmem:s29+$0xFFFFFFA0];
	v27 =	vadd.s32 v12, v7;
	[tilespmem:s29+$0xFFFFFF70] =	vst v16;
	v16 =	vmul.f32 v21, v17  }
0x387: {  	v63 =	vld [tilespmem:s29+$0xFFFFFFE0];
	[tilespmem:s29+$0xFFFFFF10] =	vst v18;
	v21 =	vmul.f32 v32, v22  }
0x388: {  	v18 =	vld [tilespmem:s29+$0xFFFFFFC0];
	v22 =	vmul.f32 v25, v22;
	[tilespmem:s29+$0xFFFFFF80] =	vst v16  }
0x389: {  	v26 =	vld [tilespmem:s29+$0xFFFFFFD0];
	[tilespmem:s29+$0xFFFFFF40] =	vst v21;
	v21 =	vmul.f32 v61, v23  }
0x38a: {  	v25 =	vld [tilespmem:s29+$0x0];
	[tilespmem:s29+$0xFFFFFF50] =	vst v22;
	v22 =	vmul.f32 v34, v17  }
0x38b: {  	v16 =	vld.idx.msk [tilespmem:v27+s14+$0x0], $0xffff;
	v17 =	vmul.f32 v20, v17;
	[tilespmem:s29+$0xFFFFFF60] =	vst v21  }
0x38c: {  	v20 =	vld [tilespmem:s29+$0x10];
	v21 =	vmul.f32 v62, v19;
	[tilespmem:s29+$0xFFFFFF90] =	vst v22  }
0x38d: {  	v23 =	vld [tilespmem:s29+$0xFFFFFFF0];
	[tilespmem:s29+$0xFFFFFFA0] =	vst v17;
	v17 =	vmul.f32 v18, v19  }
0x38e: {  	v22 =	vld [tilespmem:s29+$0x20];
	[tilespmem:s29+$0xFFFFFFB0] =	vst v21;
	v21 =	vmul.f32 v26, v19  }
0x38f: {  	v18 =	vld [tilespmem:s29+$0x30];
	v19 =	vmul.f32 v63, v19;
	[tilespmem:s29+$0xFFFFFFC0] =	vst v17  }
0x390: {  	v26 =	vld [tilespmem:s29+$0x40];
	v17 =	vmul.f32 v25, v28;
	[tilespmem:s29+$0xFFFFFFD0] =	vst v21  }
0x391: {  	v25 =	vld [tilespmem:s29+$0x50];
	v20 =	vmul.f32 v20, v28;
	[tilespmem:s29+$0xFFFFFFE0] =	vst v19  }
0x392: {  	v27 =	vld [tilespmem:s29+$0x60];
	[tilespmem:s29+$0x0] =	vst v17;
	v17 =	vmul.f32 v23, v24  }
0x393: {  	v23 =	vld [tilespmem:s29+$0x70];
	v19 =	vmul.f32 v22, v28;
	[tilespmem:s29+$0x10] =	vst v20  }
0x394: {  	v20 =	vld [tilespmem:s29+$0xA0];
	[tilespmem:s29+$0xFFFFFFF0] =	vst v17;
	v17 =	vmul.f32 v18, v28  }
0x395: {  	v22 =	vld [tilespmem:s29+$0xC0];
	v21 =	vmul.f32 v26, v33;
	[tilespmem:s29+$0x20] =	vst v19  }
0x396: {  	v18 =	vld [tilespmem:s29+$0x80];
	[tilespmem:s29+$0x30] =	vst v17;
	v17 =	vmul.f32 v25, v33  }
0x397: {  	v24 =	vmul.f32 v27, v33;
	v19 =	vld [tilespmem:s29+$0x90];
	[tilespmem:s29+$0x40] =	vst v21  }
0x398: {  	s31 =	simm.s32 $0x0;
	s30 =	simm.s32 $0xF20;
	v21 =	vld [tilespmem:s29+$0xB0];
	v23 =	vmul.f32 v23, v33;
	[tilespmem:s29+$0x50] =	vst v17;
	v17 =	vadd.s32 $0x10, v7  }
.LBB2_21:
0x399: {  	v25 =	vor.u32 $0x1, v17;
	v26 =	vor.u32 v10, v17;
	v27 =	vadd.s32 v13, v17;
	s31 =	sadd.s32 $0x4, s31;
	[tilespmem:s29+$0x60] =	vst v24;
	v24 =	vld [tilespmem:s29+$0xD0]  }
0x39a: {  	v28 =	vadd.s32 $0x4, v17;
	v29 =	vadd.s32 $0x5, v17;
	v30 =	vadd.s32 v11, v17;
	p0 =	slt.u32 s31, $0x3C;
	[tilespmem:s29+$0x70] =	vst v23;
	v23 =	vld [tilespmem:s29+$0xE0]  }
0x39b: {  	v31 =	vadd.s32 $0x8, v17;
	v32 =	vadd.s32 $0x9, v17;
	v33 =	vadd.s32 v12, v17;
	v34 =	vld [tilespmem:s29+$0xF0]  }
0x39c: {  	v16 =	vmul.f32 v18, v16;
	v18 =	vmul.f32 v19, v15;
	v19 =	vld [tilespmem:s29+$0x100]  }
0x39d: {  	v20 =	vmul.f32 v20, v15;
	v21 =	vmul.f32 v21, v15;
	v35 =	vld.idx.msk [tilespmem:v17+s14+$0x0], $0xffff  }
0x39e: {  	s29 =	sadd.s32 $0x240, s29;
	v15 =	vmul.f32 v22, v15;
	v27 =	vld.idx.msk [tilespmem:v27+s14+$0x0], $0xffff;
	[tilespmem:s30+$0x80] =	vst v16;
	v16 =	vmul.f32 v24, v14  }
0x39f: {  	v22 =	vld [tilespmem:s29+$0x110];
	[tilespmem:s30+$0x90] =	vst v18;
	v18 =	vmul.f32 v23, v14  }
0x3a0: {  	v24 =	vadd.s32 $0xC, v17;
	v23 =	vld.idx.msk [tilespmem:v25+s14+$0x0], $0xffff;
	[tilespmem:s30+$0xA0] =	vst v20;
	v20 =	vmul.f32 v34, v14  }
0x3a1: {  	v25 =	vld.idx.msk [tilespmem:v26+s14+$0x0], $0xffff;
	v26 =	vadd.s32 $0xD, v17;
	[tilespmem:s30+$0xB0] =	vst v21;
	v19 =	vmul.f32 v19, v14  }
0x3a2: {  	v21 =	vld.idx.msk [tilespmem:v28+s14+$0x0], $0xffff;
	[tilespmem:s30+$0xC0] =	vst v15  }
0x3a3: {  	v28 =	vld.idx.msk [tilespmem:v29+s14+$0x0], $0xffff;
	[tilespmem:s30+$0xD0] =	vst v16  }
0x3a4: {  	v29 =	vld.idx.msk [tilespmem:v30+s14+$0x0], $0xffff;
	v16 =	vmul.f32 v22, v27;
	[tilespmem:s30+$0xE0] =	vst v18  }
0x3a5: {  	v15 =	vld.idx.msk [tilespmem:v24+s14+$0x0], $0xffff;
	[tilespmem:s30+$0xF0] =	vst v20  }
0x3a6: {  	v14 =	vld.idx.msk [tilespmem:v26+s14+$0x0], $0xffff;
	[tilespmem:s29+$0x110] =	vst v16  }
0x3a7: {  	v18 =	vld.idx.msk [tilespmem:v31+s14+$0x0], $0xffff;
	[tilespmem:s30+$0x100] =	vst v19;
	s30 =	smov.u32 s29  }
0x3a8: {  	v22 =	vld.idx.msk [tilespmem:v32+s14+$0x0], $0xffff  }
0x3a9: {  	v16 =	vld.idx.msk [tilespmem:v33+s14+$0x0], $0xffff  }
0x3aa: {  	v19 =	vld [tilespmem:s29+$0xFFFFFEE0]  }
0x3ab: {  	v20 =	vld [tilespmem:s29+$0xFFFFFEF0]  }
0x3ac: {  	v24 =	vld [tilespmem:s29+$0xFFFFFF00]  }
0x3ad: {  	v26 =	vld [tilespmem:s29+$0xFFFFFF10]  }
0x3ae: {  	v27 =	vld [tilespmem:s29+$0xFFFFFF20]  }
0x3af: {  	v19 =	vmul.f32 v19, v35;
	v30 =	vld [tilespmem:s29+$0xFFFFFF30]  }
0x3b0: {  	v20 =	vmul.f32 v20, v35;
	v31 =	vld [tilespmem:s29+$0xFFFFFF40]  }
0x3b1: {  	[tilespmem:s29+$0xFFFFFEE0] =	vst v19;
	v19 =	vmul.f32 v24, v35;
	v24 =	vld [tilespmem:s29+$0xFFFFFF50]  }
0x3b2: {  	[tilespmem:s29+$0xFFFFFEF0] =	vst v20;
	v20 =	vmul.f32 v26, v35;
	v26 =	vld [tilespmem:s29+$0xFFFFFF60]  }
0x3b3: {  	[tilespmem:s29+$0xFFFFFF00] =	vst v19;
	v19 =	vmul.f32 v27, v23;
	v27 =	vld [tilespmem:s29+$0xFFFFFF70]  }
0x3b4: {  	[tilespmem:s29+$0xFFFFFF10] =	vst v20;
	v20 =	vmul.f32 v30, v23;
	v30 =	vld [tilespmem:s29+$0xFFFFFF80]  }
0x3b5: {  	[tilespmem:s29+$0xFFFFFF20] =	vst v19;
	v19 =	vmul.f32 v31, v23;
	v31 =	vld [tilespmem:s29+$0xFFFFFF90]  }
0x3b6: {  	[tilespmem:s29+$0xFFFFFF30] =	vst v20;
	v20 =	vmul.f32 v24, v23;
	v23 =	vld [tilespmem:s29+$0xFFFFFFA0]  }
0x3b7: {  	[tilespmem:s29+$0xFFFFFF40] =	vst v19;
	v19 =	vmul.f32 v26, v25;
	v24 =	vld [tilespmem:s29+$0xFFFFFFB0]  }
0x3b8: {  	[tilespmem:s29+$0xFFFFFF50] =	vst v20;
	v20 =	vmul.f32 v27, v21;
	v25 =	vld [tilespmem:s29+$0xFFFFFFC0]  }
0x3b9: {  	[tilespmem:s29+$0xFFFFFF60] =	vst v19;
	v19 =	vmul.f32 v30, v21;
	v26 =	vld [tilespmem:s29+$0xFFFFFFD0]  }
0x3ba: {  	[tilespmem:s29+$0xFFFFFF70] =	vst v20;
	v20 =	vmul.f32 v31, v21;
	v27 =	vld [tilespmem:s29+$0xFFFFFFE0]  }
0x3bb: {  	[tilespmem:s29+$0xFFFFFF80] =	vst v19;
	v19 =	vmul.f32 v23, v21;
	v21 =	vld [tilespmem:s29+$0xFFFFFFF0]  }
0x3bc: {  	[tilespmem:s29+$0xFFFFFF90] =	vst v20;
	v20 =	vmul.f32 v24, v28;
	v23 =	vld [tilespmem:s29+$0x0]  }
0x3bd: {  	[tilespmem:s29+$0xFFFFFFA0] =	vst v19;
	v19 =	vmul.f32 v25, v28;
	v24 =	vld [tilespmem:s29+$0x10]  }
0x3be: {  	[tilespmem:s29+$0xFFFFFFB0] =	vst v20;
	v20 =	vmul.f32 v26, v28;
	v25 =	vld [tilespmem:s29+$0x20]  }
0x3bf: {  	[tilespmem:s29+$0xFFFFFFC0] =	vst v19;
	v19 =	vmul.f32 v27, v28;
	v26 =	vld [tilespmem:s29+$0x30]  }
0x3c0: {  	[tilespmem:s29+$0xFFFFFFD0] =	vst v20;
	v20 =	vmul.f32 v21, v29;
	v21 =	vld [tilespmem:s29+$0x40]  }
0x3c1: {  	[tilespmem:s29+$0xFFFFFFE0] =	vst v19;
	v19 =	vmul.f32 v23, v18;
	v23 =	vld [tilespmem:s29+$0x50]  }
0x3c2: {  	[tilespmem:s29+$0xFFFFFFF0] =	vst v20;
	v20 =	vmul.f32 v24, v18;
	v24 =	vld [tilespmem:s29+$0x60]  }
0x3c3: {  	[tilespmem:s29+$0x0] =	vst v19;
	v19 =	vmul.f32 v25, v18;
	v25 =	vld [tilespmem:s29+$0x70]  }
.Ltmp9:
0x3c4: {  	[tilespmem:s29+$0x10] =	vst v20;
	v20 =	vmul.f32 v26, v18;
	v18 =	vld [tilespmem:s29+$0x80];
	(pc) =	sbr.rel @p0 .LBB2_21-.Ltmp9, $4  }
0x3c5: {  	[tilespmem:s29+$0x20] =	vst v19;
	v21 =	vmul.f32 v21, v22;
	v19 =	vld [tilespmem:s29+$0x90]  }
0x3c6: {  	[tilespmem:s29+$0x30] =	vst v20;
	v23 =	vmul.f32 v23, v22;
	v20 =	vld [tilespmem:s29+$0xA0]  }
0x3c7: {  	[tilespmem:s29+$0x40] =	vst v21;
	v24 =	vmul.f32 v24, v22;
	v21 =	vld [tilespmem:s29+$0xB0]  }
0x3c8: {  	v17 =	vadd.s32 $0x10, v17;
	[tilespmem:s29+$0x50] =	vst v23;
	v23 =	vmul.f32 v25, v22;
	v22 =	vld [tilespmem:s29+$0xC0]  }
0x3c9: {  	v17 =	vld [tilespmem:s29+$0xD0];
	[tilespmem:s29+$0x60] =	vst v24;
	v16 =	vmul.f32 v18, v16  }
0x3ca: {  	v24 =	vld [tilespmem:s29+$0xE0];
	[tilespmem:s29+$0x70] =	vst v23;
	v19 =	vmul.f32 v19, v15  }
0x3cb: {  	v18 =	vld [tilespmem:s29+$0xF0];
	v20 =	vmul.f32 v20, v15;
	[tilespmem:s30+$0x80] =	vst v16  }
0x3cc: {  	v23 =	vld [tilespmem:s29+$0x100];
	v16 =	vmul.f32 v21, v15;
	[tilespmem:s30+$0x90] =	vst v19  }
0x3cd: {  	v15 =	vmul.f32 v22, v15;
	[tilespmem:s30+$0xA0] =	vst v20  }
0x3ce: {  	v17 =	vmul.f32 v17, v14;
	[tilespmem:s30+$0xB0] =	vst v16  }
0x3cf: {  	v16 =	vmul.f32 v24, v14;
	[tilespmem:s30+$0xC0] =	vst v15  }
0x3d0: {  	v15 =	vmul.f32 v18, v14;
	[tilespmem:s30+$0xD0] =	vst v17  }
0x3d1: {  	v14 =	vmul.f32 v23, v14;
	[tilespmem:s30+$0xE0] =	vst v16  }
0x3d2: {  	[tilespmem:s30+$0xF0] =	vst v15  }
0x3d3: {  	[tilespmem:s30+$0x100] =	vst v14  }
0x3d4: {  	[spmem:s1] =	stream.indirect.scatter.add.f32 [tilespmem:s17], [sflag:$0x3], $0x90, s18, s15, $0xb8;
	[tilespmem:$0x1C700] =	vst v63  }
0x3d5: {  	_ =	swait.ge [sflag:s28], $0x2400  }
0x3d6: {  	[sflag:s28] =	ssyncset.done $0x0  }
0x3d7: {  	[sflag:s28] =	ssyncadd.s32 $0xFFFFDC00  }
0x3d8: {  	v14 =	vadd.s32 v13, v8;
	[tilespmem:s19], [sflag:$0x2] =	stream.indirect.gather [hbm4b:s7+s15], $0x90, s21, s15, $0xb8;
	[tilespmem:$0x1C700] =	vst v63  }
0x3d9: {  	_ =	swait.ge [sflag:s22], $0x2400  }
0x3da: {  	v15 =	vor.u32 $0x1, v8;
	[sflag:s22] =	ssyncset.done $0x0  }
0x3db: {  	v16 =	vor.u32 v10, v8;
	[sflag:s22] =	ssyncadd.s32 $0xFFFFDC00  }
0x3dc: {  	v17 =	vadd.s32 $0x4, v8;
	v18 =	vld.idx.msk [tilespmem:v8+s14+$0x0], $0xffff  }
0x3dd: {  	s29 =	simm.s32 $0x3320;
	v19 =	vadd.s32 $0x5, v8;
	v20 =	vld.idx.msk [tilespmem:v14+s14+$0x0], $0xffff  }
0x3de: {  	v21 =	vld [tilespmem:s29+$0x110]  }
0x3df: {  	v22 =	vld.idx.msk [tilespmem:v15+s14+$0x0], $0xffff  }
0x3e0: {  	v23 =	vld.idx.msk [tilespmem:v16+s14+$0x0], $0xffff  }
0x3e1: {  	v17 =	vld.idx.msk [tilespmem:v17+s14+$0x0], $0xffff  }
0x3e2: {  	v19 =	vld.idx.msk [tilespmem:v19+s14+$0x0], $0xffff  }
0x3e3: {  	v16 =	vld [tilespmem:s29+$0xFFFFFEF0]  }
0x3e4: {  	v28 =	vadd.s32 $0x8, v8;
	v26 =	vld [tilespmem:s29+$0xFFFFFF00]  }
0x3e5: {  	v27 =	vld [tilespmem:s29+$0xFFFFFF10]  }
0x3e6: {  	v14 =	vadd.s32 v11, v8;
	v29 =	vld [tilespmem:s29+$0xFFFFFF20]  }
0x3e7: {  	v31 =	vld [tilespmem:s29+$0xFFFFFF30]  }
0x3e8: {  	v32 =	vld [tilespmem:s29+$0xFFFFFF40]  }
0x3e9: {  	v28 =	vld.idx.msk [tilespmem:v28+s14+$0x0], $0xffff  }
0x3ea: {  	v61 =	vld [tilespmem:s29+$0xFFFFFF60]  }
0x3eb: {  	v24 =	vld.idx.msk [tilespmem:v14+s14+$0x0], $0xffff  }
0x3ec: {  	v25 =	vadd.s32 $0xD, v8;
	v14 =	vld [tilespmem:s29+$0xFFFFFEE0];
	v16 =	vmul.f32 v16, v18  }
0x3ed: {  	v34 =	vld [tilespmem:s29+$0xFFFFFF90]  }
0x3ee: {  	v15 =	vadd.s32 $0xC, v8;
	v26 =	vmul.f32 v26, v18;
	[tilespmem:s29+$0xFFFFFEF0] =	vst v16;
	v16 =	vld [tilespmem:s29+$0xFFFFFF70]  }
0x3ef: {  	v33 =	vadd.s32 $0x9, v8;
	v62 =	vld [tilespmem:s29+$0xFFFFFFB0];
	v31 =	vmul.f32 v31, v22  }
0x3f0: {  	v20 =	vmul.f32 v21, v20;
	v21 =	vld [tilespmem:s29+$0xFFFFFF80];
	[tilespmem:s29+$0xFFFFFF00] =	vst v26;
	v26 =	vmul.f32 v29, v22  }
0x3f1: {  	[tilespmem:s29+$0xFFFFFF30] =	vst v31;
	v30 =	vmul.f32 v14, v18;
	v14 =	vld.idx.msk [tilespmem:v25+s14+$0x0], $0xffff  }
0x3f2: {  	[tilespmem:s29+$0xFFFFFF20] =	vst v26;
	v25 =	vld [tilespmem:s29+$0xFFFFFF50]  }
0x3f3: {  	v15 =	vld.idx.msk [tilespmem:v15+s14+$0x0], $0xffff;
	[tilespmem:s29+$0x110] =	vst v20;
	v16 =	vmul.f32 v16, v17  }
0x3f4: {  	v33 =	vld.idx.msk [tilespmem:v33+s14+$0x0], $0xffff;
	v18 =	vmul.f32 v27, v18;
	[tilespmem:s29+$0xFFFFFEE0] =	vst v30  }
0x3f5: {  	v20 =	vld [tilespmem:s29+$0xFFFFFFA0];
	v27 =	vadd.s32 v12, v8;
	[tilespmem:s29+$0xFFFFFF70] =	vst v16;
	v16 =	vmul.f32 v21, v17  }
0x3f6: {  	v63 =	vld [tilespmem:s29+$0xFFFFFFE0];
	[tilespmem:s29+$0xFFFFFF10] =	vst v18;
	v21 =	vmul.f32 v32, v22  }
0x3f7: {  	v18 =	vld [tilespmem:s29+$0xFFFFFFC0];
	v22 =	vmul.f32 v25, v22;
	[tilespmem:s29+$0xFFFFFF80] =	vst v16  }
0x3f8: {  	v26 =	vld [tilespmem:s29+$0xFFFFFFD0];
	[tilespmem:s29+$0xFFFFFF40] =	vst v21;
	v21 =	vmul.f32 v61, v23  }
0x3f9: {  	v25 =	vld [tilespmem:s29+$0x0];
	[tilespmem:s29+$0xFFFFFF50] =	vst v22;
	v22 =	vmul.f32 v34, v17  }
0x3fa: {  	v16 =	vld.idx.msk [tilespmem:v27+s14+$0x0], $0xffff;
	v17 =	vmul.f32 v20, v17;
	[tilespmem:s29+$0xFFFFFF60] =	vst v21  }
0x3fb: {  	v20 =	vld [tilespmem:s29+$0x10];
	v21 =	vmul.f32 v62, v19;
	[tilespmem:s29+$0xFFFFFF90] =	vst v22  }
0x3fc: {  	v23 =	vld [tilespmem:s29+$0xFFFFFFF0];
	[tilespmem:s29+$0xFFFFFFA0] =	vst v17;
	v17 =	vmul.f32 v18, v19  }
0x3fd: {  	v22 =	vld [tilespmem:s29+$0x20];
	[tilespmem:s29+$0xFFFFFFB0] =	vst v21;
	v21 =	vmul.f32 v26, v19  }
0x3fe: {  	v18 =	vld [tilespmem:s29+$0x30];
	v19 =	vmul.f32 v63, v19;
	[tilespmem:s29+$0xFFFFFFC0] =	vst v17  }
0x3ff: {  	v26 =	vld [tilespmem:s29+$0x40];
	v17 =	vmul.f32 v25, v28;
	[tilespmem:s29+$0xFFFFFFD0] =	vst v21  }
0x400: {  	v25 =	vld [tilespmem:s29+$0x50];
	v20 =	vmul.f32 v20, v28;
	[tilespmem:s29+$0xFFFFFFE0] =	vst v19  }
0x401: {  	v27 =	vld [tilespmem:s29+$0x60];
	[tilespmem:s29+$0x0] =	vst v17;
	v17 =	vmul.f32 v23, v24  }
0x402: {  	v23 =	vld [tilespmem:s29+$0x70];
	v19 =	vmul.f32 v22, v28;
	[tilespmem:s29+$0x10] =	vst v20  }
0x403: {  	v20 =	vld [tilespmem:s29+$0xA0];
	[tilespmem:s29+$0xFFFFFFF0] =	vst v17;
	v17 =	vmul.f32 v18, v28  }
0x404: {  	v22 =	vld [tilespmem:s29+$0xC0];
	v21 =	vmul.f32 v26, v33;
	[tilespmem:s29+$0x20] =	vst v19  }
0x405: {  	v18 =	vld [tilespmem:s29+$0x80];
	[tilespmem:s29+$0x30] =	vst v17;
	v17 =	vmul.f32 v25, v33  }
0x406: {  	v24 =	vmul.f32 v27, v33;
	v19 =	vld [tilespmem:s29+$0x90];
	[tilespmem:s29+$0x40] =	vst v21  }
0x407: {  	s31 =	simm.s32 $0x0;
	s30 =	simm.s32 $0x3320;
	v21 =	vld [tilespmem:s29+$0xB0];
	v23 =	vmul.f32 v23, v33;
	[tilespmem:s29+$0x50] =	vst v17;
	v17 =	vadd.s32 $0x10, v8  }
.LBB2_23:
0x408: {  	v25 =	vor.u32 $0x1, v17;
	v26 =	vor.u32 v10, v17;
	v27 =	vadd.s32 v13, v17;
	s31 =	sadd.s32 $0x4, s31;
	[tilespmem:s29+$0x60] =	vst v24;
	v24 =	vld [tilespmem:s29+$0xD0]  }
0x409: {  	v28 =	vadd.s32 $0x4, v17;
	v29 =	vadd.s32 $0x5, v17;
	v30 =	vadd.s32 v11, v17;
	p0 =	slt.u32 s31, $0x3C;
	[tilespmem:s29+$0x70] =	vst v23;
	v23 =	vld [tilespmem:s29+$0xE0]  }
0x40a: {  	v31 =	vadd.s32 $0x8, v17;
	v32 =	vadd.s32 $0x9, v17;
	v33 =	vadd.s32 v12, v17;
	v34 =	vld [tilespmem:s29+$0xF0]  }
0x40b: {  	v16 =	vmul.f32 v18, v16;
	v18 =	vmul.f32 v19, v15;
	v19 =	vld [tilespmem:s29+$0x100]  }
0x40c: {  	v20 =	vmul.f32 v20, v15;
	v21 =	vmul.f32 v21, v15;
	v35 =	vld.idx.msk [tilespmem:v17+s14+$0x0], $0xffff  }
0x40d: {  	s29 =	sadd.s32 $0x240, s29;
	v15 =	vmul.f32 v22, v15;
	v27 =	vld.idx.msk [tilespmem:v27+s14+$0x0], $0xffff;
	[tilespmem:s30+$0x80] =	vst v16;
	v16 =	vmul.f32 v24, v14  }
0x40e: {  	v22 =	vld [tilespmem:s29+$0x110];
	[tilespmem:s30+$0x90] =	vst v18;
	v18 =	vmul.f32 v23, v14  }
0x40f: {  	v24 =	vadd.s32 $0xC, v17;
	v23 =	vld.idx.msk [tilespmem:v25+s14+$0x0], $0xffff;
	[tilespmem:s30+$0xA0] =	vst v20;
	v20 =	vmul.f32 v34, v14  }
0x410: {  	v25 =	vld.idx.msk [tilespmem:v26+s14+$0x0], $0xffff;
	v26 =	vadd.s32 $0xD, v17;
	[tilespmem:s30+$0xB0] =	vst v21;
	v19 =	vmul.f32 v19, v14  }
0x411: {  	v21 =	vld.idx.msk [tilespmem:v28+s14+$0x0], $0xffff;
	[tilespmem:s30+$0xC0] =	vst v15  }
0x412: {  	v28 =	vld.idx.msk [tilespmem:v29+s14+$0x0], $0xffff;
	[tilespmem:s30+$0xD0] =	vst v16  }
0x413: {  	v29 =	vld.idx.msk [tilespmem:v30+s14+$0x0], $0xffff;
	v16 =	vmul.f32 v22, v27;
	[tilespmem:s30+$0xE0] =	vst v18  }
0x414: {  	v15 =	vld.idx.msk [tilespmem:v24+s14+$0x0], $0xffff;
	[tilespmem:s30+$0xF0] =	vst v20  }
0x415: {  	v14 =	vld.idx.msk [tilespmem:v26+s14+$0x0], $0xffff;
	[tilespmem:s29+$0x110] =	vst v16  }
0x416: {  	v18 =	vld.idx.msk [tilespmem:v31+s14+$0x0], $0xffff;
	[tilespmem:s30+$0x100] =	vst v19;
	s30 =	smov.u32 s29  }
0x417: {  	v22 =	vld.idx.msk [tilespmem:v32+s14+$0x0], $0xffff  }
0x418: {  	v16 =	vld.idx.msk [tilespmem:v33+s14+$0x0], $0xffff  }
0x419: {  	v19 =	vld [tilespmem:s29+$0xFFFFFEE0]  }
0x41a: {  	v20 =	vld [tilespmem:s29+$0xFFFFFEF0]  }
0x41b: {  	v24 =	vld [tilespmem:s29+$0xFFFFFF00]  }
0x41c: {  	v26 =	vld [tilespmem:s29+$0xFFFFFF10]  }
0x41d: {  	v27 =	vld [tilespmem:s29+$0xFFFFFF20]  }
0x41e: {  	v19 =	vmul.f32 v19, v35;
	v30 =	vld [tilespmem:s29+$0xFFFFFF30]  }
0x41f: {  	v20 =	vmul.f32 v20, v35;
	v31 =	vld [tilespmem:s29+$0xFFFFFF40]  }
0x420: {  	[tilespmem:s29+$0xFFFFFEE0] =	vst v19;
	v19 =	vmul.f32 v24, v35;
	v24 =	vld [tilespmem:s29+$0xFFFFFF50]  }
0x421: {  	[tilespmem:s29+$0xFFFFFEF0] =	vst v20;
	v20 =	vmul.f32 v26, v35;
	v26 =	vld [tilespmem:s29+$0xFFFFFF60]  }
0x422: {  	[tilespmem:s29+$0xFFFFFF00] =	vst v19;
	v19 =	vmul.f32 v27, v23;
	v27 =	vld [tilespmem:s29+$0xFFFFFF70]  }
0x423: {  	[tilespmem:s29+$0xFFFFFF10] =	vst v20;
	v20 =	vmul.f32 v30, v23;
	v30 =	vld [tilespmem:s29+$0xFFFFFF80]  }
0x424: {  	[tilespmem:s29+$0xFFFFFF20] =	vst v19;
	v19 =	vmul.f32 v31, v23;
	v31 =	vld [tilespmem:s29+$0xFFFFFF90]  }
0x425: {  	[tilespmem:s29+$0xFFFFFF30] =	vst v20;
	v20 =	vmul.f32 v24, v23;
	v23 =	vld [tilespmem:s29+$0xFFFFFFA0]  }
0x426: {  	[tilespmem:s29+$0xFFFFFF40] =	vst v19;
	v19 =	vmul.f32 v26, v25;
	v24 =	vld [tilespmem:s29+$0xFFFFFFB0]  }
0x427: {  	[tilespmem:s29+$0xFFFFFF50] =	vst v20;
	v20 =	vmul.f32 v27, v21;
	v25 =	vld [tilespmem:s29+$0xFFFFFFC0]  }
0x428: {  	[tilespmem:s29+$0xFFFFFF60] =	vst v19;
	v19 =	vmul.f32 v30, v21;
	v26 =	vld [tilespmem:s29+$0xFFFFFFD0]  }
0x429: {  	[tilespmem:s29+$0xFFFFFF70] =	vst v20;
	v20 =	vmul.f32 v31, v21;
	v27 =	vld [tilespmem:s29+$0xFFFFFFE0]  }
0x42a: {  	[tilespmem:s29+$0xFFFFFF80] =	vst v19;
	v19 =	vmul.f32 v23, v21;
	v21 =	vld [tilespmem:s29+$0xFFFFFFF0]  }
0x42b: {  	[tilespmem:s29+$0xFFFFFF90] =	vst v20;
	v20 =	vmul.f32 v24, v28;
	v23 =	vld [tilespmem:s29+$0x0]  }
0x42c: {  	[tilespmem:s29+$0xFFFFFFA0] =	vst v19;
	v19 =	vmul.f32 v25, v28;
	v24 =	vld [tilespmem:s29+$0x10]  }
0x42d: {  	[tilespmem:s29+$0xFFFFFFB0] =	vst v20;
	v20 =	vmul.f32 v26, v28;
	v25 =	vld [tilespmem:s29+$0x20]  }
0x42e: {  	[tilespmem:s29+$0xFFFFFFC0] =	vst v19;
	v19 =	vmul.f32 v27, v28;
	v26 =	vld [tilespmem:s29+$0x30]  }
0x42f: {  	[tilespmem:s29+$0xFFFFFFD0] =	vst v20;
	v20 =	vmul.f32 v21, v29;
	v21 =	vld [tilespmem:s29+$0x40]  }
0x430: {  	[tilespmem:s29+$0xFFFFFFE0] =	vst v19;
	v19 =	vmul.f32 v23, v18;
	v23 =	vld [tilespmem:s29+$0x50]  }
0x431: {  	[tilespmem:s29+$0xFFFFFFF0] =	vst v20;
	v20 =	vmul.f32 v24, v18;
	v24 =	vld [tilespmem:s29+$0x60]  }
0x432: {  	[tilespmem:s29+$0x0] =	vst v19;
	v19 =	vmul.f32 v25, v18;
	v25 =	vld [tilespmem:s29+$0x70]  }
.Ltmp10:
0x433: {  	[tilespmem:s29+$0x10] =	vst v20;
	v20 =	vmul.f32 v26, v18;
	v18 =	vld [tilespmem:s29+$0x80];
	(pc) =	sbr.rel @p0 .LBB2_23-.Ltmp10, $4  }
0x434: {  	[tilespmem:s29+$0x20] =	vst v19;
	v21 =	vmul.f32 v21, v22;
	v19 =	vld [tilespmem:s29+$0x90]  }
0x435: {  	[tilespmem:s29+$0x30] =	vst v20;
	v23 =	vmul.f32 v23, v22;
	v20 =	vld [tilespmem:s29+$0xA0]  }
0x436: {  	[tilespmem:s29+$0x40] =	vst v21;
	v24 =	vmul.f32 v24, v22;
	v21 =	vld [tilespmem:s29+$0xB0]  }
0x437: {  	v17 =	vadd.s32 $0x10, v17;
	[tilespmem:s29+$0x50] =	vst v23;
	v23 =	vmul.f32 v25, v22;
	v22 =	vld [tilespmem:s29+$0xC0]  }
0x438: {  	v17 =	vld [tilespmem:s29+$0xD0];
	[tilespmem:s29+$0x60] =	vst v24;
	v16 =	vmul.f32 v18, v16  }
0x439: {  	v59 =	vld [tilespmem:s29+$0xE0];
	[tilespmem:s29+$0x70] =	vst v23;
	v19 =	vmul.f32 v19, v15  }
0x43a: {  	v60 =	vld [tilespmem:s29+$0xF0];
	v20 =	vmul.f32 v20, v15;
	[tilespmem:s30+$0x80] =	vst v16  }
0x43b: {  	v61 =	vld [tilespmem:s29+$0x100];
	v62 =	vmul.f32 v21, v15;
	[tilespmem:s30+$0x90] =	vst v19  }
0x43c: {  	v15 =	vmul.f32 v22, v15;
	[tilespmem:s30+$0xA0] =	vst v20  }
0x43d: {  	s26 =	sadd.s32 $0x1, s26;
	v17 =	vmul.f32 v17, v14;
	[tilespmem:s30+$0xB0] =	vst v62  }
0x43e: {  	p0 =	sne.s32 s26, $0x15;
	v63 =	vmul.f32 v59, v14;
	[tilespmem:s30+$0xC0] =	vst v15  }
.Ltmp11:
0x43f: {  	v15 =	vmul.f32 v60, v14;
	[tilespmem:s30+$0xD0] =	vst v17;
	(pc) =	sbr.rel @p0 .LBB2_4-.Ltmp11, $4  }
0x440: {  	v14 =	vmul.f32 v61, v14;
	[tilespmem:s30+$0xE0] =	vst v63  }
0x441: {  	[tilespmem:s30+$0xF0] =	vst v15  }
0x442: {  	[tilespmem:s30+$0x100] =	vst v14  }
0x443: {  	[spmem:s1] =	stream.indirect.scatter.add.f32 [tilespmem:s19], [sflag:$0x4], $0x90, s23, s15, $0xb8;
	[tilespmem:$0x1C700] =	vst v63  }
0x444: {  	_ =	swait.ge [sflag:s24], $0x2400  }
0x445: {  	[sflag:s24] =	ssyncset.done $0x0  }
0x446: {  	[sflag:s24] =	ssyncadd.s32 $0xFFFFDC00  }
0x447: {  	_ =	swait.ge [sflag:s28], $0x2400  }
0x448: {  	[sflag:s28] =	ssyncset.done $0x0  }
0x449: {  	[sflag:s28] =	ssyncadd.s32 $0xFFFFDC00  }
0x44a: {  	[bflag:$0x0] =	sbarrier.arrive $0xFFFF  }
0x44b: {  	[tilespmem:s12], [sflag:$0x5] =	stream.linear.gather [spmem:s10], $0x900, $0x38;
	[tilespmem:$0x1C700] =	vst v63  }
0x44c: {  	_ =	swait.ge [sflag:s13], $0x900  }
0x44d: {  	[sflag:s13] =	ssyncset.done $0x0  }
0x44e: {  	s0 =	sadd.s32 $0x0, s11;
	[sflag:s13] =	ssyncadd.s32 $0xFFFFF700  }
0x44f: {  	[hbm4b:s0+s2] =	stream.linear.scatter [tilespmem:s12], [sflag:$0x5], $0x900, $0x38;
	[tilespmem:$0x1C700] =	vst v63  }
0x450: {  	_ =	swait.ge [sflag:s13], $0x900  }
0x451: {  	s25 =	simm.s32 $0x120;
	s26 =	smov.u32 s10;
	[sflag:s13] =	ssyncset.done $0x0  }
.LBB2_26:
0x452: {  	p0 =	sne.s32 s25, $0x2BE0;
	[sflag:s13] =	ssyncadd.s32 $0xFFFFF700;
	s26 =	sadd.s32 $0x900, s26  }
0x453: {  	[tilespmem:s12], [sflag:$0x5] =	stream.linear.gather [spmem:s26], $0x900, $0x38;
	[tilespmem:$0x1C700] =	vst v63  }
0x454: {  	s0 =	smov.u32 s25;
	s25 =	sadd.s32 $0x120, s25;
	_ =	swait.ge [sflag:s13], $0x900  }
.Ltmp12:
0x455: {  	[sflag:s13] =	ssyncset.done $0x0;
	(pc) =	sbr.rel @p0 .LBB2_26-.Ltmp12, $4  }
0x456: {  	s0 =	sadd.s32 s0, s11;
	[sflag:s13] =	ssyncadd.s32 $0xFFFFF700  }
0x457: {  	[hbm4b:s0+s2] =	stream.linear.scatter [tilespmem:s12], [sflag:$0x5], $0x900, $0x38;
	[tilespmem:$0x1C700] =	vst v63  }
0x458: {  	_ =	swait.ge [sflag:s13], $0x900  }
0x459: {  	[sflag:s13] =	ssyncset.done $0x0  }
0x45a: {  	s4 =	rddreg [dreg:$0x4]  }
0x45b: {  	s0 =	rddreg [dreg:$0x3];
	s4 =	sadd.s32 $0x1, s4  }
0x45c: {  	p0 =	sne.s32 s4, s0  }
.Ltmp13:
0x45d: {  	_ = 	snop;
	(pc) =	sbr.rel @p0 .LBB2_1-.Ltmp13, $2  }
0x45e: {  	_ =	sdelay $0x2  }
0x45f: {  	[sflag:s13] =	ssyncadd.s32 $0xFFFFF700  }
0x460: {  	_ =	sfence.sel $0x180000  }
0x461: {  	[bflag:$0x0] =	sbarrier.arrive $0xFFFF  }
0x462: {  	_ =	strace $0x9000004A  }
0x463: {  	s0 =	stileid.u32;
	[bflag:$0x2] =	sbarrier.arrive $0xFFFF  }
0x464: {  	p0 =	sne.s32 s0, $0x0;
	s0 =	rddreg [dreg:$0x2]  }
0x465: {  	s0 =	sadd.s32 @!p0 $0x100000, s0  }
0x466: {  	[sflag:s0] =	ssyncadd.tile.s32 @!p0 $0x1;
	_ =	shalt  }
.Lfunc_end2:
_tile_overlayer_lowered:
.L_overlay_start_2:
0x467: {  	(tag) =	ssettag $0x2  }
0x468: {  	s0 =	rddreg [dreg:$0x0];
	s2 =	stileid.u32  }
0x469: {  	s1 =	rddreg [dreg:$0x1];
	p0 =	sne.s32 s2, $0x0  }
0x46a: {  	s3 =	rddreg [dreg:$0x2];
	[bflag:$0x3] =	sbarrier.arrive $0xFFFF;
	s2 =	simm.s32 @!p0 $0x1C05  }
0x46b: {  	[timem:s3], [sflag:s2] =	dma.local @!p0 [hbm:s0], s1  }
0x46c: {  	s0 =	simm.s32 @!p0 $0x5  }
0x46d: {  	_ =	swait.ge @!p0 [sflag:s0], s1  }
0x46e: {  	s1 =	ssub.s32 @!p0 $0x0, s1;
	[sflag:s0] =	ssyncset.done @!p0 $0x0  }
0x46f: {  	[sflag:s0] =	ssyncadd.s32 @!p0 s1  }
0x470: {  	[bflag:$0x3] =	sbarrier.arrive $0xFFFF  }
0x471: {  	_ =	shalt  }

// kernel: kernel.7.cloned.1.call-start
scs
__scs_entry_jumppad:
0x0: {  	(pc) =	sbr.rel $0x88, $3  }
0x1: {  	(tag) =	ssettag $0x0;
	lr =	simm.s32 $0x1  }
0x2: {  	[smem:$0x3F99] =	sst lr;
	_ =	strace $0xD0000000  }
0x3: {  	_ = 	snop  }
0x4: {  	_ = 	snop  }
0x5: {  	_ = 	snop  }
0x6: {  	_ = 	snop  }
0x7: {  	_ = 	snop  }
__scs_overlays_trampoline_lowered:
0x8: {  	[smem:$0x3FA8] =	sst s0  }
0x9: {  	[smem:$0x3FA9] =	sst s1  }
0xa: {  	[smem:$0x3FAA] =	sst s2  }
0xb: {  	[smem:$0x3FAB] =	sst s3  }
0xc: {  	[smem:$0x3FAC] =	sst s4  }
0xd: {  	[smem:$0x3FAD] =	sst s5  }
0xe: {  	[smem:$0x3FAE] =	sst s6  }
0xf: {  	[smem:$0x3FAF] =	sst s7  }
0x10: {  	[smem:$0x3FB0] =	sst s8  }
0x11: {  	[smem:$0x3FB1] =	sst s9;
	s0 =	simm.s32 @!p0 $0x0  }
0x12: {  	s1 =	sld [smem:$0x3F97];
	s0 =	simm.s32 @p0 $0x1  }
0x13: {  	[smem:$0x3FB2] =	sst s0;
	s0 =	simm.s32 @!p1 $0x0  }
0x14: {  	s2 =	sld [smem:$0x3F96];
	s0 =	simm.s32 @p1 $0x1  }
0x15: {  	[smem:$0x3FB3] =	sst s0;
	s0 =	simm.s32 @!p2 $0x0  }
0x16: {  	s3 =	sld [smem:$0x3FDB];
	s0 =	simm.s32 @p2 $0x1  }
0x17: {  	s4 =	simm.s32 $0x1BF5;
	[smem:$0x3FB5] =	sst s0  }
0x18: {  	s0 =	sld [smem:$0x3F98];
	_ =	swait.ge [sflag:s4], $0x0  }
0x19: {  	s7 =	sld [smem:$0x3F99]  }
0x1a: {  	s8 =	sadd.s32 $0xFFFFE003, lr  }
0x1b: {  	s9 =	sadd.s32 $0xFFFFFEF7, lr;
	s5 =	simm.s32 $0xFFFFFFFF;
	p2 =	slt.u32 s8, $0xFFFFF086  }
0x1c: {  	p1 =	slt.u32 s9, $0xF7A;
	s5 =	simm.s32 @!p2 $0x0  }
0x1d: {  	s5 =	simm.s32 @p1 $0x1;
	p0 =	seq.s32 s7, s2  }
0x1e: {  	s7 =	smul.u32 @!p0 $0xF7A, s2;
	p2 =	seq.s32 @!p0 s5, $0x0  }
0x1f: {  	s9 =	smul.u32 $0xF7A, s1;
	s8 =	simm.s32 @!p0 $0x1BF5;
	p2 =	por !p2, p0  }
0x20: {  	[sflag:s8] =	ssyncset.s32 @!p0 $0xFFFFF086;
	s6 =	sadd.s32 @!p0 s3, s7;
	s7 =	simm.s32 @!p0 $0x108  }
0x21: {  	s3 =	sadd.s32 s3, s9;
	s6 =	sadd.s32 @!p0 $0x88, s6;
	s7 =	simm.s32 @p2 $0x1082  }
0x22: {  	[simem:s7], [sflag:s8] =	dma.local @!p0 [hbm:s6], $0xF7A  }
0x23: {  	s9 =	sor.u32 $0xD0000000, s2;
	s6 =	simm.s32 $0x108;
	_ =	swait.ge @!p0 [sflag:s8], $0x0  }
0x24: {  	s3 =	sadd.s32 $0x88, s3;
	s6 =	simm.s32 @!p1 $0x1082;
	[sflag:s4] =	ssyncset.s32 $0xFFFFF086  }
0x25: {  	[simem:s6], [sflag:s4] =	dma.local [hbm:s3], $0xF7A  }
0x26: {  	[smem:$0x3F99] =	sst s1;
	(tag) =	ssettag s2;
	_ =	strace s9  }
0x27: {  	s1 =	sld [smem:$0x3FA9]  }
0x28: {  	s2 =	sld [smem:$0x3FAA]  }
0x29: {  	s4 =	sld [smem:$0x3FAC]  }
0x2a: {  	p0 =	seq.s32 s5, $0x0;
	s5 =	sld [smem:$0x3FAD]  }
0x2b: {  	s6 =	sld [smem:$0x3FAE]  }
0x2c: {  	s7 =	sld [smem:$0x3FAF]  }
0x2d: {  	s3 =	simm.s32 $0x108;
	s8 =	sld [smem:$0x3FB0]  }
0x2e: {  	s3 =	simm.s32 @!p0 $0x1082;
	s9 =	sld [smem:$0x3FB1]  }
0x2f: {  	lr =	sadd.s32 s0, s3;
	s0 =	sld [smem:$0x3FA8]  }
0x30: {  	s3 =	sld [smem:$0x3FAB]  }
0x31: {  	[smem:$0x3FB4] =	sst s10  }
0x32: {  	s10 =	sld [smem:$0x3FB2];
	_ =	sdelay $0x3  }
0x33: {  	p0 =	seq.s32 s10, $0x1;
	s10 =	sld [smem:$0x3FB4];
	_ =	sdelay $0x3  }
0x34: {  	[smem:$0x3FB4] =	sst s10  }
0x35: {  	s10 =	sld [smem:$0x3FB3];
	_ =	sdelay $0x3  }
0x36: {  	p1 =	seq.s32 s10, $0x1;
	s10 =	sld [smem:$0x3FB4];
	_ =	sdelay $0x3  }
0x37: {  	[smem:$0x3FB4] =	sst s10  }
0x38: {  	s10 =	sld [smem:$0x3FB5]  }
0x39: {  	_ = 	snop;
	(pc) =	sbr.ind lr, $3  }
0x3a: {  	_ = 	snop  }
0x3b: {  	_ = 	snop  }
0x3c: {  	p2 =	seq.s32 s10, $0x1;
	s10 =	sld [smem:$0x3FB4]  }
0x3d: {  	_ =	shalt  }
0x3e: {  	_ =	shalt  }
0x3f: {  	_ =	shalt  }
0x40: {  	_ =	shalt  }
0x41: {  	_ =	shalt  }
0x42: {  	_ =	shalt  }
0x43: {  	_ =	shalt  }
0x44: {  	_ =	shalt  }
0x45: {  	_ =	shalt  }
0x46: {  	_ =	shalt  }
0x47: {  	_ =	shalt  }
0x48: {  	_ =	shalt  }
0x49: {  	_ =	shalt  }
0x4a: {  	_ =	shalt  }
0x4b: {  	_ =	shalt  }
0x4c: {  	_ =	shalt  }
0x4d: {  	_ =	shalt  }
0x4e: {  	_ =	shalt  }
0x4f: {  	_ =	shalt  }
0x50: {  	_ =	shalt  }
0x51: {  	_ =	shalt  }
0x52: {  	_ =	shalt  }
0x53: {  	_ =	shalt  }
0x54: {  	_ =	shalt  }
0x55: {  	_ =	shalt  }
0x56: {  	_ =	shalt  }
0x57: {  	_ =	shalt  }
0x58: {  	_ =	shalt  }
0x59: {  	_ =	shalt  }
0x5a: {  	_ =	shalt  }
0x5b: {  	_ =	shalt  }
0x5c: {  	_ =	shalt  }
0x5d: {  	_ =	shalt  }
0x5e: {  	_ =	shalt  }
0x5f: {  	_ =	shalt  }
0x60: {  	_ =	shalt  }
0x61: {  	_ =	shalt  }
0x62: {  	_ =	shalt  }
0x63: {  	_ =	shalt  }
0x64: {  	_ =	shalt  }
0x65: {  	_ =	shalt  }
0x66: {  	_ =	shalt  }
0x67: {  	_ =	shalt  }
0x68: {  	_ =	shalt  }
0x69: {  	_ =	shalt  }
0x6a: {  	_ =	shalt  }
0x6b: {  	_ =	shalt  }
0x6c: {  	_ =	shalt  }
0x6d: {  	_ =	shalt  }
0x6e: {  	_ =	shalt  }
0x6f: {  	_ =	shalt  }
0x70: {  	_ =	shalt  }
0x71: {  	_ =	shalt  }
0x72: {  	_ =	shalt  }
0x73: {  	_ =	shalt  }
0x74: {  	_ =	shalt  }
0x75: {  	_ =	shalt  }
0x76: {  	_ =	shalt  }
0x77: {  	_ =	shalt  }
0x78: {  	_ =	shalt  }
0x79: {  	_ =	shalt  }
0x7a: {  	_ =	shalt  }
0x7b: {  	_ =	shalt  }
0x7c: {  	_ =	shalt  }
0x7d: {  	_ =	shalt  }
0x7e: {  	_ =	shalt  }
0x7f: {  	_ =	shalt  }
0x80: {  	_ =	shalt  }
0x81: {  	_ =	shalt  }
0x82: {  	_ =	shalt  }
0x83: {  	_ =	shalt  }
0x84: {  	_ =	shalt  }
0x85: {  	_ =	shalt  }
0x86: {  	_ =	shalt  }
0x87: {  	_ =	shalt  }
.Lfunc_end0:
.L_simem_size_0:
called_computation_lowered:
.L_overlay_start_0:
0x88: {  	s2 =	sld [smem:$0x3FD9]  }
0x89: {  	s3 =	sld [smem:$0x3FFE];
	_ =	sdelay $0x1  }
0x8a: {  	s1 =	srdreg.scid  }
0x8b: {  	s0 =	sand.u32 $0x1, s1  }
0x8c: {  	s17 =	sshll.u32 s0, $0xA;
	s2 =	sadd.s32 s3, s2  }
0x8d: {  	s2 =	sadd.s32 s2, s17  }
0x8e: {  	[smem:$0x3FC0] =	sst s2  }
0x8f: {  	_ = 	snop  }
0x90: {  	s2 =	sld [smem:$0x3FD0];
	(tm) =	ssettm $0x1  }
0x91: {  	s18 =	sld [smem:$0x3FFB];
	_ =	sdelay $0x3  }
0x92: {  	_ =	strace s18  }
0x93: {  	s3 =	sld [smem:$0x3FFC];
	_ =	sdelay $0x3  }
0x94: {  	_ =	strace s3  }
0x95: {  	s3 =	sld [smem:$0x3FFD];
	_ =	sdelay $0x3  }
0x96: {  	_ =	strace s3  }
0x97: {  	_ =	strace $0x8FFFFFFF  }
0x98: {  	s19 =	sld [smem:$0x3FDB];
	_ =	sdelay $0x1  }
0x99: {  	s4 =	simm.s32 $_scs_section_size  }
0x9a: {  	s5 =	simm.s32 $_size__tile_overlayer_lowered;
	s6 =	simm.s32 $_tile_overlayer_lowered  }
0x9b: {  	s22 =	simm.s32 $0x1BFF;
	s21 =	sshll.u32 s6, $0x1;
	s3 =	sadd.s32 s4, s19  }
0x9c: {  	s7 =	simm.s32 $0x0;
	s20 =	sshll.u32 s5, $0x1;
	s5 =	sadd.s32 s21, s3  }
0x9d: {  	[timem:s7], [sflag:s22] =	dma.local [hbm:s5], s20  }
0x9e: {  	_ =	swait.ge [sflag:s22], s20  }
0x9f: {  	s4 =	ssub.s32 $0x0, s20;
	[sflag:s22] =	ssyncset.done $0x0  }
0xa0: {  	[sflag:s22] =	ssyncadd.s32 s4;
	_ =	sdelay $0x1  }
0xa1: {  	s23 =	simm.s32 $0x1B8B  }
0xa2: {  	_ =	swait.ge [sflag:s23], $0x1  }
0xa3: {  	[sflag:s23] =	ssyncset.done $0x0  }
0xa4: {  	s25 =	simm.s32 $0x1B8E;
	s24 =	sld [smem:$0x3FFE];
	[sflag:s23] =	ssyncadd.s32 $0xFFFFFFFF  }
0xa5: {  	s26 =	simm.s32 $execute0_lowered;
	[smem:$0x3FD2] =	sst s25  }
0xa6: {  	s5 =	sshll.u32 s26, $0x1;
	_ =	strace $0x80000046;
	[dreg:$0x1] =	wrdreg $0xFFFFFFFF  }
0xa7: {  	s28 =	simm.s32 $_size_execute0_lowered;
	s3 =	sadd.s32 s3, s5;
	[dreg:$0x0] =	wrdreg $0x0  }
0xa8: {  	s5 =	sshll.u32 s28, $0x1;
	[dreg:$0x2] =	wrdreg s3  }
0xa9: {  	[dreg:$0x3] =	wrdreg s5  }
0xaa: {  	[dreg:$0x4] =	wrdreg $0xC0  }
0xab: {  	_ =	task [dreg:s7], $0x5FFFF  }
0xac: {  	[dreg:$0x1] =	wrdreg $0xFFFFFFFF  }
0xad: {  	[dreg:$0x0] =	wrdreg $0x60  }
0xae: {  	[dreg:$0x2] =	wrdreg s24  }
0xaf: {  	[dreg:$0x3] =	wrdreg s2  }
0xb0: {  	[dreg:$0x4] =	wrdreg $0x9  }
0xb1: {  	_ =	task.clear_ibuf [dreg:s7], $0x5FFFF;
	_ =	strace $0x90000046  }
0xb2: {  	s29 =	simm.s32 $0x9;
	_ =	strace $0x80000048  }
0xb3: {  	_ =	swait.ge [sflag:s29], $0x1  }
0xb4: {  	[sflag:s29] =	ssyncadd.s32 $0xFFFFFFFF  }
0xb5: {  	_ =	strace $0x90000048  }
0xb6: {  	_ =	sfence  }
0xb7: {  	s30 =	sld [smem:$0x0];
	_ =	sdelay $0x2  }
0xb8: {  	s31 =	sshll.u32 s1, $0xD;
	s1 =	sshrl.u32 s1, $0x2  }
0xb9: {  	s3 =	sand.u32 $0x4000, s31;
	s1 =	sadd.s32 s1, s30  }
0xba: {  	s0 =	sor.u32 s3, s0;
	s1 =	sshll.u32 s1, $0x11  }
0xbb: {  	s0 =	sor.u32 s1, s0  }
0xbc: {  	s0 =	sadd.s32 $0x8F2B, s0  }
0xbd: {  	[sflag:s0] =	ssyncadd.remote.s32 $0x1  }
0xbe: {  	_ =	sfence.sel $0xFFFF  }
0xbf: {  	[dreg:$0x0] =	wrdreg $0xFFFFFFFF;
	(pc) =	sbr.abs _section_cstart, $3  }
0xc0: {  	[dreg:$0x1] =	wrdreg $0xFFFFFFFF  }
0xc1: {  	_ =	task.clear_ibuf [dreg:s7], $0x2FFFF;
	_ =	strace $0x9FFFFFFF  }
0xc2: {  	(tm) =	ssettm $0x7FFFFFFF  }
0xc3: {  	_ =	shalt  }
tec
execute0_lowered:
.L_overlay_start_1:
0x0: {  	(tag) =	ssettag $0x1  }
0x1: {  	vm0 =	vcmask $0x300;
	v0 =	vimm.s32 $0xFC3  }
0x2: {  	vm1 =	vcmask $0x704;
	v0 =	vsel vm0, $0x0, v0  }
0x3: {  	vm15 =	vcmask $0xB08;
	v0 =	vsel vm1, $0x540, v0  }
0x4: {  	vm4 =	vcmask $0xF0C;
	v0 =	vsel vm15, $0xA80, v0  }
0x5: {  	s8 =	rddreg [dreg:$0x0];
	vm5 =	vcmask $0x1310;
	v0 =	vsel vm4, $0xFC0, v0  }
0x6: {  	s1 =	rddreg [dreg:$0x1];
	vm6 =	vcmask $0x1714;
	v0 =	vsel vm5, $0x1, v0  }
0x7: {  	s0 =	rddreg [dreg:$0x2];
	s2 =	simm.s32 $0x0;
	vm7 =	vcmask $0x1B18;
	v0 =	vsel vm6, $0x541, v0  }
0x8: {  	s5 =	srdreg.scid;
	vm8 =	vcmask $0x1F1C;
	s13 =	simm.s32 $0x14000;
	s14 =	simm.s32 $0x14580;
	v0 =	vsel vm7, $0xA81, v0  }
0x9: {  	vm9 =	vcmask $0x2320;
	s15 =	simm.s32 $0x14B00;
	s16 =	simm.s32 $0x15040;
	s17 =	simm.s32 $0x15580;
	v0 =	vsel vm8, $0xFC1, v0  }
0xa: {  	vm10 =	vcmask $0x2724;
	s18 =	simm.s32 $0x15AC0;
	s19 =	simm.s32 $0x16000;
	s20 =	simm.s32 $0x0;
	v0 =	vsel vm9, $0x2, v0  }
0xb: {  	vm11 =	vcmask $0x2B28;
	[smem:$0x7FF] =	sst s2;
	s3 =	sadd.s32 $0x2200, s8;
	s4 =	sadd.s32 $0x7600, s8;
	v0 =	vsel vm10, $0x542, v0  }
0xc: {  	vm12 =	vcmask $0x2F2C;
	s9 =	sand.u32 $0x1, s5;
	s6 =	sadd.s32 $0xACA00, s8;
	s5 =	stileid.u32;
	v0 =	vsel vm11, $0xA82, v0  }
0xd: {  	vm13 =	vcmask $0x3330;
	s7 =	sadd.s32 $0xADE00, s8;
	s8 =	sadd.s32 $0xAF200, s8;
	s10 =	ssub.s32 $0x2, s9;
	v0 =	vsel vm12, $0xFC2, v0  }
0xe: {  	vm14 =	vcmask $0x3734;
	_ =	strace $0x80000047;
	s12 =	sshll.u32 s5, $0x1;
	s11 =	sshrl.u32 s10, $0x1;
	v0 =	vsel vm13, $0x3, v0  }
0xf: {  	v1 =	vlaneseq.u32;
	s9 =	sor.u32 s9, s12;
	s12 =	simm.s32 $0xA000;
	vm15 =	vcmask $0x3B38;
	s10 =	ssub.s32 s10, s11;
	v2 =	vsel vm14, $0x543, v0  }
0x10: {  	s9 =	smul.u32 $0x1500, s9;
	s11 =	simm.s32 $0x1;
	s10 =	smax.u32 s10, $0x1;
	v0 =	vshrl.u32 v1, $0x2;
	v1 =	vand.u32 $0x3, v1;
	v2 =	vsel vm15, $0xA83, v2  }
.LBB2_1:
0x11: {  	[tilespmem:s2], [sflag:$0x1] =	stream.linear.gather [hbm4b:s6+s2], $0xA000, $0x38;
	[tilespmem:$0x17500] =	vst v63  }
0x12: {  	_ =	swait.ge [sflag:s11], $0xA000  }
0x13: {  	[sflag:s11] =	ssyncset.done $0x0  }
0x14: {  	[sflag:s11] =	ssyncadd.s32 $0xFFFF6000  }
0x15: {  	[tilespmem:s12], [sflag:$0x1] =	stream.linear.gather [hbm4b:s7+s2], $0xA000, $0x38;
	[tilespmem:$0x17500] =	vst v63  }
0x16: {  	_ =	swait.ge [sflag:s11], $0xA000  }
0x17: {  	[sflag:s11] =	ssyncset.done $0x0  }
0x18: {  	s21 =	simm.s32 $0x0;
	[sflag:s11] =	ssyncadd.s32 $0xFFFF6000  }
.LBB2_2:
0x19: {  	s22 =	smul.u32 $0x540, s21;
	_ =	sdelay $0x1  }
0x1a: {  	s22 =	sadd.s32 s9, s22  }
0x1b: {  	s23 =	sshrl.u32 s22, $0x3  }
0x1c: {  	s24 =	sadd.s32 s3, s23  }
0x1d: {  	[tilespmem:s13], [sflag:$0x1] =	stream.linear.gather [hbm4b:s24+s2], $0x540, $0x38;
	[tilespmem:$0x17500] =	vst v63  }
0x1e: {  	_ =	swait.ge [sflag:s11], $0x540  }
0x1f: {  	[sflag:s11] =	ssyncset.done $0x0  }
0x20: {  	s25 =	sadd.s32 s4, s23;
	[sflag:s11] =	ssyncadd.s32 $0xFFFFFAC0  }
0x21: {  	[tilespmem:s14], [sflag:$0x1] =	stream.linear.gather [hbm4b:s25+s2], $0x540, $0x38;
	[tilespmem:$0x17500] =	vst v63  }
0x22: {  	_ =	swait.ge [sflag:s11], $0x540  }
0x23: {  	[sflag:s11] =	ssyncset.done $0x0  }
0x24: {  	s23 =	sadd.s32 s1, s23;
	[sflag:s11] =	ssyncadd.s32 $0xFFFFFAC0  }
0x25: {  	[tilespmem:s15], [sflag:$0x1] =	stream.linear.gather [hbm4b:s23+s2], $0x540, $0x38;
	[tilespmem:$0x17500] =	vst v63  }
0x26: {  	_ =	swait.ge [sflag:s11], $0x540  }
0x27: {  	[sflag:s11] =	ssyncset.done $0x0  }
0x28: {  	s26 =	sadd.s32 $0x5400, s23;
	[sflag:s11] =	ssyncadd.s32 $0xFFFFFAC0  }
0x29: {  	[tilespmem:s16], [sflag:$0x1] =	stream.linear.gather [hbm4b:s26+s2], $0x540, $0x38;
	[tilespmem:$0x17500] =	vst v63  }
0x2a: {  	_ =	swait.ge [sflag:s11], $0x540  }
0x2b: {  	[sflag:s11] =	ssyncset.done $0x0  }
0x2c: {  	s28 =	sadd.s32 $0xA800, s23;
	[sflag:s11] =	ssyncadd.s32 $0xFFFFFAC0  }
0x2d: {  	[tilespmem:s17], [sflag:$0x1] =	stream.linear.gather [hbm4b:s28+s2], $0x540, $0x38;
	[tilespmem:$0x17500] =	vst v63  }
0x2e: {  	_ =	swait.ge [sflag:s11], $0x540  }
0x2f: {  	s29 =	simm.s32 $0x0;
	[sflag:s11] =	ssyncset.done $0x0  }
0x30: {  	s30 =	simm.s32 $0x4;
	v3 =	vor.u32 s29, v0;
	s23 =	sadd.s32 $0xFC00, s23;
	[sflag:s11] =	ssyncadd.s32 $0xFFFFFAC0  }
0x31: {  	[tilespmem:s18], [sflag:$0x1] =	stream.linear.gather [hbm4b:s23+s2], $0x540, $0x38;
	[tilespmem:$0x17500] =	vst v63  }
0x32: {  	v4 =	vor.u32 s30, v0;
	_ =	swait.ge [sflag:s11], $0x540  }
0x33: {  	[sflag:s11] =	ssyncset.done $0x0  }
0x34: {  	s31 =	simm.s32 $0xC;
	v6 =	vadd.s32 s30, v2;
	[sflag:s11] =	ssyncadd.s32 $0xFFFFFAC0  }
0x35: {  	v7 =	vor.u32 s31, v0;
	s25 =	simm.s32 $0x8;
	v5 =	vld.idx.msk [tilespmem:v3+s13+$0x0], $0xffff  }
0x36: {  	v9 =	vor.u32 s25, v0;
	v3 =	vld.idx.msk [tilespmem:v3+s14+$0x0], $0xffff  }
0x37: {  	v8 =	vld.idx.msk [tilespmem:v4+s13+$0x0], $0xffff  }
0x38: {  	v4 =	vld.idx.msk [tilespmem:v4+s14+$0x0], $0xffff  }
0x39: {  	v12 =	vadd.s32 s29, v2;
	v6 =	vld.idx.msk [tilespmem:v6+s15+$0x0], $0xffff  }
0x3a: {  	v13 =	vadd.s32 s31, v2;
	s26 =	simm.s32 $0x14;
	v10 =	vld.idx.msk [tilespmem:v7+s13+$0x0], $0xffff  }
0x3b: {  	v14 =	vor.u32 s26, v0;
	v11 =	vld.idx.msk [tilespmem:v9+s13+$0x0], $0xffff;
	v5 =	vshll.u32 v5, $0x2  }
0x3c: {  	v9 =	vld.idx.msk [tilespmem:v9+s14+$0x0], $0xffff;
	v3 =	vshll.u32 v3, $0x2;
	v5 =	vor.u32 v1, v5  }
0x3d: {  	v7 =	vld.idx.msk [tilespmem:v7+s14+$0x0], $0xffff;
	v8 =	vshll.u32 v8, $0x2;
	v3 =	vor.u32 v1, v3  }
0x3e: {  	v12 =	vld.idx.msk [tilespmem:v12+s15+$0x0], $0xffff;
	v4 =	vshll.u32 v4, $0x2;
	v8 =	vor.u32 v1, v8  }
0x3f: {  	s28 =	simm.s32 $0x10;
	v13 =	vld.idx.msk [tilespmem:v13+s15+$0x0], $0xffff;
	v4 =	vor.u32 v1, v4  }
0x40: {  	v15 =	vor.u32 s28, v0;
	v16 =	vld.idx.msk [tilespmem:v14+s13+$0x0], $0xffff  }
0x41: {  	v11 =	vshll.u32 v11, $0x2;
	v5 =	vld.idx.msk [tilespmem:v5+s2+$0x0], $0xffff  }
0x42: {  	v9 =	vshll.u32 v9, $0x2;
	v11 =	vor.u32 v1, v11;
	v3 =	vld.idx.msk [tilespmem:v3+s12+$0x0], $0xffff  }
0x43: {  	v9 =	vor.u32 v1, v9;
	v8 =	vld.idx.msk [tilespmem:v8+s2+$0x0], $0xffff  }
0x44: {  	v18 =	vadd.s32 s25, v2;
	v10 =	vshll.u32 v10, $0x2;
	v4 =	vld.idx.msk [tilespmem:v4+s12+$0x0], $0xffff  }
0x45: {  	v17 =	vld.idx.msk [tilespmem:v15+s13+$0x0], $0xffff;
	v10 =	vor.u32 v1, v10  }
0x46: {  	v15 =	vld.idx.msk [tilespmem:v15+s14+$0x0], $0xffff;
	v7 =	vshll.u32 v7, $0x2  }
0x47: {  	v7 =	vor.u32 v1, v7;
	v11 =	vld.idx.msk [tilespmem:v11+s2+$0x0], $0xffff  }
0x48: {  	v19 =	vadd.s32 s26, v2;
	v16 =	vshll.u32 v16, $0x2;
	v9 =	vld.idx.msk [tilespmem:v9+s12+$0x0], $0xffff;
	v3 =	vadd.f32 v3, v5  }
0x49: {  	s29 =	simm.s32 $0x1C;
	v18 =	vld.idx.msk [tilespmem:v18+s15+$0x0], $0xffff;
	v16 =	vor.u32 v1, v16;
	v4 =	vadd.f32 v4, v8  }
0x4a: {  	s30 =	simm.s32 $0x18;
	v10 =	vld.idx.msk [tilespmem:v10+s2+$0x0], $0xffff;
	v8 =	vor.u32 s29, v0;
	v12 =	vadd.f32 v12, v3  }
0x4b: {  	v5 =	vld.idx.msk [tilespmem:v14+s14+$0x0], $0xffff;
	v14 =	vor.u32 s30, v0;
	v3 =	vshll.u32 v17, $0x2;
	v4 =	vadd.f32 v6, v4  }
0x4c: {  	v7 =	vld.idx.msk [tilespmem:v7+s12+$0x0], $0xffff;
	v6 =	vor.u32 v1, v3;
	v3 =	vshll.u32 v15, $0x2;
	v15 =	vmul.f32 $2.000000030e-01, v12  }
0x4d: {  	v9 =	vadd.f32 v9, v11;
	v17 =	vor.u32 v1, v3;
	v3 =	vld.idx.msk [tilespmem:v19+s15+$0x0], $0xffff;
	v19 =	vmul.f32 $2.000000030e-01, v4  }
0x4e: {  	v16 =	vld.idx.msk [tilespmem:v16+s2+$0x0], $0xffff;
	v12 =	vmax.f32 v12, v15  }
0x4f: {  	v9 =	vadd.f32 v18, v9;
	v20 =	vld.idx.msk [tilespmem:v8+s13+$0x0], $0xffff;
	v4 =	vmax.f32 v4, v19;
	v12 =	vmul.f32 $1.442695020e+00, v12  }
0x50: {  	v5 =	vshll.u32 v5, $0x2;
	v15 =	vld.idx.msk [tilespmem:v14+s13+$0x0], $0xffff;
	v19 =	vadd.s32 s28, v2;
	v4 =	vmul.f32 $1.442695020e+00, v4  }
0x51: {  	s31 =	simm.s32 $0x24;
	v14 =	vld.idx.msk [tilespmem:v14+s14+$0x0], $0xffff;
	v11 =	vor.u32 v1, v5;
	(erf) = vpow2.f32 v12  }
0x52: {  	s24 =	simm.s32 $0x20;
	v5 =	vor.u32 s31, v0;
	v6 =	vld.idx.msk [tilespmem:v6+s2+$0x0], $0xffff;
	(erf) = vpow2.f32 v4;
	v4 =	vmul.f32 $2.000000030e-01, v9  }
0x53: {  	v12 =	vld.idx.msk [tilespmem:v17+s12+$0x0], $0xffff;
	v17 =	vor.u32 s24, v0  }
0x54: {  	v7 =	vadd.f32 v7, v10;
	v8 =	vld.idx.msk [tilespmem:v8+s14+$0x0], $0xffff;
	v9 =	vmax.f32 v9, v4  }
0x55: {  	v21 =	vadd.s32 s29, v2;
	v18 =	vld.idx.msk [tilespmem:v19+s15+$0x0], $0xffff;
	v10 =	vshll.u32 v15, $0x2;
	v9 =	vmul.f32 $1.442695020e+00, v9  }
0x56: {  	v14 =	vshll.u32 v14, $0x2;
	v22 =	vld.idx.msk [tilespmem:v11+s12+$0x0], $0xffff;
	v19 =	vadd.f32 v13, v7;
	v10 =	vor.u32 v1, v10  }
0x57: {  	v11 =	vld.idx.msk [tilespmem:v5+s13+$0x0], $0xffff;
	v23 =	vor.u32 v1, v14;
	(erf) = vpow2.f32 v9  }
0x58: {  	v7 =	vshll.u32 v20, $0x2;
	v20 =	vmul.f32 $2.000000030e-01, v19;
	v12 =	vadd.f32 v12, v6;
	v14 =	vld.idx.msk [tilespmem:v17+s13+$0x0], $0xffff  }
0x59: {  	v8 =	vshll.u32 v8, $0x2;
	v15 =	vld.idx.msk [tilespmem:v17+s14+$0x0], $0xffff;
	v17 =	vadd.s32 s30, v2  }
0x5a: {  	v4 =	vld.idx.msk [tilespmem:v21+s15+$0x0], $0xffff;
	v7 =	vor.u32 v1, v7;
	v12 =	vadd.f32 v18, v12;
	v18 =	vmax.f32 v19, v20  }
0x5b: {  	s23 =	simm.s32 $0x16010;
	v13 =	vor.u32 v1, v8;
	v8 =	vld.idx.msk [tilespmem:v10+s2+$0x0], $0xffff;
	v19 =	vmul.f32 $1.442695020e+00, v18;
	v9 =	vpop (erf)  }
0x5c: {  	s25 =	simm.s32 $0x8;
	s26 =	simm.s32 $0x2C;
	v6 =	vadd.s32 s31, v2;
	v16 =	vadd.f32 v22, v16;
	v18 =	vmul.f32 $2.000000030e-01, v12;
	[tilespmem:s23+$0xFFFFFFF0] =	vst v9;
	v9 =	vld.idx.msk [tilespmem:v23+s12+$0x0], $0xffff;
	v10 =	vpop (erf)  }
.LBB2_3:
0x5d: {  	s28 =	sadd.s32 $0xFFFFFFFC, s26;
	v20 =	vadd.s32 s26, v2;
	v21 =	vld.idx.msk [tilespmem:v5+s14+$0x0], $0xffff;
	v5 =	vor.u32 s26, v0;
	(erf) = vpow2.f32 v19;
	[tilespmem:s23+$0x0] =	vst v10  }
0x5e: {  	s25 =	sadd.s32 $0x2, s25;
	v11 =	vshll.u32 v11, $0x2;
	v10 =	vor.u32 s28, v0;
	v19 =	vld.idx.msk [tilespmem:v17+s15+$0x0], $0xffff;
	v12 =	vmax.f32 v12, v18  }
0x5f: {  	p0 =	slt.u32 s25, $0x14E;
	v14 =	vshll.u32 v14, $0x2;
	v22 =	vld.idx.msk [tilespmem:v7+s2+$0x0], $0xffff;
	v7 =	vor.u32 v1, v11;
	v11 =	vmul.f32 $1.442695020e+00, v12  }
0x60: {  	s23 =	sadd.s32 $0x20, s23;
	v16 =	vadd.f32 v3, v16;
	v18 =	vor.u32 v1, v14;
	v12 =	vshll.u32 v15, $0x2;
	v23 =	vld.idx.msk [tilespmem:v13+s12+$0x0], $0xffff;
	v3 =	vpop (erf)  }
0x61: {  	v24 =	vor.u32 v1, v12;
	(erf) = vpow2.f32 v11;
	[tilespmem:s23+$0xFFFFFFF0] =	vst v3;
	v3 =	vmovc v4;
	v4 =	vld.idx.msk [tilespmem:v6+s15+$0x0], $0xffff;
	v6 =	vmov v20  }
.Ltmp0:
0x62: {  	v8 =	vadd.f32 v9, v8;
	v9 =	vmul.f32 $2.000000030e-01, v16;
	v11 =	vld.idx.msk [tilespmem:v5+s13+$0x0], $0xffff;
	(pc) =	sbr.rel @p0 .LBB2_3-.Ltmp0, $4  }
0x63: {  	v17 =	vadd.s32 s24, v2;
	s24 =	smov.u32 s28;
	v12 =	vshll.u32 v21, $0x2;
	v14 =	vld.idx.msk [tilespmem:v10+s13+$0x0], $0xffff  }
0x64: {  	v13 =	vor.u32 v1, v12;
	v12 =	vadd.f32 v19, v8;
	v9 =	vmax.f32 v16, v9;
	v15 =	vld.idx.msk [tilespmem:v10+s14+$0x0], $0xffff  }
0x65: {  	v19 =	vmul.f32 $1.442695020e+00, v9;
	v8 =	vld.idx.msk [tilespmem:v18+s2+$0x0], $0xffff  }
0x66: {  	s26 =	sadd.s32 $0x8, s26;
	v18 =	vmul.f32 $2.000000030e-01, v12;
	v16 =	vadd.f32 v23, v22;
	v9 =	vld.idx.msk [tilespmem:v24+s12+$0x0], $0xffff;
	v10 =	vpop (erf)  }
0x67: {  	_ =	sdelay $0x3  }
0x68: {  	v5 =	vld.idx.msk [tilespmem:v5+s14+$0x0], $0xffff;
	_ =	sdelay $0x1  }
0x69: {  	v11 =	vshll.u32 v11, $0x2  }
0x6a: {  	v14 =	vshll.u32 v14, $0x2;
	v11 =	vor.u32 v1, v11  }
0x6b: {  	v14 =	vor.u32 v1, v14;
	v15 =	vshll.u32 v15, $0x2  }
0x6c: {  	v17 =	vld.idx.msk [tilespmem:v17+s15+$0x0], $0xffff;
	v15 =	vor.u32 v1, v15;
	v5 =	vshll.u32 v5, $0x2  }
0x6d: {  	v7 =	vld.idx.msk [tilespmem:v7+s2+$0x0], $0xffff;
	v5 =	vor.u32 v1, v5  }
0x6e: {  	v13 =	vld.idx.msk [tilespmem:v13+s12+$0x0], $0xffff;
	v20 =	vadd.s32 s24, v2  }
0x6f: {  	v11 =	vld.idx.msk [tilespmem:v11+s2+$0x0], $0xffff  }
0x70: {  	v14 =	vld.idx.msk [tilespmem:v14+s2+$0x0], $0xffff  }
0x71: {  	v15 =	vld.idx.msk [tilespmem:v15+s12+$0x0], $0xffff  }
0x72: {  	v5 =	vld.idx.msk [tilespmem:v5+s12+$0x0], $0xffff  }
0x73: {  	v20 =	vld.idx.msk [tilespmem:v20+s15+$0x0], $0xffff  }
0x74: {  	v6 =	vld.idx.msk [tilespmem:v6+s15+$0x0], $0xffff;
	v3 =	vadd.f32 v3, v16;
	v8 =	vadd.f32 v9, v8  }
0x75: {  	(erf) = vpow2.f32 v19;
	v51 =	vmax.f32 v12, v18;
	v7 =	vadd.f32 v13, v7  }
0x76: {  	v53 =	vmul.f32 $2.000000030e-01, v3;
	v8 =	vadd.f32 v17, v8;
	v52 =	vadd.f32 v15, v14  }
0x77: {  	v9 =	vmul.f32 $1.442695020e+00, v51;
	v4 =	vadd.f32 v4, v7;
	v5 =	vadd.f32 v5, v11  }
0x78: {  	v3 =	vmax.f32 v3, v53;
	v54 =	vmul.f32 $2.000000030e-01, v8;
	v55 =	vadd.f32 v20, v52  }
0x79: {  	(erf) = vpow2.f32 v9;
	v56 =	vmul.f32 $2.000000030e-01, v4;
	v5 =	vadd.f32 v6, v5  }
0x7a: {  	v3 =	vmul.f32 $1.442695020e+00, v3;
	v57 =	vmax.f32 v8, v54;
	v58 =	vmul.f32 $2.000000030e-01, v55  }
0x7b: {  	v4 =	vmax.f32 v4, v56;
	v6 =	vmul.f32 $1.442695020e+00, v57;
	v59 =	vmul.f32 $2.000000030e-01, v5  }
0x7c: {  	(erf) = vpow2.f32 v3;
	v3 =	vmul.f32 $1.442695020e+00, v4;
	v60 =	vmax.f32 v55, v58  }
0x7d: {  	(erf) = vpow2.f32 v6;
	v4 =	vmul.f32 $1.442695020e+00, v60;
	v5 =	vmax.f32 v5, v59  }
0x7e: {  	(erf) = vpow2.f32 v3;
	v3 =	vmul.f32 $1.442695020e+00, v5  }
0x7f: {  	(erf) = vpow2.f32 v4  }
0x80: {  	(erf) = vpow2.f32 v3;
	_ =	sdelay $0x1  }
0x81: {  	[tilespmem:s23+$0x0] =	vst v10;
	s31 =	sadd.s32 $0x20, s23;
	v3 =	vpop (erf)  }
0x82: {  	v61 =	vpop (erf);
	[tilespmem:s31+$0xFFFFFFF0] =	vst v3  }
0x83: {  	s23 =	sadd.s32 $0x20, s31;
	v3 =	vpop (erf);
	[tilespmem:s31+$0x0] =	vst v61  }
0x84: {  	v62 =	vpop (erf);
	[tilespmem:s23+$0xFFFFFFF0] =	vst v3  }
0x85: {  	v3 =	vpop (erf);
	[tilespmem:s23+$0x0] =	vst v62;
	s23 =	sadd.s32 $0x20, s23  }
0x86: {  	v63 =	vpop (erf);
	[tilespmem:s23+$0xFFFFFFF0] =	vst v3  }
0x87: {  	s21 =	sadd.s32 $0x1, s21;
	[tilespmem:s23+$0x0] =	vst v63;
	v3 =	vpop (erf);
	s23 =	sadd.s32 $0x20, s23  }
0x88: {  	s22 =	sshrl.u32 s22, $0x1;
	p0 =	sne.s32 s21, $0x4;
	[tilespmem:s23+$0xFFFFFFF0] =	vst v3;
	v3 =	vpop (erf)  }
.Ltmp1:
0x89: {  	s22 =	sadd.s32 s8, s22;
	[tilespmem:s23+$0x0] =	vst v3;
	(pc) =	sbr.rel @p0 .LBB2_2-.Ltmp1, $4  }
0x8a: {  	[hbm4b:s22+s2] =	stream.linear.scatter [tilespmem:s19], [sflag:$0x1], $0x1500, $0x38;
	[tilespmem:$0x17500] =	vst v63  }
0x8b: {  	_ =	swait.ge [sflag:s11], $0x1500  }
0x8c: {  	[sflag:s11] =	ssyncset.done $0x0  }
0x8d: {  	[sflag:s11] =	ssyncadd.s32 $0xFFFFEB00  }
0x8e: {  	s20 =	sadd.s32 $0x1, s20  }
0x8f: {  	p0 =	sne.s32 s20, s10  }
.Ltmp2:
0x90: {  	_ = 	snop;
	(pc) =	sbr.rel @p0 .LBB2_1-.Ltmp2, $1  }
0x91: {  	_ =	sdelay $0x3  }
0x92: {  	_ =	sfence.sel $0x180000  }
0x93: {  	[bflag:$0x0] =	sbarrier.arrive $0xFFFF  }
0x94: {  	p0 =	sne.s32 s5, $0x0;
	_ =	strace $0x90000047  }
0x95: {  	s0 =	sadd.s32 @!p0 $0x100000, s0;
	[bflag:$0x2] =	sbarrier.arrive $0xFFFF  }
0x96: {  	[sflag:s0] =	ssyncadd.tile.s32 @!p0 $0x1;
	_ =	shalt  }
.Lfunc_end2:
_tile_overlayer_lowered:
.L_overlay_start_2:
0x97: {  	(tag) =	ssettag $0x2  }
0x98: {  	s0 =	rddreg [dreg:$0x0];
	s2 =	stileid.u32  }
0x99: {  	s1 =	rddreg [dreg:$0x1];
	p0 =	sne.s32 s2, $0x0  }
0x9a: {  	s3 =	rddreg [dreg:$0x2];
	[bflag:$0x3] =	sbarrier.arrive $0xFFFF;
	s2 =	simm.s32 @!p0 $0x1C01  }
0x9b: {  	[timem:s3], [sflag:s2] =	dma.local @!p0 [hbm:s0], s1  }
0x9c: {  	s0 =	simm.s32 @!p0 $0x1  }
0x9d: {  	_ =	swait.ge @!p0 [sflag:s0], s1  }
0x9e: {  	s1 =	ssub.s32 @!p0 $0x0, s1;
	[sflag:s0] =	ssyncset.done @!p0 $0x0  }
0x9f: {  	[sflag:s0] =	ssyncadd.s32 @!p0 s1  }
0xa0: {  	[bflag:$0x3] =	sbarrier.arrive $0xFFFF  }
0xa1: {  	_ =	shalt  }

</sc_bundles>
